<compile_context>
chip_gen: v7x
topology: tpu7x:2x2x1
jax: 0.10.2.dev20260603
libtpu: 0.0.44.dev20260713+nightly
codegen_flags: <defaults>
</compile_context>

<pallas_src>
import functools

import jax
import jax.numpy as jnp
from jax import lax
from jax.experimental import pallas as pl
from jax.experimental.pallas import tpu as pltpu
from jax.experimental.pallas import tpu_sc as plsc

_D = 32
_B = 16384
_V = 1000000
_NC = 2
_NS = 16
_L = 16
_NW = _NC * _NS
_IPW = _B // _NW
_NG = _IPW // _L


@functools.partial(
    pl.kernel,
    mesh=plsc.VectorSubcoreMesh(core_axis_name="c", subcore_axis_name="s"),
    out_type=jax.ShapeDtypeStruct((_D, _B), jnp.float32),
    scratch_types=[
        pltpu.VMEM((_IPW,), jnp.int32),
        pltpu.VMEM((_L, _D, 128), jnp.float32),
        pltpu.VMEM((_D, _IPW), jnp.float32),
        pltpu.SemaphoreType.DMA,
        pltpu.SemaphoreType.DMA,
    ],
    compiler_params=pltpu.CompilerParams(needs_layout_passes=False),
)
def _sc_gather(idx_hbm, tabT_hbm, outT_hbm, idx_v, win_v, stage_v, sem, sem2):
    wid = lax.axis_index("s") * _NC + lax.axis_index("c")
    base = wid * _IPW
    cp_idx = pltpu.make_async_copy(idx_hbm.at[pl.ds(base, _IPW)], idx_v, sem2)
    cp_idx.start()
    cp_idx.wait()

    rows0 = lax.iota(jnp.int32, _L)
    rows1 = rows0 + _L

    def issue(v, slot):
        voff = pl.multiple_of((v >> 7) * 128, 128)
        pltpu.make_async_copy(
            tabT_hbm.at[:, pl.ds(voff, 128)], win_v.at[slot], sem
        ).start()

    def wait_one():
        pltpu.make_async_copy(
            tabT_hbm.at[:, pl.ds(0, 128)], win_v.at[0], sem
        ).wait()

    def extract(v, j, slot):
        vin = jnp.full((_L,), v & 127, jnp.int32)
        jcol = jnp.full((_L,), j, jnp.int32)
        v0 = plsc.load_gather(win_v.at[slot], [rows0, vin])
        v1 = plsc.load_gather(win_v.at[slot], [rows1, vin])
        plsc.store_scatter(stage_v, [rows0, jcol], v0)
        plsc.store_scatter(stage_v, [rows1, jcol], v1)

    vec0 = idx_v[pl.ds(0, _L)]
    for k in range(_L):
        issue(vec0[k], k)

    def body(g, prev):
        cur = idx_v[pl.ds(g * _L, _L)]
        for k in range(_L):
            wait_one()
            extract(prev[k], (g - 1) * _L + k, k)
            issue(cur[k], k)
        return cur

    last = lax.fori_loop(1, _NG, body, vec0)
    for k in range(_L):
        wait_one()
        extract(last[k], (_NG - 1) * _L + k, k)

    cp_out = pltpu.make_async_copy(
        stage_v, outT_hbm.at[:, pl.ds(base, _IPW)], sem2
    )
    cp_out.start()
    cp_out.wait()


def kernel(movie_title, table):
    idx = movie_title.astype(jnp.int32)
    outT = _sc_gather(idx, table.T)
    return outT.T

# --- scband reference (transcript-rebuilt; emitter-appended) ---
"""Pipeline reference for scband-simple-movie-model-63513976373795 (READ-ONLY COPY).

The authoritative reference and input builder live on the scoring server;
editing this copy changes nothing except your own understanding.
"""

import jax, jax.numpy as jnp
import numpy as np

VOCAB = 1000000
EMBED_DIM = 32
BATCH = 16384


def setup_inputs(seed: int = 0) -> dict:
    key = jax.random.key(seed)
    k_idx, k_tab = jax.random.split(key)
    movie_title = jax.random.randint(k_idx, (BATCH,), 0, VOCAB, dtype=jnp.int64)
    # Embedding table (Keras Embedding default: uniform init)
    table = jax.random.uniform(k_tab, (VOCAB, EMBED_DIM), dtype=jnp.float32, minval=-0.05, maxval=0.05)
    return {"movie_title": movie_title, "table": table}


def reference(movie_title, table):
    # StringLookup is modeled as identity over pre-tokenized integer ids;
    # the core op is the embedding gather.
    return jnp.take(table, movie_title, axis=0)

if __name__ == "__main__":
    import jax
    _d = setup_inputs()
    print(jax.jit(kernel)(*tuple(_d.values())))

</pallas_src>

<mosaic_0001>
#map = affine_map<(d0, d1) -> (0)>
#map1 = affine_map<(d0, d1) -> (0, 0)>
module attributes {stable_mosaic.version = 14 : i64} {
  func.func @_sc_gather(%arg0: i32, %arg1: i32, %arg2: memref<16384xi32, #tpu.memory_space<hbm>>, %arg3: memref<32x1000000xf32, #tpu.memory_space<hbm>>, %arg4: memref<32x16384xf32, #tpu.memory_space<hbm>>, %arg5: memref<512xi32, #tpu.memory_space<vmem>>, %arg6: memref<16x32x128xf32, #tpu.memory_space<vmem>>, %arg7: memref<32x512xf32, #tpu.memory_space<vmem>>, %arg8: memref<!tpu.dma_semaphore, #tpu.memory_space<semaphore_mem>>, %arg9: memref<!tpu.dma_semaphore, #tpu.memory_space<semaphore_mem>>) attributes {dimension_semantics = [#tpu.dimension_semantics<core_parallel>, #tpu.dimension_semantics<subcore_parallel>], iteration_bounds = array<i64: 2, 16>, scalar_prefetch = 0 : i64, scratch_operands = 5 : i64, tpu.core_type = #tpu.core_type<sc_vector_subcore>, window_params = [{transform_indices = #map}, {transform_indices = #map1}, {transform_indices = #map1}]} {
    %mul3A = arith.constant 2 : i32
    %mul3A_0 = arith.muli %arg1, %mul3A : i32
    %add3A = arith.addi %mul3A_0, %arg0 : i32
    %mul3A_1 = arith.constant 512 : i32
    %mul3A_2 = arith.muli %add3A, %mul3A_1 : i32
    %dma_start3A = tpu.memref_slice %arg2[%mul3A_2] : memref<16384xi32, #tpu.memory_space<hbm>> -> memref<512xi32, #tpu.memory_space<hbm>>
    %dma_start3A_3 = tpu.memref_slice %arg2[%mul3A_2] : memref<16384xi32, #tpu.memory_space<hbm>> -> memref<512xi32, #tpu.memory_space<hbm>>
    tpu.enqueue_dma source(%dma_start3A_3 : memref<512xi32, #tpu.memory_space<hbm>>) target(%arg5 : memref<512xi32, #tpu.memory_space<vmem>>) target_semaphore(%arg9 : memref<!tpu.dma_semaphore, #tpu.memory_space<semaphore_mem>>)
    %dma_wait3A = tpu.memref_slice %arg2[%mul3A_2] : memref<16384xi32, #tpu.memory_space<hbm>> -> memref<512xi32, #tpu.memory_space<hbm>>
    %dma_wait3A_4 = tpu.memref_slice %arg2[%mul3A_2] : memref<16384xi32, #tpu.memory_space<hbm>> -> memref<512xi32, #tpu.memory_space<hbm>>
    tpu.wait_dma2 semaphore(%arg9 : memref<!tpu.dma_semaphore, #tpu.memory_space<semaphore_mem>>) src(%dma_wait3A_4 : memref<512xi32, #tpu.memory_space<hbm>>) dst(%arg5 : memref<512xi32, #tpu.memory_space<vmem>>)
    %iota3A = tpu.iota {dimensions = array<i32: 0>} : vector<16xi32>
    %add3A_5 = arith.constant 16 : i32
    %add3A_6 = vector.broadcast %add3A_5 : i32 to vector<16xi32>
    %add3A_7 = arith.addi %iota3A, %add3A_6 : vector<16xi32>
    %get3A = arith.constant 0 : index
    %get3A_8 = tpu.vector_load %arg5[%get3A] {strides = array<i32>} : memref<512xi32, #tpu.memory_space<vmem>>, vector<16xi32>,
    %slice3A = vector.extract_strided_slice %get3A_8 {offsets = [0], sizes = [1], strides = [1]} : vector<16xi32> to vector<1xi32>
    %squeeze3A = vector.extract %slice3A[0] : i32 from vector<1xi32>
    %shift_right_arithmetic3A = arith.constant 7 : i32
    %shift_right_arithmetic3A_9 = arith.shrsi %squeeze3A, %shift_right_arithmetic3A : i32
    %mul3A_10 = arith.constant 128 : i32
    %mul3A_11 = arith.muli %shift_right_arithmetic3A_9, %mul3A_10 : i32
    %multiple_of3A = tpu.assume_multiple %mul3A_11, 128 : i32
    %dma_start3A_12 = arith.constant 0 : i32
    %dma_start3A_13 = arith.constant 0 : i32
    %dma_start3A_14 = arith.constant 0 : i32
    %dma_start3A_15 = tpu.memref_slice %arg6[%dma_start3A_12, %dma_start3A_13, %dma_start3A_14] : memref<16x32x128xf32, #tpu.memory_space<vmem>> -> memref<1x32x128xf32, #tpu.memory_space<vmem>>
    %dma_start3A_16 = tpu.memref_squeeze %dma_start3A_15 : memref<1x32x128xf32, #tpu.memory_space<vmem>> -> memref<32x128xf32, #tpu.memory_space<vmem>>
    %dma_start3A_17 = arith.constant 0 : i32
    %dma_start3A_18 = tpu.memref_slice %arg3[%dma_start3A_17, %multiple_of3A] : memref<32x1000000xf32, #tpu.memory_space<hbm>> -> memref<32x128xf32, #tpu.memory_space<hbm>>
    %dma_start3A_19 = arith.constant 0 : i32
    %dma_start3A_20 = arith.constant 0 : i32
    %dma_start3A_21 = tpu.memref_slice %arg6[%dma_start3A_12, %dma_start3A_19, %dma_start3A_20] : memref<16x32x128xf32, #tpu.memory_space<vmem>> -> memref<1x32x128xf32, #tpu.memory_space<vmem>>
    %dma_start3A_22 = tpu.memref_squeeze %dma_start3A_21 : memref<1x32x128xf32, #tpu.memory_space<vmem>> -> memref<32x128xf32, #tpu.memory_space<vmem>>
    %dma_start3A_23 = arith.constant 0 : i32
    %dma_start3A_24 = tpu.memref_slice %arg3[%dma_start3A_23, %multiple_of3A] : memref<32x1000000xf32, #tpu.memory_space<hbm>> -> memref<32x128xf32, #tpu.memory_space<hbm>>
    tpu.enqueue_dma source(%dma_start3A_24 : memref<32x128xf32, #tpu.memory_space<hbm>>) target(%dma_start3A_22 : memref<32x128xf32, #tpu.memory_space<vmem>>) target_semaphore(%arg8 : memref<!tpu.dma_semaphore, #tpu.memory_space<semaphore_mem>>)
    %slice3A_25 = vector.extract_strided_slice %get3A_8 {offsets = [1], sizes = [1], strides = [1]} : vector<16xi32> to vector<1xi32>
    %squeeze3A_26 = vector.extract %slice3A_25[0] : i32 from vector<1xi32>
    %shift_right_arithmetic3A_27 = arith.constant 7 : i32
    %shift_right_arithmetic3A_28 = arith.shrsi %squeeze3A_26, %shift_right_arithmetic3A_27 : i32
    %mul3A_29 = arith.constant 128 : i32
    %mul3A_30 = arith.muli %shift_right_arithmetic3A_28, %mul3A_29 : i32
    %multiple_of3A_31 = tpu.assume_multiple %mul3A_30, 128 : i32
    %dma_start3A_32 = arith.constant 1 : i32
    %dma_start3A_33 = arith.constant 0 : i32
    %dma_start3A_34 = arith.constant 0 : i32
    %dma_start3A_35 = tpu.memref_slice %arg6[%dma_start3A_32, %dma_start3A_33, %dma_start3A_34] : memref<16x32x128xf32, #tpu.memory_space<vmem>> -> memref<1x32x128xf32, #tpu.memory_space<vmem>>
    %dma_start3A_36 = tpu.memref_squeeze %dma_start3A_35 : memref<1x32x128xf32, #tpu.memory_space<vmem>> -> memref<32x128xf32, #tpu.memory_space<vmem>>
    %dma_start3A_37 = arith.constant 0 : i32
    %dma_start3A_38 = tpu.memref_slice %arg3[%dma_start3A_37, %multiple_of3A_31] : memref<32x1000000xf32, #tpu.memory_space<hbm>> -> memref<32x128xf32, #tpu.memory_space<hbm>>
    %dma_start3A_39 = arith.constant 0 : i32
    %dma_start3A_40 = arith.constant 0 : i32
    %dma_start3A_41 = tpu.memref_slice %arg6[%dma_start3A_32, %dma_start3A_39, %dma_start3A_40] : memref<16x32x128xf32, #tpu.memory_space<vmem>> -> memref<1x32x128xf32, #tpu.memory_space<vmem>>
    %dma_start3A_42 = tpu.memref_squeeze %dma_start3A_41 : memref<1x32x128xf32, #tpu.memory_space<vmem>> -> memref<32x128xf32, #tpu.memory_space<vmem>>
    %dma_start3A_43 = arith.constant 0 : i32
    %dma_start3A_44 = tpu.memref_slice %arg3[%dma_start3A_43, %multiple_of3A_31] : memref<32x1000000xf32, #tpu.memory_space<hbm>> -> memref<32x128xf32, #tpu.memory_space<hbm>>
    tpu.enqueue_dma source(%dma_start3A_44 : memref<32x128xf32, #tpu.memory_space<hbm>>) target(%dma_start3A_42 : memref<32x128xf32, #tpu.memory_space<vmem>>) target_semaphore(%arg8 : memref<!tpu.dma_semaphore, #tpu.memory_space<semaphore_mem>>)
    %slice3A_45 = vector.extract_strided_slice %get3A_8 {offsets = [2], sizes = [1], strides = [1]} : vector<16xi32> to vector<1xi32>
    %squeeze3A_46 = vector.extract %slice3A_45[0] : i32 from vector<1xi32>
    %shift_right_arithmetic3A_47 = arith.constant 7 : i32
    %shift_right_arithmetic3A_48 = arith.shrsi %squeeze3A_46, %shift_right_arithmetic3A_47 : i32
    %mul3A_49 = arith.constant 128 : i32
    %mul3A_50 = arith.muli %shift_right_arithmetic3A_48, %mul3A_49 : i32
    %multiple_of3A_51 = tpu.assume_multiple %mul3A_50, 128 : i32
    %dma_start3A_52 = arith.constant 2 : i32
    %dma_start3A_53 = arith.constant 0 : i32
    %dma_start3A_54 = arith.constant 0 : i32
    %dma_start3A_55 = tpu.memref_slice %arg6[%dma_start3A_52, %dma_start3A_53, %dma_start3A_54] : memref<16x32x128xf32, #tpu.memory_space<vmem>> -> memref<1x32x128xf32, #tpu.memory_space<vmem>>
    %dma_start3A_56 = tpu.memref_squeeze %dma_start3A_55 : memref<1x32x128xf32, #tpu.memory_space<vmem>> -> memref<32x128xf32, #tpu.memory_space<vmem>>
    %dma_start3A_57 = arith.constant 0 : i32
    %dma_start3A_58 = tpu.memref_slice %arg3[%dma_start3A_57, %multiple_of3A_51] : memref<32x1000000xf32, #tpu.memory_space<hbm>> -> memref<32x128xf32, #tpu.memory_space<hbm>>
    %dma_start3A_59 = arith.constant 0 : i32
    %dma_start3A_60 = arith.constant 0 : i32
    %dma_start3A_61 = tpu.memref_slice %arg6[%dma_start3A_52, %dma_start3A_59, %dma_start3A_60] : memref<16x32x128xf32, #tpu.memory_space<vmem>> -> memref<1x32x128xf32, #tpu.memory_space<vmem>>
    %dma_start3A_62 = tpu.memref_squeeze %dma_start3A_61 : memref<1x32x128xf32, #tpu.memory_space<vmem>> -> memref<32x128xf32, #tpu.memory_space<vmem>>
    %dma_start3A_63 = arith.constant 0 : i32
    %dma_start3A_64 = tpu.memref_slice %arg3[%dma_start3A_63, %multiple_of3A_51] : memref<32x1000000xf32, #tpu.memory_space<hbm>> -> memref<32x128xf32, #tpu.memory_space<hbm>>
    tpu.enqueue_dma source(%dma_start3A_64 : memref<32x128xf32, #tpu.memory_space<hbm>>) target(%dma_start3A_62 : memref<32x128xf32, #tpu.memory_space<vmem>>) target_semaphore(%arg8 : memref<!tpu.dma_semaphore, #tpu.memory_space<semaphore_mem>>)
    %slice3A_65 = vector.extract_strided_slice %get3A_8 {offsets = [3], sizes = [1], strides = [1]} : vector<16xi32> to vector<1xi32>
    %squeeze3A_66 = vector.extract %slice3A_65[0] : i32 from vector<1xi32>
    %shift_right_arithmetic3A_67 = arith.constant 7 : i32
    %shift_right_arithmetic3A_68 = arith.shrsi %squeeze3A_66, %shift_right_arithmetic3A_67 : i32
    %mul3A_69 = arith.constant 128 : i32
    %mul3A_70 = arith.muli %shift_right_arithmetic3A_68, %mul3A_69 : i32
    %multiple_of3A_71 = tpu.assume_multiple %mul3A_70, 128 : i32
    %dma_start3A_72 = arith.constant 3 : i32
    %dma_start3A_73 = arith.constant 0 : i32
    %dma_start3A_74 = arith.constant 0 : i32
    %dma_start3A_75 = tpu.memref_slice %arg6[%dma_start3A_72, %dma_start3A_73, %dma_start3A_74] : memref<16x32x128xf32, #tpu.memory_space<vmem>> -> memref<1x32x128xf32, #tpu.memory_space<vmem>>
    %dma_start3A_76 = tpu.memref_squeeze %dma_start3A_75 : memref<1x32x128xf32, #tpu.memory_space<vmem>> -> memref<32x128xf32, #tpu.memory_space<vmem>>
    %dma_start3A_77 = arith.constant 0 : i32
    %dma_start3A_78 = tpu.memref_slice %arg3[%dma_start3A_77, %multiple_of3A_71] : memref<32x1000000xf32, #tpu.memory_space<hbm>> -> memref<32x128xf32, #tpu.memory_space<hbm>>
    %dma_start3A_79 = arith.constant 0 : i32
    %dma_start3A_80 = arith.constant 0 : i32
    %dma_start3A_81 = tpu.memref_slice %arg6[%dma_start3A_72, %dma_start3A_79, %dma_start3A_80] : memref<16x32x128xf32, #tpu.memory_space<vmem>> -> memref<1x32x128xf32, #tpu.memory_space<vmem>>
    %dma_start3A_82 = tpu.memref_squeeze %dma_start3A_81 : memref<1x32x128xf32, #tpu.memory_space<vmem>> -> memref<32x128xf32, #tpu.memory_space<vmem>>
    %dma_start3A_83 = arith.constant 0 : i32
    %dma_start3A_84 = tpu.memref_slice %arg3[%dma_start3A_83, %multiple_of3A_71] : memref<32x1000000xf32, #tpu.memory_space<hbm>> -> memref<32x128xf32, #tpu.memory_space<hbm>>
    tpu.enqueue_dma source(%dma_start3A_84 : memref<32x128xf32, #tpu.memory_space<hbm>>) target(%dma_start3A_82 : memref<32x128xf32, #tpu.memory_space<vmem>>) target_semaphore(%arg8 : memref<!tpu.dma_semaphore, #tpu.memory_space<semaphore_mem>>)
    %slice3A_85 = vector.extract_strided_slice %get3A_8 {offsets = [4], sizes = [1], strides = [1]} : vector<16xi32> to vector<1xi32>
    %squeeze3A_86 = vector.extract %slice3A_85[0] : i32 from vector<1xi32>
    %shift_right_arithmetic3A_87 = arith.constant 7 : i32
    %shift_right_arithmetic3A_88 = arith.shrsi %squeeze3A_86, %shift_right_arithmetic3A_87 : i32
    %mul3A_89 = arith.constant 128 : i32
    %mul3A_90 = arith.muli %shift_right_arithmetic3A_88, %mul3A_89 : i32
    %multiple_of3A_91 = tpu.assume_multiple %mul3A_90, 128 : i32
    %dma_start3A_92 = arith.constant 4 : i32
    %dma_start3A_93 = arith.constant 0 : i32
    %dma_start3A_94 = arith.constant 0 : i32
    %dma_start3A_95 = tpu.memref_slice %arg6[%dma_start3A_92, %dma_start3A_93, %dma_start3A_94] : memref<16x32x128xf32, #tpu.memory_space<vmem>> -> memref<1x32x128xf32, #tpu.memory_space<vmem>>
    %dma_start3A_96 = tpu.memref_squeeze %dma_start3A_95 : memref<1x32x128xf32, #tpu.memory_space<vmem>> -> memref<32x128xf32, #tpu.memory_space<vmem>>
    %dma_start3A_97 = arith.constant 0 : i32
    %dma_start3A_98 = tpu.memref_slice %arg3[%dma_start3A_97, %multiple_of3A_91] : memref<32x1000000xf32, #tpu.memory_space<hbm>> -> memref<32x128xf32, #tpu.memory_space<hbm>>
    %dma_start3A_99 = arith.constant 0 : i32
    %dma_start3A_100 = arith.constant 0 : i32
    %dma_start3A_101 = tpu.memref_slice %arg6[%dma_start3A_92, %dma_start3A_99, %dma_start3A_100] : memref<16x32x128xf32, #tpu.memory_space<vmem>> -> memref<1x32x128xf32, #tpu.memory_space<vmem>>
    %dma_start3A_102 = tpu.memref_squeeze %dma_start3A_101 : memref<1x32x128xf32, #tpu.memory_space<vmem>> -> memref<32x128xf32, #tpu.memory_space<vmem>>
    %dma_start3A_103 = arith.constant 0 : i32
    %dma_start3A_104 = tpu.memref_slice %arg3[%dma_start3A_103, %multiple_of3A_91] : memref<32x1000000xf32, #tpu.memory_space<hbm>> -> memref<32x128xf32, #tpu.memory_space<hbm>>
    tpu.enqueue_dma source(%dma_start3A_104 : memref<32x128xf32, #tpu.memory_space<hbm>>) target(%dma_start3A_102 : memref<32x128xf32, #tpu.memory_space<vmem>>) target_semaphore(%arg8 : memref<!tpu.dma_semaphore, #tpu.memory_space<semaphore_mem>>)
    %slice3A_105 = vector.extract_strided_slice %get3A_8 {offsets = [5], sizes = [1], strides = [1]} : vector<16xi32> to vector<1xi32>
    %squeeze3A_106 = vector.extract %slice3A_105[0] : i32 from vector<1xi32>
    %shift_right_arithmetic3A_107 = arith.constant 7 : i32
    %shift_right_arithmetic3A_108 = arith.shrsi %squeeze3A_106, %shift_right_arithmetic3A_107 : i32
    %mul3A_109 = arith.constant 128 : i32
    %mul3A_110 = arith.muli %shift_right_arithmetic3A_108, %mul3A_109 : i32
    %multiple_of3A_111 = tpu.assume_multiple %mul3A_110, 128 : i32
    %dma_start3A_112 = arith.constant 5 : i32
    %dma_start3A_113 = arith.constant 0 : i32
    %dma_start3A_114 = arith.constant 0 : i32
    %dma_start3A_115 = tpu.memref_slice %arg6[%dma_start3A_112, %dma_start3A_113, %dma_start3A_114] : memref<16x32x128xf32, #tpu.memory_space<vmem>> -> memref<1x32x128xf32, #tpu.memory_space<vmem>>
    %dma_start3A_116 = tpu.memref_squeeze %dma_start3A_115 : memref<1x32x128xf32, #tpu.memory_space<vmem>> -> memref<32x128xf32, #tpu.memory_space<vmem>>
    %dma_start3A_117 = arith.constant 0 : i32
    %dma_start3A_118 = tpu.memref_slice %arg3[%dma_start3A_117, %multiple_of3A_111] : memref<32x1000000xf32, #tpu.memory_space<hbm>> -> memref<32x128xf32, #tpu.memory_space<hbm>>
    %dma_start3A_119 = arith.constant 0 : i32
    %dma_start3A_120 = arith.constant 0 : i32
    %dma_start3A_121 = tpu.memref_slice %arg6[%dma_start3A_112, %dma_start3A_119, %dma_start3A_120] : memref<16x32x128xf32, #tpu.memory_space<vmem>> -> memref<1x32x128xf32, #tpu.memory_space<vmem>>
    %dma_start3A_122 = tpu.memref_squeeze %dma_start3A_121 : memref<1x32x128xf32, #tpu.memory_space<vmem>> -> memref<32x128xf32, #tpu.memory_space<vmem>>
    %dma_start3A_123 = arith.constant 0 : i32
    %dma_start3A_124 = tpu.memref_slice %arg3[%dma_start3A_123, %multiple_of3A_111] : memref<32x1000000xf32, #tpu.memory_space<hbm>> -> memref<32x128xf32, #tpu.memory_space<hbm>>
    tpu.enqueue_dma source(%dma_start3A_124 : memref<32x128xf32, #tpu.memory_space<hbm>>) target(%dma_start3A_122 : memref<32x128xf32, #tpu.memory_space<vmem>>) target_semaphore(%arg8 : memref<!tpu.dma_semaphore, #tpu.memory_space<semaphore_mem>>)
    %slice3A_125 = vector.extract_strided_slice %get3A_8 {offsets = [6], sizes = [1], strides = [1]} : vector<16xi32> to vector<1xi32>
    %squeeze3A_126 = vector.extract %slice3A_125[0] : i32 from vector<1xi32>
    %shift_right_arithmetic3A_127 = arith.constant 7 : i32
    %shift_right_arithmetic3A_128 = arith.shrsi %squeeze3A_126, %shift_right_arithmetic3A_127 : i32
    %mul3A_129 = arith.constant 128 : i32
    %mul3A_130 = arith.muli %shift_right_arithmetic3A_128, %mul3A_129 : i32
    %multiple_of3A_131 = tpu.assume_multiple %mul3A_130, 128 : i32
    %dma_start3A_132 = arith.constant 6 : i32
    %dma_start3A_133 = arith.constant 0 : i32
    %dma_start3A_134 = arith.constant 0 : i32
    %dma_start3A_135 = tpu.memref_slice %arg6[%dma_start3A_132, %dma_start3A_133, %dma_start3A_134] : memref<16x32x128xf32, #tpu.memory_space<vmem>> -> memref<1x32x128xf32, #tpu.memory_space<vmem>>
    %dma_start3A_136 = tpu.memref_squeeze %dma_start3A_135 : memref<1x32x128xf32, #tpu.memory_space<vmem>> -> memref<32x128xf32, #tpu.memory_space<vmem>>
    %dma_start3A_137 = arith.constant 0 : i32
    %dma_start3A_138 = tpu.memref_slice %arg3[%dma_start3A_137, %multiple_of3A_131] : memref<32x1000000xf32, #tpu.memory_space<hbm>> -> memref<32x128xf32, #tpu.memory_space<hbm>>
    %dma_start3A_139 = arith.constant 0 : i32
    %dma_start3A_140 = arith.constant 0 : i32
    %dma_start3A_141 = tpu.memref_slice %arg6[%dma_start3A_132, %dma_start3A_139, %dma_start3A_140] : memref<16x32x128xf32, #tpu.memory_space<vmem>> -> memref<1x32x128xf32, #tpu.memory_space<vmem>>
    %dma_start3A_142 = tpu.memref_squeeze %dma_start3A_141 : memref<1x32x128xf32, #tpu.memory_space<vmem>> -> memref<32x128xf32, #tpu.memory_space<vmem>>
    %dma_start3A_143 = arith.constant 0 : i32
    %dma_start3A_144 = tpu.memref_slice %arg3[%dma_start3A_143, %multiple_of3A_131] : memref<32x1000000xf32, #tpu.memory_space<hbm>> -> memref<32x128xf32, #tpu.memory_space<hbm>>
    tpu.enqueue_dma source(%dma_start3A_144 : memref<32x128xf32, #tpu.memory_space<hbm>>) target(%dma_start3A_142 : memref<32x128xf32, #tpu.memory_space<vmem>>) target_semaphore(%arg8 : memref<!tpu.dma_semaphore, #tpu.memory_space<semaphore_mem>>)
    %slice3A_145 = vector.extract_strided_slice %get3A_8 {offsets = [7], sizes = [1], strides = [1]} : vector<16xi32> to vector<1xi32>
    %squeeze3A_146 = vector.extract %slice3A_145[0] : i32 from vector<1xi32>
    %shift_right_arithmetic3A_147 = arith.constant 7 : i32
    %shift_right_arithmetic3A_148 = arith.shrsi %squeeze3A_146, %shift_right_arithmetic3A_147 : i32
    %mul3A_149 = arith.constant 128 : i32
    %mul3A_150 = arith.muli %shift_right_arithmetic3A_148, %mul3A_149 : i32
    %multiple_of3A_151 = tpu.assume_multiple %mul3A_150, 128 : i32
    %dma_start3A_152 = arith.constant 7 : i32
    %dma_start3A_153 = arith.constant 0 : i32
    %dma_start3A_154 = arith.constant 0 : i32
    %dma_start3A_155 = tpu.memref_slice %arg6[%dma_start3A_152, %dma_start3A_153, %dma_start3A_154] : memref<16x32x128xf32, #tpu.memory_space<vmem>> -> memref<1x32x128xf32, #tpu.memory_space<vmem>>
    %dma_start3A_156 = tpu.memref_squeeze %dma_start3A_155 : memref<1x32x128xf32, #tpu.memory_space<vmem>> -> memref<32x128xf32, #tpu.memory_space<vmem>>
    %dma_start3A_157 = arith.constant 0 : i32
    %dma_start3A_158 = tpu.memref_slice %arg3[%dma_start3A_157, %multiple_of3A_151] : memref<32x1000000xf32, #tpu.memory_space<hbm>> -> memref<32x128xf32, #tpu.memory_space<hbm>>
    %dma_start3A_159 = arith.constant 0 : i32
    %dma_start3A_160 = arith.constant 0 : i32
    %dma_start3A_161 = tpu.memref_slice %arg6[%dma_start3A_152, %dma_start3A_159, %dma_start3A_160] : memref<16x32x128xf32, #tpu.memory_space<vmem>> -> memref<1x32x128xf32, #tpu.memory_space<vmem>>
    %dma_start3A_162 = tpu.memref_squeeze %dma_start3A_161 : memref<1x32x128xf32, #tpu.memory_space<vmem>> -> memref<32x128xf32, #tpu.memory_space<vmem>>
    %dma_start3A_163 = arith.constant 0 : i32
    %dma_start3A_164 = tpu.memref_slice %arg3[%dma_start3A_163, %multiple_of3A_151] : memref<32x1000000xf32, #tpu.memory_space<hbm>> -> memref<32x128xf32, #tpu.memory_space<hbm>>
    tpu.enqueue_dma source(%dma_start3A_164 : memref<32x128xf32, #tpu.memory_space<hbm>>) target(%dma_start3A_162 : memref<32x128xf32, #tpu.memory_space<vmem>>) target_semaphore(%arg8 : memref<!tpu.dma_semaphore, #tpu.memory_space<semaphore_mem>>)
    %slice3A_165 = vector.extract_strided_slice %get3A_8 {offsets = [8], sizes = [1], strides = [1]} : vector<16xi32> to vector<1xi32>
    %squeeze3A_166 = vector.extract %slice3A_165[0] : i32 from vector<1xi32>
    %shift_right_arithmetic3A_167 = arith.constant 7 : i32
    %shift_right_arithmetic3A_168 = arith.shrsi %squeeze3A_166, %shift_right_arithmetic3A_167 : i32
    %mul3A_169 = arith.constant 128 : i32
    %mul3A_170 = arith.muli %shift_right_arithmetic3A_168, %mul3A_169 : i32
    %multiple_of3A_171 = tpu.assume_multiple %mul3A_170, 128 : i32
    %dma_start3A_172 = arith.constant 8 : i32
    %dma_start3A_173 = arith.constant 0 : i32
    %dma_start3A_174 = arith.constant 0 : i32
    %dma_start3A_175 = tpu.memref_slice %arg6[%dma_start3A_172, %dma_start3A_173, %dma_start3A_174] : memref<16x32x128xf32, #tpu.memory_space<vmem>> -> memref<1x32x128xf32, #tpu.memory_space<vmem>>
    %dma_start3A_176 = tpu.memref_squeeze %dma_start3A_175 : memref<1x32x128xf32, #tpu.memory_space<vmem>> -> memref<32x128xf32, #tpu.memory_space<vmem>>
    %dma_start3A_177 = arith.constant 0 : i32
    %dma_start3A_178 = tpu.memref_slice %arg3[%dma_start3A_177, %multiple_of3A_171] : memref<32x1000000xf32, #tpu.memory_space<hbm>> -> memref<32x128xf32, #tpu.memory_space<hbm>>
    %dma_start3A_179 = arith.constant 0 : i32
    %dma_start3A_180 = arith.constant 0 : i32
    %dma_start3A_181 = tpu.memref_slice %arg6[%dma_start3A_172, %dma_start3A_179, %dma_start3A_180] : memref<16x32x128xf32, #tpu.memory_space<vmem>> -> memref<1x32x128xf32, #tpu.memory_space<vmem>>
    %dma_start3A_182 = tpu.memref_squeeze %dma_start3A_181 : memref<1x32x128xf32, #tpu.memory_space<vmem>> -> memref<32x128xf32, #tpu.memory_space<vmem>>
    %dma_start3A_183 = arith.constant 0 : i32
    %dma_start3A_184 = tpu.memref_slice %arg3[%dma_start3A_183, %multiple_of3A_171] : memref<32x1000000xf32, #tpu.memory_space<hbm>> -> memref<32x128xf32, #tpu.memory_space<hbm>>
    tpu.enqueue_dma source(%dma_start3A_184 : memref<32x128xf32, #tpu.memory_space<hbm>>) target(%dma_start3A_182 : memref<32x128xf32, #tpu.memory_space<vmem>>) target_semaphore(%arg8 : memref<!tpu.dma_semaphore, #tpu.memory_space<semaphore_mem>>)
    %slice3A_185 = vector.extract_strided_slice %get3A_8 {offsets = [9], sizes = [1], strides = [1]} : vector<16xi32> to vector<1xi32>
    %squeeze3A_186 = vector.extract %slice3A_185[0] : i32 from vector<1xi32>
    %shift_right_arithmetic3A_187 = arith.constant 7 : i32
    %shift_right_arithmetic3A_188 = arith.shrsi %squeeze3A_186, %shift_right_arithmetic3A_187 : i32
    %mul3A_189 = arith.constant 128 : i32
    %mul3A_190 = arith.muli %shift_right_arithmetic3A_188, %mul3A_189 : i32
    %multiple_of3A_191 = tpu.assume_multiple %mul3A_190, 128 : i32
    %dma_start3A_192 = arith.constant 9 : i32
    %dma_start3A_193 = arith.constant 0 : i32
    %dma_start3A_194 = arith.constant 0 : i32
    %dma_start3A_195 = tpu.memref_slice %arg6[%dma_start3A_192, %dma_start3A_193, %dma_start3A_194] : memref<16x32x128xf32, #tpu.memory_space<vmem>> -> memref<1x32x128xf32, #tpu.memory_space<vmem>>
    %dma_start3A_196 = tpu.memref_squeeze %dma_start3A_195 : memref<1x32x128xf32, #tpu.memory_space<vmem>> -> memref<32x128xf32, #tpu.memory_space<vmem>>
    %dma_start3A_197 = arith.constant 0 : i32
    %dma_start3A_198 = tpu.memref_slice %arg3[%dma_start3A_197, %multiple_of3A_191] : memref<32x1000000xf32, #tpu.memory_space<hbm>> -> memref<32x128xf32, #tpu.memory_space<hbm>>
    %dma_start3A_199 = arith.constant 0 : i32
    %dma_start3A_200 = arith.constant 0 : i32
    %dma_start3A_201 = tpu.memref_slice %arg6[%dma_start3A_192, %dma_start3A_199, %dma_start3A_200] : memref<16x32x128xf32, #tpu.memory_space<vmem>> -> memref<1x32x128xf32, #tpu.memory_space<vmem>>
    %dma_start3A_202 = tpu.memref_squeeze %dma_start3A_201 : memref<1x32x128xf32, #tpu.memory_space<vmem>> -> memref<32x128xf32, #tpu.memory_space<vmem>>
    %dma_start3A_203 = arith.constant 0 : i32
    %dma_start3A_204 = tpu.memref_slice %arg3[%dma_start3A_203, %multiple_of3A_191] : memref<32x1000000xf32, #tpu.memory_space<hbm>> -> memref<32x128xf32, #tpu.memory_space<hbm>>
    tpu.enqueue_dma source(%dma_start3A_204 : memref<32x128xf32, #tpu.memory_space<hbm>>) target(%dma_start3A_202 : memref<32x128xf32, #tpu.memory_space<vmem>>) target_semaphore(%arg8 : memref<!tpu.dma_semaphore, #tpu.memory_space<semaphore_mem>>)
    %slice3A_205 = vector.extract_strided_slice %get3A_8 {offsets = [10], sizes = [1], strides = [1]} : vector<16xi32> to vector<1xi32>
    %squeeze3A_206 = vector.extract %slice3A_205[0] : i32 from vector<1xi32>
    %shift_right_arithmetic3A_207 = arith.constant 7 : i32
    %shift_right_arithmetic3A_208 = arith.shrsi %squeeze3A_206, %shift_right_arithmetic3A_207 : i32
    %mul3A_209 = arith.constant 128 : i32
    %mul3A_210 = arith.muli %shift_right_arithmetic3A_208, %mul3A_209 : i32
    %multiple_of3A_211 = tpu.assume_multiple %mul3A_210, 128 : i32
    %dma_start3A_212 = arith.constant 10 : i32
    %dma_start3A_213 = arith.constant 0 : i32
    %dma_start3A_214 = arith.constant 0 : i32
    %dma_start3A_215 = tpu.memref_slice %arg6[%dma_start3A_212, %dma_start3A_213, %dma_start3A_214] : memref<16x32x128xf32, #tpu.memory_space<vmem>> -> memref<1x32x128xf32, #tpu.memory_space<vmem>>
    %dma_start3A_216 = tpu.memref_squeeze %dma_start3A_215 : memref<1x32x128xf32, #tpu.memory_space<vmem>> -> memref<32x128xf32, #tpu.memory_space<vmem>>
    %dma_start3A_217 = arith.constant 0 : i32
    %dma_start3A_218 = tpu.memref_slice %arg3[%dma_start3A_217, %multiple_of3A_211] : memref<32x1000000xf32, #tpu.memory_space<hbm>> -> memref<32x128xf32, #tpu.memory_space<hbm>>
    %dma_start3A_219 = arith.constant 0 : i32
    %dma_start3A_220 = arith.constant 0 : i32
    %dma_start3A_221 = tpu.memref_slice %arg6[%dma_start3A_212, %dma_start3A_219, %dma_start3A_220] : memref<16x32x128xf32, #tpu.memory_space<vmem>> -> memref<1x32x128xf32, #tpu.memory_space<vmem>>
    %dma_start3A_222 = tpu.memref_squeeze %dma_start3A_221 : memref<1x32x128xf32, #tpu.memory_space<vmem>> -> memref<32x128xf32, #tpu.memory_space<vmem>>
    %dma_start3A_223 = arith.constant 0 : i32
    %dma_start3A_224 = tpu.memref_slice %arg3[%dma_start3A_223, %multiple_of3A_211] : memref<32x1000000xf32, #tpu.memory_space<hbm>> -> memref<32x128xf32, #tpu.memory_space<hbm>>
    tpu.enqueue_dma source(%dma_start3A_224 : memref<32x128xf32, #tpu.memory_space<hbm>>) target(%dma_start3A_222 : memref<32x128xf32, #tpu.memory_space<vmem>>) target_semaphore(%arg8 : memref<!tpu.dma_semaphore, #tpu.memory_space<semaphore_mem>>)
    %slice3A_225 = vector.extract_strided_slice %get3A_8 {offsets = [11], sizes = [1], strides = [1]} : vector<16xi32> to vector<1xi32>
    %squeeze3A_226 = vector.extract %slice3A_225[0] : i32 from vector<1xi32>
    %shift_right_arithmetic3A_227 = arith.constant 7 : i32
    %shift_right_arithmetic3A_228 = arith.shrsi %squeeze3A_226, %shift_right_arithmetic3A_227 : i32
    %mul3A_229 = arith.constant 128 : i32
    %mul3A_230 = arith.muli %shift_right_arithmetic3A_228, %mul3A_229 : i32
    %multiple_of3A_231 = tpu.assume_multiple %mul3A_230, 128 : i32
    %dma_start3A_232 = arith.constant 11 : i32
    %dma_start3A_233 = arith.constant 0 : i32
    %dma_start3A_234 = arith.constant 0 : i32
    %dma_start3A_235 = tpu.memref_slice %arg6[%dma_start3A_232, %dma_start3A_233, %dma_start3A_234] : memref<16x32x128xf32, #tpu.memory_space<vmem>> -> memref<1x32x128xf32, #tpu.memory_space<vmem>>
    %dma_start3A_236 = tpu.memref_squeeze %dma_start3A_235 : memref<1x32x128xf32, #tpu.memory_space<vmem>> -> memref<32x128xf32, #tpu.memory_space<vmem>>
    %dma_start3A_237 = arith.constant 0 : i32
    %dma_start3A_238 = tpu.memref_slice %arg3[%dma_start3A_237, %multiple_of3A_231] : memref<32x1000000xf32, #tpu.memory_space<hbm>> -> memref<32x128xf32, #tpu.memory_space<hbm>>
    %dma_start3A_239 = arith.constant 0 : i32
    %dma_start3A_240 = arith.constant 0 : i32
    %dma_start3A_241 = tpu.memref_slice %arg6[%dma_start3A_232, %dma_start3A_239, %dma_start3A_240] : memref<16x32x128xf32, #tpu.memory_space<vmem>> -> memref<1x32x128xf32, #tpu.memory_space<vmem>>
    %dma_start3A_242 = tpu.memref_squeeze %dma_start3A_241 : memref<1x32x128xf32, #tpu.memory_space<vmem>> -> memref<32x128xf32, #tpu.memory_space<vmem>>
    %dma_start3A_243 = arith.constant 0 : i32
    %dma_start3A_244 = tpu.memref_slice %arg3[%dma_start3A_243, %multiple_of3A_231] : memref<32x1000000xf32, #tpu.memory_space<hbm>> -> memref<32x128xf32, #tpu.memory_space<hbm>>
    tpu.enqueue_dma source(%dma_start3A_244 : memref<32x128xf32, #tpu.memory_space<hbm>>) target(%dma_start3A_242 : memref<32x128xf32, #tpu.memory_space<vmem>>) target_semaphore(%arg8 : memref<!tpu.dma_semaphore, #tpu.memory_space<semaphore_mem>>)
    %slice3A_245 = vector.extract_strided_slice %get3A_8 {offsets = [12], sizes = [1], strides = [1]} : vector<16xi32> to vector<1xi32>
    %squeeze3A_246 = vector.extract %slice3A_245[0] : i32 from vector<1xi32>
    %shift_right_arithmetic3A_247 = arith.constant 7 : i32
    %shift_right_arithmetic3A_248 = arith.shrsi %squeeze3A_246, %shift_right_arithmetic3A_247 : i32
    %mul3A_249 = arith.constant 128 : i32
    %mul3A_250 = arith.muli %shift_right_arithmetic3A_248, %mul3A_249 : i32
    %multiple_of3A_251 = tpu.assume_multiple %mul3A_250, 128 : i32
    %dma_start3A_252 = arith.constant 12 : i32
    %dma_start3A_253 = arith.constant 0 : i32
    %dma_start3A_254 = arith.constant 0 : i32
    %dma_start3A_255 = tpu.memref_slice %arg6[%dma_start3A_252, %dma_start3A_253, %dma_start3A_254] : memref<16x32x128xf32, #tpu.memory_space<vmem>> -> memref<1x32x128xf32, #tpu.memory_space<vmem>>
    %dma_start3A_256 = tpu.memref_squeeze %dma_start3A_255 : memref<1x32x128xf32, #tpu.memory_space<vmem>> -> memref<32x128xf32, #tpu.memory_space<vmem>>
    %dma_start3A_257 = arith.constant 0 : i32
    %dma_start3A_258 = tpu.memref_slice %arg3[%dma_start3A_257, %multiple_of3A_251] : memref<32x1000000xf32, #tpu.memory_space<hbm>> -> memref<32x128xf32, #tpu.memory_space<hbm>>
    %dma_start3A_259 = arith.constant 0 : i32
    %dma_start3A_260 = arith.constant 0 : i32
    %dma_start3A_261 = tpu.memref_slice %arg6[%dma_start3A_252, %dma_start3A_259, %dma_start3A_260] : memref<16x32x128xf32, #tpu.memory_space<vmem>> -> memref<1x32x128xf32, #tpu.memory_space<vmem>>
    %dma_start3A_262 = tpu.memref_squeeze %dma_start3A_261 : memref<1x32x128xf32, #tpu.memory_space<vmem>> -> memref<32x128xf32, #tpu.memory_space<vmem>>
    %dma_start3A_263 = arith.constant 0 : i32
    %dma_start3A_264 = tpu.memref_slice %arg3[%dma_start3A_263, %multiple_of3A_251] : memref<32x1000000xf32, #tpu.memory_space<hbm>> -> memref<32x128xf32, #tpu.memory_space<hbm>>
    tpu.enqueue_dma source(%dma_start3A_264 : memref<32x128xf32, #tpu.memory_space<hbm>>) target(%dma_start3A_262 : memref<32x128xf32, #tpu.memory_space<vmem>>) target_semaphore(%arg8 : memref<!tpu.dma_semaphore, #tpu.memory_space<semaphore_mem>>)
    %slice3A_265 = vector.extract_strided_slice %get3A_8 {offsets = [13], sizes = [1], strides = [1]} : vector<16xi32> to vector<1xi32>
    %squeeze3A_266 = vector.extract %slice3A_265[0] : i32 from vector<1xi32>
    %shift_right_arithmetic3A_267 = arith.constant 7 : i32
    %shift_right_arithmetic3A_268 = arith.shrsi %squeeze3A_266, %shift_right_arithmetic3A_267 : i32
    %mul3A_269 = arith.constant 128 : i32
    %mul3A_270 = arith.muli %shift_right_arithmetic3A_268, %mul3A_269 : i32
    %multiple_of3A_271 = tpu.assume_multiple %mul3A_270, 128 : i32
    %dma_start3A_272 = arith.constant 13 : i32
    %dma_start3A_273 = arith.constant 0 : i32
    %dma_start3A_274 = arith.constant 0 : i32
    %dma_start3A_275 = tpu.memref_slice %arg6[%dma_start3A_272, %dma_start3A_273, %dma_start3A_274] : memref<16x32x128xf32, #tpu.memory_space<vmem>> -> memref<1x32x128xf32, #tpu.memory_space<vmem>>
    %dma_start3A_276 = tpu.memref_squeeze %dma_start3A_275 : memref<1x32x128xf32, #tpu.memory_space<vmem>> -> memref<32x128xf32, #tpu.memory_space<vmem>>
    %dma_start3A_277 = arith.constant 0 : i32
    %dma_start3A_278 = tpu.memref_slice %arg3[%dma_start3A_277, %multiple_of3A_271] : memref<32x1000000xf32, #tpu.memory_space<hbm>> -> memref<32x128xf32, #tpu.memory_space<hbm>>
    %dma_start3A_279 = arith.constant 0 : i32
    %dma_start3A_280 = arith.constant 0 : i32
    %dma_start3A_281 = tpu.memref_slice %arg6[%dma_start3A_272, %dma_start3A_279, %dma_start3A_280] : memref<16x32x128xf32, #tpu.memory_space<vmem>> -> memref<1x32x128xf32, #tpu.memory_space<vmem>>
    %dma_start3A_282 = tpu.memref_squeeze %dma_start3A_281 : memref<1x32x128xf32, #tpu.memory_space<vmem>> -> memref<32x128xf32, #tpu.memory_space<vmem>>
    %dma_start3A_283 = arith.constant 0 : i32
    %dma_start3A_284 = tpu.memref_slice %arg3[%dma_start3A_283, %multiple_of3A_271] : memref<32x1000000xf32, #tpu.memory_space<hbm>> -> memref<32x128xf32, #tpu.memory_space<hbm>>
    tpu.enqueue_dma source(%dma_start3A_284 : memref<32x128xf32, #tpu.memory_space<hbm>>) target(%dma_start3A_282 : memref<32x128xf32, #tpu.memory_space<vmem>>) target_semaphore(%arg8 : memref<!tpu.dma_semaphore, #tpu.memory_space<semaphore_mem>>)
    %slice3A_285 = vector.extract_strided_slice %get3A_8 {offsets = [14], sizes = [1], strides = [1]} : vector<16xi32> to vector<1xi32>
    %squeeze3A_286 = vector.extract %slice3A_285[0] : i32 from vector<1xi32>
    %shift_right_arithmetic3A_287 = arith.constant 7 : i32
    %shift_right_arithmetic3A_288 = arith.shrsi %squeeze3A_286, %shift_right_arithmetic3A_287 : i32
    %mul3A_289 = arith.constant 128 : i32
    %mul3A_290 = arith.muli %shift_right_arithmetic3A_288, %mul3A_289 : i32
    %multiple_of3A_291 = tpu.assume_multiple %mul3A_290, 128 : i32
    %dma_start3A_292 = arith.constant 14 : i32
    %dma_start3A_293 = arith.constant 0 : i32
    %dma_start3A_294 = arith.constant 0 : i32
    %dma_start3A_295 = tpu.memref_slice %arg6[%dma_start3A_292, %dma_start3A_293, %dma_start3A_294] : memref<16x32x128xf32, #tpu.memory_space<vmem>> -> memref<1x32x128xf32, #tpu.memory_space<vmem>>
    %dma_start3A_296 = tpu.memref_squeeze %dma_start3A_295 : memref<1x32x128xf32, #tpu.memory_space<vmem>> -> memref<32x128xf32, #tpu.memory_space<vmem>>
    %dma_start3A_297 = arith.constant 0 : i32
    %dma_start3A_298 = tpu.memref_slice %arg3[%dma_start3A_297, %multiple_of3A_291] : memref<32x1000000xf32, #tpu.memory_space<hbm>> -> memref<32x128xf32, #tpu.memory_space<hbm>>
    %dma_start3A_299 = arith.constant 0 : i32
    %dma_start3A_300 = arith.constant 0 : i32
    %dma_start3A_301 = tpu.memref_slice %arg6[%dma_start3A_292, %dma_start3A_299, %dma_start3A_300] : memref<16x32x128xf32, #tpu.memory_space<vmem>> -> memref<1x32x128xf32, #tpu.memory_space<vmem>>
    %dma_start3A_302 = tpu.memref_squeeze %dma_start3A_301 : memref<1x32x128xf32, #tpu.memory_space<vmem>> -> memref<32x128xf32, #tpu.memory_space<vmem>>
    %dma_start3A_303 = arith.constant 0 : i32
    %dma_start3A_304 = tpu.memref_slice %arg3[%dma_start3A_303, %multiple_of3A_291] : memref<32x1000000xf32, #tpu.memory_space<hbm>> -> memref<32x128xf32, #tpu.memory_space<hbm>>
    tpu.enqueue_dma source(%dma_start3A_304 : memref<32x128xf32, #tpu.memory_space<hbm>>) target(%dma_start3A_302 : memref<32x128xf32, #tpu.memory_space<vmem>>) target_semaphore(%arg8 : memref<!tpu.dma_semaphore, #tpu.memory_space<semaphore_mem>>)
    %slice3A_305 = vector.extract_strided_slice %get3A_8 {offsets = [15], sizes = [1], strides = [1]} : vector<16xi32> to vector<1xi32>
    %squeeze3A_306 = vector.extract %slice3A_305[0] : i32 from vector<1xi32>
    %shift_right_arithmetic3A_307 = arith.constant 7 : i32
    %shift_right_arithmetic3A_308 = arith.shrsi %squeeze3A_306, %shift_right_arithmetic3A_307 : i32
    %mul3A_309 = arith.constant 128 : i32
    %mul3A_310 = arith.muli %shift_right_arithmetic3A_308, %mul3A_309 : i32
    %multiple_of3A_311 = tpu.assume_multiple %mul3A_310, 128 : i32
    %dma_start3A_312 = arith.constant 15 : i32
    %dma_start3A_313 = arith.constant 0 : i32
    %dma_start3A_314 = arith.constant 0 : i32
    %dma_start3A_315 = tpu.memref_slice %arg6[%dma_start3A_312, %dma_start3A_313, %dma_start3A_314] : memref<16x32x128xf32, #tpu.memory_space<vmem>> -> memref<1x32x128xf32, #tpu.memory_space<vmem>>
    %dma_start3A_316 = tpu.memref_squeeze %dma_start3A_315 : memref<1x32x128xf32, #tpu.memory_space<vmem>> -> memref<32x128xf32, #tpu.memory_space<vmem>>
    %dma_start3A_317 = arith.constant 0 : i32
    %dma_start3A_318 = tpu.memref_slice %arg3[%dma_start3A_317, %multiple_of3A_311] : memref<32x1000000xf32, #tpu.memory_space<hbm>> -> memref<32x128xf32, #tpu.memory_space<hbm>>
    %dma_start3A_319 = arith.constant 0 : i32
    %dma_start3A_320 = arith.constant 0 : i32
    %dma_start3A_321 = tpu.memref_slice %arg6[%dma_start3A_312, %dma_start3A_319, %dma_start3A_320] : memref<16x32x128xf32, #tpu.memory_space<vmem>> -> memref<1x32x128xf32, #tpu.memory_space<vmem>>
    %dma_start3A_322 = tpu.memref_squeeze %dma_start3A_321 : memref<1x32x128xf32, #tpu.memory_space<vmem>> -> memref<32x128xf32, #tpu.memory_space<vmem>>
    %dma_start3A_323 = arith.constant 0 : i32
    %dma_start3A_324 = tpu.memref_slice %arg3[%dma_start3A_323, %multiple_of3A_311] : memref<32x1000000xf32, #tpu.memory_space<hbm>> -> memref<32x128xf32, #tpu.memory_space<hbm>>
    tpu.enqueue_dma source(%dma_start3A_324 : memref<32x128xf32, #tpu.memory_space<hbm>>) target(%dma_start3A_322 : memref<32x128xf32, #tpu.memory_space<vmem>>) target_semaphore(%arg8 : memref<!tpu.dma_semaphore, #tpu.memory_space<semaphore_mem>>)
    %scan3A = arith.constant 1 : i32
    %scan3A_325 = arith.constant 31 : i32
    %scan3A_326 = arith.addi %scan3A, %scan3A_325 : i32
    %scan3A_327 = arith.constant 1 : i32
    %scan3A_328 = scf.for %scan3A_879 = %scan3A to %scan3A_326 step %scan3A_327 iter_args(%scan3A_880 = %get3A_8) -> (vector<16xi32>)  : i32 {
      %mul3A_881 = arith.constant 16 : i32
      %mul3A_882 = arith.muli %scan3A_879, %mul3A_881 : i32
      %get3A_883 = arith.index_cast %mul3A_882 : i32 to index
      %get3A_884 = tpu.vector_load %arg5[%get3A_883] {strides = array<i32>} : memref<512xi32, #tpu.memory_space<vmem>>, vector<16xi32>,
      %dma_wait3A_885 = arith.constant 0 : i32
      %dma_wait3A_886 = arith.constant 0 : i32
      %dma_wait3A_887 = arith.constant 0 : i32
      %dma_wait3A_888 = tpu.memref_slice %arg6[%dma_wait3A_885, %dma_wait3A_886, %dma_wait3A_887] : memref<16x32x128xf32, #tpu.memory_space<vmem>> -> memref<1x32x128xf32, #tpu.memory_space<vmem>>
      %dma_wait3A_889 = tpu.memref_squeeze %dma_wait3A_888 : memref<1x32x128xf32, #tpu.memory_space<vmem>> -> memref<32x128xf32, #tpu.memory_space<vmem>>
      %dma_wait3A_890 = arith.constant 0 : i32
      %dma_wait3A_891 = arith.constant 0 : i32
      %dma_wait3A_892 = tpu.memref_slice %arg3[%dma_wait3A_890, %dma_wait3A_891] : memref<32x1000000xf32, #tpu.memory_space<hbm>> -> memref<32x128xf32, #tpu.memory_space<hbm>>
      %dma_wait3A_893 = arith.constant 0 : i32
      %dma_wait3A_894 = arith.constant 0 : i32
      %dma_wait3A_895 = tpu.memref_slice %arg6[%dma_wait3A_885, %dma_wait3A_893, %dma_wait3A_894] : memref<16x32x128xf32, #tpu.memory_space<vmem>> -> memref<1x32x128xf32, #tpu.memory_space<vmem>>
      %dma_wait3A_896 = tpu.memref_squeeze %dma_wait3A_895 : memref<1x32x128xf32, #tpu.memory_space<vmem>> -> memref<32x128xf32, #tpu.memory_space<vmem>>
      %dma_wait3A_897 = arith.constant 0 : i32
      %dma_wait3A_898 = arith.constant 0 : i32
      %dma_wait3A_899 = tpu.memref_slice %arg3[%dma_wait3A_897, %dma_wait3A_898] : memref<32x1000000xf32, #tpu.memory_space<hbm>> -> memref<32x128xf32, #tpu.memory_space<hbm>>
      tpu.wait_dma2 semaphore(%arg8 : memref<!tpu.dma_semaphore, #tpu.memory_space<semaphore_mem>>) src(%dma_wait3A_899 : memref<32x128xf32, #tpu.memory_space<hbm>>) dst(%dma_wait3A_896 : memref<32x128xf32, #tpu.memory_space<vmem>>)
      %slice3A_900 = vector.extract_strided_slice %scan3A_880 {offsets = [0], sizes = [1], strides = [1]} : vector<16xi32> to vector<1xi32>
      %squeeze3A_901 = vector.extract %slice3A_900[0] : i32 from vector<1xi32>
      %sub3A = arith.constant 1 : i32
      %sub3A_902 = arith.subi %scan3A_879, %sub3A : i32
      %mul3A_903 = arith.constant 16 : i32
      %mul3A_904 = arith.muli %sub3A_902, %mul3A_903 : i32
      %add3A_905 = arith.constant 0 : i32
      %add3A_906 = arith.addi %mul3A_904, %add3A_905 : i32
      %and3A_907 = arith.constant 127 : i32
      %and3A_908 = arith.andi %squeeze3A_901, %and3A_907 : i32
      %broadcast_in_dim3A_909 = vector.broadcast %and3A_908 : i32 to vector<16xi32>
      %broadcast_in_dim3A_910 = vector.broadcast %add3A_906 : i32 to vector<16xi32>
      %gather3A_911 = arith.constant 0 : i32
      %gather3A_912 = arith.constant 0 : i32
      %gather3A_913 = arith.constant 0 : i32
      %gather3A_914 = tpu.memref_slice %arg6[%gather3A_911, %gather3A_912, %gather3A_913] : memref<16x32x128xf32, #tpu.memory_space<vmem>> -> memref<1x32x128xf32, #tpu.memory_space<vmem>>
      %gather3A_915 = tpu.memref_squeeze %gather3A_914 : memref<1x32x128xf32, #tpu.memory_space<vmem>> -> memref<32x128xf32, #tpu.memory_space<vmem>>
      %gather3A_916 = tpu.vector_load_idx %gather3A_915[%iota3A, %broadcast_in_dim3A_909] : memref<32x128xf32, #tpu.memory_space<vmem>>[vector<16xi32>, vector<16xi32>], vector<16xf32>,
      %gather3A_917 = arith.constant 0 : i32
      %gather3A_918 = arith.constant 0 : i32
      %gather3A_919 = arith.constant 0 : i32
      %gather3A_920 = tpu.memref_slice %arg6[%gather3A_917, %gather3A_918, %gather3A_919] : memref<16x32x128xf32, #tpu.memory_space<vmem>> -> memref<1x32x128xf32, #tpu.memory_space<vmem>>
      %gather3A_921 = tpu.memref_squeeze %gather3A_920 : memref<1x32x128xf32, #tpu.memory_space<vmem>> -> memref<32x128xf32, #tpu.memory_space<vmem>>
      %gather3A_922 = tpu.vector_load_idx %gather3A_921[%add3A_7, %broadcast_in_dim3A_909] : memref<32x128xf32, #tpu.memory_space<vmem>>[vector<16xi32>, vector<16xi32>], vector<16xf32>,
      tpu.vector_store_idx %arg7[%iota3A, %broadcast_in_dim3A_910], %gather3A_916 : memref<32x512xf32, #tpu.memory_space<vmem>>[vector<16xi32>, vector<16xi32>], vector<16xf32>,
      tpu.vector_store_idx %arg7[%add3A_7, %broadcast_in_dim3A_910], %gather3A_922 : memref<32x512xf32, #tpu.memory_space<vmem>>[vector<16xi32>, vector<16xi32>], vector<16xf32>,
      %slice3A_923 = vector.extract_strided_slice %get3A_884 {offsets = [0], sizes = [1], strides = [1]} : vector<16xi32> to vector<1xi32>
      %squeeze3A_924 = vector.extract %slice3A_923[0] : i32 from vector<1xi32>
      %shift_right_arithmetic3A_925 = arith.constant 7 : i32
      %shift_right_arithmetic3A_926 = arith.shrsi %squeeze3A_924, %shift_right_arithmetic3A_925 : i32
      %mul3A_927 = arith.constant 128 : i32
      %mul3A_928 = arith.muli %shift_right_arithmetic3A_926, %mul3A_927 : i32
      %multiple_of3A_929 = tpu.assume_multiple %mul3A_928, 128 : i32
      %dma_start3A_930 = arith.constant 0 : i32
      %dma_start3A_931 = arith.constant 0 : i32
      %dma_start3A_932 = arith.constant 0 : i32
      %dma_start3A_933 = tpu.memref_slice %arg6[%dma_start3A_930, %dma_start3A_931, %dma_start3A_932] : memref<16x32x128xf32, #tpu.memory_space<vmem>> -> memref<1x32x128xf32, #tpu.memory_space<vmem>>
      %dma_start3A_934 = tpu.memref_squeeze %dma_start3A_933 : memref<1x32x128xf32, #tpu.memory_space<vmem>> -> memref<32x128xf32, #tpu.memory_space<vmem>>
      %dma_start3A_935 = arith.constant 0 : i32
      %dma_start3A_936 = tpu.memref_slice %arg3[%dma_start3A_935, %multiple_of3A_929] : memref<32x1000000xf32, #tpu.memory_space<hbm>> -> memref<32x128xf32, #tpu.memory_space<hbm>>
      %dma_start3A_937 = arith.constant 0 : i32
      %dma_start3A_938 = arith.constant 0 : i32
      %dma_start3A_939 = tpu.memref_slice %arg6[%dma_start3A_930, %dma_start3A_937, %dma_start3A_938] : memref<16x32x128xf32, #tpu.memory_space<vmem>> -> memref<1x32x128xf32, #tpu.memory_space<vmem>>
      %dma_start3A_940 = tpu.memref_squeeze %dma_start3A_939 : memref<1x32x128xf32, #tpu.memory_space<vmem>> -> memref<32x128xf32, #tpu.memory_space<vmem>>
      %dma_start3A_941 = arith.constant 0 : i32
      %dma_start3A_942 = tpu.memref_slice %arg3[%dma_start3A_941, %multiple_of3A_929] : memref<32x1000000xf32, #tpu.memory_space<hbm>> -> memref<32x128xf32, #tpu.memory_space<hbm>>
      tpu.enqueue_dma source(%dma_start3A_942 : memref<32x128xf32, #tpu.memory_space<hbm>>) target(%dma_start3A_940 : memref<32x128xf32, #tpu.memory_space<vmem>>) target_semaphore(%arg8 : memref<!tpu.dma_semaphore, #tpu.memory_space<semaphore_mem>>)
      %dma_wait3A_943 = arith.constant 0 : i32
      %dma_wait3A_944 = arith.constant 0 : i32
      %dma_wait3A_945 = arith.constant 0 : i32
      %dma_wait3A_946 = tpu.memref_slice %arg6[%dma_wait3A_943, %dma_wait3A_944, %dma_wait3A_945] : memref<16x32x128xf32, #tpu.memory_space<vmem>> -> memref<1x32x128xf32, #tpu.memory_space<vmem>>
      %dma_wait3A_947 = tpu.memref_squeeze %dma_wait3A_946 : memref<1x32x128xf32, #tpu.memory_space<vmem>> -> memref<32x128xf32, #tpu.memory_space<vmem>>
      %dma_wait3A_948 = arith.constant 0 : i32
      %dma_wait3A_949 = arith.constant 0 : i32
      %dma_wait3A_950 = tpu.memref_slice %arg3[%dma_wait3A_948, %dma_wait3A_949] : memref<32x1000000xf32, #tpu.memory_space<hbm>> -> memref<32x128xf32, #tpu.memory_space<hbm>>
      %dma_wait3A_951 = arith.constant 0 : i32
      %dma_wait3A_952 = arith.constant 0 : i32
      %dma_wait3A_953 = tpu.memref_slice %arg6[%dma_wait3A_943, %dma_wait3A_951, %dma_wait3A_952] : memref<16x32x128xf32, #tpu.memory_space<vmem>> -> memref<1x32x128xf32, #tpu.memory_space<vmem>>
      %dma_wait3A_954 = tpu.memref_squeeze %dma_wait3A_953 : memref<1x32x128xf32, #tpu.memory_space<vmem>> -> memref<32x128xf32, #tpu.memory_space<vmem>>
      %dma_wait3A_955 = arith.constant 0 : i32
      %dma_wait3A_956 = arith.constant 0 : i32
      %dma_wait3A_957 = tpu.memref_slice %arg3[%dma_wait3A_955, %dma_wait3A_956] : memref<32x1000000xf32, #tpu.memory_space<hbm>> -> memref<32x128xf32, #tpu.memory_space<hbm>>
      tpu.wait_dma2 semaphore(%arg8 : memref<!tpu.dma_semaphore, #tpu.memory_space<semaphore_mem>>) src(%dma_wait3A_957 : memref<32x128xf32, #tpu.memory_space<hbm>>) dst(%dma_wait3A_954 : memref<32x128xf32, #tpu.memory_space<vmem>>)
      %slice3A_958 = vector.extract_strided_slice %scan3A_880 {offsets = [1], sizes = [1], strides = [1]} : vector<16xi32> to vector<1xi32>
      %squeeze3A_959 = vector.extract %slice3A_958[0] : i32 from vector<1xi32>
      %sub3A_960 = arith.constant 1 : i32
      %sub3A_961 = arith.subi %scan3A_879, %sub3A_960 : i32
      %mul3A_962 = arith.constant 16 : i32
      %mul3A_963 = arith.muli %sub3A_961, %mul3A_962 : i32
      %add3A_964 = arith.constant 1 : i32
      %add3A_965 = arith.addi %mul3A_963, %add3A_964 : i32
      %and3A_966 = arith.constant 127 : i32
      %and3A_967 = arith.andi %squeeze3A_959, %and3A_966 : i32
      %broadcast_in_dim3A_968 = vector.broadcast %and3A_967 : i32 to vector<16xi32>
      %broadcast_in_dim3A_969 = vector.broadcast %add3A_965 : i32 to vector<16xi32>
      %gather3A_970 = arith.constant 1 : i32
      %gather3A_971 = arith.constant 0 : i32
      %gather3A_972 = arith.constant 0 : i32
      %gather3A_973 = tpu.memref_slice %arg6[%gather3A_970, %gather3A_971, %gather3A_972] : memref<16x32x128xf32, #tpu.memory_space<vmem>> -> memref<1x32x128xf32, #tpu.memory_space<vmem>>
      %gather3A_974 = tpu.memref_squeeze %gather3A_973 : memref<1x32x128xf32, #tpu.memory_space<vmem>> -> memref<32x128xf32, #tpu.memory_space<vmem>>
      %gather3A_975 = tpu.vector_load_idx %gather3A_974[%iota3A, %broadcast_in_dim3A_968] : memref<32x128xf32, #tpu.memory_space<vmem>>[vector<16xi32>, vector<16xi32>], vector<16xf32>,
      %gather3A_976 = arith.constant 1 : i32
      %gather3A_977 = arith.constant 0 : i32
      %gather3A_978 = arith.constant 0 : i32
      %gather3A_979 = tpu.memref_slice %arg6[%gather3A_976, %gather3A_977, %gather3A_978] : memref<16x32x128xf32, #tpu.memory_space<vmem>> -> memref<1x32x128xf32, #tpu.memory_space<vmem>>
      %gather3A_980 = tpu.memref_squeeze %gather3A_979 : memref<1x32x128xf32, #tpu.memory_space<vmem>> -> memref<32x128xf32, #tpu.memory_space<vmem>>
      %gather3A_981 = tpu.vector_load_idx %gather3A_980[%add3A_7, %broadcast_in_dim3A_968] : memref<32x128xf32, #tpu.memory_space<vmem>>[vector<16xi32>, vector<16xi32>], vector<16xf32>,
      tpu.vector_store_idx %arg7[%iota3A, %broadcast_in_dim3A_969], %gather3A_975 : memref<32x512xf32, #tpu.memory_space<vmem>>[vector<16xi32>, vector<16xi32>], vector<16xf32>,
      tpu.vector_store_idx %arg7[%add3A_7, %broadcast_in_dim3A_969], %gather3A_981 : memref<32x512xf32, #tpu.memory_space<vmem>>[vector<16xi32>, vector<16xi32>], vector<16xf32>,
      %slice3A_982 = vector.extract_strided_slice %get3A_884 {offsets = [1], sizes = [1], strides = [1]} : vector<16xi32> to vector<1xi32>
      %squeeze3A_983 = vector.extract %slice3A_982[0] : i32 from vector<1xi32>
      %shift_right_arithmetic3A_984 = arith.constant 7 : i32
      %shift_right_arithmetic3A_985 = arith.shrsi %squeeze3A_983, %shift_right_arithmetic3A_984 : i32
      %mul3A_986 = arith.constant 128 : i32
      %mul3A_987 = arith.muli %shift_right_arithmetic3A_985, %mul3A_986 : i32
      %multiple_of3A_988 = tpu.assume_multiple %mul3A_987, 128 : i32
      %dma_start3A_989 = arith.constant 1 : i32
      %dma_start3A_990 = arith.constant 0 : i32
      %dma_start3A_991 = arith.constant 0 : i32
      %dma_start3A_992 = tpu.memref_slice %arg6[%dma_start3A_989, %dma_start3A_990, %dma_start3A_991] : memref<16x32x128xf32, #tpu.memory_space<vmem>> -> memref<1x32x128xf32, #tpu.memory_space<vmem>>
      %dma_start3A_993 = tpu.memref_squeeze %dma_start3A_992 : memref<1x32x128xf32, #tpu.memory_space<vmem>> -> memref<32x128xf32, #tpu.memory_space<vmem>>
      %dma_start3A_994 = arith.constant 0 : i32
      %dma_start3A_995 = tpu.memref_slice %arg3[%dma_start3A_994, %multiple_of3A_988] : memref<32x1000000xf32, #tpu.memory_space<hbm>> -> memref<32x128xf32, #tpu.memory_space<hbm>>
      %dma_start3A_996 = arith.constant 0 : i32
      %dma_start3A_997 = arith.constant 0 : i32
      %dma_start3A_998 = tpu.memref_slice %arg6[%dma_start3A_989, %dma_start3A_996, %dma_start3A_997] : memref<16x32x128xf32, #tpu.memory_space<vmem>> -> memref<1x32x128xf32, #tpu.memory_space<vmem>>
      %dma_start3A_999 = tpu.memref_squeeze %dma_start3A_998 : memref<1x32x128xf32, #tpu.memory_space<vmem>> -> memref<32x128xf32, #tpu.memory_space<vmem>>
      %dma_start3A_1000 = arith.constant 0 : i32
      %dma_start3A_1001 = tpu.memref_slice %arg3[%dma_start3A_1000, %multiple_of3A_988] : memref<32x1000000xf32, #tpu.memory_space<hbm>> -> memref<32x128xf32, #tpu.memory_space<hbm>>
      tpu.enqueue_dma source(%dma_start3A_1001 : memref<32x128xf32, #tpu.memory_space<hbm>>) target(%dma_start3A_999 : memref<32x128xf32, #tpu.memory_space<vmem>>) target_semaphore(%arg8 : memref<!tpu.dma_semaphore, #tpu.memory_space<semaphore_mem>>)
      %dma_wait3A_1002 = arith.constant 0 : i32
      %dma_wait3A_1003 = arith.constant 0 : i32
      %dma_wait3A_1004 = arith.constant 0 : i32
      %dma_wait3A_1005 = tpu.memref_slice %arg6[%dma_wait3A_1002, %dma_wait3A_1003, %dma_wait3A_1004] : memref<16x32x128xf32, #tpu.memory_space<vmem>> -> memref<1x32x128xf32, #tpu.memory_space<vmem>>
      %dma_wait3A_1006 = tpu.memref_squeeze %dma_wait3A_1005 : memref<1x32x128xf32, #tpu.memory_space<vmem>> -> memref<32x128xf32, #tpu.memory_space<vmem>>
      %dma_wait3A_1007 = arith.constant 0 : i32
      %dma_wait3A_1008 = arith.constant 0 : i32
      %dma_wait3A_1009 = tpu.memref_slice %arg3[%dma_wait3A_1007, %dma_wait3A_1008] : memref<32x1000000xf32, #tpu.memory_space<hbm>> -> memref<32x128xf32, #tpu.memory_space<hbm>>
      %dma_wait3A_1010 = arith.constant 0 : i32
      %dma_wait3A_1011 = arith.constant 0 : i32
      %dma_wait3A_1012 = tpu.memref_slice %arg6[%dma_wait3A_1002, %dma_wait3A_1010, %dma_wait3A_1011] : memref<16x32x128xf32, #tpu.memory_space<vmem>> -> memref<1x32x128xf32, #tpu.memory_space<vmem>>
      %dma_wait3A_1013 = tpu.memref_squeeze %dma_wait3A_1012 : memref<1x32x128xf32, #tpu.memory_space<vmem>> -> memref<32x128xf32, #tpu.memory_space<vmem>>
      %dma_wait3A_1014 = arith.constant 0 : i32
      %dma_wait3A_1015 = arith.constant 0 : i32
      %dma_wait3A_1016 = tpu.memref_slice %arg3[%dma_wait3A_1014, %dma_wait3A_1015] : memref<32x1000000xf32, #tpu.memory_space<hbm>> -> memref<32x128xf32, #tpu.memory_space<hbm>>
      tpu.wait_dma2 semaphore(%arg8 : memref<!tpu.dma_semaphore, #tpu.memory_space<semaphore_mem>>) src(%dma_wait3A_1016 : memref<32x128xf32, #tpu.memory_space<hbm>>) dst(%dma_wait3A_1013 : memref<32x128xf32, #tpu.memory_space<vmem>>)
      %slice3A_1017 = vector.extract_strided_slice %scan3A_880 {offsets = [2], sizes = [1], strides = [1]} : vector<16xi32> to vector<1xi32>
      %squeeze3A_1018 = vector.extract %slice3A_1017[0] : i32 from vector<1xi32>
      %sub3A_1019 = arith.constant 1 : i32
      %sub3A_1020 = arith.subi %scan3A_879, %sub3A_1019 : i32
      %mul3A_1021 = arith.constant 16 : i32
      %mul3A_1022 = arith.muli %sub3A_1020, %mul3A_1021 : i32
      %add3A_1023 = arith.constant 2 : i32
      %add3A_1024 = arith.addi %mul3A_1022, %add3A_1023 : i32
      %and3A_1025 = arith.constant 127 : i32
      %and3A_1026 = arith.andi %squeeze3A_1018, %and3A_1025 : i32
      %broadcast_in_dim3A_1027 = vector.broadcast %and3A_1026 : i32 to vector<16xi32>
      %broadcast_in_dim3A_1028 = vector.broadcast %add3A_1024 : i32 to vector<16xi32>
      %gather3A_1029 = arith.constant 2 : i32
      %gather3A_1030 = arith.constant 0 : i32
      %gather3A_1031 = arith.constant 0 : i32
      %gather3A_1032 = tpu.memref_slice %arg6[%gather3A_1029, %gather3A_1030, %gather3A_1031] : memref<16x32x128xf32, #tpu.memory_space<vmem>> -> memref<1x32x128xf32, #tpu.memory_space<vmem>>
      %gather3A_1033 = tpu.memref_squeeze %gather3A_1032 : memref<1x32x128xf32, #tpu.memory_space<vmem>> -> memref<32x128xf32, #tpu.memory_space<vmem>>
      %gather3A_1034 = tpu.vector_load_idx %gather3A_1033[%iota3A, %broadcast_in_dim3A_1027] : memref<32x128xf32, #tpu.memory_space<vmem>>[vector<16xi32>, vector<16xi32>], vector<16xf32>,
      %gather3A_1035 = arith.constant 2 : i32
      %gather3A_1036 = arith.constant 0 : i32
      %gather3A_1037 = arith.constant 0 : i32
      %gather3A_1038 = tpu.memref_slice %arg6[%gather3A_1035, %gather3A_1036, %gather3A_1037] : memref<16x32x128xf32, #tpu.memory_space<vmem>> -> memref<1x32x128xf32, #tpu.memory_space<vmem>>
      %gather3A_1039 = tpu.memref_squeeze %gather3A_1038 : memref<1x32x128xf32, #tpu.memory_space<vmem>> -> memref<32x128xf32, #tpu.memory_space<vmem>>
      %gather3A_1040 = tpu.vector_load_idx %gather3A_1039[%add3A_7, %broadcast_in_dim3A_1027] : memref<32x128xf32, #tpu.memory_space<vmem>>[vector<16xi32>, vector<16xi32>], vector<16xf32>,
      tpu.vector_store_idx %arg7[%iota3A, %broadcast_in_dim3A_1028], %gather3A_1034 : memref<32x512xf32, #tpu.memory_space<vmem>>[vector<16xi32>, vector<16xi32>], vector<16xf32>,
      tpu.vector_store_idx %arg7[%add3A_7, %broadcast_in_dim3A_1028], %gather3A_1040 : memref<32x512xf32, #tpu.memory_space<vmem>>[vector<16xi32>, vector<16xi32>], vector<16xf32>,
      %slice3A_1041 = vector.extract_strided_slice %get3A_884 {offsets = [2], sizes = [1], strides = [1]} : vector<16xi32> to vector<1xi32>
      %squeeze3A_1042 = vector.extract %slice3A_1041[0] : i32 from vector<1xi32>
      %shift_right_arithmetic3A_1043 = arith.constant 7 : i32
      %shift_right_arithmetic3A_1044 = arith.shrsi %squeeze3A_1042, %shift_right_arithmetic3A_1043 : i32
      %mul3A_1045 = arith.constant 128 : i32
      %mul3A_1046 = arith.muli %shift_right_arithmetic3A_1044, %mul3A_1045 : i32
      %multiple_of3A_1047 = tpu.assume_multiple %mul3A_1046, 128 : i32
      %dma_start3A_1048 = arith.constant 2 : i32
      %dma_start3A_1049 = arith.constant 0 : i32
      %dma_start3A_1050 = arith.constant 0 : i32
      %dma_start3A_1051 = tpu.memref_slice %arg6[%dma_start3A_1048, %dma_start3A_1049, %dma_start3A_1050] : memref<16x32x128xf32, #tpu.memory_space<vmem>> -> memref<1x32x128xf32, #tpu.memory_space<vmem>>
      %dma_start3A_1052 = tpu.memref_squeeze %dma_start3A_1051 : memref<1x32x128xf32, #tpu.memory_space<vmem>> -> memref<32x128xf32, #tpu.memory_space<vmem>>
      %dma_start3A_1053 = arith.constant 0 : i32
      %dma_start3A_1054 = tpu.memref_slice %arg3[%dma_start3A_1053, %multiple_of3A_1047] : memref<32x1000000xf32, #tpu.memory_space<hbm>> -> memref<32x128xf32, #tpu.memory_space<hbm>>
      %dma_start3A_1055 = arith.constant 0 : i32
      %dma_start3A_1056 = arith.constant 0 : i32
      %dma_start3A_1057 = tpu.memref_slice %arg6[%dma_start3A_1048, %dma_start3A_1055, %dma_start3A_1056] : memref<16x32x128xf32, #tpu.memory_space<vmem>> -> memref<1x32x128xf32, #tpu.memory_space<vmem>>
      %dma_start3A_1058 = tpu.memref_squeeze %dma_start3A_1057 : memref<1x32x128xf32, #tpu.memory_space<vmem>> -> memref<32x128xf32, #tpu.memory_space<vmem>>
      %dma_start3A_1059 = arith.constant 0 : i32
      %dma_start3A_1060 = tpu.memref_slice %arg3[%dma_start3A_1059, %multiple_of3A_1047] : memref<32x1000000xf32, #tpu.memory_space<hbm>> -> memref<32x128xf32, #tpu.memory_space<hbm>>
      tpu.enqueue_dma source(%dma_start3A_1060 : memref<32x128xf32, #tpu.memory_space<hbm>>) target(%dma_start3A_1058 : memref<32x128xf32, #tpu.memory_space<vmem>>) target_semaphore(%arg8 : memref<!tpu.dma_semaphore, #tpu.memory_space<semaphore_mem>>)
      %dma_wait3A_1061 = arith.constant 0 : i32
      %dma_wait3A_1062 = arith.constant 0 : i32
      %dma_wait3A_1063 = arith.constant 0 : i32
      %dma_wait3A_1064 = tpu.memref_slice %arg6[%dma_wait3A_1061, %dma_wait3A_1062, %dma_wait3A_1063] : memref<16x32x128xf32, #tpu.memory_space<vmem>> -> memref<1x32x128xf32, #tpu.memory_space<vmem>>
      %dma_wait3A_1065 = tpu.memref_squeeze %dma_wait3A_1064 : memref<1x32x128xf32, #tpu.memory_space<vmem>> -> memref<32x128xf32, #tpu.memory_space<vmem>>
      %dma_wait3A_1066 = arith.constant 0 : i32
      %dma_wait3A_1067 = arith.constant 0 : i32
      %dma_wait3A_1068 = tpu.memref_slice %arg3[%dma_wait3A_1066, %dma_wait3A_1067] : memref<32x1000000xf32, #tpu.memory_space<hbm>> -> memref<32x128xf32, #tpu.memory_space<hbm>>
      %dma_wait3A_1069 = arith.constant 0 : i32
      %dma_wait3A_1070 = arith.constant 0 : i32
      %dma_wait3A_1071 = tpu.memref_slice %arg6[%dma_wait3A_1061, %dma_wait3A_1069, %dma_wait3A_1070] : memref<16x32x128xf32, #tpu.memory_space<vmem>> -> memref<1x32x128xf32, #tpu.memory_space<vmem>>
      %dma_wait3A_1072 = tpu.memref_squeeze %dma_wait3A_1071 : memref<1x32x128xf32, #tpu.memory_space<vmem>> -> memref<32x128xf32, #tpu.memory_space<vmem>>
      %dma_wait3A_1073 = arith.constant 0 : i32
      %dma_wait3A_1074 = arith.constant 0 : i32
      %dma_wait3A_1075 = tpu.memref_slice %arg3[%dma_wait3A_1073, %dma_wait3A_1074] : memref<32x1000000xf32, #tpu.memory_space<hbm>> -> memref<32x128xf32, #tpu.memory_space<hbm>>
      tpu.wait_dma2 semaphore(%arg8 : memref<!tpu.dma_semaphore, #tpu.memory_space<semaphore_mem>>) src(%dma_wait3A_1075 : memref<32x128xf32, #tpu.memory_space<hbm>>) dst(%dma_wait3A_1072 : memref<32x128xf32, #tpu.memory_space<vmem>>)
      %slice3A_1076 = vector.extract_strided_slice %scan3A_880 {offsets = [3], sizes = [1], strides = [1]} : vector<16xi32> to vector<1xi32>
      %squeeze3A_1077 = vector.extract %slice3A_1076[0] : i32 from vector<1xi32>
      %sub3A_1078 = arith.constant 1 : i32
      %sub3A_1079 = arith.subi %scan3A_879, %sub3A_1078 : i32
      %mul3A_1080 = arith.constant 16 : i32
      %mul3A_1081 = arith.muli %sub3A_1079, %mul3A_1080 : i32
      %add3A_1082 = arith.constant 3 : i32
      %add3A_1083 = arith.addi %mul3A_1081, %add3A_1082 : i32
      %and3A_1084 = arith.constant 127 : i32
      %and3A_1085 = arith.andi %squeeze3A_1077, %and3A_1084 : i32
      %broadcast_in_dim3A_1086 = vector.broadcast %and3A_1085 : i32 to vector<16xi32>
      %broadcast_in_dim3A_1087 = vector.broadcast %add3A_1083 : i32 to vector<16xi32>
      %gather3A_1088 = arith.constant 3 : i32
      %gather3A_1089 = arith.constant 0 : i32
      %gather3A_1090 = arith.constant 0 : i32
      %gather3A_1091 = tpu.memref_slice %arg6[%gather3A_1088, %gather3A_1089, %gather3A_1090] : memref<16x32x128xf32, #tpu.memory_space<vmem>> -> memref<1x32x128xf32, #tpu.memory_space<vmem>>
      %gather3A_1092 = tpu.memref_squeeze %gather3A_1091 : memref<1x32x128xf32, #tpu.memory_space<vmem>> -> memref<32x128xf32, #tpu.memory_space<vmem>>
      %gather3A_1093 = tpu.vector_load_idx %gather3A_1092[%iota3A, %broadcast_in_dim3A_1086] : memref<32x128xf32, #tpu.memory_space<vmem>>[vector<16xi32>, vector<16xi32>], vector<16xf32>,
      %gather3A_1094 = arith.constant 3 : i32
      %gather3A_1095 = arith.constant 0 : i32
      %gather3A_1096 = arith.constant 0 : i32
      %gather3A_1097 = tpu.memref_slice %arg6[%gather3A_1094, %gather3A_1095, %gather3A_1096] : memref<16x32x128xf32, #tpu.memory_space<vmem>> -> memref<1x32x128xf32, #tpu.memory_space<vmem>>
      %gather3A_1098 = tpu.memref_squeeze %gather3A_1097 : memref<1x32x128xf32, #tpu.memory_space<vmem>> -> memref<32x128xf32, #tpu.memory_space<vmem>>
      %gather3A_1099 = tpu.vector_load_idx %gather3A_1098[%add3A_7, %broadcast_in_dim3A_1086] : memref<32x128xf32, #tpu.memory_space<vmem>>[vector<16xi32>, vector<16xi32>], vector<16xf32>,
      tpu.vector_store_idx %arg7[%iota3A, %broadcast_in_dim3A_1087], %gather3A_1093 : memref<32x512xf32, #tpu.memory_space<vmem>>[vector<16xi32>, vector<16xi32>], vector<16xf32>,
      tpu.vector_store_idx %arg7[%add3A_7, %broadcast_in_dim3A_1087], %gather3A_1099 : memref<32x512xf32, #tpu.memory_space<vmem>>[vector<16xi32>, vector<16xi32>], vector<16xf32>,
      %slice3A_1100 = vector.extract_strided_slice %get3A_884 {offsets = [3], sizes = [1], strides = [1]} : vector<16xi32> to vector<1xi32>
      %squeeze3A_1101 = vector.extract %slice3A_1100[0] : i32 from vector<1xi32>
      %shift_right_arithmetic3A_1102 = arith.constant 7 : i32
      %shift_right_arithmetic3A_1103 = arith.shrsi %squeeze3A_1101, %shift_right_arithmetic3A_1102 : i32
      %mul3A_1104 = arith.constant 128 : i32
      %mul3A_1105 = arith.muli %shift_right_arithmetic3A_1103, %mul3A_1104 : i32
      %multiple_of3A_1106 = tpu.assume_multiple %mul3A_1105, 128 : i32
      %dma_start3A_1107 = arith.constant 3 : i32
      %dma_start3A_1108 = arith.constant 0 : i32
      %dma_start3A_1109 = arith.constant 0 : i32
      %dma_start3A_1110 = tpu.memref_slice %arg6[%dma_start3A_1107, %dma_start3A_1108, %dma_start3A_1109] : memref<16x32x128xf32, #tpu.memory_space<vmem>> -> memref<1x32x128xf32, #tpu.memory_space<vmem>>
      %dma_start3A_1111 = tpu.memref_squeeze %dma_start3A_1110 : memref<1x32x128xf32, #tpu.memory_space<vmem>> -> memref<32x128xf32, #tpu.memory_space<vmem>>
      %dma_start3A_1112 = arith.constant 0 : i32
      %dma_start3A_1113 = tpu.memref_slice %arg3[%dma_start3A_1112, %multiple_of3A_1106] : memref<32x1000000xf32, #tpu.memory_space<hbm>> -> memref<32x128xf32, #tpu.memory_space<hbm>>
      %dma_start3A_1114 = arith.constant 0 : i32
      %dma_start3A_1115 = arith.constant 0 : i32
      %dma_start3A_1116 = tpu.memref_slice %arg6[%dma_start3A_1107, %dma_start3A_1114, %dma_start3A_1115] : memref<16x32x128xf32, #tpu.memory_space<vmem>> -> memref<1x32x128xf32, #tpu.memory_space<vmem>>
      %dma_start3A_1117 = tpu.memref_squeeze %dma_start3A_1116 : memref<1x32x128xf32, #tpu.memory_space<vmem>> -> memref<32x128xf32, #tpu.memory_space<vmem>>
      %dma_start3A_1118 = arith.constant 0 : i32
      %dma_start3A_1119 = tpu.memref_slice %arg3[%dma_start3A_1118, %multiple_of3A_1106] : memref<32x1000000xf32, #tpu.memory_space<hbm>> -> memref<32x128xf32, #tpu.memory_space<hbm>>
      tpu.enqueue_dma source(%dma_start3A_1119 : memref<32x128xf32, #tpu.memory_space<hbm>>) target(%dma_start3A_1117 : memref<32x128xf32, #tpu.memory_space<vmem>>) target_semaphore(%arg8 : memref<!tpu.dma_semaphore, #tpu.memory_space<semaphore_mem>>)
      %dma_wait3A_1120 = arith.constant 0 : i32
      %dma_wait3A_1121 = arith.constant 0 : i32
      %dma_wait3A_1122 = arith.constant 0 : i32
      %dma_wait3A_1123 = tpu.memref_slice %arg6[%dma_wait3A_1120, %dma_wait3A_1121, %dma_wait3A_1122] : memref<16x32x128xf32, #tpu.memory_space<vmem>> -> memref<1x32x128xf32, #tpu.memory_space<vmem>>
      %dma_wait3A_1124 = tpu.memref_squeeze %dma_wait3A_1123 : memref<1x32x128xf32, #tpu.memory_space<vmem>> -> memref<32x128xf32, #tpu.memory_space<vmem>>
      %dma_wait3A_1125 = arith.constant 0 : i32
      %dma_wait3A_1126 = arith.constant 0 : i32
      %dma_wait3A_1127 = tpu.memref_slice %arg3[%dma_wait3A_1125, %dma_wait3A_1126] : memref<32x1000000xf32, #tpu.memory_space<hbm>> -> memref<32x128xf32, #tpu.memory_space<hbm>>
      %dma_wait3A_1128 = arith.constant 0 : i32
      %dma_wait3A_1129 = arith.constant 0 : i32
      %dma_wait3A_1130 = tpu.memref_slice %arg6[%dma_wait3A_1120, %dma_wait3A_1128, %dma_wait3A_1129] : memref<16x32x128xf32, #tpu.memory_space<vmem>> -> memref<1x32x128xf32, #tpu.memory_space<vmem>>
      %dma_wait3A_1131 = tpu.memref_squeeze %dma_wait3A_1130 : memref<1x32x128xf32, #tpu.memory_space<vmem>> -> memref<32x128xf32, #tpu.memory_space<vmem>>
      %dma_wait3A_1132 = arith.constant 0 : i32
      %dma_wait3A_1133 = arith.constant 0 : i32
      %dma_wait3A_1134 = tpu.memref_slice %arg3[%dma_wait3A_1132, %dma_wait3A_1133] : memref<32x1000000xf32, #tpu.memory_space<hbm>> -> memref<32x128xf32, #tpu.memory_space<hbm>>
      tpu.wait_dma2 semaphore(%arg8 : memref<!tpu.dma_semaphore, #tpu.memory_space<semaphore_mem>>) src(%dma_wait3A_1134 : memref<32x128xf32, #tpu.memory_space<hbm>>) dst(%dma_wait3A_1131 : memref<32x128xf32, #tpu.memory_space<vmem>>)
      %slice3A_1135 = vector.extract_strided_slice %scan3A_880 {offsets = [4], sizes = [1], strides = [1]} : vector<16xi32> to vector<1xi32>
      %squeeze3A_1136 = vector.extract %slice3A_1135[0] : i32 from vector<1xi32>
      %sub3A_1137 = arith.constant 1 : i32
      %sub3A_1138 = arith.subi %scan3A_879, %sub3A_1137 : i32
      %mul3A_1139 = arith.constant 16 : i32
      %mul3A_1140 = arith.muli %sub3A_1138, %mul3A_1139 : i32
      %add3A_1141 = arith.constant 4 : i32
      %add3A_1142 = arith.addi %mul3A_1140, %add3A_1141 : i32
      %and3A_1143 = arith.constant 127 : i32
      %and3A_1144 = arith.andi %squeeze3A_1136, %and3A_1143 : i32
      %broadcast_in_dim3A_1145 = vector.broadcast %and3A_1144 : i32 to vector<16xi32>
      %broadcast_in_dim3A_1146 = vector.broadcast %add3A_1142 : i32 to vector<16xi32>
      %gather3A_1147 = arith.constant 4 : i32
      %gather3A_1148 = arith.constant 0 : i32
      %gather3A_1149 = arith.constant 0 : i32
      %gather3A_1150 = tpu.memref_slice %arg6[%gather3A_1147, %gather3A_1148, %gather3A_1149] : memref<16x32x128xf32, #tpu.memory_space<vmem>> -> memref<1x32x128xf32, #tpu.memory_space<vmem>>
      %gather3A_1151 = tpu.memref_squeeze %gather3A_1150 : memref<1x32x128xf32, #tpu.memory_space<vmem>> -> memref<32x128xf32, #tpu.memory_space<vmem>>
      %gather3A_1152 = tpu.vector_load_idx %gather3A_1151[%iota3A, %broadcast_in_dim3A_1145] : memref<32x128xf32, #tpu.memory_space<vmem>>[vector<16xi32>, vector<16xi32>], vector<16xf32>,
      %gather3A_1153 = arith.constant 4 : i32
      %gather3A_1154 = arith.constant 0 : i32
      %gather3A_1155 = arith.constant 0 : i32
      %gather3A_1156 = tpu.memref_slice %arg6[%gather3A_1153, %gather3A_1154, %gather3A_1155] : memref<16x32x128xf32, #tpu.memory_space<vmem>> -> memref<1x32x128xf32, #tpu.memory_space<vmem>>
      %gather3A_1157 = tpu.memref_squeeze %gather3A_1156 : memref<1x32x128xf32, #tpu.memory_space<vmem>> -> memref<32x128xf32, #tpu.memory_space<vmem>>
      %gather3A_1158 = tpu.vector_load_idx %gather3A_1157[%add3A_7, %broadcast_in_dim3A_1145] : memref<32x128xf32, #tpu.memory_space<vmem>>[vector<16xi32>, vector<16xi32>], vector<16xf32>,
      tpu.vector_store_idx %arg7[%iota3A, %broadcast_in_dim3A_1146], %gather3A_1152 : memref<32x512xf32, #tpu.memory_space<vmem>>[vector<16xi32>, vector<16xi32>], vector<16xf32>,
      tpu.vector_store_idx %arg7[%add3A_7, %broadcast_in_dim3A_1146], %gather3A_1158 : memref<32x512xf32, #tpu.memory_space<vmem>>[vector<16xi32>, vector<16xi32>], vector<16xf32>,
      %slice3A_1159 = vector.extract_strided_slice %get3A_884 {offsets = [4], sizes = [1], strides = [1]} : vector<16xi32> to vector<1xi32>
      %squeeze3A_1160 = vector.extract %slice3A_1159[0] : i32 from vector<1xi32>
      %shift_right_arithmetic3A_1161 = arith.constant 7 : i32
      %shift_right_arithmetic3A_1162 = arith.shrsi %squeeze3A_1160, %shift_right_arithmetic3A_1161 : i32
      %mul3A_1163 = arith.constant 128 : i32
      %mul3A_1164 = arith.muli %shift_right_arithmetic3A_1162, %mul3A_1163 : i32
      %multiple_of3A_1165 = tpu.assume_multiple %mul3A_1164, 128 : i32
      %dma_start3A_1166 = arith.constant 4 : i32
      %dma_start3A_1167 = arith.constant 0 : i32
      %dma_start3A_1168 = arith.constant 0 : i32
      %dma_start3A_1169 = tpu.memref_slice %arg6[%dma_start3A_1166, %dma_start3A_1167, %dma_start3A_1168] : memref<16x32x128xf32, #tpu.memory_space<vmem>> -> memref<1x32x128xf32, #tpu.memory_space<vmem>>
      %dma_start3A_1170 = tpu.memref_squeeze %dma_start3A_1169 : memref<1x32x128xf32, #tpu.memory_space<vmem>> -> memref<32x128xf32, #tpu.memory_space<vmem>>
      %dma_start3A_1171 = arith.constant 0 : i32
      %dma_start3A_1172 = tpu.memref_slice %arg3[%dma_start3A_1171, %multiple_of3A_1165] : memref<32x1000000xf32, #tpu.memory_space<hbm>> -> memref<32x128xf32, #tpu.memory_space<hbm>>
      %dma_start3A_1173 = arith.constant 0 : i32
      %dma_start3A_1174 = arith.constant 0 : i32
      %dma_start3A_1175 = tpu.memref_slice %arg6[%dma_start3A_1166, %dma_start3A_1173, %dma_start3A_1174] : memref<16x32x128xf32, #tpu.memory_space<vmem>> -> memref<1x32x128xf32, #tpu.memory_space<vmem>>
      %dma_start3A_1176 = tpu.memref_squeeze %dma_start3A_1175 : memref<1x32x128xf32, #tpu.memory_space<vmem>> -> memref<32x128xf32, #tpu.memory_space<vmem>>
      %dma_start3A_1177 = arith.constant 0 : i32
      %dma_start3A_1178 = tpu.memref_slice %arg3[%dma_start3A_1177, %multiple_of3A_1165] : memref<32x1000000xf32, #tpu.memory_space<hbm>> -> memref<32x128xf32, #tpu.memory_space<hbm>>
      tpu.enqueue_dma source(%dma_start3A_1178 : memref<32x128xf32, #tpu.memory_space<hbm>>) target(%dma_start3A_1176 : memref<32x128xf32, #tpu.memory_space<vmem>>) target_semaphore(%arg8 : memref<!tpu.dma_semaphore, #tpu.memory_space<semaphore_mem>>)
      %dma_wait3A_1179 = arith.constant 0 : i32
      %dma_wait3A_1180 = arith.constant 0 : i32
      %dma_wait3A_1181 = arith.constant 0 : i32
      %dma_wait3A_1182 = tpu.memref_slice %arg6[%dma_wait3A_1179, %dma_wait3A_1180, %dma_wait3A_1181] : memref<16x32x128xf32, #tpu.memory_space<vmem>> -> memref<1x32x128xf32, #tpu.memory_space<vmem>>
      %dma_wait3A_1183 = tpu.memref_squeeze %dma_wait3A_1182 : memref<1x32x128xf32, #tpu.memory_space<vmem>> -> memref<32x128xf32, #tpu.memory_space<vmem>>
      %dma_wait3A_1184 = arith.constant 0 : i32
      %dma_wait3A_1185 = arith.constant 0 : i32
      %dma_wait3A_1186 = tpu.memref_slice %arg3[%dma_wait3A_1184, %dma_wait3A_1185] : memref<32x1000000xf32, #tpu.memory_space<hbm>> -> memref<32x128xf32, #tpu.memory_space<hbm>>
      %dma_wait3A_1187 = arith.constant 0 : i32
      %dma_wait3A_1188 = arith.constant 0 : i32
      %dma_wait3A_1189 = tpu.memref_slice %arg6[%dma_wait3A_1179, %dma_wait3A_1187, %dma_wait3A_1188] : memref<16x32x128xf32, #tpu.memory_space<vmem>> -> memref<1x32x128xf32, #tpu.memory_space<vmem>>
      %dma_wait3A_1190 = tpu.memref_squeeze %dma_wait3A_1189 : memref<1x32x128xf32, #tpu.memory_space<vmem>> -> memref<32x128xf32, #tpu.memory_space<vmem>>
      %dma_wait3A_1191 = arith.constant 0 : i32
      %dma_wait3A_1192 = arith.constant 0 : i32
      %dma_wait3A_1193 = tpu.memref_slice %arg3[%dma_wait3A_1191, %dma_wait3A_1192] : memref<32x1000000xf32, #tpu.memory_space<hbm>> -> memref<32x128xf32, #tpu.memory_space<hbm>>
      tpu.wait_dma2 semaphore(%arg8 : memref<!tpu.dma_semaphore, #tpu.memory_space<semaphore_mem>>) src(%dma_wait3A_1193 : memref<32x128xf32, #tpu.memory_space<hbm>>) dst(%dma_wait3A_1190 : memref<32x128xf32, #tpu.memory_space<vmem>>)
      %slice3A_1194 = vector.extract_strided_slice %scan3A_880 {offsets = [5], sizes = [1], strides = [1]} : vector<16xi32> to vector<1xi32>
      %squeeze3A_1195 = vector.extract %slice3A_1194[0] : i32 from vector<1xi32>
      %sub3A_1196 = arith.constant 1 : i32
      %sub3A_1197 = arith.subi %scan3A_879, %sub3A_1196 : i32
      %mul3A_1198 = arith.constant 16 : i32
      %mul3A_1199 = arith.muli %sub3A_1197, %mul3A_1198 : i32
      %add3A_1200 = arith.constant 5 : i32
      %add3A_1201 = arith.addi %mul3A_1199, %add3A_1200 : i32
      %and3A_1202 = arith.constant 127 : i32
      %and3A_1203 = arith.andi %squeeze3A_1195, %and3A_1202 : i32
      %broadcast_in_dim3A_1204 = vector.broadcast %and3A_1203 : i32 to vector<16xi32>
      %broadcast_in_dim3A_1205 = vector.broadcast %add3A_1201 : i32 to vector<16xi32>
      %gather3A_1206 = arith.constant 5 : i32
      %gather3A_1207 = arith.constant 0 : i32
      %gather3A_1208 = arith.constant 0 : i32
      %gather3A_1209 = tpu.memref_slice %arg6[%gather3A_1206, %gather3A_1207, %gather3A_1208] : memref<16x32x128xf32, #tpu.memory_space<vmem>> -> memref<1x32x128xf32, #tpu.memory_space<vmem>>
      %gather3A_1210 = tpu.memref_squeeze %gather3A_1209 : memref<1x32x128xf32, #tpu.memory_space<vmem>> -> memref<32x128xf32, #tpu.memory_space<vmem>>
      %gather3A_1211 = tpu.vector_load_idx %gather3A_1210[%iota3A, %broadcast_in_dim3A_1204] : memref<32x128xf32, #tpu.memory_space<vmem>>[vector<16xi32>, vector<16xi32>], vector<16xf32>,
      %gather3A_1212 = arith.constant 5 : i32
      %gather3A_1213 = arith.constant 0 : i32
      %gather3A_1214 = arith.constant 0 : i32
      %gather3A_1215 = tpu.memref_slice %arg6[%gather3A_1212, %gather3A_1213, %gather3A_1214] : memref<16x32x128xf32, #tpu.memory_space<vmem>> -> memref<1x32x128xf32, #tpu.memory_space<vmem>>
      %gather3A_1216 = tpu.memref_squeeze %gather3A_1215 : memref<1x32x128xf32, #tpu.memory_space<vmem>> -> memref<32x128xf32, #tpu.memory_space<vmem>>
      %gather3A_1217 = tpu.vector_load_idx %gather3A_1216[%add3A_7, %broadcast_in_dim3A_1204] : memref<32x128xf32, #tpu.memory_space<vmem>>[vector<16xi32>, vector<16xi32>], vector<16xf32>,
      tpu.vector_store_idx %arg7[%iota3A, %broadcast_in_dim3A_1205], %gather3A_1211 : memref<32x512xf32, #tpu.memory_space<vmem>>[vector<16xi32>, vector<16xi32>], vector<16xf32>,
      tpu.vector_store_idx %arg7[%add3A_7, %broadcast_in_dim3A_1205], %gather3A_1217 : memref<32x512xf32, #tpu.memory_space<vmem>>[vector<16xi32>, vector<16xi32>], vector<16xf32>,
      %slice3A_1218 = vector.extract_strided_slice %get3A_884 {offsets = [5], sizes = [1], strides = [1]} : vector<16xi32> to vector<1xi32>
      %squeeze3A_1219 = vector.extract %slice3A_1218[0] : i32 from vector<1xi32>
      %shift_right_arithmetic3A_1220 = arith.constant 7 : i32
      %shift_right_arithmetic3A_1221 = arith.shrsi %squeeze3A_1219, %shift_right_arithmetic3A_1220 : i32
      %mul3A_1222 = arith.constant 128 : i32
      %mul3A_1223 = arith.muli %shift_right_arithmetic3A_1221, %mul3A_1222 : i32
      %multiple_of3A_1224 = tpu.assume_multiple %mul3A_1223, 128 : i32
      %dma_start3A_1225 = arith.constant 5 : i32
      %dma_start3A_1226 = arith.constant 0 : i32
      %dma_start3A_1227 = arith.constant 0 : i32
      %dma_start3A_1228 = tpu.memref_slice %arg6[%dma_start3A_1225, %dma_start3A_1226, %dma_start3A_1227] : memref<16x32x128xf32, #tpu.memory_space<vmem>> -> memref<1x32x128xf32, #tpu.memory_space<vmem>>
      %dma_start3A_1229 = tpu.memref_squeeze %dma_start3A_1228 : memref<1x32x128xf32, #tpu.memory_space<vmem>> -> memref<32x128xf32, #tpu.memory_space<vmem>>
      %dma_start3A_1230 = arith.constant 0 : i32
      %dma_start3A_1231 = tpu.memref_slice %arg3[%dma_start3A_1230, %multiple_of3A_1224] : memref<32x1000000xf32, #tpu.memory_space<hbm>> -> memref<32x128xf32, #tpu.memory_space<hbm>>
      %dma_start3A_1232 = arith.constant 0 : i32
      %dma_start3A_1233 = arith.constant 0 : i32
      %dma_start3A_1234 = tpu.memref_slice %arg6[%dma_start3A_1225, %dma_start3A_1232, %dma_start3A_1233] : memref<16x32x128xf32, #tpu.memory_space<vmem>> -> memref<1x32x128xf32, #tpu.memory_space<vmem>>
      %dma_start3A_1235 = tpu.memref_squeeze %dma_start3A_1234 : memref<1x32x128xf32, #tpu.memory_space<vmem>> -> memref<32x128xf32, #tpu.memory_space<vmem>>
      %dma_start3A_1236 = arith.constant 0 : i32
      %dma_start3A_1237 = tpu.memref_slice %arg3[%dma_start3A_1236, %multiple_of3A_1224] : memref<32x1000000xf32, #tpu.memory_space<hbm>> -> memref<32x128xf32, #tpu.memory_space<hbm>>
      tpu.enqueue_dma source(%dma_start3A_1237 : memref<32x128xf32, #tpu.memory_space<hbm>>) target(%dma_start3A_1235 : memref<32x128xf32, #tpu.memory_space<vmem>>) target_semaphore(%arg8 : memref<!tpu.dma_semaphore, #tpu.memory_space<semaphore_mem>>)
      %dma_wait3A_1238 = arith.constant 0 : i32
      %dma_wait3A_1239 = arith.constant 0 : i32
      %dma_wait3A_1240 = arith.constant 0 : i32
      %dma_wait3A_1241 = tpu.memref_slice %arg6[%dma_wait3A_1238, %dma_wait3A_1239, %dma_wait3A_1240] : memref<16x32x128xf32, #tpu.memory_space<vmem>> -> memref<1x32x128xf32, #tpu.memory_space<vmem>>
      %dma_wait3A_1242 = tpu.memref_squeeze %dma_wait3A_1241 : memref<1x32x128xf32, #tpu.memory_space<vmem>> -> memref<32x128xf32, #tpu.memory_space<vmem>>
      %dma_wait3A_1243 = arith.constant 0 : i32
      %dma_wait3A_1244 = arith.constant 0 : i32
      %dma_wait3A_1245 = tpu.memref_slice %arg3[%dma_wait3A_1243, %dma_wait3A_1244] : memref<32x1000000xf32, #tpu.memory_space<hbm>> -> memref<32x128xf32, #tpu.memory_space<hbm>>
      %dma_wait3A_1246 = arith.constant 0 : i32
      %dma_wait3A_1247 = arith.constant 0 : i32
      %dma_wait3A_1248 = tpu.memref_slice %arg6[%dma_wait3A_1238, %dma_wait3A_1246, %dma_wait3A_1247] : memref<16x32x128xf32, #tpu.memory_space<vmem>> -> memref<1x32x128xf32, #tpu.memory_space<vmem>>
      %dma_wait3A_1249 = tpu.memref_squeeze %dma_wait3A_1248 : memref<1x32x128xf32, #tpu.memory_space<vmem>> -> memref<32x128xf32, #tpu.memory_space<vmem>>
      %dma_wait3A_1250 = arith.constant 0 : i32
      %dma_wait3A_1251 = arith.constant 0 : i32
      %dma_wait3A_1252 = tpu.memref_slice %arg3[%dma_wait3A_1250, %dma_wait3A_1251] : memref<32x1000000xf32, #tpu.memory_space<hbm>> -> memref<32x128xf32, #tpu.memory_space<hbm>>
      tpu.wait_dma2 semaphore(%arg8 : memref<!tpu.dma_semaphore, #tpu.memory_space<semaphore_mem>>) src(%dma_wait3A_1252 : memref<32x128xf32, #tpu.memory_space<hbm>>) dst(%dma_wait3A_1249 : memref<32x128xf32, #tpu.memory_space<vmem>>)
      %slice3A_1253 = vector.extract_strided_slice %scan3A_880 {offsets = [6], sizes = [1], strides = [1]} : vector<16xi32> to vector<1xi32>
      %squeeze3A_1254 = vector.extract %slice3A_1253[0] : i32 from vector<1xi32>
      %sub3A_1255 = arith.constant 1 : i32
      %sub3A_1256 = arith.subi %scan3A_879, %sub3A_1255 : i32
      %mul3A_1257 = arith.constant 16 : i32
      %mul3A_1258 = arith.muli %sub3A_1256, %mul3A_1257 : i32
      %add3A_1259 = arith.constant 6 : i32
      %add3A_1260 = arith.addi %mul3A_1258, %add3A_1259 : i32
      %and3A_1261 = arith.constant 127 : i32
      %and3A_1262 = arith.andi %squeeze3A_1254, %and3A_1261 : i32
      %broadcast_in_dim3A_1263 = vector.broadcast %and3A_1262 : i32 to vector<16xi32>
      %broadcast_in_dim3A_1264 = vector.broadcast %add3A_1260 : i32 to vector<16xi32>
      %gather3A_1265 = arith.constant 6 : i32
      %gather3A_1266 = arith.constant 0 : i32
      %gather3A_1267 = arith.constant 0 : i32
      %gather3A_1268 = tpu.memref_slice %arg6[%gather3A_1265, %gather3A_1266, %gather3A_1267] : memref<16x32x128xf32, #tpu.memory_space<vmem>> -> memref<1x32x128xf32, #tpu.memory_space<vmem>>
      %gather3A_1269 = tpu.memref_squeeze %gather3A_1268 : memref<1x32x128xf32, #tpu.memory_space<vmem>> -> memref<32x128xf32, #tpu.memory_space<vmem>>
      %gather3A_1270 = tpu.vector_load_idx %gather3A_1269[%iota3A, %broadcast_in_dim3A_1263] : memref<32x128xf32, #tpu.memory_space<vmem>>[vector<16xi32>, vector<16xi32>], vector<16xf32>,
      %gather3A_1271 = arith.constant 6 : i32
      %gather3A_1272 = arith.constant 0 : i32
      %gather3A_1273 = arith.constant 0 : i32
      %gather3A_1274 = tpu.memref_slice %arg6[%gather3A_1271, %gather3A_1272, %gather3A_1273] : memref<16x32x128xf32, #tpu.memory_space<vmem>> -> memref<1x32x128xf32, #tpu.memory_space<vmem>>
      %gather3A_1275 = tpu.memref_squeeze %gather3A_1274 : memref<1x32x128xf32, #tpu.memory_space<vmem>> -> memref<32x128xf32, #tpu.memory_space<vmem>>
      %gather3A_1276 = tpu.vector_load_idx %gather3A_1275[%add3A_7, %broadcast_in_dim3A_1263] : memref<32x128xf32, #tpu.memory_space<vmem>>[vector<16xi32>, vector<16xi32>], vector<16xf32>,
      tpu.vector_store_idx %arg7[%iota3A, %broadcast_in_dim3A_1264], %gather3A_1270 : memref<32x512xf32, #tpu.memory_space<vmem>>[vector<16xi32>, vector<16xi32>], vector<16xf32>,
      tpu.vector_store_idx %arg7[%add3A_7, %broadcast_in_dim3A_1264], %gather3A_1276 : memref<32x512xf32, #tpu.memory_space<vmem>>[vector<16xi32>, vector<16xi32>], vector<16xf32>,
      %slice3A_1277 = vector.extract_strided_slice %get3A_884 {offsets = [6], sizes = [1], strides = [1]} : vector<16xi32> to vector<1xi32>
      %squeeze3A_1278 = vector.extract %slice3A_1277[0] : i32 from vector<1xi32>
      %shift_right_arithmetic3A_1279 = arith.constant 7 : i32
      %shift_right_arithmetic3A_1280 = arith.shrsi %squeeze3A_1278, %shift_right_arithmetic3A_1279 : i32
      %mul3A_1281 = arith.constant 128 : i32
      %mul3A_1282 = arith.muli %shift_right_arithmetic3A_1280, %mul3A_1281 : i32
      %multiple_of3A_1283 = tpu.assume_multiple %mul3A_1282, 128 : i32
      %dma_start3A_1284 = arith.constant 6 : i32
      %dma_start3A_1285 = arith.constant 0 : i32
      %dma_start3A_1286 = arith.constant 0 : i32
      %dma_start3A_1287 = tpu.memref_slice %arg6[%dma_start3A_1284, %dma_start3A_1285, %dma_start3A_1286] : memref<16x32x128xf32, #tpu.memory_space<vmem>> -> memref<1x32x128xf32, #tpu.memory_space<vmem>>
      %dma_start3A_1288 = tpu.memref_squeeze %dma_start3A_1287 : memref<1x32x128xf32, #tpu.memory_space<vmem>> -> memref<32x128xf32, #tpu.memory_space<vmem>>
      %dma_start3A_1289 = arith.constant 0 : i32
      %dma_start3A_1290 = tpu.memref_slice %arg3[%dma_start3A_1289, %multiple_of3A_1283] : memref<32x1000000xf32, #tpu.memory_space<hbm>> -> memref<32x128xf32, #tpu.memory_space<hbm>>
      %dma_start3A_1291 = arith.constant 0 : i32
      %dma_start3A_1292 = arith.constant 0 : i32
      %dma_start3A_1293 = tpu.memref_slice %arg6[%dma_start3A_1284, %dma_start3A_1291, %dma_start3A_1292] : memref<16x32x128xf32, #tpu.memory_space<vmem>> -> memref<1x32x128xf32, #tpu.memory_space<vmem>>
      %dma_start3A_1294 = tpu.memref_squeeze %dma_start3A_1293 : memref<1x32x128xf32, #tpu.memory_space<vmem>> -> memref<32x128xf32, #tpu.memory_space<vmem>>
      %dma_start3A_1295 = arith.constant 0 : i32
      %dma_start3A_1296 = tpu.memref_slice %arg3[%dma_start3A_1295, %multiple_of3A_1283] : memref<32x1000000xf32, #tpu.memory_space<hbm>> -> memref<32x128xf32, #tpu.memory_space<hbm>>
      tpu.enqueue_dma source(%dma_start3A_1296 : memref<32x128xf32, #tpu.memory_space<hbm>>) target(%dma_start3A_1294 : memref<32x128xf32, #tpu.memory_space<vmem>>) target_semaphore(%arg8 : memref<!tpu.dma_semaphore, #tpu.memory_space<semaphore_mem>>)
      %dma_wait3A_1297 = arith.constant 0 : i32
      %dma_wait3A_1298 = arith.constant 0 : i32
      %dma_wait3A_1299 = arith.constant 0 : i32
      %dma_wait3A_1300 = tpu.memref_slice %arg6[%dma_wait3A_1297, %dma_wait3A_1298, %dma_wait3A_1299] : memref<16x32x128xf32, #tpu.memory_space<vmem>> -> memref<1x32x128xf32, #tpu.memory_space<vmem>>
      %dma_wait3A_1301 = tpu.memref_squeeze %dma_wait3A_1300 : memref<1x32x128xf32, #tpu.memory_space<vmem>> -> memref<32x128xf32, #tpu.memory_space<vmem>>
      %dma_wait3A_1302 = arith.constant 0 : i32
      %dma_wait3A_1303 = arith.constant 0 : i32
      %dma_wait3A_1304 = tpu.memref_slice %arg3[%dma_wait3A_1302, %dma_wait3A_1303] : memref<32x1000000xf32, #tpu.memory_space<hbm>> -> memref<32x128xf32, #tpu.memory_space<hbm>>
      %dma_wait3A_1305 = arith.constant 0 : i32
      %dma_wait3A_1306 = arith.constant 0 : i32
      %dma_wait3A_1307 = tpu.memref_slice %arg6[%dma_wait3A_1297, %dma_wait3A_1305, %dma_wait3A_1306] : memref<16x32x128xf32, #tpu.memory_space<vmem>> -> memref<1x32x128xf32, #tpu.memory_space<vmem>>
      %dma_wait3A_1308 = tpu.memref_squeeze %dma_wait3A_1307 : memref<1x32x128xf32, #tpu.memory_space<vmem>> -> memref<32x128xf32, #tpu.memory_space<vmem>>
      %dma_wait3A_1309 = arith.constant 0 : i32
      %dma_wait3A_1310 = arith.constant 0 : i32
      %dma_wait3A_1311 = tpu.memref_slice %arg3[%dma_wait3A_1309, %dma_wait3A_1310] : memref<32x1000000xf32, #tpu.memory_space<hbm>> -> memref<32x128xf32, #tpu.memory_space<hbm>>
      tpu.wait_dma2 semaphore(%arg8 : memref<!tpu.dma_semaphore, #tpu.memory_space<semaphore_mem>>) src(%dma_wait3A_1311 : memref<32x128xf32, #tpu.memory_space<hbm>>) dst(%dma_wait3A_1308 : memref<32x128xf32, #tpu.memory_space<vmem>>)
      %slice3A_1312 = vector.extract_strided_slice %scan3A_880 {offsets = [7], sizes = [1], strides = [1]} : vector<16xi32> to vector<1xi32>
      %squeeze3A_1313 = vector.extract %slice3A_1312[0] : i32 from vector<1xi32>
      %sub3A_1314 = arith.constant 1 : i32
      %sub3A_1315 = arith.subi %scan3A_879, %sub3A_1314 : i32
      %mul3A_1316 = arith.constant 16 : i32
      %mul3A_1317 = arith.muli %sub3A_1315, %mul3A_1316 : i32
      %add3A_1318 = arith.constant 7 : i32
      %add3A_1319 = arith.addi %mul3A_1317, %add3A_1318 : i32
      %and3A_1320 = arith.constant 127 : i32
      %and3A_1321 = arith.andi %squeeze3A_1313, %and3A_1320 : i32
      %broadcast_in_dim3A_1322 = vector.broadcast %and3A_1321 : i32 to vector<16xi32>
      %broadcast_in_dim3A_1323 = vector.broadcast %add3A_1319 : i32 to vector<16xi32>
      %gather3A_1324 = arith.constant 7 : i32
      %gather3A_1325 = arith.constant 0 : i32
      %gather3A_1326 = arith.constant 0 : i32
      %gather3A_1327 = tpu.memref_slice %arg6[%gather3A_1324, %gather3A_1325, %gather3A_1326] : memref<16x32x128xf32, #tpu.memory_space<vmem>> -> memref<1x32x128xf32, #tpu.memory_space<vmem>>
      %gather3A_1328 = tpu.memref_squeeze %gather3A_1327 : memref<1x32x128xf32, #tpu.memory_space<vmem>> -> memref<32x128xf32, #tpu.memory_space<vmem>>
      %gather3A_1329 = tpu.vector_load_idx %gather3A_1328[%iota3A, %broadcast_in_dim3A_1322] : memref<32x128xf32, #tpu.memory_space<vmem>>[vector<16xi32>, vector<16xi32>], vector<16xf32>,
      %gather3A_1330 = arith.constant 7 : i32
      %gather3A_1331 = arith.constant 0 : i32
      %gather3A_1332 = arith.constant 0 : i32
      %gather3A_1333 = tpu.memref_slice %arg6[%gather3A_1330, %gather3A_1331, %gather3A_1332] : memref<16x32x128xf32, #tpu.memory_space<vmem>> -> memref<1x32x128xf32, #tpu.memory_space<vmem>>
      %gather3A_1334 = tpu.memref_squeeze %gather3A_1333 : memref<1x32x128xf32, #tpu.memory_space<vmem>> -> memref<32x128xf32, #tpu.memory_space<vmem>>
      %gather3A_1335 = tpu.vector_load_idx %gather3A_1334[%add3A_7, %broadcast_in_dim3A_1322] : memref<32x128xf32, #tpu.memory_space<vmem>>[vector<16xi32>, vector<16xi32>], vector<16xf32>,
      tpu.vector_store_idx %arg7[%iota3A, %broadcast_in_dim3A_1323], %gather3A_1329 : memref<32x512xf32, #tpu.memory_space<vmem>>[vector<16xi32>, vector<16xi32>], vector<16xf32>,
      tpu.vector_store_idx %arg7[%add3A_7, %broadcast_in_dim3A_1323], %gather3A_1335 : memref<32x512xf32, #tpu.memory_space<vmem>>[vector<16xi32>, vector<16xi32>], vector<16xf32>,
      %slice3A_1336 = vector.extract_strided_slice %get3A_884 {offsets = [7], sizes = [1], strides = [1]} : vector<16xi32> to vector<1xi32>
      %squeeze3A_1337 = vector.extract %slice3A_1336[0] : i32 from vector<1xi32>
      %shift_right_arithmetic3A_1338 = arith.constant 7 : i32
      %shift_right_arithmetic3A_1339 = arith.shrsi %squeeze3A_1337, %shift_right_arithmetic3A_1338 : i32
      %mul3A_1340 = arith.constant 128 : i32
      %mul3A_1341 = arith.muli %shift_right_arithmetic3A_1339, %mul3A_1340 : i32
      %multiple_of3A_1342 = tpu.assume_multiple %mul3A_1341, 128 : i32
      %dma_start3A_1343 = arith.constant 7 : i32
      %dma_start3A_1344 = arith.constant 0 : i32
      %dma_start3A_1345 = arith.constant 0 : i32
      %dma_start3A_1346 = tpu.memref_slice %arg6[%dma_start3A_1343, %dma_start3A_1344, %dma_start3A_1345] : memref<16x32x128xf32, #tpu.memory_space<vmem>> -> memref<1x32x128xf32, #tpu.memory_space<vmem>>
      %dma_start3A_1347 = tpu.memref_squeeze %dma_start3A_1346 : memref<1x32x128xf32, #tpu.memory_space<vmem>> -> memref<32x128xf32, #tpu.memory_space<vmem>>
      %dma_start3A_1348 = arith.constant 0 : i32
      %dma_start3A_1349 = tpu.memref_slice %arg3[%dma_start3A_1348, %multiple_of3A_1342] : memref<32x1000000xf32, #tpu.memory_space<hbm>> -> memref<32x128xf32, #tpu.memory_space<hbm>>
      %dma_start3A_1350 = arith.constant 0 : i32
      %dma_start3A_1351 = arith.constant 0 : i32
      %dma_start3A_1352 = tpu.memref_slice %arg6[%dma_start3A_1343, %dma_start3A_1350, %dma_start3A_1351] : memref<16x32x128xf32, #tpu.memory_space<vmem>> -> memref<1x32x128xf32, #tpu.memory_space<vmem>>
      %dma_start3A_1353 = tpu.memref_squeeze %dma_start3A_1352 : memref<1x32x128xf32, #tpu.memory_space<vmem>> -> memref<32x128xf32, #tpu.memory_space<vmem>>
      %dma_start3A_1354 = arith.constant 0 : i32
      %dma_start3A_1355 = tpu.memref_slice %arg3[%dma_start3A_1354, %multiple_of3A_1342] : memref<32x1000000xf32, #tpu.memory_space<hbm>> -> memref<32x128xf32, #tpu.memory_space<hbm>>
      tpu.enqueue_dma source(%dma_start3A_1355 : memref<32x128xf32, #tpu.memory_space<hbm>>) target(%dma_start3A_1353 : memref<32x128xf32, #tpu.memory_space<vmem>>) target_semaphore(%arg8 : memref<!tpu.dma_semaphore, #tpu.memory_space<semaphore_mem>>)
      %dma_wait3A_1356 = arith.constant 0 : i32
      %dma_wait3A_1357 = arith.constant 0 : i32
      %dma_wait3A_1358 = arith.constant 0 : i32
      %dma_wait3A_1359 = tpu.memref_slice %arg6[%dma_wait3A_1356, %dma_wait3A_1357, %dma_wait3A_1358] : memref<16x32x128xf32, #tpu.memory_space<vmem>> -> memref<1x32x128xf32, #tpu.memory_space<vmem>>
      %dma_wait3A_1360 = tpu.memref_squeeze %dma_wait3A_1359 : memref<1x32x128xf32, #tpu.memory_space<vmem>> -> memref<32x128xf32, #tpu.memory_space<vmem>>
      %dma_wait3A_1361 = arith.constant 0 : i32
      %dma_wait3A_1362 = arith.constant 0 : i32
      %dma_wait3A_1363 = tpu.memref_slice %arg3[%dma_wait3A_1361, %dma_wait3A_1362] : memref<32x1000000xf32, #tpu.memory_space<hbm>> -> memref<32x128xf32, #tpu.memory_space<hbm>>
      %dma_wait3A_1364 = arith.constant 0 : i32
      %dma_wait3A_1365 = arith.constant 0 : i32
      %dma_wait3A_1366 = tpu.memref_slice %arg6[%dma_wait3A_1356, %dma_wait3A_1364, %dma_wait3A_1365] : memref<16x32x128xf32, #tpu.memory_space<vmem>> -> memref<1x32x128xf32, #tpu.memory_space<vmem>>
      %dma_wait3A_1367 = tpu.memref_squeeze %dma_wait3A_1366 : memref<1x32x128xf32, #tpu.memory_space<vmem>> -> memref<32x128xf32, #tpu.memory_space<vmem>>
      %dma_wait3A_1368 = arith.constant 0 : i32
      %dma_wait3A_1369 = arith.constant 0 : i32
      %dma_wait3A_1370 = tpu.memref_slice %arg3[%dma_wait3A_1368, %dma_wait3A_1369] : memref<32x1000000xf32, #tpu.memory_space<hbm>> -> memref<32x128xf32, #tpu.memory_space<hbm>>
      tpu.wait_dma2 semaphore(%arg8 : memref<!tpu.dma_semaphore, #tpu.memory_space<semaphore_mem>>) src(%dma_wait3A_1370 : memref<32x128xf32, #tpu.memory_space<hbm>>) dst(%dma_wait3A_1367 : memref<32x128xf32, #tpu.memory_space<vmem>>)
      %slice3A_1371 = vector.extract_strided_slice %scan3A_880 {offsets = [8], sizes = [1], strides = [1]} : vector<16xi32> to vector<1xi32>
      %squeeze3A_1372 = vector.extract %slice3A_1371[0] : i32 from vector<1xi32>
      %sub3A_1373 = arith.constant 1 : i32
      %sub3A_1374 = arith.subi %scan3A_879, %sub3A_1373 : i32
      %mul3A_1375 = arith.constant 16 : i32
      %mul3A_1376 = arith.muli %sub3A_1374, %mul3A_1375 : i32
      %add3A_1377 = arith.constant 8 : i32
      %add3A_1378 = arith.addi %mul3A_1376, %add3A_1377 : i32
      %and3A_1379 = arith.constant 127 : i32
      %and3A_1380 = arith.andi %squeeze3A_1372, %and3A_1379 : i32
      %broadcast_in_dim3A_1381 = vector.broadcast %and3A_1380 : i32 to vector<16xi32>
      %broadcast_in_dim3A_1382 = vector.broadcast %add3A_1378 : i32 to vector<16xi32>
      %gather3A_1383 = arith.constant 8 : i32
      %gather3A_1384 = arith.constant 0 : i32
      %gather3A_1385 = arith.constant 0 : i32
      %gather3A_1386 = tpu.memref_slice %arg6[%gather3A_1383, %gather3A_1384, %gather3A_1385] : memref<16x32x128xf32, #tpu.memory_space<vmem>> -> memref<1x32x128xf32, #tpu.memory_space<vmem>>
      %gather3A_1387 = tpu.memref_squeeze %gather3A_1386 : memref<1x32x128xf32, #tpu.memory_space<vmem>> -> memref<32x128xf32, #tpu.memory_space<vmem>>
      %gather3A_1388 = tpu.vector_load_idx %gather3A_1387[%iota3A, %broadcast_in_dim3A_1381] : memref<32x128xf32, #tpu.memory_space<vmem>>[vector<16xi32>, vector<16xi32>], vector<16xf32>,
      %gather3A_1389 = arith.constant 8 : i32
      %gather3A_1390 = arith.constant 0 : i32
      %gather3A_1391 = arith.constant 0 : i32
      %gather3A_1392 = tpu.memref_slice %arg6[%gather3A_1389, %gather3A_1390, %gather3A_1391] : memref<16x32x128xf32, #tpu.memory_space<vmem>> -> memref<1x32x128xf32, #tpu.memory_space<vmem>>
      %gather3A_1393 = tpu.memref_squeeze %gather3A_1392 : memref<1x32x128xf32, #tpu.memory_space<vmem>> -> memref<32x128xf32, #tpu.memory_space<vmem>>
      %gather3A_1394 = tpu.vector_load_idx %gather3A_1393[%add3A_7, %broadcast_in_dim3A_1381] : memref<32x128xf32, #tpu.memory_space<vmem>>[vector<16xi32>, vector<16xi32>], vector<16xf32>,
      tpu.vector_store_idx %arg7[%iota3A, %broadcast_in_dim3A_1382], %gather3A_1388 : memref<32x512xf32, #tpu.memory_space<vmem>>[vector<16xi32>, vector<16xi32>], vector<16xf32>,
      tpu.vector_store_idx %arg7[%add3A_7, %broadcast_in_dim3A_1382], %gather3A_1394 : memref<32x512xf32, #tpu.memory_space<vmem>>[vector<16xi32>, vector<16xi32>], vector<16xf32>,
      %slice3A_1395 = vector.extract_strided_slice %get3A_884 {offsets = [8], sizes = [1], strides = [1]} : vector<16xi32> to vector<1xi32>
      %squeeze3A_1396 = vector.extract %slice3A_1395[0] : i32 from vector<1xi32>
      %shift_right_arithmetic3A_1397 = arith.constant 7 : i32
      %shift_right_arithmetic3A_1398 = arith.shrsi %squeeze3A_1396, %shift_right_arithmetic3A_1397 : i32
      %mul3A_1399 = arith.constant 128 : i32
      %mul3A_1400 = arith.muli %shift_right_arithmetic3A_1398, %mul3A_1399 : i32
      %multiple_of3A_1401 = tpu.assume_multiple %mul3A_1400, 128 : i32
      %dma_start3A_1402 = arith.constant 8 : i32
      %dma_start3A_1403 = arith.constant 0 : i32
      %dma_start3A_1404 = arith.constant 0 : i32
      %dma_start3A_1405 = tpu.memref_slice %arg6[%dma_start3A_1402, %dma_start3A_1403, %dma_start3A_1404] : memref<16x32x128xf32, #tpu.memory_space<vmem>> -> memref<1x32x128xf32, #tpu.memory_space<vmem>>
      %dma_start3A_1406 = tpu.memref_squeeze %dma_start3A_1405 : memref<1x32x128xf32, #tpu.memory_space<vmem>> -> memref<32x128xf32, #tpu.memory_space<vmem>>
      %dma_start3A_1407 = arith.constant 0 : i32
      %dma_start3A_1408 = tpu.memref_slice %arg3[%dma_start3A_1407, %multiple_of3A_1401] : memref<32x1000000xf32, #tpu.memory_space<hbm>> -> memref<32x128xf32, #tpu.memory_space<hbm>>
      %dma_start3A_1409 = arith.constant 0 : i32
      %dma_start3A_1410 = arith.constant 0 : i32
      %dma_start3A_1411 = tpu.memref_slice %arg6[%dma_start3A_1402, %dma_start3A_1409, %dma_start3A_1410] : memref<16x32x128xf32, #tpu.memory_space<vmem>> -> memref<1x32x128xf32, #tpu.memory_space<vmem>>
      %dma_start3A_1412 = tpu.memref_squeeze %dma_start3A_1411 : memref<1x32x128xf32, #tpu.memory_space<vmem>> -> memref<32x128xf32, #tpu.memory_space<vmem>>
      %dma_start3A_1413 = arith.constant 0 : i32
      %dma_start3A_1414 = tpu.memref_slice %arg3[%dma_start3A_1413, %multiple_of3A_1401] : memref<32x1000000xf32, #tpu.memory_space<hbm>> -> memref<32x128xf32, #tpu.memory_space<hbm>>
      tpu.enqueue_dma source(%dma_start3A_1414 : memref<32x128xf32, #tpu.memory_space<hbm>>) target(%dma_start3A_1412 : memref<32x128xf32, #tpu.memory_space<vmem>>) target_semaphore(%arg8 : memref<!tpu.dma_semaphore, #tpu.memory_space<semaphore_mem>>)
      %dma_wait3A_1415 = arith.constant 0 : i32
      %dma_wait3A_1416 = arith.constant 0 : i32
      %dma_wait3A_1417 = arith.constant 0 : i32
      %dma_wait3A_1418 = tpu.memref_slice %arg6[%dma_wait3A_1415, %dma_wait3A_1416, %dma_wait3A_1417] : memref<16x32x128xf32, #tpu.memory_space<vmem>> -> memref<1x32x128xf32, #tpu.memory_space<vmem>>
      %dma_wait3A_1419 = tpu.memref_squeeze %dma_wait3A_1418 : memref<1x32x128xf32, #tpu.memory_space<vmem>> -> memref<32x128xf32, #tpu.memory_space<vmem>>
      %dma_wait3A_1420 = arith.constant 0 : i32
      %dma_wait3A_1421 = arith.constant 0 : i32
      %dma_wait3A_1422 = tpu.memref_slice %arg3[%dma_wait3A_1420, %dma_wait3A_1421] : memref<32x1000000xf32, #tpu.memory_space<hbm>> -> memref<32x128xf32, #tpu.memory_space<hbm>>
      %dma_wait3A_1423 = arith.constant 0 : i32
      %dma_wait3A_1424 = arith.constant 0 : i32
      %dma_wait3A_1425 = tpu.memref_slice %arg6[%dma_wait3A_1415, %dma_wait3A_1423, %dma_wait3A_1424] : memref<16x32x128xf32, #tpu.memory_space<vmem>> -> memref<1x32x128xf32, #tpu.memory_space<vmem>>
      %dma_wait3A_1426 = tpu.memref_squeeze %dma_wait3A_1425 : memref<1x32x128xf32, #tpu.memory_space<vmem>> -> memref<32x128xf32, #tpu.memory_space<vmem>>
      %dma_wait3A_1427 = arith.constant 0 : i32
      %dma_wait3A_1428 = arith.constant 0 : i32
      %dma_wait3A_1429 = tpu.memref_slice %arg3[%dma_wait3A_1427, %dma_wait3A_1428] : memref<32x1000000xf32, #tpu.memory_space<hbm>> -> memref<32x128xf32, #tpu.memory_space<hbm>>
      tpu.wait_dma2 semaphore(%arg8 : memref<!tpu.dma_semaphore, #tpu.memory_space<semaphore_mem>>) src(%dma_wait3A_1429 : memref<32x128xf32, #tpu.memory_space<hbm>>) dst(%dma_wait3A_1426 : memref<32x128xf32, #tpu.memory_space<vmem>>)
      %slice3A_1430 = vector.extract_strided_slice %scan3A_880 {offsets = [9], sizes = [1], strides = [1]} : vector<16xi32> to vector<1xi32>
      %squeeze3A_1431 = vector.extract %slice3A_1430[0] : i32 from vector<1xi32>
      %sub3A_1432 = arith.constant 1 : i32
      %sub3A_1433 = arith.subi %scan3A_879, %sub3A_1432 : i32
      %mul3A_1434 = arith.constant 16 : i32
      %mul3A_1435 = arith.muli %sub3A_1433, %mul3A_1434 : i32
      %add3A_1436 = arith.constant 9 : i32
      %add3A_1437 = arith.addi %mul3A_1435, %add3A_1436 : i32
      %and3A_1438 = arith.constant 127 : i32
      %and3A_1439 = arith.andi %squeeze3A_1431, %and3A_1438 : i32
      %broadcast_in_dim3A_1440 = vector.broadcast %and3A_1439 : i32 to vector<16xi32>
      %broadcast_in_dim3A_1441 = vector.broadcast %add3A_1437 : i32 to vector<16xi32>
      %gather3A_1442 = arith.constant 9 : i32
      %gather3A_1443 = arith.constant 0 : i32
      %gather3A_1444 = arith.constant 0 : i32
      %gather3A_1445 = tpu.memref_slice %arg6[%gather3A_1442, %gather3A_1443, %gather3A_1444] : memref<16x32x128xf32, #tpu.memory_space<vmem>> -> memref<1x32x128xf32, #tpu.memory_space<vmem>>
      %gather3A_1446 = tpu.memref_squeeze %gather3A_1445 : memref<1x32x128xf32, #tpu.memory_space<vmem>> -> memref<32x128xf32, #tpu.memory_space<vmem>>
      %gather3A_1447 = tpu.vector_load_idx %gather3A_1446[%iota3A, %broadcast_in_dim3A_1440] : memref<32x128xf32, #tpu.memory_space<vmem>>[vector<16xi32>, vector<16xi32>], vector<16xf32>,
      %gather3A_1448 = arith.constant 9 : i32
      %gather3A_1449 = arith.constant 0 : i32
      %gather3A_1450 = arith.constant 0 : i32
      %gather3A_1451 = tpu.memref_slice %arg6[%gather3A_1448, %gather3A_1449, %gather3A_1450] : memref<16x32x128xf32, #tpu.memory_space<vmem>> -> memref<1x32x128xf32, #tpu.memory_space<vmem>>
      %gather3A_1452 = tpu.memref_squeeze %gather3A_1451 : memref<1x32x128xf32, #tpu.memory_space<vmem>> -> memref<32x128xf32, #tpu.memory_space<vmem>>
      %gather3A_1453 = tpu.vector_load_idx %gather3A_1452[%add3A_7, %broadcast_in_dim3A_1440] : memref<32x128xf32, #tpu.memory_space<vmem>>[vector<16xi32>, vector<16xi32>], vector<16xf32>,
      tpu.vector_store_idx %arg7[%iota3A, %broadcast_in_dim3A_1441], %gather3A_1447 : memref<32x512xf32, #tpu.memory_space<vmem>>[vector<16xi32>, vector<16xi32>], vector<16xf32>,
      tpu.vector_store_idx %arg7[%add3A_7, %broadcast_in_dim3A_1441], %gather3A_1453 : memref<32x512xf32, #tpu.memory_space<vmem>>[vector<16xi32>, vector<16xi32>], vector<16xf32>,
      %slice3A_1454 = vector.extract_strided_slice %get3A_884 {offsets = [9], sizes = [1], strides = [1]} : vector<16xi32> to vector<1xi32>
      %squeeze3A_1455 = vector.extract %slice3A_1454[0] : i32 from vector<1xi32>
      %shift_right_arithmetic3A_1456 = arith.constant 7 : i32
      %shift_right_arithmetic3A_1457 = arith.shrsi %squeeze3A_1455, %shift_right_arithmetic3A_1456 : i32
      %mul3A_1458 = arith.constant 128 : i32
      %mul3A_1459 = arith.muli %shift_right_arithmetic3A_1457, %mul3A_1458 : i32
      %multiple_of3A_1460 = tpu.assume_multiple %mul3A_1459, 128 : i32
      %dma_start3A_1461 = arith.constant 9 : i32
      %dma_start3A_1462 = arith.constant 0 : i32
      %dma_start3A_1463 = arith.constant 0 : i32
      %dma_start3A_1464 = tpu.memref_slice %arg6[%dma_start3A_1461, %dma_start3A_1462, %dma_start3A_1463] : memref<16x32x128xf32, #tpu.memory_space<vmem>> -> memref<1x32x128xf32, #tpu.memory_space<vmem>>
      %dma_start3A_1465 = tpu.memref_squeeze %dma_start3A_1464 : memref<1x32x128xf32, #tpu.memory_space<vmem>> -> memref<32x128xf32, #tpu.memory_space<vmem>>
      %dma_start3A_1466 = arith.constant 0 : i32
      %dma_start3A_1467 = tpu.memref_slice %arg3[%dma_start3A_1466, %multiple_of3A_1460] : memref<32x1000000xf32, #tpu.memory_space<hbm>> -> memref<32x128xf32, #tpu.memory_space<hbm>>
      %dma_start3A_1468 = arith.constant 0 : i32
      %dma_start3A_1469 = arith.constant 0 : i32
      %dma_start3A_1470 = tpu.memref_slice %arg6[%dma_start3A_1461, %dma_start3A_1468, %dma_start3A_1469] : memref<16x32x128xf32, #tpu.memory_space<vmem>> -> memref<1x32x128xf32, #tpu.memory_space<vmem>>
      %dma_start3A_1471 = tpu.memref_squeeze %dma_start3A_1470 : memref<1x32x128xf32, #tpu.memory_space<vmem>> -> memref<32x128xf32, #tpu.memory_space<vmem>>
      %dma_start3A_1472 = arith.constant 0 : i32
      %dma_start3A_1473 = tpu.memref_slice %arg3[%dma_start3A_1472, %multiple_of3A_1460] : memref<32x1000000xf32, #tpu.memory_space<hbm>> -> memref<32x128xf32, #tpu.memory_space<hbm>>
      tpu.enqueue_dma source(%dma_start3A_1473 : memref<32x128xf32, #tpu.memory_space<hbm>>) target(%dma_start3A_1471 : memref<32x128xf32, #tpu.memory_space<vmem>>) target_semaphore(%arg8 : memref<!tpu.dma_semaphore, #tpu.memory_space<semaphore_mem>>)
      %dma_wait3A_1474 = arith.constant 0 : i32
      %dma_wait3A_1475 = arith.constant 0 : i32
      %dma_wait3A_1476 = arith.constant 0 : i32
      %dma_wait3A_1477 = tpu.memref_slice %arg6[%dma_wait3A_1474, %dma_wait3A_1475, %dma_wait3A_1476] : memref<16x32x128xf32, #tpu.memory_space<vmem>> -> memref<1x32x128xf32, #tpu.memory_space<vmem>>
      %dma_wait3A_1478 = tpu.memref_squeeze %dma_wait3A_1477 : memref<1x32x128xf32, #tpu.memory_space<vmem>> -> memref<32x128xf32, #tpu.memory_space<vmem>>
      %dma_wait3A_1479 = arith.constant 0 : i32
      %dma_wait3A_1480 = arith.constant 0 : i32
      %dma_wait3A_1481 = tpu.memref_slice %arg3[%dma_wait3A_1479, %dma_wait3A_1480] : memref<32x1000000xf32, #tpu.memory_space<hbm>> -> memref<32x128xf32, #tpu.memory_space<hbm>>
      %dma_wait3A_1482 = arith.constant 0 : i32
      %dma_wait3A_1483 = arith.constant 0 : i32
      %dma_wait3A_1484 = tpu.memref_slice %arg6[%dma_wait3A_1474, %dma_wait3A_1482, %dma_wait3A_1483] : memref<16x32x128xf32, #tpu.memory_space<vmem>> -> memref<1x32x128xf32, #tpu.memory_space<vmem>>
      %dma_wait3A_1485 = tpu.memref_squeeze %dma_wait3A_1484 : memref<1x32x128xf32, #tpu.memory_space<vmem>> -> memref<32x128xf32, #tpu.memory_space<vmem>>
      %dma_wait3A_1486 = arith.constant 0 : i32
      %dma_wait3A_1487 = arith.constant 0 : i32
      %dma_wait3A_1488 = tpu.memref_slice %arg3[%dma_wait3A_1486, %dma_wait3A_1487] : memref<32x1000000xf32, #tpu.memory_space<hbm>> -> memref<32x128xf32, #tpu.memory_space<hbm>>
      tpu.wait_dma2 semaphore(%arg8 : memref<!tpu.dma_semaphore, #tpu.memory_space<semaphore_mem>>) src(%dma_wait3A_1488 : memref<32x128xf32, #tpu.memory_space<hbm>>) dst(%dma_wait3A_1485 : memref<32x128xf32, #tpu.memory_space<vmem>>)
      %slice3A_1489 = vector.extract_strided_slice %scan3A_880 {offsets = [10], sizes = [1], strides = [1]} : vector<16xi32> to vector<1xi32>
      %squeeze3A_1490 = vector.extract %slice3A_1489[0] : i32 from vector<1xi32>
      %sub3A_1491 = arith.constant 1 : i32
      %sub3A_1492 = arith.subi %scan3A_879, %sub3A_1491 : i32
      %mul3A_1493 = arith.constant 16 : i32
      %mul3A_1494 = arith.muli %sub3A_1492, %mul3A_1493 : i32
      %add3A_1495 = arith.constant 10 : i32
      %add3A_1496 = arith.addi %mul3A_1494, %add3A_1495 : i32
      %and3A_1497 = arith.constant 127 : i32
      %and3A_1498 = arith.andi %squeeze3A_1490, %and3A_1497 : i32
      %broadcast_in_dim3A_1499 = vector.broadcast %and3A_1498 : i32 to vector<16xi32>
      %broadcast_in_dim3A_1500 = vector.broadcast %add3A_1496 : i32 to vector<16xi32>
      %gather3A_1501 = arith.constant 10 : i32
      %gather3A_1502 = arith.constant 0 : i32
      %gather3A_1503 = arith.constant 0 : i32
      %gather3A_1504 = tpu.memref_slice %arg6[%gather3A_1501, %gather3A_1502, %gather3A_1503] : memref<16x32x128xf32, #tpu.memory_space<vmem>> -> memref<1x32x128xf32, #tpu.memory_space<vmem>>
      %gather3A_1505 = tpu.memref_squeeze %gather3A_1504 : memref<1x32x128xf32, #tpu.memory_space<vmem>> -> memref<32x128xf32, #tpu.memory_space<vmem>>
      %gather3A_1506 = tpu.vector_load_idx %gather3A_1505[%iota3A, %broadcast_in_dim3A_1499] : memref<32x128xf32, #tpu.memory_space<vmem>>[vector<16xi32>, vector<16xi32>], vector<16xf32>,
      %gather3A_1507 = arith.constant 10 : i32
      %gather3A_1508 = arith.constant 0 : i32
      %gather3A_1509 = arith.constant 0 : i32
      %gather3A_1510 = tpu.memref_slice %arg6[%gather3A_1507, %gather3A_1508, %gather3A_1509] : memref<16x32x128xf32, #tpu.memory_space<vmem>> -> memref<1x32x128xf32, #tpu.memory_space<vmem>>
      %gather3A_1511 = tpu.memref_squeeze %gather3A_1510 : memref<1x32x128xf32, #tpu.memory_space<vmem>> -> memref<32x128xf32, #tpu.memory_space<vmem>>
      %gather3A_1512 = tpu.vector_load_idx %gather3A_1511[%add3A_7, %broadcast_in_dim3A_1499] : memref<32x128xf32, #tpu.memory_space<vmem>>[vector<16xi32>, vector<16xi32>], vector<16xf32>,
      tpu.vector_store_idx %arg7[%iota3A, %broadcast_in_dim3A_1500], %gather3A_1506 : memref<32x512xf32, #tpu.memory_space<vmem>>[vector<16xi32>, vector<16xi32>], vector<16xf32>,
      tpu.vector_store_idx %arg7[%add3A_7, %broadcast_in_dim3A_1500], %gather3A_1512 : memref<32x512xf32, #tpu.memory_space<vmem>>[vector<16xi32>, vector<16xi32>], vector<16xf32>,
      %slice3A_1513 = vector.extract_strided_slice %get3A_884 {offsets = [10], sizes = [1], strides = [1]} : vector<16xi32> to vector<1xi32>
      %squeeze3A_1514 = vector.extract %slice3A_1513[0] : i32 from vector<1xi32>
      %shift_right_arithmetic3A_1515 = arith.constant 7 : i32
      %shift_right_arithmetic3A_1516 = arith.shrsi %squeeze3A_1514, %shift_right_arithmetic3A_1515 : i32
      %mul3A_1517 = arith.constant 128 : i32
      %mul3A_1518 = arith.muli %shift_right_arithmetic3A_1516, %mul3A_1517 : i32
      %multiple_of3A_1519 = tpu.assume_multiple %mul3A_1518, 128 : i32
      %dma_start3A_1520 = arith.constant 10 : i32
      %dma_start3A_1521 = arith.constant 0 : i32
      %dma_start3A_1522 = arith.constant 0 : i32
      %dma_start3A_1523 = tpu.memref_slice %arg6[%dma_start3A_1520, %dma_start3A_1521, %dma_start3A_1522] : memref<16x32x128xf32, #tpu.memory_space<vmem>> -> memref<1x32x128xf32, #tpu.memory_space<vmem>>
      %dma_start3A_1524 = tpu.memref_squeeze %dma_start3A_1523 : memref<1x32x128xf32, #tpu.memory_space<vmem>> -> memref<32x128xf32, #tpu.memory_space<vmem>>
      %dma_start3A_1525 = arith.constant 0 : i32
      %dma_start3A_1526 = tpu.memref_slice %arg3[%dma_start3A_1525, %multiple_of3A_1519] : memref<32x1000000xf32, #tpu.memory_space<hbm>> -> memref<32x128xf32, #tpu.memory_space<hbm>>
      %dma_start3A_1527 = arith.constant 0 : i32
      %dma_start3A_1528 = arith.constant 0 : i32
      %dma_start3A_1529 = tpu.memref_slice %arg6[%dma_start3A_1520, %dma_start3A_1527, %dma_start3A_1528] : memref<16x32x128xf32, #tpu.memory_space<vmem>> -> memref<1x32x128xf32, #tpu.memory_space<vmem>>
      %dma_start3A_1530 = tpu.memref_squeeze %dma_start3A_1529 : memref<1x32x128xf32, #tpu.memory_space<vmem>> -> memref<32x128xf32, #tpu.memory_space<vmem>>
      %dma_start3A_1531 = arith.constant 0 : i32
      %dma_start3A_1532 = tpu.memref_slice %arg3[%dma_start3A_1531, %multiple_of3A_1519] : memref<32x1000000xf32, #tpu.memory_space<hbm>> -> memref<32x128xf32, #tpu.memory_space<hbm>>
      tpu.enqueue_dma source(%dma_start3A_1532 : memref<32x128xf32, #tpu.memory_space<hbm>>) target(%dma_start3A_1530 : memref<32x128xf32, #tpu.memory_space<vmem>>) target_semaphore(%arg8 : memref<!tpu.dma_semaphore, #tpu.memory_space<semaphore_mem>>)
      %dma_wait3A_1533 = arith.constant 0 : i32
      %dma_wait3A_1534 = arith.constant 0 : i32
      %dma_wait3A_1535 = arith.constant 0 : i32
      %dma_wait3A_1536 = tpu.memref_slice %arg6[%dma_wait3A_1533, %dma_wait3A_1534, %dma_wait3A_1535] : memref<16x32x128xf32, #tpu.memory_space<vmem>> -> memref<1x32x128xf32, #tpu.memory_space<vmem>>
      %dma_wait3A_1537 = tpu.memref_squeeze %dma_wait3A_1536 : memref<1x32x128xf32, #tpu.memory_space<vmem>> -> memref<32x128xf32, #tpu.memory_space<vmem>>
      %dma_wait3A_1538 = arith.constant 0 : i32
      %dma_wait3A_1539 = arith.constant 0 : i32
      %dma_wait3A_1540 = tpu.memref_slice %arg3[%dma_wait3A_1538, %dma_wait3A_1539] : memref<32x1000000xf32, #tpu.memory_space<hbm>> -> memref<32x128xf32, #tpu.memory_space<hbm>>
      %dma_wait3A_1541 = arith.constant 0 : i32
      %dma_wait3A_1542 = arith.constant 0 : i32
      %dma_wait3A_1543 = tpu.memref_slice %arg6[%dma_wait3A_1533, %dma_wait3A_1541, %dma_wait3A_1542] : memref<16x32x128xf32, #tpu.memory_space<vmem>> -> memref<1x32x128xf32, #tpu.memory_space<vmem>>
      %dma_wait3A_1544 = tpu.memref_squeeze %dma_wait3A_1543 : memref<1x32x128xf32, #tpu.memory_space<vmem>> -> memref<32x128xf32, #tpu.memory_space<vmem>>
      %dma_wait3A_1545 = arith.constant 0 : i32
      %dma_wait3A_1546 = arith.constant 0 : i32
      %dma_wait3A_1547 = tpu.memref_slice %arg3[%dma_wait3A_1545, %dma_wait3A_1546] : memref<32x1000000xf32, #tpu.memory_space<hbm>> -> memref<32x128xf32, #tpu.memory_space<hbm>>
      tpu.wait_dma2 semaphore(%arg8 : memref<!tpu.dma_semaphore, #tpu.memory_space<semaphore_mem>>) src(%dma_wait3A_1547 : memref<32x128xf32, #tpu.memory_space<hbm>>) dst(%dma_wait3A_1544 : memref<32x128xf32, #tpu.memory_space<vmem>>)
      %slice3A_1548 = vector.extract_strided_slice %scan3A_880 {offsets = [11], sizes = [1], strides = [1]} : vector<16xi32> to vector<1xi32>
      %squeeze3A_1549 = vector.extract %slice3A_1548[0] : i32 from vector<1xi32>
      %sub3A_1550 = arith.constant 1 : i32
      %sub3A_1551 = arith.subi %scan3A_879, %sub3A_1550 : i32
      %mul3A_1552 = arith.constant 16 : i32
      %mul3A_1553 = arith.muli %sub3A_1551, %mul3A_1552 : i32
      %add3A_1554 = arith.constant 11 : i32
      %add3A_1555 = arith.addi %mul3A_1553, %add3A_1554 : i32
      %and3A_1556 = arith.constant 127 : i32
      %and3A_1557 = arith.andi %squeeze3A_1549, %and3A_1556 : i32
      %broadcast_in_dim3A_1558 = vector.broadcast %and3A_1557 : i32 to vector<16xi32>
      %broadcast_in_dim3A_1559 = vector.broadcast %add3A_1555 : i32 to vector<16xi32>
      %gather3A_1560 = arith.constant 11 : i32
      %gather3A_1561 = arith.constant 0 : i32
      %gather3A_1562 = arith.constant 0 : i32
      %gather3A_1563 = tpu.memref_slice %arg6[%gather3A_1560, %gather3A_1561, %gather3A_1562] : memref<16x32x128xf32, #tpu.memory_space<vmem>> -> memref<1x32x128xf32, #tpu.memory_space<vmem>>
      %gather3A_1564 = tpu.memref_squeeze %gather3A_1563 : memref<1x32x128xf32, #tpu.memory_space<vmem>> -> memref<32x128xf32, #tpu.memory_space<vmem>>
      %gather3A_1565 = tpu.vector_load_idx %gather3A_1564[%iota3A, %broadcast_in_dim3A_1558] : memref<32x128xf32, #tpu.memory_space<vmem>>[vector<16xi32>, vector<16xi32>], vector<16xf32>,
      %gather3A_1566 = arith.constant 11 : i32
      %gather3A_1567 = arith.constant 0 : i32
      %gather3A_1568 = arith.constant 0 : i32
      %gather3A_1569 = tpu.memref_slice %arg6[%gather3A_1566, %gather3A_1567, %gather3A_1568] : memref<16x32x128xf32, #tpu.memory_space<vmem>> -> memref<1x32x128xf32, #tpu.memory_space<vmem>>
      %gather3A_1570 = tpu.memref_squeeze %gather3A_1569 : memref<1x32x128xf32, #tpu.memory_space<vmem>> -> memref<32x128xf32, #tpu.memory_space<vmem>>
      %gather3A_1571 = tpu.vector_load_idx %gather3A_1570[%add3A_7, %broadcast_in_dim3A_1558] : memref<32x128xf32, #tpu.memory_space<vmem>>[vector<16xi32>, vector<16xi32>], vector<16xf32>,
      tpu.vector_store_idx %arg7[%iota3A, %broadcast_in_dim3A_1559], %gather3A_1565 : memref<32x512xf32, #tpu.memory_space<vmem>>[vector<16xi32>, vector<16xi32>], vector<16xf32>,
      tpu.vector_store_idx %arg7[%add3A_7, %broadcast_in_dim3A_1559], %gather3A_1571 : memref<32x512xf32, #tpu.memory_space<vmem>>[vector<16xi32>, vector<16xi32>], vector<16xf32>,
      %slice3A_1572 = vector.extract_strided_slice %get3A_884 {offsets = [11], sizes = [1], strides = [1]} : vector<16xi32> to vector<1xi32>
      %squeeze3A_1573 = vector.extract %slice3A_1572[0] : i32 from vector<1xi32>
      %shift_right_arithmetic3A_1574 = arith.constant 7 : i32
      %shift_right_arithmetic3A_1575 = arith.shrsi %squeeze3A_1573, %shift_right_arithmetic3A_1574 : i32
      %mul3A_1576 = arith.constant 128 : i32
      %mul3A_1577 = arith.muli %shift_right_arithmetic3A_1575, %mul3A_1576 : i32
      %multiple_of3A_1578 = tpu.assume_multiple %mul3A_1577, 128 : i32
      %dma_start3A_1579 = arith.constant 11 : i32
      %dma_start3A_1580 = arith.constant 0 : i32
      %dma_start3A_1581 = arith.constant 0 : i32
      %dma_start3A_1582 = tpu.memref_slice %arg6[%dma_start3A_1579, %dma_start3A_1580, %dma_start3A_1581] : memref<16x32x128xf32, #tpu.memory_space<vmem>> -> memref<1x32x128xf32, #tpu.memory_space<vmem>>
      %dma_start3A_1583 = tpu.memref_squeeze %dma_start3A_1582 : memref<1x32x128xf32, #tpu.memory_space<vmem>> -> memref<32x128xf32, #tpu.memory_space<vmem>>
      %dma_start3A_1584 = arith.constant 0 : i32
      %dma_start3A_1585 = tpu.memref_slice %arg3[%dma_start3A_1584, %multiple_of3A_1578] : memref<32x1000000xf32, #tpu.memory_space<hbm>> -> memref<32x128xf32, #tpu.memory_space<hbm>>
      %dma_start3A_1586 = arith.constant 0 : i32
      %dma_start3A_1587 = arith.constant 0 : i32
      %dma_start3A_1588 = tpu.memref_slice %arg6[%dma_start3A_1579, %dma_start3A_1586, %dma_start3A_1587] : memref<16x32x128xf32, #tpu.memory_space<vmem>> -> memref<1x32x128xf32, #tpu.memory_space<vmem>>
      %dma_start3A_1589 = tpu.memref_squeeze %dma_start3A_1588 : memref<1x32x128xf32, #tpu.memory_space<vmem>> -> memref<32x128xf32, #tpu.memory_space<vmem>>
      %dma_start3A_1590 = arith.constant 0 : i32
      %dma_start3A_1591 = tpu.memref_slice %arg3[%dma_start3A_1590, %multiple_of3A_1578] : memref<32x1000000xf32, #tpu.memory_space<hbm>> -> memref<32x128xf32, #tpu.memory_space<hbm>>
      tpu.enqueue_dma source(%dma_start3A_1591 : memref<32x128xf32, #tpu.memory_space<hbm>>) target(%dma_start3A_1589 : memref<32x128xf32, #tpu.memory_space<vmem>>) target_semaphore(%arg8 : memref<!tpu.dma_semaphore, #tpu.memory_space<semaphore_mem>>)
      %dma_wait3A_1592 = arith.constant 0 : i32
      %dma_wait3A_1593 = arith.constant 0 : i32
      %dma_wait3A_1594 = arith.constant 0 : i32
      %dma_wait3A_1595 = tpu.memref_slice %arg6[%dma_wait3A_1592, %dma_wait3A_1593, %dma_wait3A_1594] : memref<16x32x128xf32, #tpu.memory_space<vmem>> -> memref<1x32x128xf32, #tpu.memory_space<vmem>>
      %dma_wait3A_1596 = tpu.memref_squeeze %dma_wait3A_1595 : memref<1x32x128xf32, #tpu.memory_space<vmem>> -> memref<32x128xf32, #tpu.memory_space<vmem>>
      %dma_wait3A_1597 = arith.constant 0 : i32
      %dma_wait3A_1598 = arith.constant 0 : i32
      %dma_wait3A_1599 = tpu.memref_slice %arg3[%dma_wait3A_1597, %dma_wait3A_1598] : memref<32x1000000xf32, #tpu.memory_space<hbm>> -> memref<32x128xf32, #tpu.memory_space<hbm>>
      %dma_wait3A_1600 = arith.constant 0 : i32
      %dma_wait3A_1601 = arith.constant 0 : i32
      %dma_wait3A_1602 = tpu.memref_slice %arg6[%dma_wait3A_1592, %dma_wait3A_1600, %dma_wait3A_1601] : memref<16x32x128xf32, #tpu.memory_space<vmem>> -> memref<1x32x128xf32, #tpu.memory_space<vmem>>
      %dma_wait3A_1603 = tpu.memref_squeeze %dma_wait3A_1602 : memref<1x32x128xf32, #tpu.memory_space<vmem>> -> memref<32x128xf32, #tpu.memory_space<vmem>>
      %dma_wait3A_1604 = arith.constant 0 : i32
      %dma_wait3A_1605 = arith.constant 0 : i32
      %dma_wait3A_1606 = tpu.memref_slice %arg3[%dma_wait3A_1604, %dma_wait3A_1605] : memref<32x1000000xf32, #tpu.memory_space<hbm>> -> memref<32x128xf32, #tpu.memory_space<hbm>>
      tpu.wait_dma2 semaphore(%arg8 : memref<!tpu.dma_semaphore, #tpu.memory_space<semaphore_mem>>) src(%dma_wait3A_1606 : memref<32x128xf32, #tpu.memory_space<hbm>>) dst(%dma_wait3A_1603 : memref<32x128xf32, #tpu.memory_space<vmem>>)
      %slice3A_1607 = vector.extract_strided_slice %scan3A_880 {offsets = [12], sizes = [1], strides = [1]} : vector<16xi32> to vector<1xi32>
      %squeeze3A_1608 = vector.extract %slice3A_1607[0] : i32 from vector<1xi32>
      %sub3A_1609 = arith.constant 1 : i32
      %sub3A_1610 = arith.subi %scan3A_879, %sub3A_1609 : i32
      %mul3A_1611 = arith.constant 16 : i32
      %mul3A_1612 = arith.muli %sub3A_1610, %mul3A_1611 : i32
      %add3A_1613 = arith.constant 12 : i32
      %add3A_1614 = arith.addi %mul3A_1612, %add3A_1613 : i32
      %and3A_1615 = arith.constant 127 : i32
      %and3A_1616 = arith.andi %squeeze3A_1608, %and3A_1615 : i32
      %broadcast_in_dim3A_1617 = vector.broadcast %and3A_1616 : i32 to vector<16xi32>
      %broadcast_in_dim3A_1618 = vector.broadcast %add3A_1614 : i32 to vector<16xi32>
      %gather3A_1619 = arith.constant 12 : i32
      %gather3A_1620 = arith.constant 0 : i32
      %gather3A_1621 = arith.constant 0 : i32
      %gather3A_1622 = tpu.memref_slice %arg6[%gather3A_1619, %gather3A_1620, %gather3A_1621] : memref<16x32x128xf32, #tpu.memory_space<vmem>> -> memref<1x32x128xf32, #tpu.memory_space<vmem>>
      %gather3A_1623 = tpu.memref_squeeze %gather3A_1622 : memref<1x32x128xf32, #tpu.memory_space<vmem>> -> memref<32x128xf32, #tpu.memory_space<vmem>>
      %gather3A_1624 = tpu.vector_load_idx %gather3A_1623[%iota3A, %broadcast_in_dim3A_1617] : memref<32x128xf32, #tpu.memory_space<vmem>>[vector<16xi32>, vector<16xi32>], vector<16xf32>,
      %gather3A_1625 = arith.constant 12 : i32
      %gather3A_1626 = arith.constant 0 : i32
      %gather3A_1627 = arith.constant 0 : i32
      %gather3A_1628 = tpu.memref_slice %arg6[%gather3A_1625, %gather3A_1626, %gather3A_1627] : memref<16x32x128xf32, #tpu.memory_space<vmem>> -> memref<1x32x128xf32, #tpu.memory_space<vmem>>
      %gather3A_1629 = tpu.memref_squeeze %gather3A_1628 : memref<1x32x128xf32, #tpu.memory_space<vmem>> -> memref<32x128xf32, #tpu.memory_space<vmem>>
      %gather3A_1630 = tpu.vector_load_idx %gather3A_1629[%add3A_7, %broadcast_in_dim3A_1617] : memref<32x128xf32, #tpu.memory_space<vmem>>[vector<16xi32>, vector<16xi32>], vector<16xf32>,
      tpu.vector_store_idx %arg7[%iota3A, %broadcast_in_dim3A_1618], %gather3A_1624 : memref<32x512xf32, #tpu.memory_space<vmem>>[vector<16xi32>, vector<16xi32>], vector<16xf32>,
      tpu.vector_store_idx %arg7[%add3A_7, %broadcast_in_dim3A_1618], %gather3A_1630 : memref<32x512xf32, #tpu.memory_space<vmem>>[vector<16xi32>, vector<16xi32>], vector<16xf32>,
      %slice3A_1631 = vector.extract_strided_slice %get3A_884 {offsets = [12], sizes = [1], strides = [1]} : vector<16xi32> to vector<1xi32>
      %squeeze3A_1632 = vector.extract %slice3A_1631[0] : i32 from vector<1xi32>
      %shift_right_arithmetic3A_1633 = arith.constant 7 : i32
      %shift_right_arithmetic3A_1634 = arith.shrsi %squeeze3A_1632, %shift_right_arithmetic3A_1633 : i32
      %mul3A_1635 = arith.constant 128 : i32
      %mul3A_1636 = arith.muli %shift_right_arithmetic3A_1634, %mul3A_1635 : i32
      %multiple_of3A_1637 = tpu.assume_multiple %mul3A_1636, 128 : i32
      %dma_start3A_1638 = arith.constant 12 : i32
      %dma_start3A_1639 = arith.constant 0 : i32
      %dma_start3A_1640 = arith.constant 0 : i32
      %dma_start3A_1641 = tpu.memref_slice %arg6[%dma_start3A_1638, %dma_start3A_1639, %dma_start3A_1640] : memref<16x32x128xf32, #tpu.memory_space<vmem>> -> memref<1x32x128xf32, #tpu.memory_space<vmem>>
      %dma_start3A_1642 = tpu.memref_squeeze %dma_start3A_1641 : memref<1x32x128xf32, #tpu.memory_space<vmem>> -> memref<32x128xf32, #tpu.memory_space<vmem>>
      %dma_start3A_1643 = arith.constant 0 : i32
      %dma_start3A_1644 = tpu.memref_slice %arg3[%dma_start3A_1643, %multiple_of3A_1637] : memref<32x1000000xf32, #tpu.memory_space<hbm>> -> memref<32x128xf32, #tpu.memory_space<hbm>>
      %dma_start3A_1645 = arith.constant 0 : i32
      %dma_start3A_1646 = arith.constant 0 : i32
      %dma_start3A_1647 = tpu.memref_slice %arg6[%dma_start3A_1638, %dma_start3A_1645, %dma_start3A_1646] : memref<16x32x128xf32, #tpu.memory_space<vmem>> -> memref<1x32x128xf32, #tpu.memory_space<vmem>>
      %dma_start3A_1648 = tpu.memref_squeeze %dma_start3A_1647 : memref<1x32x128xf32, #tpu.memory_space<vmem>> -> memref<32x128xf32, #tpu.memory_space<vmem>>
      %dma_start3A_1649 = arith.constant 0 : i32
      %dma_start3A_1650 = tpu.memref_slice %arg3[%dma_start3A_1649, %multiple_of3A_1637] : memref<32x1000000xf32, #tpu.memory_space<hbm>> -> memref<32x128xf32, #tpu.memory_space<hbm>>
      tpu.enqueue_dma source(%dma_start3A_1650 : memref<32x128xf32, #tpu.memory_space<hbm>>) target(%dma_start3A_1648 : memref<32x128xf32, #tpu.memory_space<vmem>>) target_semaphore(%arg8 : memref<!tpu.dma_semaphore, #tpu.memory_space<semaphore_mem>>)
      %dma_wait3A_1651 = arith.constant 0 : i32
      %dma_wait3A_1652 = arith.constant 0 : i32
      %dma_wait3A_1653 = arith.constant 0 : i32
      %dma_wait3A_1654 = tpu.memref_slice %arg6[%dma_wait3A_1651, %dma_wait3A_1652, %dma_wait3A_1653] : memref<16x32x128xf32, #tpu.memory_space<vmem>> -> memref<1x32x128xf32, #tpu.memory_space<vmem>>
      %dma_wait3A_1655 = tpu.memref_squeeze %dma_wait3A_1654 : memref<1x32x128xf32, #tpu.memory_space<vmem>> -> memref<32x128xf32, #tpu.memory_space<vmem>>
      %dma_wait3A_1656 = arith.constant 0 : i32
      %dma_wait3A_1657 = arith.constant 0 : i32
      %dma_wait3A_1658 = tpu.memref_slice %arg3[%dma_wait3A_1656, %dma_wait3A_1657] : memref<32x1000000xf32, #tpu.memory_space<hbm>> -> memref<32x128xf32, #tpu.memory_space<hbm>>
      %dma_wait3A_1659 = arith.constant 0 : i32
      %dma_wait3A_1660 = arith.constant 0 : i32
      %dma_wait3A_1661 = tpu.memref_slice %arg6[%dma_wait3A_1651, %dma_wait3A_1659, %dma_wait3A_1660] : memref<16x32x128xf32, #tpu.memory_space<vmem>> -> memref<1x32x128xf32, #tpu.memory_space<vmem>>
      %dma_wait3A_1662 = tpu.memref_squeeze %dma_wait3A_1661 : memref<1x32x128xf32, #tpu.memory_space<vmem>> -> memref<32x128xf32, #tpu.memory_space<vmem>>
      %dma_wait3A_1663 = arith.constant 0 : i32
      %dma_wait3A_1664 = arith.constant 0 : i32
      %dma_wait3A_1665 = tpu.memref_slice %arg3[%dma_wait3A_1663, %dma_wait3A_1664] : memref<32x1000000xf32, #tpu.memory_space<hbm>> -> memref<32x128xf32, #tpu.memory_space<hbm>>
      tpu.wait_dma2 semaphore(%arg8 : memref<!tpu.dma_semaphore, #tpu.memory_space<semaphore_mem>>) src(%dma_wait3A_1665 : memref<32x128xf32, #tpu.memory_space<hbm>>) dst(%dma_wait3A_1662 : memref<32x128xf32, #tpu.memory_space<vmem>>)
      %slice3A_1666 = vector.extract_strided_slice %scan3A_880 {offsets = [13], sizes = [1], strides = [1]} : vector<16xi32> to vector<1xi32>
      %squeeze3A_1667 = vector.extract %slice3A_1666[0] : i32 from vector<1xi32>
      %sub3A_1668 = arith.constant 1 : i32
      %sub3A_1669 = arith.subi %scan3A_879, %sub3A_1668 : i32
      %mul3A_1670 = arith.constant 16 : i32
      %mul3A_1671 = arith.muli %sub3A_1669, %mul3A_1670 : i32
      %add3A_1672 = arith.constant 13 : i32
      %add3A_1673 = arith.addi %mul3A_1671, %add3A_1672 : i32
      %and3A_1674 = arith.constant 127 : i32
      %and3A_1675 = arith.andi %squeeze3A_1667, %and3A_1674 : i32
      %broadcast_in_dim3A_1676 = vector.broadcast %and3A_1675 : i32 to vector<16xi32>
      %broadcast_in_dim3A_1677 = vector.broadcast %add3A_1673 : i32 to vector<16xi32>
      %gather3A_1678 = arith.constant 13 : i32
      %gather3A_1679 = arith.constant 0 : i32
      %gather3A_1680 = arith.constant 0 : i32
      %gather3A_1681 = tpu.memref_slice %arg6[%gather3A_1678, %gather3A_1679, %gather3A_1680] : memref<16x32x128xf32, #tpu.memory_space<vmem>> -> memref<1x32x128xf32, #tpu.memory_space<vmem>>
      %gather3A_1682 = tpu.memref_squeeze %gather3A_1681 : memref<1x32x128xf32, #tpu.memory_space<vmem>> -> memref<32x128xf32, #tpu.memory_space<vmem>>
      %gather3A_1683 = tpu.vector_load_idx %gather3A_1682[%iota3A, %broadcast_in_dim3A_1676] : memref<32x128xf32, #tpu.memory_space<vmem>>[vector<16xi32>, vector<16xi32>], vector<16xf32>,
      %gather3A_1684 = arith.constant 13 : i32
      %gather3A_1685 = arith.constant 0 : i32
      %gather3A_1686 = arith.constant 0 : i32
      %gather3A_1687 = tpu.memref_slice %arg6[%gather3A_1684, %gather3A_1685, %gather3A_1686] : memref<16x32x128xf32, #tpu.memory_space<vmem>> -> memref<1x32x128xf32, #tpu.memory_space<vmem>>
      %gather3A_1688 = tpu.memref_squeeze %gather3A_1687 : memref<1x32x128xf32, #tpu.memory_space<vmem>> -> memref<32x128xf32, #tpu.memory_space<vmem>>
      %gather3A_1689 = tpu.vector_load_idx %gather3A_1688[%add3A_7, %broadcast_in_dim3A_1676] : memref<32x128xf32, #tpu.memory_space<vmem>>[vector<16xi32>, vector<16xi32>], vector<16xf32>,
      tpu.vector_store_idx %arg7[%iota3A, %broadcast_in_dim3A_1677], %gather3A_1683 : memref<32x512xf32, #tpu.memory_space<vmem>>[vector<16xi32>, vector<16xi32>], vector<16xf32>,
      tpu.vector_store_idx %arg7[%add3A_7, %broadcast_in_dim3A_1677], %gather3A_1689 : memref<32x512xf32, #tpu.memory_space<vmem>>[vector<16xi32>, vector<16xi32>], vector<16xf32>,
      %slice3A_1690 = vector.extract_strided_slice %get3A_884 {offsets = [13], sizes = [1], strides = [1]} : vector<16xi32> to vector<1xi32>
      %squeeze3A_1691 = vector.extract %slice3A_1690[0] : i32 from vector<1xi32>
      %shift_right_arithmetic3A_1692 = arith.constant 7 : i32
      %shift_right_arithmetic3A_1693 = arith.shrsi %squeeze3A_1691, %shift_right_arithmetic3A_1692 : i32
      %mul3A_1694 = arith.constant 128 : i32
      %mul3A_1695 = arith.muli %shift_right_arithmetic3A_1693, %mul3A_1694 : i32
      %multiple_of3A_1696 = tpu.assume_multiple %mul3A_1695, 128 : i32
      %dma_start3A_1697 = arith.constant 13 : i32
      %dma_start3A_1698 = arith.constant 0 : i32
      %dma_start3A_1699 = arith.constant 0 : i32
      %dma_start3A_1700 = tpu.memref_slice %arg6[%dma_start3A_1697, %dma_start3A_1698, %dma_start3A_1699] : memref<16x32x128xf32, #tpu.memory_space<vmem>> -> memref<1x32x128xf32, #tpu.memory_space<vmem>>
      %dma_start3A_1701 = tpu.memref_squeeze %dma_start3A_1700 : memref<1x32x128xf32, #tpu.memory_space<vmem>> -> memref<32x128xf32, #tpu.memory_space<vmem>>
      %dma_start3A_1702 = arith.constant 0 : i32
      %dma_start3A_1703 = tpu.memref_slice %arg3[%dma_start3A_1702, %multiple_of3A_1696] : memref<32x1000000xf32, #tpu.memory_space<hbm>> -> memref<32x128xf32, #tpu.memory_space<hbm>>
      %dma_start3A_1704 = arith.constant 0 : i32
      %dma_start3A_1705 = arith.constant 0 : i32
      %dma_start3A_1706 = tpu.memref_slice %arg6[%dma_start3A_1697, %dma_start3A_1704, %dma_start3A_1705] : memref<16x32x128xf32, #tpu.memory_space<vmem>> -> memref<1x32x128xf32, #tpu.memory_space<vmem>>
      %dma_start3A_1707 = tpu.memref_squeeze %dma_start3A_1706 : memref<1x32x128xf32, #tpu.memory_space<vmem>> -> memref<32x128xf32, #tpu.memory_space<vmem>>
      %dma_start3A_1708 = arith.constant 0 : i32
      %dma_start3A_1709 = tpu.memref_slice %arg3[%dma_start3A_1708, %multiple_of3A_1696] : memref<32x1000000xf32, #tpu.memory_space<hbm>> -> memref<32x128xf32, #tpu.memory_space<hbm>>
      tpu.enqueue_dma source(%dma_start3A_1709 : memref<32x128xf32, #tpu.memory_space<hbm>>) target(%dma_start3A_1707 : memref<32x128xf32, #tpu.memory_space<vmem>>) target_semaphore(%arg8 : memref<!tpu.dma_semaphore, #tpu.memory_space<semaphore_mem>>)
      %dma_wait3A_1710 = arith.constant 0 : i32
      %dma_wait3A_1711 = arith.constant 0 : i32
      %dma_wait3A_1712 = arith.constant 0 : i32
      %dma_wait3A_1713 = tpu.memref_slice %arg6[%dma_wait3A_1710, %dma_wait3A_1711, %dma_wait3A_1712] : memref<16x32x128xf32, #tpu.memory_space<vmem>> -> memref<1x32x128xf32, #tpu.memory_space<vmem>>
      %dma_wait3A_1714 = tpu.memref_squeeze %dma_wait3A_1713 : memref<1x32x128xf32, #tpu.memory_space<vmem>> -> memref<32x128xf32, #tpu.memory_space<vmem>>
      %dma_wait3A_1715 = arith.constant 0 : i32
      %dma_wait3A_1716 = arith.constant 0 : i32
      %dma_wait3A_1717 = tpu.memref_slice %arg3[%dma_wait3A_1715, %dma_wait3A_1716] : memref<32x1000000xf32, #tpu.memory_space<hbm>> -> memref<32x128xf32, #tpu.memory_space<hbm>>
      %dma_wait3A_1718 = arith.constant 0 : i32
      %dma_wait3A_1719 = arith.constant 0 : i32
      %dma_wait3A_1720 = tpu.memref_slice %arg6[%dma_wait3A_1710, %dma_wait3A_1718, %dma_wait3A_1719] : memref<16x32x128xf32, #tpu.memory_space<vmem>> -> memref<1x32x128xf32, #tpu.memory_space<vmem>>
      %dma_wait3A_1721 = tpu.memref_squeeze %dma_wait3A_1720 : memref<1x32x128xf32, #tpu.memory_space<vmem>> -> memref<32x128xf32, #tpu.memory_space<vmem>>
      %dma_wait3A_1722 = arith.constant 0 : i32
      %dma_wait3A_1723 = arith.constant 0 : i32
      %dma_wait3A_1724 = tpu.memref_slice %arg3[%dma_wait3A_1722, %dma_wait3A_1723] : memref<32x1000000xf32, #tpu.memory_space<hbm>> -> memref<32x128xf32, #tpu.memory_space<hbm>>
      tpu.wait_dma2 semaphore(%arg8 : memref<!tpu.dma_semaphore, #tpu.memory_space<semaphore_mem>>) src(%dma_wait3A_1724 : memref<32x128xf32, #tpu.memory_space<hbm>>) dst(%dma_wait3A_1721 : memref<32x128xf32, #tpu.memory_space<vmem>>)
      %slice3A_1725 = vector.extract_strided_slice %scan3A_880 {offsets = [14], sizes = [1], strides = [1]} : vector<16xi32> to vector<1xi32>
      %squeeze3A_1726 = vector.extract %slice3A_1725[0] : i32 from vector<1xi32>
      %sub3A_1727 = arith.constant 1 : i32
      %sub3A_1728 = arith.subi %scan3A_879, %sub3A_1727 : i32
      %mul3A_1729 = arith.constant 16 : i32
      %mul3A_1730 = arith.muli %sub3A_1728, %mul3A_1729 : i32
      %add3A_1731 = arith.constant 14 : i32
      %add3A_1732 = arith.addi %mul3A_1730, %add3A_1731 : i32
      %and3A_1733 = arith.constant 127 : i32
      %and3A_1734 = arith.andi %squeeze3A_1726, %and3A_1733 : i32
      %broadcast_in_dim3A_1735 = vector.broadcast %and3A_1734 : i32 to vector<16xi32>
      %broadcast_in_dim3A_1736 = vector.broadcast %add3A_1732 : i32 to vector<16xi32>
      %gather3A_1737 = arith.constant 14 : i32
      %gather3A_1738 = arith.constant 0 : i32
      %gather3A_1739 = arith.constant 0 : i32
      %gather3A_1740 = tpu.memref_slice %arg6[%gather3A_1737, %gather3A_1738, %gather3A_1739] : memref<16x32x128xf32, #tpu.memory_space<vmem>> -> memref<1x32x128xf32, #tpu.memory_space<vmem>>
      %gather3A_1741 = tpu.memref_squeeze %gather3A_1740 : memref<1x32x128xf32, #tpu.memory_space<vmem>> -> memref<32x128xf32, #tpu.memory_space<vmem>>
      %gather3A_1742 = tpu.vector_load_idx %gather3A_1741[%iota3A, %broadcast_in_dim3A_1735] : memref<32x128xf32, #tpu.memory_space<vmem>>[vector<16xi32>, vector<16xi32>], vector<16xf32>,
      %gather3A_1743 = arith.constant 14 : i32
      %gather3A_1744 = arith.constant 0 : i32
      %gather3A_1745 = arith.constant 0 : i32
      %gather3A_1746 = tpu.memref_slice %arg6[%gather3A_1743, %gather3A_1744, %gather3A_1745] : memref<16x32x128xf32, #tpu.memory_space<vmem>> -> memref<1x32x128xf32, #tpu.memory_space<vmem>>
      %gather3A_1747 = tpu.memref_squeeze %gather3A_1746 : memref<1x32x128xf32, #tpu.memory_space<vmem>> -> memref<32x128xf32, #tpu.memory_space<vmem>>
      %gather3A_1748 = tpu.vector_load_idx %gather3A_1747[%add3A_7, %broadcast_in_dim3A_1735] : memref<32x128xf32, #tpu.memory_space<vmem>>[vector<16xi32>, vector<16xi32>], vector<16xf32>,
      tpu.vector_store_idx %arg7[%iota3A, %broadcast_in_dim3A_1736], %gather3A_1742 : memref<32x512xf32, #tpu.memory_space<vmem>>[vector<16xi32>, vector<16xi32>], vector<16xf32>,
      tpu.vector_store_idx %arg7[%add3A_7, %broadcast_in_dim3A_1736], %gather3A_1748 : memref<32x512xf32, #tpu.memory_space<vmem>>[vector<16xi32>, vector<16xi32>], vector<16xf32>,
      %slice3A_1749 = vector.extract_strided_slice %get3A_884 {offsets = [14], sizes = [1], strides = [1]} : vector<16xi32> to vector<1xi32>
      %squeeze3A_1750 = vector.extract %slice3A_1749[0] : i32 from vector<1xi32>
      %shift_right_arithmetic3A_1751 = arith.constant 7 : i32
      %shift_right_arithmetic3A_1752 = arith.shrsi %squeeze3A_1750, %shift_right_arithmetic3A_1751 : i32
      %mul3A_1753 = arith.constant 128 : i32
      %mul3A_1754 = arith.muli %shift_right_arithmetic3A_1752, %mul3A_1753 : i32
      %multiple_of3A_1755 = tpu.assume_multiple %mul3A_1754, 128 : i32
      %dma_start3A_1756 = arith.constant 14 : i32
      %dma_start3A_1757 = arith.constant 0 : i32
      %dma_start3A_1758 = arith.constant 0 : i32
      %dma_start3A_1759 = tpu.memref_slice %arg6[%dma_start3A_1756, %dma_start3A_1757, %dma_start3A_1758] : memref<16x32x128xf32, #tpu.memory_space<vmem>> -> memref<1x32x128xf32, #tpu.memory_space<vmem>>
      %dma_start3A_1760 = tpu.memref_squeeze %dma_start3A_1759 : memref<1x32x128xf32, #tpu.memory_space<vmem>> -> memref<32x128xf32, #tpu.memory_space<vmem>>
      %dma_start3A_1761 = arith.constant 0 : i32
      %dma_start3A_1762 = tpu.memref_slice %arg3[%dma_start3A_1761, %multiple_of3A_1755] : memref<32x1000000xf32, #tpu.memory_space<hbm>> -> memref<32x128xf32, #tpu.memory_space<hbm>>
      %dma_start3A_1763 = arith.constant 0 : i32
      %dma_start3A_1764 = arith.constant 0 : i32
      %dma_start3A_1765 = tpu.memref_slice %arg6[%dma_start3A_1756, %dma_start3A_1763, %dma_start3A_1764] : memref<16x32x128xf32, #tpu.memory_space<vmem>> -> memref<1x32x128xf32, #tpu.memory_space<vmem>>
      %dma_start3A_1766 = tpu.memref_squeeze %dma_start3A_1765 : memref<1x32x128xf32, #tpu.memory_space<vmem>> -> memref<32x128xf32, #tpu.memory_space<vmem>>
      %dma_start3A_1767 = arith.constant 0 : i32
      %dma_start3A_1768 = tpu.memref_slice %arg3[%dma_start3A_1767, %multiple_of3A_1755] : memref<32x1000000xf32, #tpu.memory_space<hbm>> -> memref<32x128xf32, #tpu.memory_space<hbm>>
      tpu.enqueue_dma source(%dma_start3A_1768 : memref<32x128xf32, #tpu.memory_space<hbm>>) target(%dma_start3A_1766 : memref<32x128xf32, #tpu.memory_space<vmem>>) target_semaphore(%arg8 : memref<!tpu.dma_semaphore, #tpu.memory_space<semaphore_mem>>)
      %dma_wait3A_1769 = arith.constant 0 : i32
      %dma_wait3A_1770 = arith.constant 0 : i32
      %dma_wait3A_1771 = arith.constant 0 : i32
      %dma_wait3A_1772 = tpu.memref_slice %arg6[%dma_wait3A_1769, %dma_wait3A_1770, %dma_wait3A_1771] : memref<16x32x128xf32, #tpu.memory_space<vmem>> -> memref<1x32x128xf32, #tpu.memory_space<vmem>>
      %dma_wait3A_1773 = tpu.memref_squeeze %dma_wait3A_1772 : memref<1x32x128xf32, #tpu.memory_space<vmem>> -> memref<32x128xf32, #tpu.memory_space<vmem>>
      %dma_wait3A_1774 = arith.constant 0 : i32
      %dma_wait3A_1775 = arith.constant 0 : i32
      %dma_wait3A_1776 = tpu.memref_slice %arg3[%dma_wait3A_1774, %dma_wait3A_1775] : memref<32x1000000xf32, #tpu.memory_space<hbm>> -> memref<32x128xf32, #tpu.memory_space<hbm>>
      %dma_wait3A_1777 = arith.constant 0 : i32
      %dma_wait3A_1778 = arith.constant 0 : i32
      %dma_wait3A_1779 = tpu.memref_slice %arg6[%dma_wait3A_1769, %dma_wait3A_1777, %dma_wait3A_1778] : memref<16x32x128xf32, #tpu.memory_space<vmem>> -> memref<1x32x128xf32, #tpu.memory_space<vmem>>
      %dma_wait3A_1780 = tpu.memref_squeeze %dma_wait3A_1779 : memref<1x32x128xf32, #tpu.memory_space<vmem>> -> memref<32x128xf32, #tpu.memory_space<vmem>>
      %dma_wait3A_1781 = arith.constant 0 : i32
      %dma_wait3A_1782 = arith.constant 0 : i32
      %dma_wait3A_1783 = tpu.memref_slice %arg3[%dma_wait3A_1781, %dma_wait3A_1782] : memref<32x1000000xf32, #tpu.memory_space<hbm>> -> memref<32x128xf32, #tpu.memory_space<hbm>>
      tpu.wait_dma2 semaphore(%arg8 : memref<!tpu.dma_semaphore, #tpu.memory_space<semaphore_mem>>) src(%dma_wait3A_1783 : memref<32x128xf32, #tpu.memory_space<hbm>>) dst(%dma_wait3A_1780 : memref<32x128xf32, #tpu.memory_space<vmem>>)
      %slice3A_1784 = vector.extract_strided_slice %scan3A_880 {offsets = [15], sizes = [1], strides = [1]} : vector<16xi32> to vector<1xi32>
      %squeeze3A_1785 = vector.extract %slice3A_1784[0] : i32 from vector<1xi32>
      %sub3A_1786 = arith.constant 1 : i32
      %sub3A_1787 = arith.subi %scan3A_879, %sub3A_1786 : i32
      %mul3A_1788 = arith.constant 16 : i32
      %mul3A_1789 = arith.muli %sub3A_1787, %mul3A_1788 : i32
      %add3A_1790 = arith.constant 15 : i32
      %add3A_1791 = arith.addi %mul3A_1789, %add3A_1790 : i32
      %and3A_1792 = arith.constant 127 : i32
      %and3A_1793 = arith.andi %squeeze3A_1785, %and3A_1792 : i32
      %broadcast_in_dim3A_1794 = vector.broadcast %and3A_1793 : i32 to vector<16xi32>
      %broadcast_in_dim3A_1795 = vector.broadcast %add3A_1791 : i32 to vector<16xi32>
      %gather3A_1796 = arith.constant 15 : i32
      %gather3A_1797 = arith.constant 0 : i32
      %gather3A_1798 = arith.constant 0 : i32
      %gather3A_1799 = tpu.memref_slice %arg6[%gather3A_1796, %gather3A_1797, %gather3A_1798] : memref<16x32x128xf32, #tpu.memory_space<vmem>> -> memref<1x32x128xf32, #tpu.memory_space<vmem>>
      %gather3A_1800 = tpu.memref_squeeze %gather3A_1799 : memref<1x32x128xf32, #tpu.memory_space<vmem>> -> memref<32x128xf32, #tpu.memory_space<vmem>>
      %gather3A_1801 = tpu.vector_load_idx %gather3A_1800[%iota3A, %broadcast_in_dim3A_1794] : memref<32x128xf32, #tpu.memory_space<vmem>>[vector<16xi32>, vector<16xi32>], vector<16xf32>,
      %gather3A_1802 = arith.constant 15 : i32
      %gather3A_1803 = arith.constant 0 : i32
      %gather3A_1804 = arith.constant 0 : i32
      %gather3A_1805 = tpu.memref_slice %arg6[%gather3A_1802, %gather3A_1803, %gather3A_1804] : memref<16x32x128xf32, #tpu.memory_space<vmem>> -> memref<1x32x128xf32, #tpu.memory_space<vmem>>
      %gather3A_1806 = tpu.memref_squeeze %gather3A_1805 : memref<1x32x128xf32, #tpu.memory_space<vmem>> -> memref<32x128xf32, #tpu.memory_space<vmem>>
      %gather3A_1807 = tpu.vector_load_idx %gather3A_1806[%add3A_7, %broadcast_in_dim3A_1794] : memref<32x128xf32, #tpu.memory_space<vmem>>[vector<16xi32>, vector<16xi32>], vector<16xf32>,
      tpu.vector_store_idx %arg7[%iota3A, %broadcast_in_dim3A_1795], %gather3A_1801 : memref<32x512xf32, #tpu.memory_space<vmem>>[vector<16xi32>, vector<16xi32>], vector<16xf32>,
      tpu.vector_store_idx %arg7[%add3A_7, %broadcast_in_dim3A_1795], %gather3A_1807 : memref<32x512xf32, #tpu.memory_space<vmem>>[vector<16xi32>, vector<16xi32>], vector<16xf32>,
      %slice3A_1808 = vector.extract_strided_slice %get3A_884 {offsets = [15], sizes = [1], strides = [1]} : vector<16xi32> to vector<1xi32>
      %squeeze3A_1809 = vector.extract %slice3A_1808[0] : i32 from vector<1xi32>
      %shift_right_arithmetic3A_1810 = arith.constant 7 : i32
      %shift_right_arithmetic3A_1811 = arith.shrsi %squeeze3A_1809, %shift_right_arithmetic3A_1810 : i32
      %mul3A_1812 = arith.constant 128 : i32
      %mul3A_1813 = arith.muli %shift_right_arithmetic3A_1811, %mul3A_1812 : i32
      %multiple_of3A_1814 = tpu.assume_multiple %mul3A_1813, 128 : i32
      %dma_start3A_1815 = arith.constant 15 : i32
      %dma_start3A_1816 = arith.constant 0 : i32
      %dma_start3A_1817 = arith.constant 0 : i32
      %dma_start3A_1818 = tpu.memref_slice %arg6[%dma_start3A_1815, %dma_start3A_1816, %dma_start3A_1817] : memref<16x32x128xf32, #tpu.memory_space<vmem>> -> memref<1x32x128xf32, #tpu.memory_space<vmem>>
      %dma_start3A_1819 = tpu.memref_squeeze %dma_start3A_1818 : memref<1x32x128xf32, #tpu.memory_space<vmem>> -> memref<32x128xf32, #tpu.memory_space<vmem>>
      %dma_start3A_1820 = arith.constant 0 : i32
      %dma_start3A_1821 = tpu.memref_slice %arg3[%dma_start3A_1820, %multiple_of3A_1814] : memref<32x1000000xf32, #tpu.memory_space<hbm>> -> memref<32x128xf32, #tpu.memory_space<hbm>>
      %dma_start3A_1822 = arith.constant 0 : i32
      %dma_start3A_1823 = arith.constant 0 : i32
      %dma_start3A_1824 = tpu.memref_slice %arg6[%dma_start3A_1815, %dma_start3A_1822, %dma_start3A_1823] : memref<16x32x128xf32, #tpu.memory_space<vmem>> -> memref<1x32x128xf32, #tpu.memory_space<vmem>>
      %dma_start3A_1825 = tpu.memref_squeeze %dma_start3A_1824 : memref<1x32x128xf32, #tpu.memory_space<vmem>> -> memref<32x128xf32, #tpu.memory_space<vmem>>
      %dma_start3A_1826 = arith.constant 0 : i32
      %dma_start3A_1827 = tpu.memref_slice %arg3[%dma_start3A_1826, %multiple_of3A_1814] : memref<32x1000000xf32, #tpu.memory_space<hbm>> -> memref<32x128xf32, #tpu.memory_space<hbm>>
      tpu.enqueue_dma source(%dma_start3A_1827 : memref<32x128xf32, #tpu.memory_space<hbm>>) target(%dma_start3A_1825 : memref<32x128xf32, #tpu.memory_space<vmem>>) target_semaphore(%arg8 : memref<!tpu.dma_semaphore, #tpu.memory_space<semaphore_mem>>)
      scf.yield %get3A_884 : vector<16xi32>
    }
    %scan3A_329 = arith.constant 31 : i32
    %dma_wait3A_330 = arith.constant 0 : i32
    %dma_wait3A_331 = arith.constant 0 : i32
    %dma_wait3A_332 = arith.constant 0 : i32
    %dma_wait3A_333 = tpu.memref_slice %arg6[%dma_wait3A_330, %dma_wait3A_331, %dma_wait3A_332] : memref<16x32x128xf32, #tpu.memory_space<vmem>> -> memref<1x32x128xf32, #tpu.memory_space<vmem>>
    %dma_wait3A_334 = tpu.memref_squeeze %dma_wait3A_333 : memref<1x32x128xf32, #tpu.memory_space<vmem>> -> memref<32x128xf32, #tpu.memory_space<vmem>>
    %dma_wait3A_335 = arith.constant 0 : i32
    %dma_wait3A_336 = arith.constant 0 : i32
    %dma_wait3A_337 = tpu.memref_slice %arg3[%dma_wait3A_335, %dma_wait3A_336] : memref<32x1000000xf32, #tpu.memory_space<hbm>> -> memref<32x128xf32, #tpu.memory_space<hbm>>
    %dma_wait3A_338 = arith.constant 0 : i32
    %dma_wait3A_339 = arith.constant 0 : i32
    %dma_wait3A_340 = tpu.memref_slice %arg6[%dma_wait3A_330, %dma_wait3A_338, %dma_wait3A_339] : memref<16x32x128xf32, #tpu.memory_space<vmem>> -> memref<1x32x128xf32, #tpu.memory_space<vmem>>
    %dma_wait3A_341 = tpu.memref_squeeze %dma_wait3A_340 : memref<1x32x128xf32, #tpu.memory_space<vmem>> -> memref<32x128xf32, #tpu.memory_space<vmem>>
    %dma_wait3A_342 = arith.constant 0 : i32
    %dma_wait3A_343 = arith.constant 0 : i32
    %dma_wait3A_344 = tpu.memref_slice %arg3[%dma_wait3A_342, %dma_wait3A_343] : memref<32x1000000xf32, #tpu.memory_space<hbm>> -> memref<32x128xf32, #tpu.memory_space<hbm>>
    tpu.wait_dma2 semaphore(%arg8 : memref<!tpu.dma_semaphore, #tpu.memory_space<semaphore_mem>>) src(%dma_wait3A_344 : memref<32x128xf32, #tpu.memory_space<hbm>>) dst(%dma_wait3A_341 : memref<32x128xf32, #tpu.memory_space<vmem>>)
    %slice3A_345 = vector.extract_strided_slice %scan3A_328 {offsets = [0], sizes = [1], strides = [1]} : vector<16xi32> to vector<1xi32>
    %squeeze3A_346 = vector.extract %slice3A_345[0] : i32 from vector<1xi32>
    %and3A = arith.constant 127 : i32
    %and3A_347 = arith.andi %squeeze3A_346, %and3A : i32
    %broadcast_in_dim3A = vector.broadcast %and3A_347 : i32 to vector<16xi32>
    %broadcast_in_dim3A_348 = arith.constant 496 : i32
    %broadcast_in_dim3A_349 = vector.broadcast %broadcast_in_dim3A_348 : i32 to vector<16xi32>
    %gather3A = arith.constant 0 : i32
    %gather3A_350 = arith.constant 0 : i32
    %gather3A_351 = arith.constant 0 : i32
    %gather3A_352 = tpu.memref_slice %arg6[%gather3A, %gather3A_350, %gather3A_351] : memref<16x32x128xf32, #tpu.memory_space<vmem>> -> memref<1x32x128xf32, #tpu.memory_space<vmem>>
    %gather3A_353 = tpu.memref_squeeze %gather3A_352 : memref<1x32x128xf32, #tpu.memory_space<vmem>> -> memref<32x128xf32, #tpu.memory_space<vmem>>
    %gather3A_354 = tpu.vector_load_idx %gather3A_353[%iota3A, %broadcast_in_dim3A] : memref<32x128xf32, #tpu.memory_space<vmem>>[vector<16xi32>, vector<16xi32>], vector<16xf32>,
    %gather3A_355 = arith.constant 0 : i32
    %gather3A_356 = arith.constant 0 : i32
    %gather3A_357 = arith.constant 0 : i32
    %gather3A_358 = tpu.memref_slice %arg6[%gather3A_355, %gather3A_356, %gather3A_357] : memref<16x32x128xf32, #tpu.memory_space<vmem>> -> memref<1x32x128xf32, #tpu.memory_space<vmem>>
    %gather3A_359 = tpu.memref_squeeze %gather3A_358 : memref<1x32x128xf32, #tpu.memory_space<vmem>> -> memref<32x128xf32, #tpu.memory_space<vmem>>
    %gather3A_360 = tpu.vector_load_idx %gather3A_359[%add3A_7, %broadcast_in_dim3A] : memref<32x128xf32, #tpu.memory_space<vmem>>[vector<16xi32>, vector<16xi32>], vector<16xf32>,
    tpu.vector_store_idx %arg7[%iota3A, %broadcast_in_dim3A_349], %gather3A_354 : memref<32x512xf32, #tpu.memory_space<vmem>>[vector<16xi32>, vector<16xi32>], vector<16xf32>,
    tpu.vector_store_idx %arg7[%add3A_7, %broadcast_in_dim3A_349], %gather3A_360 : memref<32x512xf32, #tpu.memory_space<vmem>>[vector<16xi32>, vector<16xi32>], vector<16xf32>,
    %dma_wait3A_361 = arith.constant 0 : i32
    %dma_wait3A_362 = arith.constant 0 : i32
    %dma_wait3A_363 = arith.constant 0 : i32
    %dma_wait3A_364 = tpu.memref_slice %arg6[%dma_wait3A_361, %dma_wait3A_362, %dma_wait3A_363] : memref<16x32x128xf32, #tpu.memory_space<vmem>> -> memref<1x32x128xf32, #tpu.memory_space<vmem>>
    %dma_wait3A_365 = tpu.memref_squeeze %dma_wait3A_364 : memref<1x32x128xf32, #tpu.memory_space<vmem>> -> memref<32x128xf32, #tpu.memory_space<vmem>>
    %dma_wait3A_366 = arith.constant 0 : i32
    %dma_wait3A_367 = arith.constant 0 : i32
    %dma_wait3A_368 = tpu.memref_slice %arg3[%dma_wait3A_366, %dma_wait3A_367] : memref<32x1000000xf32, #tpu.memory_space<hbm>> -> memref<32x128xf32, #tpu.memory_space<hbm>>
    %dma_wait3A_369 = arith.constant 0 : i32
    %dma_wait3A_370 = arith.constant 0 : i32
    %dma_wait3A_371 = tpu.memref_slice %arg6[%dma_wait3A_361, %dma_wait3A_369, %dma_wait3A_370] : memref<16x32x128xf32, #tpu.memory_space<vmem>> -> memref<1x32x128xf32, #tpu.memory_space<vmem>>
    %dma_wait3A_372 = tpu.memref_squeeze %dma_wait3A_371 : memref<1x32x128xf32, #tpu.memory_space<vmem>> -> memref<32x128xf32, #tpu.memory_space<vmem>>
    %dma_wait3A_373 = arith.constant 0 : i32
    %dma_wait3A_374 = arith.constant 0 : i32
    %dma_wait3A_375 = tpu.memref_slice %arg3[%dma_wait3A_373, %dma_wait3A_374] : memref<32x1000000xf32, #tpu.memory_space<hbm>> -> memref<32x128xf32, #tpu.memory_space<hbm>>
    tpu.wait_dma2 semaphore(%arg8 : memref<!tpu.dma_semaphore, #tpu.memory_space<semaphore_mem>>) src(%dma_wait3A_375 : memref<32x128xf32, #tpu.memory_space<hbm>>) dst(%dma_wait3A_372 : memref<32x128xf32, #tpu.memory_space<vmem>>)
    %slice3A_376 = vector.extract_strided_slice %scan3A_328 {offsets = [1], sizes = [1], strides = [1]} : vector<16xi32> to vector<1xi32>
    %squeeze3A_377 = vector.extract %slice3A_376[0] : i32 from vector<1xi32>
    %and3A_378 = arith.constant 127 : i32
    %and3A_379 = arith.andi %squeeze3A_377, %and3A_378 : i32
    %broadcast_in_dim3A_380 = vector.broadcast %and3A_379 : i32 to vector<16xi32>
    %broadcast_in_dim3A_381 = arith.constant 497 : i32
    %broadcast_in_dim3A_382 = vector.broadcast %broadcast_in_dim3A_381 : i32 to vector<16xi32>
    %gather3A_383 = arith.constant 1 : i32
    %gather3A_384 = arith.constant 0 : i32
    %gather3A_385 = arith.constant 0 : i32
    %gather3A_386 = tpu.memref_slice %arg6[%gather3A_383, %gather3A_384, %gather3A_385] : memref<16x32x128xf32, #tpu.memory_space<vmem>> -> memref<1x32x128xf32, #tpu.memory_space<vmem>>
    %gather3A_387 = tpu.memref_squeeze %gather3A_386 : memref<1x32x128xf32, #tpu.memory_space<vmem>> -> memref<32x128xf32, #tpu.memory_space<vmem>>
    %gather3A_388 = tpu.vector_load_idx %gather3A_387[%iota3A, %broadcast_in_dim3A_380] : memref<32x128xf32, #tpu.memory_space<vmem>>[vector<16xi32>, vector<16xi32>], vector<16xf32>,
    %gather3A_389 = arith.constant 1 : i32
    %gather3A_390 = arith.constant 0 : i32
    %gather3A_391 = arith.constant 0 : i32
    %gather3A_392 = tpu.memref_slice %arg6[%gather3A_389, %gather3A_390, %gather3A_391] : memref<16x32x128xf32, #tpu.memory_space<vmem>> -> memref<1x32x128xf32, #tpu.memory_space<vmem>>
    %gather3A_393 = tpu.memref_squeeze %gather3A_392 : memref<1x32x128xf32, #tpu.memory_space<vmem>> -> memref<32x128xf32, #tpu.memory_space<vmem>>
    %gather3A_394 = tpu.vector_load_idx %gather3A_393[%add3A_7, %broadcast_in_dim3A_380] : memref<32x128xf32, #tpu.memory_space<vmem>>[vector<16xi32>, vector<16xi32>], vector<16xf32>,
    tpu.vector_store_idx %arg7[%iota3A, %broadcast_in_dim3A_382], %gather3A_388 : memref<32x512xf32, #tpu.memory_space<vmem>>[vector<16xi32>, vector<16xi32>], vector<16xf32>,
    tpu.vector_store_idx %arg7[%add3A_7, %broadcast_in_dim3A_382], %gather3A_394 : memref<32x512xf32, #tpu.memory_space<vmem>>[vector<16xi32>, vector<16xi32>], vector<16xf32>,
    %dma_wait3A_395 = arith.constant 0 : i32
    %dma_wait3A_396 = arith.constant 0 : i32
    %dma_wait3A_397 = arith.constant 0 : i32
    %dma_wait3A_398 = tpu.memref_slice %arg6[%dma_wait3A_395, %dma_wait3A_396, %dma_wait3A_397] : memref<16x32x128xf32, #tpu.memory_space<vmem>> -> memref<1x32x128xf32, #tpu.memory_space<vmem>>
    %dma_wait3A_399 = tpu.memref_squeeze %dma_wait3A_398 : memref<1x32x128xf32, #tpu.memory_space<vmem>> -> memref<32x128xf32, #tpu.memory_space<vmem>>
    %dma_wait3A_400 = arith.constant 0 : i32
    %dma_wait3A_401 = arith.constant 0 : i32
    %dma_wait3A_402 = tpu.memref_slice %arg3[%dma_wait3A_400, %dma_wait3A_401] : memref<32x1000000xf32, #tpu.memory_space<hbm>> -> memref<32x128xf32, #tpu.memory_space<hbm>>
    %dma_wait3A_403 = arith.constant 0 : i32
    %dma_wait3A_404 = arith.constant 0 : i32
    %dma_wait3A_405 = tpu.memref_slice %arg6[%dma_wait3A_395, %dma_wait3A_403, %dma_wait3A_404] : memref<16x32x128xf32, #tpu.memory_space<vmem>> -> memref<1x32x128xf32, #tpu.memory_space<vmem>>
    %dma_wait3A_406 = tpu.memref_squeeze %dma_wait3A_405 : memref<1x32x128xf32, #tpu.memory_space<vmem>> -> memref<32x128xf32, #tpu.memory_space<vmem>>
    %dma_wait3A_407 = arith.constant 0 : i32
    %dma_wait3A_408 = arith.constant 0 : i32
    %dma_wait3A_409 = tpu.memref_slice %arg3[%dma_wait3A_407, %dma_wait3A_408] : memref<32x1000000xf32, #tpu.memory_space<hbm>> -> memref<32x128xf32, #tpu.memory_space<hbm>>
    tpu.wait_dma2 semaphore(%arg8 : memref<!tpu.dma_semaphore, #tpu.memory_space<semaphore_mem>>) src(%dma_wait3A_409 : memref<32x128xf32, #tpu.memory_space<hbm>>) dst(%dma_wait3A_406 : memref<32x128xf32, #tpu.memory_space<vmem>>)
    %slice3A_410 = vector.extract_strided_slice %scan3A_328 {offsets = [2], sizes = [1], strides = [1]} : vector<16xi32> to vector<1xi32>
    %squeeze3A_411 = vector.extract %slice3A_410[0] : i32 from vector<1xi32>
    %and3A_412 = arith.constant 127 : i32
    %and3A_413 = arith.andi %squeeze3A_411, %and3A_412 : i32
    %broadcast_in_dim3A_414 = vector.broadcast %and3A_413 : i32 to vector<16xi32>
    %broadcast_in_dim3A_415 = arith.constant 498 : i32
    %broadcast_in_dim3A_416 = vector.broadcast %broadcast_in_dim3A_415 : i32 to vector<16xi32>
    %gather3A_417 = arith.constant 2 : i32
    %gather3A_418 = arith.constant 0 : i32
    %gather3A_419 = arith.constant 0 : i32
    %gather3A_420 = tpu.memref_slice %arg6[%gather3A_417, %gather3A_418, %gather3A_419] : memref<16x32x128xf32, #tpu.memory_space<vmem>> -> memref<1x32x128xf32, #tpu.memory_space<vmem>>
    %gather3A_421 = tpu.memref_squeeze %gather3A_420 : memref<1x32x128xf32, #tpu.memory_space<vmem>> -> memref<32x128xf32, #tpu.memory_space<vmem>>
    %gather3A_422 = tpu.vector_load_idx %gather3A_421[%iota3A, %broadcast_in_dim3A_414] : memref<32x128xf32, #tpu.memory_space<vmem>>[vector<16xi32>, vector<16xi32>], vector<16xf32>,
    %gather3A_423 = arith.constant 2 : i32
    %gather3A_424 = arith.constant 0 : i32
    %gather3A_425 = arith.constant 0 : i32
    %gather3A_426 = tpu.memref_slice %arg6[%gather3A_423, %gather3A_424, %gather3A_425] : memref<16x32x128xf32, #tpu.memory_space<vmem>> -> memref<1x32x128xf32, #tpu.memory_space<vmem>>
    %gather3A_427 = tpu.memref_squeeze %gather3A_426 : memref<1x32x128xf32, #tpu.memory_space<vmem>> -> memref<32x128xf32, #tpu.memory_space<vmem>>
    %gather3A_428 = tpu.vector_load_idx %gather3A_427[%add3A_7, %broadcast_in_dim3A_414] : memref<32x128xf32, #tpu.memory_space<vmem>>[vector<16xi32>, vector<16xi32>], vector<16xf32>,
    tpu.vector_store_idx %arg7[%iota3A, %broadcast_in_dim3A_416], %gather3A_422 : memref<32x512xf32, #tpu.memory_space<vmem>>[vector<16xi32>, vector<16xi32>], vector<16xf32>,
    tpu.vector_store_idx %arg7[%add3A_7, %broadcast_in_dim3A_416], %gather3A_428 : memref<32x512xf32, #tpu.memory_space<vmem>>[vector<16xi32>, vector<16xi32>], vector<16xf32>,
    %dma_wait3A_429 = arith.constant 0 : i32
    %dma_wait3A_430 = arith.constant 0 : i32
    %dma_wait3A_431 = arith.constant 0 : i32
    %dma_wait3A_432 = tpu.memref_slice %arg6[%dma_wait3A_429, %dma_wait3A_430, %dma_wait3A_431] : memref<16x32x128xf32, #tpu.memory_space<vmem>> -> memref<1x32x128xf32, #tpu.memory_space<vmem>>
    %dma_wait3A_433 = tpu.memref_squeeze %dma_wait3A_432 : memref<1x32x128xf32, #tpu.memory_space<vmem>> -> memref<32x128xf32, #tpu.memory_space<vmem>>
    %dma_wait3A_434 = arith.constant 0 : i32
    %dma_wait3A_435 = arith.constant 0 : i32
    %dma_wait3A_436 = tpu.memref_slice %arg3[%dma_wait3A_434, %dma_wait3A_435] : memref<32x1000000xf32, #tpu.memory_space<hbm>> -> memref<32x128xf32, #tpu.memory_space<hbm>>
    %dma_wait3A_437 = arith.constant 0 : i32
    %dma_wait3A_438 = arith.constant 0 : i32
    %dma_wait3A_439 = tpu.memref_slice %arg6[%dma_wait3A_429, %dma_wait3A_437, %dma_wait3A_438] : memref<16x32x128xf32, #tpu.memory_space<vmem>> -> memref<1x32x128xf32, #tpu.memory_space<vmem>>
    %dma_wait3A_440 = tpu.memref_squeeze %dma_wait3A_439 : memref<1x32x128xf32, #tpu.memory_space<vmem>> -> memref<32x128xf32, #tpu.memory_space<vmem>>
    %dma_wait3A_441 = arith.constant 0 : i32
    %dma_wait3A_442 = arith.constant 0 : i32
    %dma_wait3A_443 = tpu.memref_slice %arg3[%dma_wait3A_441, %dma_wait3A_442] : memref<32x1000000xf32, #tpu.memory_space<hbm>> -> memref<32x128xf32, #tpu.memory_space<hbm>>
    tpu.wait_dma2 semaphore(%arg8 : memref<!tpu.dma_semaphore, #tpu.memory_space<semaphore_mem>>) src(%dma_wait3A_443 : memref<32x128xf32, #tpu.memory_space<hbm>>) dst(%dma_wait3A_440 : memref<32x128xf32, #tpu.memory_space<vmem>>)
    %slice3A_444 = vector.extract_strided_slice %scan3A_328 {offsets = [3], sizes = [1], strides = [1]} : vector<16xi32> to vector<1xi32>
    %squeeze3A_445 = vector.extract %slice3A_444[0] : i32 from vector<1xi32>
    %and3A_446 = arith.constant 127 : i32
    %and3A_447 = arith.andi %squeeze3A_445, %and3A_446 : i32
    %broadcast_in_dim3A_448 = vector.broadcast %and3A_447 : i32 to vector<16xi32>
    %broadcast_in_dim3A_449 = arith.constant 499 : i32
    %broadcast_in_dim3A_450 = vector.broadcast %broadcast_in_dim3A_449 : i32 to vector<16xi32>
    %gather3A_451 = arith.constant 3 : i32
    %gather3A_452 = arith.constant 0 : i32
    %gather3A_453 = arith.constant 0 : i32
    %gather3A_454 = tpu.memref_slice %arg6[%gather3A_451, %gather3A_452, %gather3A_453] : memref<16x32x128xf32, #tpu.memory_space<vmem>> -> memref<1x32x128xf32, #tpu.memory_space<vmem>>
    %gather3A_455 = tpu.memref_squeeze %gather3A_454 : memref<1x32x128xf32, #tpu.memory_space<vmem>> -> memref<32x128xf32, #tpu.memory_space<vmem>>
    %gather3A_456 = tpu.vector_load_idx %gather3A_455[%iota3A, %broadcast_in_dim3A_448] : memref<32x128xf32, #tpu.memory_space<vmem>>[vector<16xi32>, vector<16xi32>], vector<16xf32>,
    %gather3A_457 = arith.constant 3 : i32
    %gather3A_458 = arith.constant 0 : i32
    %gather3A_459 = arith.constant 0 : i32
    %gather3A_460 = tpu.memref_slice %arg6[%gather3A_457, %gather3A_458, %gather3A_459] : memref<16x32x128xf32, #tpu.memory_space<vmem>> -> memref<1x32x128xf32, #tpu.memory_space<vmem>>
    %gather3A_461 = tpu.memref_squeeze %gather3A_460 : memref<1x32x128xf32, #tpu.memory_space<vmem>> -> memref<32x128xf32, #tpu.memory_space<vmem>>
    %gather3A_462 = tpu.vector_load_idx %gather3A_461[%add3A_7, %broadcast_in_dim3A_448] : memref<32x128xf32, #tpu.memory_space<vmem>>[vector<16xi32>, vector<16xi32>], vector<16xf32>,
    tpu.vector_store_idx %arg7[%iota3A, %broadcast_in_dim3A_450], %gather3A_456 : memref<32x512xf32, #tpu.memory_space<vmem>>[vector<16xi32>, vector<16xi32>], vector<16xf32>,
    tpu.vector_store_idx %arg7[%add3A_7, %broadcast_in_dim3A_450], %gather3A_462 : memref<32x512xf32, #tpu.memory_space<vmem>>[vector<16xi32>, vector<16xi32>], vector<16xf32>,
    %dma_wait3A_463 = arith.constant 0 : i32
    %dma_wait3A_464 = arith.constant 0 : i32
    %dma_wait3A_465 = arith.constant 0 : i32
    %dma_wait3A_466 = tpu.memref_slice %arg6[%dma_wait3A_463, %dma_wait3A_464, %dma_wait3A_465] : memref<16x32x128xf32, #tpu.memory_space<vmem>> -> memref<1x32x128xf32, #tpu.memory_space<vmem>>
    %dma_wait3A_467 = tpu.memref_squeeze %dma_wait3A_466 : memref<1x32x128xf32, #tpu.memory_space<vmem>> -> memref<32x128xf32, #tpu.memory_space<vmem>>
    %dma_wait3A_468 = arith.constant 0 : i32
    %dma_wait3A_469 = arith.constant 0 : i32
    %dma_wait3A_470 = tpu.memref_slice %arg3[%dma_wait3A_468, %dma_wait3A_469] : memref<32x1000000xf32, #tpu.memory_space<hbm>> -> memref<32x128xf32, #tpu.memory_space<hbm>>
    %dma_wait3A_471 = arith.constant 0 : i32
    %dma_wait3A_472 = arith.constant 0 : i32
    %dma_wait3A_473 = tpu.memref_slice %arg6[%dma_wait3A_463, %dma_wait3A_471, %dma_wait3A_472] : memref<16x32x128xf32, #tpu.memory_space<vmem>> -> memref<1x32x128xf32, #tpu.memory_space<vmem>>
    %dma_wait3A_474 = tpu.memref_squeeze %dma_wait3A_473 : memref<1x32x128xf32, #tpu.memory_space<vmem>> -> memref<32x128xf32, #tpu.memory_space<vmem>>
    %dma_wait3A_475 = arith.constant 0 : i32
    %dma_wait3A_476 = arith.constant 0 : i32
    %dma_wait3A_477 = tpu.memref_slice %arg3[%dma_wait3A_475, %dma_wait3A_476] : memref<32x1000000xf32, #tpu.memory_space<hbm>> -> memref<32x128xf32, #tpu.memory_space<hbm>>
    tpu.wait_dma2 semaphore(%arg8 : memref<!tpu.dma_semaphore, #tpu.memory_space<semaphore_mem>>) src(%dma_wait3A_477 : memref<32x128xf32, #tpu.memory_space<hbm>>) dst(%dma_wait3A_474 : memref<32x128xf32, #tpu.memory_space<vmem>>)
    %slice3A_478 = vector.extract_strided_slice %scan3A_328 {offsets = [4], sizes = [1], strides = [1]} : vector<16xi32> to vector<1xi32>
    %squeeze3A_479 = vector.extract %slice3A_478[0] : i32 from vector<1xi32>
    %and3A_480 = arith.constant 127 : i32
    %and3A_481 = arith.andi %squeeze3A_479, %and3A_480 : i32
    %broadcast_in_dim3A_482 = vector.broadcast %and3A_481 : i32 to vector<16xi32>
    %broadcast_in_dim3A_483 = arith.constant 500 : i32
    %broadcast_in_dim3A_484 = vector.broadcast %broadcast_in_dim3A_483 : i32 to vector<16xi32>
    %gather3A_485 = arith.constant 4 : i32
    %gather3A_486 = arith.constant 0 : i32
    %gather3A_487 = arith.constant 0 : i32
    %gather3A_488 = tpu.memref_slice %arg6[%gather3A_485, %gather3A_486, %gather3A_487] : memref<16x32x128xf32, #tpu.memory_space<vmem>> -> memref<1x32x128xf32, #tpu.memory_space<vmem>>
    %gather3A_489 = tpu.memref_squeeze %gather3A_488 : memref<1x32x128xf32, #tpu.memory_space<vmem>> -> memref<32x128xf32, #tpu.memory_space<vmem>>
    %gather3A_490 = tpu.vector_load_idx %gather3A_489[%iota3A, %broadcast_in_dim3A_482] : memref<32x128xf32, #tpu.memory_space<vmem>>[vector<16xi32>, vector<16xi32>], vector<16xf32>,
    %gather3A_491 = arith.constant 4 : i32
    %gather3A_492 = arith.constant 0 : i32
    %gather3A_493 = arith.constant 0 : i32
    %gather3A_494 = tpu.memref_slice %arg6[%gather3A_491, %gather3A_492, %gather3A_493] : memref<16x32x128xf32, #tpu.memory_space<vmem>> -> memref<1x32x128xf32, #tpu.memory_space<vmem>>
    %gather3A_495 = tpu.memref_squeeze %gather3A_494 : memref<1x32x128xf32, #tpu.memory_space<vmem>> -> memref<32x128xf32, #tpu.memory_space<vmem>>
    %gather3A_496 = tpu.vector_load_idx %gather3A_495[%add3A_7, %broadcast_in_dim3A_482] : memref<32x128xf32, #tpu.memory_space<vmem>>[vector<16xi32>, vector<16xi32>], vector<16xf32>,
    tpu.vector_store_idx %arg7[%iota3A, %broadcast_in_dim3A_484], %gather3A_490 : memref<32x512xf32, #tpu.memory_space<vmem>>[vector<16xi32>, vector<16xi32>], vector<16xf32>,
    tpu.vector_store_idx %arg7[%add3A_7, %broadcast_in_dim3A_484], %gather3A_496 : memref<32x512xf32, #tpu.memory_space<vmem>>[vector<16xi32>, vector<16xi32>], vector<16xf32>,
    %dma_wait3A_497 = arith.constant 0 : i32
    %dma_wait3A_498 = arith.constant 0 : i32
    %dma_wait3A_499 = arith.constant 0 : i32
    %dma_wait3A_500 = tpu.memref_slice %arg6[%dma_wait3A_497, %dma_wait3A_498, %dma_wait3A_499] : memref<16x32x128xf32, #tpu.memory_space<vmem>> -> memref<1x32x128xf32, #tpu.memory_space<vmem>>
    %dma_wait3A_501 = tpu.memref_squeeze %dma_wait3A_500 : memref<1x32x128xf32, #tpu.memory_space<vmem>> -> memref<32x128xf32, #tpu.memory_space<vmem>>
    %dma_wait3A_502 = arith.constant 0 : i32
    %dma_wait3A_503 = arith.constant 0 : i32
    %dma_wait3A_504 = tpu.memref_slice %arg3[%dma_wait3A_502, %dma_wait3A_503] : memref<32x1000000xf32, #tpu.memory_space<hbm>> -> memref<32x128xf32, #tpu.memory_space<hbm>>
    %dma_wait3A_505 = arith.constant 0 : i32
    %dma_wait3A_506 = arith.constant 0 : i32
    %dma_wait3A_507 = tpu.memref_slice %arg6[%dma_wait3A_497, %dma_wait3A_505, %dma_wait3A_506] : memref<16x32x128xf32, #tpu.memory_space<vmem>> -> memref<1x32x128xf32, #tpu.memory_space<vmem>>
    %dma_wait3A_508 = tpu.memref_squeeze %dma_wait3A_507 : memref<1x32x128xf32, #tpu.memory_space<vmem>> -> memref<32x128xf32, #tpu.memory_space<vmem>>
    %dma_wait3A_509 = arith.constant 0 : i32
    %dma_wait3A_510 = arith.constant 0 : i32
    %dma_wait3A_511 = tpu.memref_slice %arg3[%dma_wait3A_509, %dma_wait3A_510] : memref<32x1000000xf32, #tpu.memory_space<hbm>> -> memref<32x128xf32, #tpu.memory_space<hbm>>
    tpu.wait_dma2 semaphore(%arg8 : memref<!tpu.dma_semaphore, #tpu.memory_space<semaphore_mem>>) src(%dma_wait3A_511 : memref<32x128xf32, #tpu.memory_space<hbm>>) dst(%dma_wait3A_508 : memref<32x128xf32, #tpu.memory_space<vmem>>)
    %slice3A_512 = vector.extract_strided_slice %scan3A_328 {offsets = [5], sizes = [1], strides = [1]} : vector<16xi32> to vector<1xi32>
    %squeeze3A_513 = vector.extract %slice3A_512[0] : i32 from vector<1xi32>
    %and3A_514 = arith.constant 127 : i32
    %and3A_515 = arith.andi %squeeze3A_513, %and3A_514 : i32
    %broadcast_in_dim3A_516 = vector.broadcast %and3A_515 : i32 to vector<16xi32>
    %broadcast_in_dim3A_517 = arith.constant 501 : i32
    %broadcast_in_dim3A_518 = vector.broadcast %broadcast_in_dim3A_517 : i32 to vector<16xi32>
    %gather3A_519 = arith.constant 5 : i32
    %gather3A_520 = arith.constant 0 : i32
    %gather3A_521 = arith.constant 0 : i32
    %gather3A_522 = tpu.memref_slice %arg6[%gather3A_519, %gather3A_520, %gather3A_521] : memref<16x32x128xf32, #tpu.memory_space<vmem>> -> memref<1x32x128xf32, #tpu.memory_space<vmem>>
    %gather3A_523 = tpu.memref_squeeze %gather3A_522 : memref<1x32x128xf32, #tpu.memory_space<vmem>> -> memref<32x128xf32, #tpu.memory_space<vmem>>
    %gather3A_524 = tpu.vector_load_idx %gather3A_523[%iota3A, %broadcast_in_dim3A_516] : memref<32x128xf32, #tpu.memory_space<vmem>>[vector<16xi32>, vector<16xi32>], vector<16xf32>,
    %gather3A_525 = arith.constant 5 : i32
    %gather3A_526 = arith.constant 0 : i32
    %gather3A_527 = arith.constant 0 : i32
    %gather3A_528 = tpu.memref_slice %arg6[%gather3A_525, %gather3A_526, %gather3A_527] : memref<16x32x128xf32, #tpu.memory_space<vmem>> -> memref<1x32x128xf32, #tpu.memory_space<vmem>>
    %gather3A_529 = tpu.memref_squeeze %gather3A_528 : memref<1x32x128xf32, #tpu.memory_space<vmem>> -> memref<32x128xf32, #tpu.memory_space<vmem>>
    %gather3A_530 = tpu.vector_load_idx %gather3A_529[%add3A_7, %broadcast_in_dim3A_516] : memref<32x128xf32, #tpu.memory_space<vmem>>[vector<16xi32>, vector<16xi32>], vector<16xf32>,
    tpu.vector_store_idx %arg7[%iota3A, %broadcast_in_dim3A_518], %gather3A_524 : memref<32x512xf32, #tpu.memory_space<vmem>>[vector<16xi32>, vector<16xi32>], vector<16xf32>,
    tpu.vector_store_idx %arg7[%add3A_7, %broadcast_in_dim3A_518], %gather3A_530 : memref<32x512xf32, #tpu.memory_space<vmem>>[vector<16xi32>, vector<16xi32>], vector<16xf32>,
    %dma_wait3A_531 = arith.constant 0 : i32
    %dma_wait3A_532 = arith.constant 0 : i32
    %dma_wait3A_533 = arith.constant 0 : i32
    %dma_wait3A_534 = tpu.memref_slice %arg6[%dma_wait3A_531, %dma_wait3A_532, %dma_wait3A_533] : memref<16x32x128xf32, #tpu.memory_space<vmem>> -> memref<1x32x128xf32, #tpu.memory_space<vmem>>
    %dma_wait3A_535 = tpu.memref_squeeze %dma_wait3A_534 : memref<1x32x128xf32, #tpu.memory_space<vmem>> -> memref<32x128xf32, #tpu.memory_space<vmem>>
    %dma_wait3A_536 = arith.constant 0 : i32
    %dma_wait3A_537 = arith.constant 0 : i32
    %dma_wait3A_538 = tpu.memref_slice %arg3[%dma_wait3A_536, %dma_wait3A_537] : memref<32x1000000xf32, #tpu.memory_space<hbm>> -> memref<32x128xf32, #tpu.memory_space<hbm>>
    %dma_wait3A_539 = arith.constant 0 : i32
    %dma_wait3A_540 = arith.constant 0 : i32
    %dma_wait3A_541 = tpu.memref_slice %arg6[%dma_wait3A_531, %dma_wait3A_539, %dma_wait3A_540] : memref<16x32x128xf32, #tpu.memory_space<vmem>> -> memref<1x32x128xf32, #tpu.memory_space<vmem>>
    %dma_wait3A_542 = tpu.memref_squeeze %dma_wait3A_541 : memref<1x32x128xf32, #tpu.memory_space<vmem>> -> memref<32x128xf32, #tpu.memory_space<vmem>>
    %dma_wait3A_543 = arith.constant 0 : i32
    %dma_wait3A_544 = arith.constant 0 : i32
    %dma_wait3A_545 = tpu.memref_slice %arg3[%dma_wait3A_543, %dma_wait3A_544] : memref<32x1000000xf32, #tpu.memory_space<hbm>> -> memref<32x128xf32, #tpu.memory_space<hbm>>
    tpu.wait_dma2 semaphore(%arg8 : memref<!tpu.dma_semaphore, #tpu.memory_space<semaphore_mem>>) src(%dma_wait3A_545 : memref<32x128xf32, #tpu.memory_space<hbm>>) dst(%dma_wait3A_542 : memref<32x128xf32, #tpu.memory_space<vmem>>)
    %slice3A_546 = vector.extract_strided_slice %scan3A_328 {offsets = [6], sizes = [1], strides = [1]} : vector<16xi32> to vector<1xi32>
    %squeeze3A_547 = vector.extract %slice3A_546[0] : i32 from vector<1xi32>
    %and3A_548 = arith.constant 127 : i32
    %and3A_549 = arith.andi %squeeze3A_547, %and3A_548 : i32
    %broadcast_in_dim3A_550 = vector.broadcast %and3A_549 : i32 to vector<16xi32>
    %broadcast_in_dim3A_551 = arith.constant 502 : i32
    %broadcast_in_dim3A_552 = vector.broadcast %broadcast_in_dim3A_551 : i32 to vector<16xi32>
    %gather3A_553 = arith.constant 6 : i32
    %gather3A_554 = arith.constant 0 : i32
    %gather3A_555 = arith.constant 0 : i32
    %gather3A_556 = tpu.memref_slice %arg6[%gather3A_553, %gather3A_554, %gather3A_555] : memref<16x32x128xf32, #tpu.memory_space<vmem>> -> memref<1x32x128xf32, #tpu.memory_space<vmem>>
    %gather3A_557 = tpu.memref_squeeze %gather3A_556 : memref<1x32x128xf32, #tpu.memory_space<vmem>> -> memref<32x128xf32, #tpu.memory_space<vmem>>
    %gather3A_558 = tpu.vector_load_idx %gather3A_557[%iota3A, %broadcast_in_dim3A_550] : memref<32x128xf32, #tpu.memory_space<vmem>>[vector<16xi32>, vector<16xi32>], vector<16xf32>,
    %gather3A_559 = arith.constant 6 : i32
    %gather3A_560 = arith.constant 0 : i32
    %gather3A_561 = arith.constant 0 : i32
    %gather3A_562 = tpu.memref_slice %arg6[%gather3A_559, %gather3A_560, %gather3A_561] : memref<16x32x128xf32, #tpu.memory_space<vmem>> -> memref<1x32x128xf32, #tpu.memory_space<vmem>>
    %gather3A_563 = tpu.memref_squeeze %gather3A_562 : memref<1x32x128xf32, #tpu.memory_space<vmem>> -> memref<32x128xf32, #tpu.memory_space<vmem>>
    %gather3A_564 = tpu.vector_load_idx %gather3A_563[%add3A_7, %broadcast_in_dim3A_550] : memref<32x128xf32, #tpu.memory_space<vmem>>[vector<16xi32>, vector<16xi32>], vector<16xf32>,
    tpu.vector_store_idx %arg7[%iota3A, %broadcast_in_dim3A_552], %gather3A_558 : memref<32x512xf32, #tpu.memory_space<vmem>>[vector<16xi32>, vector<16xi32>], vector<16xf32>,
    tpu.vector_store_idx %arg7[%add3A_7, %broadcast_in_dim3A_552], %gather3A_564 : memref<32x512xf32, #tpu.memory_space<vmem>>[vector<16xi32>, vector<16xi32>], vector<16xf32>,
    %dma_wait3A_565 = arith.constant 0 : i32
    %dma_wait3A_566 = arith.constant 0 : i32
    %dma_wait3A_567 = arith.constant 0 : i32
    %dma_wait3A_568 = tpu.memref_slice %arg6[%dma_wait3A_565, %dma_wait3A_566, %dma_wait3A_567] : memref<16x32x128xf32, #tpu.memory_space<vmem>> -> memref<1x32x128xf32, #tpu.memory_space<vmem>>
    %dma_wait3A_569 = tpu.memref_squeeze %dma_wait3A_568 : memref<1x32x128xf32, #tpu.memory_space<vmem>> -> memref<32x128xf32, #tpu.memory_space<vmem>>
    %dma_wait3A_570 = arith.constant 0 : i32
    %dma_wait3A_571 = arith.constant 0 : i32
    %dma_wait3A_572 = tpu.memref_slice %arg3[%dma_wait3A_570, %dma_wait3A_571] : memref<32x1000000xf32, #tpu.memory_space<hbm>> -> memref<32x128xf32, #tpu.memory_space<hbm>>
    %dma_wait3A_573 = arith.constant 0 : i32
    %dma_wait3A_574 = arith.constant 0 : i32
    %dma_wait3A_575 = tpu.memref_slice %arg6[%dma_wait3A_565, %dma_wait3A_573, %dma_wait3A_574] : memref<16x32x128xf32, #tpu.memory_space<vmem>> -> memref<1x32x128xf32, #tpu.memory_space<vmem>>
    %dma_wait3A_576 = tpu.memref_squeeze %dma_wait3A_575 : memref<1x32x128xf32, #tpu.memory_space<vmem>> -> memref<32x128xf32, #tpu.memory_space<vmem>>
    %dma_wait3A_577 = arith.constant 0 : i32
    %dma_wait3A_578 = arith.constant 0 : i32
    %dma_wait3A_579 = tpu.memref_slice %arg3[%dma_wait3A_577, %dma_wait3A_578] : memref<32x1000000xf32, #tpu.memory_space<hbm>> -> memref<32x128xf32, #tpu.memory_space<hbm>>
    tpu.wait_dma2 semaphore(%arg8 : memref<!tpu.dma_semaphore, #tpu.memory_space<semaphore_mem>>) src(%dma_wait3A_579 : memref<32x128xf32, #tpu.memory_space<hbm>>) dst(%dma_wait3A_576 : memref<32x128xf32, #tpu.memory_space<vmem>>)
    %slice3A_580 = vector.extract_strided_slice %scan3A_328 {offsets = [7], sizes = [1], strides = [1]} : vector<16xi32> to vector<1xi32>
    %squeeze3A_581 = vector.extract %slice3A_580[0] : i32 from vector<1xi32>
    %and3A_582 = arith.constant 127 : i32
    %and3A_583 = arith.andi %squeeze3A_581, %and3A_582 : i32
    %broadcast_in_dim3A_584 = vector.broadcast %and3A_583 : i32 to vector<16xi32>
    %broadcast_in_dim3A_585 = arith.constant 503 : i32
    %broadcast_in_dim3A_586 = vector.broadcast %broadcast_in_dim3A_585 : i32 to vector<16xi32>
    %gather3A_587 = arith.constant 7 : i32
    %gather3A_588 = arith.constant 0 : i32
    %gather3A_589 = arith.constant 0 : i32
    %gather3A_590 = tpu.memref_slice %arg6[%gather3A_587, %gather3A_588, %gather3A_589] : memref<16x32x128xf32, #tpu.memory_space<vmem>> -> memref<1x32x128xf32, #tpu.memory_space<vmem>>
    %gather3A_591 = tpu.memref_squeeze %gather3A_590 : memref<1x32x128xf32, #tpu.memory_space<vmem>> -> memref<32x128xf32, #tpu.memory_space<vmem>>
    %gather3A_592 = tpu.vector_load_idx %gather3A_591[%iota3A, %broadcast_in_dim3A_584] : memref<32x128xf32, #tpu.memory_space<vmem>>[vector<16xi32>, vector<16xi32>], vector<16xf32>,
    %gather3A_593 = arith.constant 7 : i32
    %gather3A_594 = arith.constant 0 : i32
    %gather3A_595 = arith.constant 0 : i32
    %gather3A_596 = tpu.memref_slice %arg6[%gather3A_593, %gather3A_594, %gather3A_595] : memref<16x32x128xf32, #tpu.memory_space<vmem>> -> memref<1x32x128xf32, #tpu.memory_space<vmem>>
    %gather3A_597 = tpu.memref_squeeze %gather3A_596 : memref<1x32x128xf32, #tpu.memory_space<vmem>> -> memref<32x128xf32, #tpu.memory_space<vmem>>
    %gather3A_598 = tpu.vector_load_idx %gather3A_597[%add3A_7, %broadcast_in_dim3A_584] : memref<32x128xf32, #tpu.memory_space<vmem>>[vector<16xi32>, vector<16xi32>], vector<16xf32>,
    tpu.vector_store_idx %arg7[%iota3A, %broadcast_in_dim3A_586], %gather3A_592 : memref<32x512xf32, #tpu.memory_space<vmem>>[vector<16xi32>, vector<16xi32>], vector<16xf32>,
    tpu.vector_store_idx %arg7[%add3A_7, %broadcast_in_dim3A_586], %gather3A_598 : memref<32x512xf32, #tpu.memory_space<vmem>>[vector<16xi32>, vector<16xi32>], vector<16xf32>,
    %dma_wait3A_599 = arith.constant 0 : i32
    %dma_wait3A_600 = arith.constant 0 : i32
    %dma_wait3A_601 = arith.constant 0 : i32
    %dma_wait3A_602 = tpu.memref_slice %arg6[%dma_wait3A_599, %dma_wait3A_600, %dma_wait3A_601] : memref<16x32x128xf32, #tpu.memory_space<vmem>> -> memref<1x32x128xf32, #tpu.memory_space<vmem>>
    %dma_wait3A_603 = tpu.memref_squeeze %dma_wait3A_602 : memref<1x32x128xf32, #tpu.memory_space<vmem>> -> memref<32x128xf32, #tpu.memory_space<vmem>>
    %dma_wait3A_604 = arith.constant 0 : i32
    %dma_wait3A_605 = arith.constant 0 : i32
    %dma_wait3A_606 = tpu.memref_slice %arg3[%dma_wait3A_604, %dma_wait3A_605] : memref<32x1000000xf32, #tpu.memory_space<hbm>> -> memref<32x128xf32, #tpu.memory_space<hbm>>
    %dma_wait3A_607 = arith.constant 0 : i32
    %dma_wait3A_608 = arith.constant 0 : i32
    %dma_wait3A_609 = tpu.memref_slice %arg6[%dma_wait3A_599, %dma_wait3A_607, %dma_wait3A_608] : memref<16x32x128xf32, #tpu.memory_space<vmem>> -> memref<1x32x128xf32, #tpu.memory_space<vmem>>
    %dma_wait3A_610 = tpu.memref_squeeze %dma_wait3A_609 : memref<1x32x128xf32, #tpu.memory_space<vmem>> -> memref<32x128xf32, #tpu.memory_space<vmem>>
    %dma_wait3A_611 = arith.constant 0 : i32
    %dma_wait3A_612 = arith.constant 0 : i32
    %dma_wait3A_613 = tpu.memref_slice %arg3[%dma_wait3A_611, %dma_wait3A_612] : memref<32x1000000xf32, #tpu.memory_space<hbm>> -> memref<32x128xf32, #tpu.memory_space<hbm>>
    tpu.wait_dma2 semaphore(%arg8 : memref<!tpu.dma_semaphore, #tpu.memory_space<semaphore_mem>>) src(%dma_wait3A_613 : memref<32x128xf32, #tpu.memory_space<hbm>>) dst(%dma_wait3A_610 : memref<32x128xf32, #tpu.memory_space<vmem>>)
    %slice3A_614 = vector.extract_strided_slice %scan3A_328 {offsets = [8], sizes = [1], strides = [1]} : vector<16xi32> to vector<1xi32>
    %squeeze3A_615 = vector.extract %slice3A_614[0] : i32 from vector<1xi32>
    %and3A_616 = arith.constant 127 : i32
    %and3A_617 = arith.andi %squeeze3A_615, %and3A_616 : i32
    %broadcast_in_dim3A_618 = vector.broadcast %and3A_617 : i32 to vector<16xi32>
    %broadcast_in_dim3A_619 = arith.constant 504 : i32
    %broadcast_in_dim3A_620 = vector.broadcast %broadcast_in_dim3A_619 : i32 to vector<16xi32>
    %gather3A_621 = arith.constant 8 : i32
    %gather3A_622 = arith.constant 0 : i32
    %gather3A_623 = arith.constant 0 : i32
    %gather3A_624 = tpu.memref_slice %arg6[%gather3A_621, %gather3A_622, %gather3A_623] : memref<16x32x128xf32, #tpu.memory_space<vmem>> -> memref<1x32x128xf32, #tpu.memory_space<vmem>>
    %gather3A_625 = tpu.memref_squeeze %gather3A_624 : memref<1x32x128xf32, #tpu.memory_space<vmem>> -> memref<32x128xf32, #tpu.memory_space<vmem>>
    %gather3A_626 = tpu.vector_load_idx %gather3A_625[%iota3A, %broadcast_in_dim3A_618] : memref<32x128xf32, #tpu.memory_space<vmem>>[vector<16xi32>, vector<16xi32>], vector<16xf32>,
    %gather3A_627 = arith.constant 8 : i32
    %gather3A_628 = arith.constant 0 : i32
    %gather3A_629 = arith.constant 0 : i32
    %gather3A_630 = tpu.memref_slice %arg6[%gather3A_627, %gather3A_628, %gather3A_629] : memref<16x32x128xf32, #tpu.memory_space<vmem>> -> memref<1x32x128xf32, #tpu.memory_space<vmem>>
    %gather3A_631 = tpu.memref_squeeze %gather3A_630 : memref<1x32x128xf32, #tpu.memory_space<vmem>> -> memref<32x128xf32, #tpu.memory_space<vmem>>
    %gather3A_632 = tpu.vector_load_idx %gather3A_631[%add3A_7, %broadcast_in_dim3A_618] : memref<32x128xf32, #tpu.memory_space<vmem>>[vector<16xi32>, vector<16xi32>], vector<16xf32>,
    tpu.vector_store_idx %arg7[%iota3A, %broadcast_in_dim3A_620], %gather3A_626 : memref<32x512xf32, #tpu.memory_space<vmem>>[vector<16xi32>, vector<16xi32>], vector<16xf32>,
    tpu.vector_store_idx %arg7[%add3A_7, %broadcast_in_dim3A_620], %gather3A_632 : memref<32x512xf32, #tpu.memory_space<vmem>>[vector<16xi32>, vector<16xi32>], vector<16xf32>,
    %dma_wait3A_633 = arith.constant 0 : i32
    %dma_wait3A_634 = arith.constant 0 : i32
    %dma_wait3A_635 = arith.constant 0 : i32
    %dma_wait3A_636 = tpu.memref_slice %arg6[%dma_wait3A_633, %dma_wait3A_634, %dma_wait3A_635] : memref<16x32x128xf32, #tpu.memory_space<vmem>> -> memref<1x32x128xf32, #tpu.memory_space<vmem>>
    %dma_wait3A_637 = tpu.memref_squeeze %dma_wait3A_636 : memref<1x32x128xf32, #tpu.memory_space<vmem>> -> memref<32x128xf32, #tpu.memory_space<vmem>>
    %dma_wait3A_638 = arith.constant 0 : i32
    %dma_wait3A_639 = arith.constant 0 : i32
    %dma_wait3A_640 = tpu.memref_slice %arg3[%dma_wait3A_638, %dma_wait3A_639] : memref<32x1000000xf32, #tpu.memory_space<hbm>> -> memref<32x128xf32, #tpu.memory_space<hbm>>
    %dma_wait3A_641 = arith.constant 0 : i32
    %dma_wait3A_642 = arith.constant 0 : i32
    %dma_wait3A_643 = tpu.memref_slice %arg6[%dma_wait3A_633, %dma_wait3A_641, %dma_wait3A_642] : memref<16x32x128xf32, #tpu.memory_space<vmem>> -> memref<1x32x128xf32, #tpu.memory_space<vmem>>
    %dma_wait3A_644 = tpu.memref_squeeze %dma_wait3A_643 : memref<1x32x128xf32, #tpu.memory_space<vmem>> -> memref<32x128xf32, #tpu.memory_space<vmem>>
    %dma_wait3A_645 = arith.constant 0 : i32
    %dma_wait3A_646 = arith.constant 0 : i32
    %dma_wait3A_647 = tpu.memref_slice %arg3[%dma_wait3A_645, %dma_wait3A_646] : memref<32x1000000xf32, #tpu.memory_space<hbm>> -> memref<32x128xf32, #tpu.memory_space<hbm>>
    tpu.wait_dma2 semaphore(%arg8 : memref<!tpu.dma_semaphore, #tpu.memory_space<semaphore_mem>>) src(%dma_wait3A_647 : memref<32x128xf32, #tpu.memory_space<hbm>>) dst(%dma_wait3A_644 : memref<32x128xf32, #tpu.memory_space<vmem>>)
    %slice3A_648 = vector.extract_strided_slice %scan3A_328 {offsets = [9], sizes = [1], strides = [1]} : vector<16xi32> to vector<1xi32>
    %squeeze3A_649 = vector.extract %slice3A_648[0] : i32 from vector<1xi32>
    %and3A_650 = arith.constant 127 : i32
    %and3A_651 = arith.andi %squeeze3A_649, %and3A_650 : i32
    %broadcast_in_dim3A_652 = vector.broadcast %and3A_651 : i32 to vector<16xi32>
    %broadcast_in_dim3A_653 = arith.constant 505 : i32
    %broadcast_in_dim3A_654 = vector.broadcast %broadcast_in_dim3A_653 : i32 to vector<16xi32>
    %gather3A_655 = arith.constant 9 : i32
    %gather3A_656 = arith.constant 0 : i32
    %gather3A_657 = arith.constant 0 : i32
    %gather3A_658 = tpu.memref_slice %arg6[%gather3A_655, %gather3A_656, %gather3A_657] : memref<16x32x128xf32, #tpu.memory_space<vmem>> -> memref<1x32x128xf32, #tpu.memory_space<vmem>>
    %gather3A_659 = tpu.memref_squeeze %gather3A_658 : memref<1x32x128xf32, #tpu.memory_space<vmem>> -> memref<32x128xf32, #tpu.memory_space<vmem>>
    %gather3A_660 = tpu.vector_load_idx %gather3A_659[%iota3A, %broadcast_in_dim3A_652] : memref<32x128xf32, #tpu.memory_space<vmem>>[vector<16xi32>, vector<16xi32>], vector<16xf32>,
    %gather3A_661 = arith.constant 9 : i32
    %gather3A_662 = arith.constant 0 : i32
    %gather3A_663 = arith.constant 0 : i32
    %gather3A_664 = tpu.memref_slice %arg6[%gather3A_661, %gather3A_662, %gather3A_663] : memref<16x32x128xf32, #tpu.memory_space<vmem>> -> memref<1x32x128xf32, #tpu.memory_space<vmem>>
    %gather3A_665 = tpu.memref_squeeze %gather3A_664 : memref<1x32x128xf32, #tpu.memory_space<vmem>> -> memref<32x128xf32, #tpu.memory_space<vmem>>
    %gather3A_666 = tpu.vector_load_idx %gather3A_665[%add3A_7, %broadcast_in_dim3A_652] : memref<32x128xf32, #tpu.memory_space<vmem>>[vector<16xi32>, vector<16xi32>], vector<16xf32>,
    tpu.vector_store_idx %arg7[%iota3A, %broadcast_in_dim3A_654], %gather3A_660 : memref<32x512xf32, #tpu.memory_space<vmem>>[vector<16xi32>, vector<16xi32>], vector<16xf32>,
    tpu.vector_store_idx %arg7[%add3A_7, %broadcast_in_dim3A_654], %gather3A_666 : memref<32x512xf32, #tpu.memory_space<vmem>>[vector<16xi32>, vector<16xi32>], vector<16xf32>,
    %dma_wait3A_667 = arith.constant 0 : i32
    %dma_wait3A_668 = arith.constant 0 : i32
    %dma_wait3A_669 = arith.constant 0 : i32
    %dma_wait3A_670 = tpu.memref_slice %arg6[%dma_wait3A_667, %dma_wait3A_668, %dma_wait3A_669] : memref<16x32x128xf32, #tpu.memory_space<vmem>> -> memref<1x32x128xf32, #tpu.memory_space<vmem>>
    %dma_wait3A_671 = tpu.memref_squeeze %dma_wait3A_670 : memref<1x32x128xf32, #tpu.memory_space<vmem>> -> memref<32x128xf32, #tpu.memory_space<vmem>>
    %dma_wait3A_672 = arith.constant 0 : i32
    %dma_wait3A_673 = arith.constant 0 : i32
    %dma_wait3A_674 = tpu.memref_slice %arg3[%dma_wait3A_672, %dma_wait3A_673] : memref<32x1000000xf32, #tpu.memory_space<hbm>> -> memref<32x128xf32, #tpu.memory_space<hbm>>
    %dma_wait3A_675 = arith.constant 0 : i32
    %dma_wait3A_676 = arith.constant 0 : i32
    %dma_wait3A_677 = tpu.memref_slice %arg6[%dma_wait3A_667, %dma_wait3A_675, %dma_wait3A_676] : memref<16x32x128xf32, #tpu.memory_space<vmem>> -> memref<1x32x128xf32, #tpu.memory_space<vmem>>
    %dma_wait3A_678 = tpu.memref_squeeze %dma_wait3A_677 : memref<1x32x128xf32, #tpu.memory_space<vmem>> -> memref<32x128xf32, #tpu.memory_space<vmem>>
    %dma_wait3A_679 = arith.constant 0 : i32
    %dma_wait3A_680 = arith.constant 0 : i32
    %dma_wait3A_681 = tpu.memref_slice %arg3[%dma_wait3A_679, %dma_wait3A_680] : memref<32x1000000xf32, #tpu.memory_space<hbm>> -> memref<32x128xf32, #tpu.memory_space<hbm>>
    tpu.wait_dma2 semaphore(%arg8 : memref<!tpu.dma_semaphore, #tpu.memory_space<semaphore_mem>>) src(%dma_wait3A_681 : memref<32x128xf32, #tpu.memory_space<hbm>>) dst(%dma_wait3A_678 : memref<32x128xf32, #tpu.memory_space<vmem>>)
    %slice3A_682 = vector.extract_strided_slice %scan3A_328 {offsets = [10], sizes = [1], strides = [1]} : vector<16xi32> to vector<1xi32>
    %squeeze3A_683 = vector.extract %slice3A_682[0] : i32 from vector<1xi32>
    %and3A_684 = arith.constant 127 : i32
    %and3A_685 = arith.andi %squeeze3A_683, %and3A_684 : i32
    %broadcast_in_dim3A_686 = vector.broadcast %and3A_685 : i32 to vector<16xi32>
    %broadcast_in_dim3A_687 = arith.constant 506 : i32
    %broadcast_in_dim3A_688 = vector.broadcast %broadcast_in_dim3A_687 : i32 to vector<16xi32>
    %gather3A_689 = arith.constant 10 : i32
    %gather3A_690 = arith.constant 0 : i32
    %gather3A_691 = arith.constant 0 : i32
    %gather3A_692 = tpu.memref_slice %arg6[%gather3A_689, %gather3A_690, %gather3A_691] : memref<16x32x128xf32, #tpu.memory_space<vmem>> -> memref<1x32x128xf32, #tpu.memory_space<vmem>>
    %gather3A_693 = tpu.memref_squeeze %gather3A_692 : memref<1x32x128xf32, #tpu.memory_space<vmem>> -> memref<32x128xf32, #tpu.memory_space<vmem>>
    %gather3A_694 = tpu.vector_load_idx %gather3A_693[%iota3A, %broadcast_in_dim3A_686] : memref<32x128xf32, #tpu.memory_space<vmem>>[vector<16xi32>, vector<16xi32>], vector<16xf32>,
    %gather3A_695 = arith.constant 10 : i32
    %gather3A_696 = arith.constant 0 : i32
    %gather3A_697 = arith.constant 0 : i32
    %gather3A_698 = tpu.memref_slice %arg6[%gather3A_695, %gather3A_696, %gather3A_697] : memref<16x32x128xf32, #tpu.memory_space<vmem>> -> memref<1x32x128xf32, #tpu.memory_space<vmem>>
    %gather3A_699 = tpu.memref_squeeze %gather3A_698 : memref<1x32x128xf32, #tpu.memory_space<vmem>> -> memref<32x128xf32, #tpu.memory_space<vmem>>
    %gather3A_700 = tpu.vector_load_idx %gather3A_699[%add3A_7, %broadcast_in_dim3A_686] : memref<32x128xf32, #tpu.memory_space<vmem>>[vector<16xi32>, vector<16xi32>], vector<16xf32>,
    tpu.vector_store_idx %arg7[%iota3A, %broadcast_in_dim3A_688], %gather3A_694 : memref<32x512xf32, #tpu.memory_space<vmem>>[vector<16xi32>, vector<16xi32>], vector<16xf32>,
    tpu.vector_store_idx %arg7[%add3A_7, %broadcast_in_dim3A_688], %gather3A_700 : memref<32x512xf32, #tpu.memory_space<vmem>>[vector<16xi32>, vector<16xi32>], vector<16xf32>,
    %dma_wait3A_701 = arith.constant 0 : i32
    %dma_wait3A_702 = arith.constant 0 : i32
    %dma_wait3A_703 = arith.constant 0 : i32
    %dma_wait3A_704 = tpu.memref_slice %arg6[%dma_wait3A_701, %dma_wait3A_702, %dma_wait3A_703] : memref<16x32x128xf32, #tpu.memory_space<vmem>> -> memref<1x32x128xf32, #tpu.memory_space<vmem>>
    %dma_wait3A_705 = tpu.memref_squeeze %dma_wait3A_704 : memref<1x32x128xf32, #tpu.memory_space<vmem>> -> memref<32x128xf32, #tpu.memory_space<vmem>>
    %dma_wait3A_706 = arith.constant 0 : i32
    %dma_wait3A_707 = arith.constant 0 : i32
    %dma_wait3A_708 = tpu.memref_slice %arg3[%dma_wait3A_706, %dma_wait3A_707] : memref<32x1000000xf32, #tpu.memory_space<hbm>> -> memref<32x128xf32, #tpu.memory_space<hbm>>
    %dma_wait3A_709 = arith.constant 0 : i32
    %dma_wait3A_710 = arith.constant 0 : i32
    %dma_wait3A_711 = tpu.memref_slice %arg6[%dma_wait3A_701, %dma_wait3A_709, %dma_wait3A_710] : memref<16x32x128xf32, #tpu.memory_space<vmem>> -> memref<1x32x128xf32, #tpu.memory_space<vmem>>
    %dma_wait3A_712 = tpu.memref_squeeze %dma_wait3A_711 : memref<1x32x128xf32, #tpu.memory_space<vmem>> -> memref<32x128xf32, #tpu.memory_space<vmem>>
    %dma_wait3A_713 = arith.constant 0 : i32
    %dma_wait3A_714 = arith.constant 0 : i32
    %dma_wait3A_715 = tpu.memref_slice %arg3[%dma_wait3A_713, %dma_wait3A_714] : memref<32x1000000xf32, #tpu.memory_space<hbm>> -> memref<32x128xf32, #tpu.memory_space<hbm>>
    tpu.wait_dma2 semaphore(%arg8 : memref<!tpu.dma_semaphore, #tpu.memory_space<semaphore_mem>>) src(%dma_wait3A_715 : memref<32x128xf32, #tpu.memory_space<hbm>>) dst(%dma_wait3A_712 : memref<32x128xf32, #tpu.memory_space<vmem>>)
    %slice3A_716 = vector.extract_strided_slice %scan3A_328 {offsets = [11], sizes = [1], strides = [1]} : vector<16xi32> to vector<1xi32>
    %squeeze3A_717 = vector.extract %slice3A_716[0] : i32 from vector<1xi32>
    %and3A_718 = arith.constant 127 : i32
    %and3A_719 = arith.andi %squeeze3A_717, %and3A_718 : i32
    %broadcast_in_dim3A_720 = vector.broadcast %and3A_719 : i32 to vector<16xi32>
    %broadcast_in_dim3A_721 = arith.constant 507 : i32
    %broadcast_in_dim3A_722 = vector.broadcast %broadcast_in_dim3A_721 : i32 to vector<16xi32>
    %gather3A_723 = arith.constant 11 : i32
    %gather3A_724 = arith.constant 0 : i32
    %gather3A_725 = arith.constant 0 : i32
    %gather3A_726 = tpu.memref_slice %arg6[%gather3A_723, %gather3A_724, %gather3A_725] : memref<16x32x128xf32, #tpu.memory_space<vmem>> -> memref<1x32x128xf32, #tpu.memory_space<vmem>>
    %gather3A_727 = tpu.memref_squeeze %gather3A_726 : memref<1x32x128xf32, #tpu.memory_space<vmem>> -> memref<32x128xf32, #tpu.memory_space<vmem>>
    %gather3A_728 = tpu.vector_load_idx %gather3A_727[%iota3A, %broadcast_in_dim3A_720] : memref<32x128xf32, #tpu.memory_space<vmem>>[vector<16xi32>, vector<16xi32>], vector<16xf32>,
    %gather3A_729 = arith.constant 11 : i32
    %gather3A_730 = arith.constant 0 : i32
    %gather3A_731 = arith.constant 0 : i32
    %gather3A_732 = tpu.memref_slice %arg6[%gather3A_729, %gather3A_730, %gather3A_731] : memref<16x32x128xf32, #tpu.memory_space<vmem>> -> memref<1x32x128xf32, #tpu.memory_space<vmem>>
    %gather3A_733 = tpu.memref_squeeze %gather3A_732 : memref<1x32x128xf32, #tpu.memory_space<vmem>> -> memref<32x128xf32, #tpu.memory_space<vmem>>
    %gather3A_734 = tpu.vector_load_idx %gather3A_733[%add3A_7, %broadcast_in_dim3A_720] : memref<32x128xf32, #tpu.memory_space<vmem>>[vector<16xi32>, vector<16xi32>], vector<16xf32>,
    tpu.vector_store_idx %arg7[%iota3A, %broadcast_in_dim3A_722], %gather3A_728 : memref<32x512xf32, #tpu.memory_space<vmem>>[vector<16xi32>, vector<16xi32>], vector<16xf32>,
    tpu.vector_store_idx %arg7[%add3A_7, %broadcast_in_dim3A_722], %gather3A_734 : memref<32x512xf32, #tpu.memory_space<vmem>>[vector<16xi32>, vector<16xi32>], vector<16xf32>,
    %dma_wait3A_735 = arith.constant 0 : i32
    %dma_wait3A_736 = arith.constant 0 : i32
    %dma_wait3A_737 = arith.constant 0 : i32
    %dma_wait3A_738 = tpu.memref_slice %arg6[%dma_wait3A_735, %dma_wait3A_736, %dma_wait3A_737] : memref<16x32x128xf32, #tpu.memory_space<vmem>> -> memref<1x32x128xf32, #tpu.memory_space<vmem>>
    %dma_wait3A_739 = tpu.memref_squeeze %dma_wait3A_738 : memref<1x32x128xf32, #tpu.memory_space<vmem>> -> memref<32x128xf32, #tpu.memory_space<vmem>>
    %dma_wait3A_740 = arith.constant 0 : i32
    %dma_wait3A_741 = arith.constant 0 : i32
    %dma_wait3A_742 = tpu.memref_slice %arg3[%dma_wait3A_740, %dma_wait3A_741] : memref<32x1000000xf32, #tpu.memory_space<hbm>> -> memref<32x128xf32, #tpu.memory_space<hbm>>
    %dma_wait3A_743 = arith.constant 0 : i32
    %dma_wait3A_744 = arith.constant 0 : i32
    %dma_wait3A_745 = tpu.memref_slice %arg6[%dma_wait3A_735, %dma_wait3A_743, %dma_wait3A_744] : memref<16x32x128xf32, #tpu.memory_space<vmem>> -> memref<1x32x128xf32, #tpu.memory_space<vmem>>
    %dma_wait3A_746 = tpu.memref_squeeze %dma_wait3A_745 : memref<1x32x128xf32, #tpu.memory_space<vmem>> -> memref<32x128xf32, #tpu.memory_space<vmem>>
    %dma_wait3A_747 = arith.constant 0 : i32
    %dma_wait3A_748 = arith.constant 0 : i32
    %dma_wait3A_749 = tpu.memref_slice %arg3[%dma_wait3A_747, %dma_wait3A_748] : memref<32x1000000xf32, #tpu.memory_space<hbm>> -> memref<32x128xf32, #tpu.memory_space<hbm>>
    tpu.wait_dma2 semaphore(%arg8 : memref<!tpu.dma_semaphore, #tpu.memory_space<semaphore_mem>>) src(%dma_wait3A_749 : memref<32x128xf32, #tpu.memory_space<hbm>>) dst(%dma_wait3A_746 : memref<32x128xf32, #tpu.memory_space<vmem>>)
    %slice3A_750 = vector.extract_strided_slice %scan3A_328 {offsets = [12], sizes = [1], strides = [1]} : vector<16xi32> to vector<1xi32>
    %squeeze3A_751 = vector.extract %slice3A_750[0] : i32 from vector<1xi32>
    %and3A_752 = arith.constant 127 : i32
    %and3A_753 = arith.andi %squeeze3A_751, %and3A_752 : i32
    %broadcast_in_dim3A_754 = vector.broadcast %and3A_753 : i32 to vector<16xi32>
    %broadcast_in_dim3A_755 = arith.constant 508 : i32
    %broadcast_in_dim3A_756 = vector.broadcast %broadcast_in_dim3A_755 : i32 to vector<16xi32>
    %gather3A_757 = arith.constant 12 : i32
    %gather3A_758 = arith.constant 0 : i32
    %gather3A_759 = arith.constant 0 : i32
    %gather3A_760 = tpu.memref_slice %arg6[%gather3A_757, %gather3A_758, %gather3A_759] : memref<16x32x128xf32, #tpu.memory_space<vmem>> -> memref<1x32x128xf32, #tpu.memory_space<vmem>>
    %gather3A_761 = tpu.memref_squeeze %gather3A_760 : memref<1x32x128xf32, #tpu.memory_space<vmem>> -> memref<32x128xf32, #tpu.memory_space<vmem>>
    %gather3A_762 = tpu.vector_load_idx %gather3A_761[%iota3A, %broadcast_in_dim3A_754] : memref<32x128xf32, #tpu.memory_space<vmem>>[vector<16xi32>, vector<16xi32>], vector<16xf32>,
    %gather3A_763 = arith.constant 12 : i32
    %gather3A_764 = arith.constant 0 : i32
    %gather3A_765 = arith.constant 0 : i32
    %gather3A_766 = tpu.memref_slice %arg6[%gather3A_763, %gather3A_764, %gather3A_765] : memref<16x32x128xf32, #tpu.memory_space<vmem>> -> memref<1x32x128xf32, #tpu.memory_space<vmem>>
    %gather3A_767 = tpu.memref_squeeze %gather3A_766 : memref<1x32x128xf32, #tpu.memory_space<vmem>> -> memref<32x128xf32, #tpu.memory_space<vmem>>
    %gather3A_768 = tpu.vector_load_idx %gather3A_767[%add3A_7, %broadcast_in_dim3A_754] : memref<32x128xf32, #tpu.memory_space<vmem>>[vector<16xi32>, vector<16xi32>], vector<16xf32>,
    tpu.vector_store_idx %arg7[%iota3A, %broadcast_in_dim3A_756], %gather3A_762 : memref<32x512xf32, #tpu.memory_space<vmem>>[vector<16xi32>, vector<16xi32>], vector<16xf32>,
    tpu.vector_store_idx %arg7[%add3A_7, %broadcast_in_dim3A_756], %gather3A_768 : memref<32x512xf32, #tpu.memory_space<vmem>>[vector<16xi32>, vector<16xi32>], vector<16xf32>,
    %dma_wait3A_769 = arith.constant 0 : i32
    %dma_wait3A_770 = arith.constant 0 : i32
    %dma_wait3A_771 = arith.constant 0 : i32
    %dma_wait3A_772 = tpu.memref_slice %arg6[%dma_wait3A_769, %dma_wait3A_770, %dma_wait3A_771] : memref<16x32x128xf32, #tpu.memory_space<vmem>> -> memref<1x32x128xf32, #tpu.memory_space<vmem>>
    %dma_wait3A_773 = tpu.memref_squeeze %dma_wait3A_772 : memref<1x32x128xf32, #tpu.memory_space<vmem>> -> memref<32x128xf32, #tpu.memory_space<vmem>>
    %dma_wait3A_774 = arith.constant 0 : i32
    %dma_wait3A_775 = arith.constant 0 : i32
    %dma_wait3A_776 = tpu.memref_slice %arg3[%dma_wait3A_774, %dma_wait3A_775] : memref<32x1000000xf32, #tpu.memory_space<hbm>> -> memref<32x128xf32, #tpu.memory_space<hbm>>
    %dma_wait3A_777 = arith.constant 0 : i32
    %dma_wait3A_778 = arith.constant 0 : i32
    %dma_wait3A_779 = tpu.memref_slice %arg6[%dma_wait3A_769, %dma_wait3A_777, %dma_wait3A_778] : memref<16x32x128xf32, #tpu.memory_space<vmem>> -> memref<1x32x128xf32, #tpu.memory_space<vmem>>
    %dma_wait3A_780 = tpu.memref_squeeze %dma_wait3A_779 : memref<1x32x128xf32, #tpu.memory_space<vmem>> -> memref<32x128xf32, #tpu.memory_space<vmem>>
    %dma_wait3A_781 = arith.constant 0 : i32
    %dma_wait3A_782 = arith.constant 0 : i32
    %dma_wait3A_783 = tpu.memref_slice %arg3[%dma_wait3A_781, %dma_wait3A_782] : memref<32x1000000xf32, #tpu.memory_space<hbm>> -> memref<32x128xf32, #tpu.memory_space<hbm>>
    tpu.wait_dma2 semaphore(%arg8 : memref<!tpu.dma_semaphore, #tpu.memory_space<semaphore_mem>>) src(%dma_wait3A_783 : memref<32x128xf32, #tpu.memory_space<hbm>>) dst(%dma_wait3A_780 : memref<32x128xf32, #tpu.memory_space<vmem>>)
    %slice3A_784 = vector.extract_strided_slice %scan3A_328 {offsets = [13], sizes = [1], strides = [1]} : vector<16xi32> to vector<1xi32>
    %squeeze3A_785 = vector.extract %slice3A_784[0] : i32 from vector<1xi32>
    %and3A_786 = arith.constant 127 : i32
    %and3A_787 = arith.andi %squeeze3A_785, %and3A_786 : i32
    %broadcast_in_dim3A_788 = vector.broadcast %and3A_787 : i32 to vector<16xi32>
    %broadcast_in_dim3A_789 = arith.constant 509 : i32
    %broadcast_in_dim3A_790 = vector.broadcast %broadcast_in_dim3A_789 : i32 to vector<16xi32>
    %gather3A_791 = arith.constant 13 : i32
    %gather3A_792 = arith.constant 0 : i32
    %gather3A_793 = arith.constant 0 : i32
    %gather3A_794 = tpu.memref_slice %arg6[%gather3A_791, %gather3A_792, %gather3A_793] : memref<16x32x128xf32, #tpu.memory_space<vmem>> -> memref<1x32x128xf32, #tpu.memory_space<vmem>>
    %gather3A_795 = tpu.memref_squeeze %gather3A_794 : memref<1x32x128xf32, #tpu.memory_space<vmem>> -> memref<32x128xf32, #tpu.memory_space<vmem>>
    %gather3A_796 = tpu.vector_load_idx %gather3A_795[%iota3A, %broadcast_in_dim3A_788] : memref<32x128xf32, #tpu.memory_space<vmem>>[vector<16xi32>, vector<16xi32>], vector<16xf32>,
    %gather3A_797 = arith.constant 13 : i32
    %gather3A_798 = arith.constant 0 : i32
    %gather3A_799 = arith.constant 0 : i32
    %gather3A_800 = tpu.memref_slice %arg6[%gather3A_797, %gather3A_798, %gather3A_799] : memref<16x32x128xf32, #tpu.memory_space<vmem>> -> memref<1x32x128xf32, #tpu.memory_space<vmem>>
    %gather3A_801 = tpu.memref_squeeze %gather3A_800 : memref<1x32x128xf32, #tpu.memory_space<vmem>> -> memref<32x128xf32, #tpu.memory_space<vmem>>
    %gather3A_802 = tpu.vector_load_idx %gather3A_801[%add3A_7, %broadcast_in_dim3A_788] : memref<32x128xf32, #tpu.memory_space<vmem>>[vector<16xi32>, vector<16xi32>], vector<16xf32>,
    tpu.vector_store_idx %arg7[%iota3A, %broadcast_in_dim3A_790], %gather3A_796 : memref<32x512xf32, #tpu.memory_space<vmem>>[vector<16xi32>, vector<16xi32>], vector<16xf32>,
    tpu.vector_store_idx %arg7[%add3A_7, %broadcast_in_dim3A_790], %gather3A_802 : memref<32x512xf32, #tpu.memory_space<vmem>>[vector<16xi32>, vector<16xi32>], vector<16xf32>,
    %dma_wait3A_803 = arith.constant 0 : i32
    %dma_wait3A_804 = arith.constant 0 : i32
    %dma_wait3A_805 = arith.constant 0 : i32
    %dma_wait3A_806 = tpu.memref_slice %arg6[%dma_wait3A_803, %dma_wait3A_804, %dma_wait3A_805] : memref<16x32x128xf32, #tpu.memory_space<vmem>> -> memref<1x32x128xf32, #tpu.memory_space<vmem>>
    %dma_wait3A_807 = tpu.memref_squeeze %dma_wait3A_806 : memref<1x32x128xf32, #tpu.memory_space<vmem>> -> memref<32x128xf32, #tpu.memory_space<vmem>>
    %dma_wait3A_808 = arith.constant 0 : i32
    %dma_wait3A_809 = arith.constant 0 : i32
    %dma_wait3A_810 = tpu.memref_slice %arg3[%dma_wait3A_808, %dma_wait3A_809] : memref<32x1000000xf32, #tpu.memory_space<hbm>> -> memref<32x128xf32, #tpu.memory_space<hbm>>
    %dma_wait3A_811 = arith.constant 0 : i32
    %dma_wait3A_812 = arith.constant 0 : i32
    %dma_wait3A_813 = tpu.memref_slice %arg6[%dma_wait3A_803, %dma_wait3A_811, %dma_wait3A_812] : memref<16x32x128xf32, #tpu.memory_space<vmem>> -> memref<1x32x128xf32, #tpu.memory_space<vmem>>
    %dma_wait3A_814 = tpu.memref_squeeze %dma_wait3A_813 : memref<1x32x128xf32, #tpu.memory_space<vmem>> -> memref<32x128xf32, #tpu.memory_space<vmem>>
    %dma_wait3A_815 = arith.constant 0 : i32
    %dma_wait3A_816 = arith.constant 0 : i32
    %dma_wait3A_817 = tpu.memref_slice %arg3[%dma_wait3A_815, %dma_wait3A_816] : memref<32x1000000xf32, #tpu.memory_space<hbm>> -> memref<32x128xf32, #tpu.memory_space<hbm>>
    tpu.wait_dma2 semaphore(%arg8 : memref<!tpu.dma_semaphore, #tpu.memory_space<semaphore_mem>>) src(%dma_wait3A_817 : memref<32x128xf32, #tpu.memory_space<hbm>>) dst(%dma_wait3A_814 : memref<32x128xf32, #tpu.memory_space<vmem>>)
    %slice3A_818 = vector.extract_strided_slice %scan3A_328 {offsets = [14], sizes = [1], strides = [1]} : vector<16xi32> to vector<1xi32>
    %squeeze3A_819 = vector.extract %slice3A_818[0] : i32 from vector<1xi32>
    %and3A_820 = arith.constant 127 : i32
    %and3A_821 = arith.andi %squeeze3A_819, %and3A_820 : i32
    %broadcast_in_dim3A_822 = vector.broadcast %and3A_821 : i32 to vector<16xi32>
    %broadcast_in_dim3A_823 = arith.constant 510 : i32
    %broadcast_in_dim3A_824 = vector.broadcast %broadcast_in_dim3A_823 : i32 to vector<16xi32>
    %gather3A_825 = arith.constant 14 : i32
    %gather3A_826 = arith.constant 0 : i32
    %gather3A_827 = arith.constant 0 : i32
    %gather3A_828 = tpu.memref_slice %arg6[%gather3A_825, %gather3A_826, %gather3A_827] : memref<16x32x128xf32, #tpu.memory_space<vmem>> -> memref<1x32x128xf32, #tpu.memory_space<vmem>>
    %gather3A_829 = tpu.memref_squeeze %gather3A_828 : memref<1x32x128xf32, #tpu.memory_space<vmem>> -> memref<32x128xf32, #tpu.memory_space<vmem>>
    %gather3A_830 = tpu.vector_load_idx %gather3A_829[%iota3A, %broadcast_in_dim3A_822] : memref<32x128xf32, #tpu.memory_space<vmem>>[vector<16xi32>, vector<16xi32>], vector<16xf32>,
    %gather3A_831 = arith.constant 14 : i32
    %gather3A_832 = arith.constant 0 : i32
    %gather3A_833 = arith.constant 0 : i32
    %gather3A_834 = tpu.memref_slice %arg6[%gather3A_831, %gather3A_832, %gather3A_833] : memref<16x32x128xf32, #tpu.memory_space<vmem>> -> memref<1x32x128xf32, #tpu.memory_space<vmem>>
    %gather3A_835 = tpu.memref_squeeze %gather3A_834 : memref<1x32x128xf32, #tpu.memory_space<vmem>> -> memref<32x128xf32, #tpu.memory_space<vmem>>
    %gather3A_836 = tpu.vector_load_idx %gather3A_835[%add3A_7, %broadcast_in_dim3A_822] : memref<32x128xf32, #tpu.memory_space<vmem>>[vector<16xi32>, vector<16xi32>], vector<16xf32>,
    tpu.vector_store_idx %arg7[%iota3A, %broadcast_in_dim3A_824], %gather3A_830 : memref<32x512xf32, #tpu.memory_space<vmem>>[vector<16xi32>, vector<16xi32>], vector<16xf32>,
    tpu.vector_store_idx %arg7[%add3A_7, %broadcast_in_dim3A_824], %gather3A_836 : memref<32x512xf32, #tpu.memory_space<vmem>>[vector<16xi32>, vector<16xi32>], vector<16xf32>,
    %dma_wait3A_837 = arith.constant 0 : i32
    %dma_wait3A_838 = arith.constant 0 : i32
    %dma_wait3A_839 = arith.constant 0 : i32
    %dma_wait3A_840 = tpu.memref_slice %arg6[%dma_wait3A_837, %dma_wait3A_838, %dma_wait3A_839] : memref<16x32x128xf32, #tpu.memory_space<vmem>> -> memref<1x32x128xf32, #tpu.memory_space<vmem>>
    %dma_wait3A_841 = tpu.memref_squeeze %dma_wait3A_840 : memref<1x32x128xf32, #tpu.memory_space<vmem>> -> memref<32x128xf32, #tpu.memory_space<vmem>>
    %dma_wait3A_842 = arith.constant 0 : i32
    %dma_wait3A_843 = arith.constant 0 : i32
    %dma_wait3A_844 = tpu.memref_slice %arg3[%dma_wait3A_842, %dma_wait3A_843] : memref<32x1000000xf32, #tpu.memory_space<hbm>> -> memref<32x128xf32, #tpu.memory_space<hbm>>
    %dma_wait3A_845 = arith.constant 0 : i32
    %dma_wait3A_846 = arith.constant 0 : i32
    %dma_wait3A_847 = tpu.memref_slice %arg6[%dma_wait3A_837, %dma_wait3A_845, %dma_wait3A_846] : memref<16x32x128xf32, #tpu.memory_space<vmem>> -> memref<1x32x128xf32, #tpu.memory_space<vmem>>
    %dma_wait3A_848 = tpu.memref_squeeze %dma_wait3A_847 : memref<1x32x128xf32, #tpu.memory_space<vmem>> -> memref<32x128xf32, #tpu.memory_space<vmem>>
    %dma_wait3A_849 = arith.constant 0 : i32
    %dma_wait3A_850 = arith.constant 0 : i32
    %dma_wait3A_851 = tpu.memref_slice %arg3[%dma_wait3A_849, %dma_wait3A_850] : memref<32x1000000xf32, #tpu.memory_space<hbm>> -> memref<32x128xf32, #tpu.memory_space<hbm>>
    tpu.wait_dma2 semaphore(%arg8 : memref<!tpu.dma_semaphore, #tpu.memory_space<semaphore_mem>>) src(%dma_wait3A_851 : memref<32x128xf32, #tpu.memory_space<hbm>>) dst(%dma_wait3A_848 : memref<32x128xf32, #tpu.memory_space<vmem>>)
    %slice3A_852 = vector.extract_strided_slice %scan3A_328 {offsets = [15], sizes = [1], strides = [1]} : vector<16xi32> to vector<1xi32>
    %squeeze3A_853 = vector.extract %slice3A_852[0] : i32 from vector<1xi32>
    %and3A_854 = arith.constant 127 : i32
    %and3A_855 = arith.andi %squeeze3A_853, %and3A_854 : i32
    %broadcast_in_dim3A_856 = vector.broadcast %and3A_855 : i32 to vector<16xi32>
    %broadcast_in_dim3A_857 = arith.constant 511 : i32
    %broadcast_in_dim3A_858 = vector.broadcast %broadcast_in_dim3A_857 : i32 to vector<16xi32>
    %gather3A_859 = arith.constant 15 : i32
    %gather3A_860 = arith.constant 0 : i32
    %gather3A_861 = arith.constant 0 : i32
    %gather3A_862 = tpu.memref_slice %arg6[%gather3A_859, %gather3A_860, %gather3A_861] : memref<16x32x128xf32, #tpu.memory_space<vmem>> -> memref<1x32x128xf32, #tpu.memory_space<vmem>>
    %gather3A_863 = tpu.memref_squeeze %gather3A_862 : memref<1x32x128xf32, #tpu.memory_space<vmem>> -> memref<32x128xf32, #tpu.memory_space<vmem>>
    %gather3A_864 = tpu.vector_load_idx %gather3A_863[%iota3A, %broadcast_in_dim3A_856] : memref<32x128xf32, #tpu.memory_space<vmem>>[vector<16xi32>, vector<16xi32>], vector<16xf32>,
    %gather3A_865 = arith.constant 15 : i32
    %gather3A_866 = arith.constant 0 : i32
    %gather3A_867 = arith.constant 0 : i32
    %gather3A_868 = tpu.memref_slice %arg6[%gather3A_865, %gather3A_866, %gather3A_867] : memref<16x32x128xf32, #tpu.memory_space<vmem>> -> memref<1x32x128xf32, #tpu.memory_space<vmem>>
    %gather3A_869 = tpu.memref_squeeze %gather3A_868 : memref<1x32x128xf32, #tpu.memory_space<vmem>> -> memref<32x128xf32, #tpu.memory_space<vmem>>
    %gather3A_870 = tpu.vector_load_idx %gather3A_869[%add3A_7, %broadcast_in_dim3A_856] : memref<32x128xf32, #tpu.memory_space<vmem>>[vector<16xi32>, vector<16xi32>], vector<16xf32>,
    tpu.vector_store_idx %arg7[%iota3A, %broadcast_in_dim3A_858], %gather3A_864 : memref<32x512xf32, #tpu.memory_space<vmem>>[vector<16xi32>, vector<16xi32>], vector<16xf32>,
    tpu.vector_store_idx %arg7[%add3A_7, %broadcast_in_dim3A_858], %gather3A_870 : memref<32x512xf32, #tpu.memory_space<vmem>>[vector<16xi32>, vector<16xi32>], vector<16xf32>,
    %dma_start3A_871 = arith.constant 0 : i32
    %dma_start3A_872 = tpu.memref_slice %arg4[%dma_start3A_871, %mul3A_2] : memref<32x16384xf32, #tpu.memory_space<hbm>> -> memref<32x512xf32, #tpu.memory_space<hbm>>
    %dma_start3A_873 = arith.constant 0 : i32
    %dma_start3A_874 = tpu.memref_slice %arg4[%dma_start3A_873, %mul3A_2] : memref<32x16384xf32, #tpu.memory_space<hbm>> -> memref<32x512xf32, #tpu.memory_space<hbm>>
    tpu.enqueue_dma source(%arg7 : memref<32x512xf32, #tpu.memory_space<vmem>>) target(%dma_start3A_874 : memref<32x512xf32, #tpu.memory_space<hbm>>) target_semaphore(%arg9 : memref<!tpu.dma_semaphore, #tpu.memory_space<semaphore_mem>>)
    %dma_wait3A_875 = arith.constant 0 : i32
    %dma_wait3A_876 = tpu.memref_slice %arg4[%dma_wait3A_875, %mul3A_2] : memref<32x16384xf32, #tpu.memory_space<hbm>> -> memref<32x512xf32, #tpu.memory_space<hbm>>
    %dma_wait3A_877 = arith.constant 0 : i32
    %dma_wait3A_878 = tpu.memref_slice %arg4[%dma_wait3A_877, %mul3A_2] : memref<32x16384xf32, #tpu.memory_space<hbm>> -> memref<32x512xf32, #tpu.memory_space<hbm>>
    tpu.wait_dma2 semaphore(%arg9 : memref<!tpu.dma_semaphore, #tpu.memory_space<semaphore_mem>>) src(%arg7 : memref<32x512xf32, #tpu.memory_space<vmem>>) dst(%dma_wait3A_878 : memref<32x512xf32, #tpu.memory_space<hbm>>)
    return
  }
}

</mosaic_0001>

<sc_bundles>
// kernel: kernel.3.cloned.1.call-start
scs
__scs_entry_jumppad:
0x0: {  	(pc) =	sbr.rel $0x88, $3  }
0x1: {  	(tag) =	ssettag $0x0;
	lr =	simm.s32 $0x1  }
0x2: {  	[smem:$0x3F9F] =	sst lr;
	_ =	strace $0xD0000000  }
0x3: {  	_ = 	snop  }
0x4: {  	_ = 	snop  }
0x5: {  	_ = 	snop  }
0x6: {  	_ = 	snop  }
0x7: {  	_ = 	snop  }
__scs_overlays_trampoline_lowered:
0x8: {  	[smem:$0x3FAE] =	sst s0  }
0x9: {  	[smem:$0x3FAF] =	sst s1  }
0xa: {  	[smem:$0x3FB0] =	sst s2  }
0xb: {  	[smem:$0x3FB1] =	sst s3  }
0xc: {  	[smem:$0x3FB2] =	sst s4  }
0xd: {  	[smem:$0x3FB3] =	sst s5  }
0xe: {  	[smem:$0x3FB4] =	sst s6  }
0xf: {  	[smem:$0x3FB5] =	sst s7  }
0x10: {  	[smem:$0x3FB6] =	sst s8  }
0x11: {  	[smem:$0x3FB7] =	sst s9;
	s0 =	simm.s32 @!p0 $0x0  }
0x12: {  	s1 =	sld [smem:$0x3F9D];
	s0 =	simm.s32 @p0 $0x1  }
0x13: {  	[smem:$0x3FB8] =	sst s0;
	s0 =	simm.s32 @!p1 $0x0  }
0x14: {  	s2 =	sld [smem:$0x3F9C];
	s0 =	simm.s32 @p1 $0x1  }
0x15: {  	[smem:$0x3FB9] =	sst s0;
	s0 =	simm.s32 @!p2 $0x0  }
0x16: {  	s3 =	sld [smem:$0x3FDB];
	s0 =	simm.s32 @p2 $0x1  }
0x17: {  	s4 =	simm.s32 $0x1BF5;
	[smem:$0x3FBB] =	sst s0  }
0x18: {  	s0 =	sld [smem:$0x3F9E];
	_ =	swait.ge [sflag:s4], $0x0  }
0x19: {  	s7 =	sld [smem:$0x3F9F]  }
0x1a: {  	s8 =	sadd.s32 $0xFFFFE003, lr  }
0x1b: {  	s9 =	sadd.s32 $0xFFFFFEF7, lr;
	s5 =	simm.s32 $0xFFFFFFFF;
	p2 =	slt.u32 s8, $0xFFFFF086  }
0x1c: {  	p1 =	slt.u32 s9, $0xF7A;
	s5 =	simm.s32 @!p2 $0x0  }
0x1d: {  	s5 =	simm.s32 @p1 $0x1;
	p0 =	seq.s32 s7, s2  }
0x1e: {  	s7 =	smul.u32 @!p0 $0xF7A, s2;
	p2 =	seq.s32 @!p0 s5, $0x0  }
0x1f: {  	s9 =	smul.u32 $0xF7A, s1;
	s8 =	simm.s32 @!p0 $0x1BF5;
	p2 =	por !p2, p0  }
0x20: {  	[sflag:s8] =	ssyncset.s32 @!p0 $0xFFFFF086;
	s6 =	sadd.s32 @!p0 s3, s7;
	s7 =	simm.s32 @!p0 $0x108  }
0x21: {  	s3 =	sadd.s32 s3, s9;
	s6 =	sadd.s32 @!p0 $0x88, s6;
	s7 =	simm.s32 @p2 $0x1082  }
0x22: {  	[simem:s7], [sflag:s8] =	dma.local @!p0 [hbm:s6], $0xF7A  }
0x23: {  	s9 =	sor.u32 $0xD0000000, s2;
	s6 =	simm.s32 $0x108;
	_ =	swait.ge @!p0 [sflag:s8], $0x0  }
0x24: {  	s3 =	sadd.s32 $0x88, s3;
	s6 =	simm.s32 @!p1 $0x1082;
	[sflag:s4] =	ssyncset.s32 $0xFFFFF086  }
0x25: {  	[simem:s6], [sflag:s4] =	dma.local [hbm:s3], $0xF7A  }
0x26: {  	[smem:$0x3F9F] =	sst s1;
	(tag) =	ssettag s2;
	_ =	strace s9  }
0x27: {  	s1 =	sld [smem:$0x3FAF]  }
0x28: {  	s2 =	sld [smem:$0x3FB0]  }
0x29: {  	s4 =	sld [smem:$0x3FB2]  }
0x2a: {  	p0 =	seq.s32 s5, $0x0;
	s5 =	sld [smem:$0x3FB3]  }
0x2b: {  	s6 =	sld [smem:$0x3FB4]  }
0x2c: {  	s7 =	sld [smem:$0x3FB5]  }
0x2d: {  	s3 =	simm.s32 $0x108;
	s8 =	sld [smem:$0x3FB6]  }
0x2e: {  	s3 =	simm.s32 @!p0 $0x1082;
	s9 =	sld [smem:$0x3FB7]  }
0x2f: {  	lr =	sadd.s32 s0, s3;
	s0 =	sld [smem:$0x3FAE]  }
0x30: {  	s3 =	sld [smem:$0x3FB1]  }
0x31: {  	[smem:$0x3FBA] =	sst s10  }
0x32: {  	s10 =	sld [smem:$0x3FB8];
	_ =	sdelay $0x3  }
0x33: {  	p0 =	seq.s32 s10, $0x1;
	s10 =	sld [smem:$0x3FBA];
	_ =	sdelay $0x3  }
0x34: {  	[smem:$0x3FBA] =	sst s10  }
0x35: {  	s10 =	sld [smem:$0x3FB9];
	_ =	sdelay $0x3  }
0x36: {  	p1 =	seq.s32 s10, $0x1;
	s10 =	sld [smem:$0x3FBA];
	_ =	sdelay $0x3  }
0x37: {  	[smem:$0x3FBA] =	sst s10  }
0x38: {  	s10 =	sld [smem:$0x3FBB]  }
0x39: {  	_ = 	snop;
	(pc) =	sbr.ind lr, $3  }
0x3a: {  	_ = 	snop  }
0x3b: {  	_ = 	snop  }
0x3c: {  	p2 =	seq.s32 s10, $0x1;
	s10 =	sld [smem:$0x3FBA]  }
0x3d: {  	_ =	shalt  }
0x3e: {  	_ =	shalt  }
0x3f: {  	_ =	shalt  }
0x40: {  	_ =	shalt  }
0x41: {  	_ =	shalt  }
0x42: {  	_ =	shalt  }
0x43: {  	_ =	shalt  }
0x44: {  	_ =	shalt  }
0x45: {  	_ =	shalt  }
0x46: {  	_ =	shalt  }
0x47: {  	_ =	shalt  }
0x48: {  	_ =	shalt  }
0x49: {  	_ =	shalt  }
0x4a: {  	_ =	shalt  }
0x4b: {  	_ =	shalt  }
0x4c: {  	_ =	shalt  }
0x4d: {  	_ =	shalt  }
0x4e: {  	_ =	shalt  }
0x4f: {  	_ =	shalt  }
0x50: {  	_ =	shalt  }
0x51: {  	_ =	shalt  }
0x52: {  	_ =	shalt  }
0x53: {  	_ =	shalt  }
0x54: {  	_ =	shalt  }
0x55: {  	_ =	shalt  }
0x56: {  	_ =	shalt  }
0x57: {  	_ =	shalt  }
0x58: {  	_ =	shalt  }
0x59: {  	_ =	shalt  }
0x5a: {  	_ =	shalt  }
0x5b: {  	_ =	shalt  }
0x5c: {  	_ =	shalt  }
0x5d: {  	_ =	shalt  }
0x5e: {  	_ =	shalt  }
0x5f: {  	_ =	shalt  }
0x60: {  	_ =	shalt  }
0x61: {  	_ =	shalt  }
0x62: {  	_ =	shalt  }
0x63: {  	_ =	shalt  }
0x64: {  	_ =	shalt  }
0x65: {  	_ =	shalt  }
0x66: {  	_ =	shalt  }
0x67: {  	_ =	shalt  }
0x68: {  	_ =	shalt  }
0x69: {  	_ =	shalt  }
0x6a: {  	_ =	shalt  }
0x6b: {  	_ =	shalt  }
0x6c: {  	_ =	shalt  }
0x6d: {  	_ =	shalt  }
0x6e: {  	_ =	shalt  }
0x6f: {  	_ =	shalt  }
0x70: {  	_ =	shalt  }
0x71: {  	_ =	shalt  }
0x72: {  	_ =	shalt  }
0x73: {  	_ =	shalt  }
0x74: {  	_ =	shalt  }
0x75: {  	_ =	shalt  }
0x76: {  	_ =	shalt  }
0x77: {  	_ =	shalt  }
0x78: {  	_ =	shalt  }
0x79: {  	_ =	shalt  }
0x7a: {  	_ =	shalt  }
0x7b: {  	_ =	shalt  }
0x7c: {  	_ =	shalt  }
0x7d: {  	_ =	shalt  }
0x7e: {  	_ =	shalt  }
0x7f: {  	_ =	shalt  }
0x80: {  	_ =	shalt  }
0x81: {  	_ =	shalt  }
0x82: {  	_ =	shalt  }
0x83: {  	_ =	shalt  }
0x84: {  	_ =	shalt  }
0x85: {  	_ =	shalt  }
0x86: {  	_ =	shalt  }
0x87: {  	_ =	shalt  }
.Lfunc_end0:
.L_simem_size_0:
called_computation_lowered:
.L_overlay_start_0:
0x88: {  	s2 =	sld [smem:$0x3FD9]  }
0x89: {  	s3 =	sld [smem:$0x3FFE];
	_ =	sdelay $0x1  }
0x8a: {  	s1 =	srdreg.scid  }
0x8b: {  	s0 =	sand.u32 $0x1, s1  }
0x8c: {  	s18 =	sshll.u32 s0, $0xA;
	s2 =	sadd.s32 s3, s2  }
0x8d: {  	s2 =	sadd.s32 s2, s18  }
0x8e: {  	[smem:$0x3FC6] =	sst s2  }
0x8f: {  	_ = 	snop  }
0x90: {  	s2 =	sld [smem:$0x3FC9]  }
0x91: {  	s19 =	sld [smem:$0x3FC8]  }
0x92: {  	s4 =	sld [smem:$0x3FD0];
	(tm) =	ssettm $0x1  }
0x93: {  	s5 =	sld [smem:$0x3FFB];
	_ =	sdelay $0x3  }
0x94: {  	_ =	strace s5  }
0x95: {  	s5 =	sld [smem:$0x3FFC];
	_ =	sdelay $0x3  }
0x96: {  	_ =	strace s5  }
0x97: {  	s5 =	sld [smem:$0x3FFD];
	_ =	sdelay $0x3  }
0x98: {  	_ =	strace s5  }
0x99: {  	_ =	strace $0x8FFFFFFF  }
0x9a: {  	s20 =	sld [smem:$0x3FDB];
	_ =	sdelay $0x1  }
0x9b: {  	s6 =	simm.s32 $_scs_section_size  }
0x9c: {  	s7 =	simm.s32 $_size__tile_overlayer_lowered;
	s8 =	simm.s32 $_tile_overlayer_lowered  }
0x9d: {  	s23 =	simm.s32 $0x1BFF;
	s22 =	sshll.u32 s8, $0x1;
	s5 =	sadd.s32 s6, s20  }
0x9e: {  	s9 =	simm.s32 $0x0;
	s21 =	sshll.u32 s7, $0x1;
	s7 =	sadd.s32 s22, s5  }
0x9f: {  	[timem:s9], [sflag:s23] =	dma.local [hbm:s7], s21  }
0xa0: {  	_ =	swait.ge [sflag:s23], s21  }
0xa1: {  	s6 =	ssub.s32 $0x0, s21;
	[sflag:s23] =	ssyncset.done $0x0  }
0xa2: {  	[sflag:s23] =	ssyncadd.s32 s6;
	_ =	sdelay $0x1  }
0xa3: {  	s24 =	simm.s32 $0x1B8B  }
0xa4: {  	_ =	swait.ge [sflag:s24], $0x1  }
0xa5: {  	[sflag:s24] =	ssyncset.done $0x0  }
0xa6: {  	s25 =	simm.s32 $0x1B8E;
	[sflag:s24] =	ssyncadd.s32 $0xFFFFFFFF  }
0xa7: {  	s26 =	simm.s32 $execute0_lowered;
	[smem:$0x3FD2] =	sst s25  }
0xa8: {  	s6 =	sshll.u32 s26, $0x1;
	_ =	strace $0x80000046;
	[dreg:$0x1] =	wrdreg $0xFFFFFFFF  }
0xa9: {  	s28 =	simm.s32 $_size_execute0_lowered;
	s5 =	sadd.s32 s5, s6;
	[dreg:$0x0] =	wrdreg $0x0  }
0xaa: {  	s6 =	sshll.u32 s28, $0x1;
	[dreg:$0x2] =	wrdreg s5  }
0xab: {  	[dreg:$0x3] =	wrdreg s6  }
0xac: {  	[dreg:$0x4] =	wrdreg $0xC0  }
0xad: {  	_ =	task [dreg:s9], $0x5FFFF  }
0xae: {  	[dreg:$0x1] =	wrdreg $0xFFFFFFFF  }
0xaf: {  	[dreg:$0x0] =	wrdreg $0x60  }
0xb0: {  	[dreg:$0x2] =	wrdreg s2  }
0xb1: {  	[dreg:$0x3] =	wrdreg s19  }
0xb2: {  	[dreg:$0x4] =	wrdreg s4  }
0xb3: {  	[dreg:$0x5] =	wrdreg $0x9  }
0xb4: {  	_ =	task.clear_ibuf [dreg:s9], $0x6FFFF;
	_ =	strace $0x90000046  }
0xb5: {  	s29 =	simm.s32 $0x9;
	_ =	strace $0x80000048  }
0xb6: {  	_ =	swait.ge [sflag:s29], $0x1  }
0xb7: {  	[sflag:s29] =	ssyncadd.s32 $0xFFFFFFFF  }
0xb8: {  	_ =	strace $0x90000048  }
0xb9: {  	_ =	sfence  }
0xba: {  	s30 =	sld [smem:$0x0];
	_ =	sdelay $0x2  }
0xbb: {  	s31 =	sshll.u32 s1, $0xD;
	s1 =	sshrl.u32 s1, $0x2  }
0xbc: {  	s3 =	sand.u32 $0x4000, s31;
	s1 =	sadd.s32 s1, s30  }
0xbd: {  	s0 =	sor.u32 s3, s0;
	s1 =	sshll.u32 s1, $0x11  }
0xbe: {  	s0 =	sor.u32 s1, s0  }
0xbf: {  	s0 =	sadd.s32 $0x8F2B, s0  }
0xc0: {  	[sflag:s0] =	ssyncadd.remote.s32 $0x1  }
0xc1: {  	_ =	sfence.sel $0xFFFF  }
0xc2: {  	[dreg:$0x0] =	wrdreg $0xFFFFFFFF;
	(pc) =	sbr.abs _section_cstart, $3  }
0xc3: {  	[dreg:$0x1] =	wrdreg $0xFFFFFFFF  }
0xc4: {  	_ =	task.clear_ibuf [dreg:s9], $0x2FFFF;
	_ =	strace $0x9FFFFFFF  }
0xc5: {  	(tm) =	ssettm $0x7FFFFFFF  }
tec
execute0_lowered:
.L_overlay_start_1:
0x0: {  	(tag) =	ssettag $0x1  }
0x1: {  	v0 =	vimm.s32 $0x1380  }
0x2: {  	vm14 =	vcmask $0x300;
	vm13 =	vcmask $0x704;
	vm12 =	vcmask $0xB08  }
0x3: {  	vm11 =	vcmask $0xF0C;
	vm10 =	vcmask $0x1310;
	vm9 =	vcmask $0x1714  }
0x4: {  	vm8 =	vcmask $0x1B18;
	vm7 =	vcmask $0x1F1C;
	vm6 =	vcmask $0x2320  }
0x5: {  	vm5 =	vcmask $0x2724;
	vm4 =	vcmask $0x2B28;
	vm3 =	vcmask $0x2F2C  }
0x6: {  	v1 =	vlaneseq.u32;
	vm2 =	vcmask $0x3330;
	vm1 =	vcmask $0x3734  }
0x7: {  	vm0 =	vcmask $0x3B38;
	v3 =	vimm.s32 $0x3380;
	v4 =	vimm.s32 $0x1FF0  }
0x8: {  	v5 =	vimm.s32 $0x3FF0;
	v6 =	vimm.s32 $0x1FF1;
	v7 =	vimm.s32 $0x3FF1  }
0x9: {  	v8 =	vimm.s32 $0x1FF2;
	v9 =	vimm.s32 $0x3FF2;
	v10 =	vimm.s32 $0x1FF3  }
0xa: {  	v11 =	vimm.s32 $0x3FF3;
	v12 =	vimm.s32 $0x1FF4;
	v13 =	vimm.s32 $0x3FF4  }
0xb: {  	v14 =	vimm.s32 $0x1FF5;
	v15 =	vimm.s32 $0x3FF5;
	v16 =	vimm.s32 $0x1FF6  }
0xc: {  	v17 =	vimm.s32 $0x3FF6;
	v18 =	vimm.s32 $0x1FF7;
	v19 =	vimm.s32 $0x3FF7  }
0xd: {  	v20 =	vimm.s32 $0x1FF8;
	v21 =	vimm.s32 $0x3FF8;
	v22 =	vimm.s32 $0x1FF9  }
0xe: {  	v23 =	vimm.s32 $0x3FF9;
	v24 =	vimm.s32 $0x1FFA;
	v25 =	vimm.s32 $0x3FFA  }
0xf: {  	v26 =	vimm.s32 $0x1FFB;
	v27 =	vimm.s32 $0x3FFB;
	v28 =	vimm.s32 $0x1FFC  }
0x10: {  	v29 =	vimm.s32 $0x3FFC;
	v30 =	vimm.s32 $0x1FFD;
	v31 =	vimm.s32 $0x3FFD  }
0x11: {  	v32 =	vimm.s32 $0x1FFE;
	v33 =	vimm.s32 $0x3FFE;
	v34 =	vimm.s32 $0x1FFF  }
0x12: {  	v35 =	vimm.s32 $0x3FFF;
	v0 =	vsel vm14, $0x0, v0;
	v3 =	vsel vm14, $0x2000, v3  }
0x13: {  	v4 =	vsel vm14, $0xC70, v4;
	v5 =	vsel vm14, $0x2C70, v5;
	v6 =	vsel vm14, $0xC71, v6  }
0x14: {  	v7 =	vsel vm14, $0x2C71, v7;
	v8 =	vsel vm14, $0xC72, v8;
	v9 =	vsel vm14, $0x2C72, v9  }
0x15: {  	v10 =	vsel vm14, $0xC73, v10;
	v11 =	vsel vm14, $0x2C73, v11;
	v12 =	vsel vm14, $0xC74, v12  }
0x16: {  	v13 =	vsel vm14, $0x2C74, v13;
	v14 =	vsel vm14, $0xC75, v14;
	v15 =	vsel vm14, $0x2C75, v15  }
0x17: {  	v16 =	vsel vm14, $0xC76, v16;
	v17 =	vsel vm14, $0x2C76, v17;
	v18 =	vsel vm14, $0xC77, v18  }
0x18: {  	v19 =	vsel vm14, $0x2C77, v19;
	v20 =	vsel vm14, $0xC78, v20;
	v21 =	vsel vm14, $0x2C78, v21  }
0x19: {  	v22 =	vsel vm14, $0xC79, v22;
	v23 =	vsel vm14, $0x2C79, v23;
	v24 =	vsel vm14, $0xC7A, v24  }
0x1a: {  	v25 =	vsel vm14, $0x2C7A, v25;
	v26 =	vsel vm14, $0xC7B, v26;
	v27 =	vsel vm14, $0x2C7B, v27  }
0x1b: {  	v28 =	vsel vm14, $0xC7C, v28;
	v29 =	vsel vm14, $0x2C7C, v29;
	v30 =	vsel vm14, $0xC7D, v30  }
0x1c: {  	v31 =	vsel vm14, $0x2C7D, v31;
	v32 =	vsel vm14, $0xC7E, v32;
	v33 =	vsel vm14, $0x2C7E, v33  }
0x1d: {  	v34 =	vsel vm14, $0xC7F, v34;
	v35 =	vsel vm14, $0x2C7F, v35;
	v0 =	vsel vm13, $0x80, v0  }
0x1e: {  	v3 =	vsel vm13, $0x2080, v3;
	v4 =	vsel vm13, $0xCF0, v4;
	v5 =	vsel vm13, $0x2CF0, v5  }
0x1f: {  	v6 =	vsel vm13, $0xCF1, v6;
	v7 =	vsel vm13, $0x2CF1, v7;
	v8 =	vsel vm13, $0xCF2, v8  }
0x20: {  	v9 =	vsel vm13, $0x2CF2, v9;
	v10 =	vsel vm13, $0xCF3, v10;
	v11 =	vsel vm13, $0x2CF3, v11  }
0x21: {  	v12 =	vsel vm13, $0xCF4, v12;
	v13 =	vsel vm13, $0x2CF4, v13;
	v14 =	vsel vm13, $0xCF5, v14  }
0x22: {  	v15 =	vsel vm13, $0x2CF5, v15;
	v16 =	vsel vm13, $0xCF6, v16;
	v17 =	vsel vm13, $0x2CF6, v17  }
0x23: {  	v18 =	vsel vm13, $0xCF7, v18;
	v19 =	vsel vm13, $0x2CF7, v19;
	v20 =	vsel vm13, $0xCF8, v20  }
0x24: {  	v21 =	vsel vm13, $0x2CF8, v21;
	v22 =	vsel vm13, $0xCF9, v22;
	v23 =	vsel vm13, $0x2CF9, v23  }
0x25: {  	v24 =	vsel vm13, $0xCFA, v24;
	v25 =	vsel vm13, $0x2CFA, v25;
	v26 =	vsel vm13, $0xCFB, v26  }
0x26: {  	v27 =	vsel vm13, $0x2CFB, v27;
	v28 =	vsel vm13, $0xCFC, v28;
	v29 =	vsel vm13, $0x2CFC, v29  }
0x27: {  	v30 =	vsel vm13, $0xCFD, v30;
	v31 =	vsel vm13, $0x2CFD, v31;
	v32 =	vsel vm13, $0xCFE, v32  }
0x28: {  	v33 =	vsel vm13, $0x2CFE, v33;
	v34 =	vsel vm13, $0xCFF, v34;
	v35 =	vsel vm13, $0x2CFF, v35  }
0x29: {  	v0 =	vsel vm12, $0x100, v0;
	v3 =	vsel vm12, $0x2100, v3;
	v4 =	vsel vm12, $0xD70, v4  }
0x2a: {  	v5 =	vsel vm12, $0x2D70, v5;
	v6 =	vsel vm12, $0xD71, v6;
	v7 =	vsel vm12, $0x2D71, v7  }
0x2b: {  	v8 =	vsel vm12, $0xD72, v8;
	v9 =	vsel vm12, $0x2D72, v9;
	v10 =	vsel vm12, $0xD73, v10  }
0x2c: {  	v11 =	vsel vm12, $0x2D73, v11;
	v12 =	vsel vm12, $0xD74, v12;
	v13 =	vsel vm12, $0x2D74, v13  }
0x2d: {  	v14 =	vsel vm12, $0xD75, v14;
	v15 =	vsel vm12, $0x2D75, v15;
	v16 =	vsel vm12, $0xD76, v16  }
0x2e: {  	v17 =	vsel vm12, $0x2D76, v17;
	v18 =	vsel vm12, $0xD77, v18;
	v19 =	vsel vm12, $0x2D77, v19  }
0x2f: {  	v20 =	vsel vm12, $0xD78, v20;
	v21 =	vsel vm12, $0x2D78, v21;
	v22 =	vsel vm12, $0xD79, v22  }
0x30: {  	v23 =	vsel vm12, $0x2D79, v23;
	v24 =	vsel vm12, $0xD7A, v24;
	v25 =	vsel vm12, $0x2D7A, v25  }
0x31: {  	v26 =	vsel vm12, $0xD7B, v26;
	v27 =	vsel vm12, $0x2D7B, v27;
	v28 =	vsel vm12, $0xD7C, v28  }
0x32: {  	v29 =	vsel vm12, $0x2D7C, v29;
	v30 =	vsel vm12, $0xD7D, v30;
	v31 =	vsel vm12, $0x2D7D, v31  }
0x33: {  	v32 =	vsel vm12, $0xD7E, v32;
	v33 =	vsel vm12, $0x2D7E, v33;
	v34 =	vsel vm12, $0xD7F, v34  }
0x34: {  	v35 =	vsel vm12, $0x2D7F, v35;
	v0 =	vsel vm11, $0x180, v0;
	v3 =	vsel vm11, $0x2180, v3  }
0x35: {  	v4 =	vsel vm11, $0xDF0, v4;
	v5 =	vsel vm11, $0x2DF0, v5;
	v6 =	vsel vm11, $0xDF1, v6  }
0x36: {  	v7 =	vsel vm11, $0x2DF1, v7;
	v8 =	vsel vm11, $0xDF2, v8;
	v9 =	vsel vm11, $0x2DF2, v9  }
0x37: {  	v10 =	vsel vm11, $0xDF3, v10;
	v11 =	vsel vm11, $0x2DF3, v11;
	v12 =	vsel vm11, $0xDF4, v12  }
0x38: {  	v13 =	vsel vm11, $0x2DF4, v13;
	v14 =	vsel vm11, $0xDF5, v14;
	v15 =	vsel vm11, $0x2DF5, v15  }
0x39: {  	v16 =	vsel vm11, $0xDF6, v16;
	v17 =	vsel vm11, $0x2DF6, v17;
	v18 =	vsel vm11, $0xDF7, v18  }
0x3a: {  	v19 =	vsel vm11, $0x2DF7, v19;
	v20 =	vsel vm11, $0xDF8, v20;
	v21 =	vsel vm11, $0x2DF8, v21  }
0x3b: {  	v22 =	vsel vm11, $0xDF9, v22;
	v23 =	vsel vm11, $0x2DF9, v23;
	v24 =	vsel vm11, $0xDFA, v24  }
0x3c: {  	v25 =	vsel vm11, $0x2DFA, v25;
	v26 =	vsel vm11, $0xDFB, v26;
	v27 =	vsel vm11, $0x2DFB, v27  }
0x3d: {  	v28 =	vsel vm11, $0xDFC, v28;
	v29 =	vsel vm11, $0x2DFC, v29;
	v30 =	vsel vm11, $0xDFD, v30  }
0x3e: {  	v31 =	vsel vm11, $0x2DFD, v31;
	v32 =	vsel vm11, $0xDFE, v32;
	v33 =	vsel vm11, $0x2DFE, v33  }
0x3f: {  	v34 =	vsel vm11, $0xDFF, v34;
	v35 =	vsel vm11, $0x2DFF, v35;
	v0 =	vsel vm10, $0x200, v0  }
0x40: {  	v3 =	vsel vm10, $0x2200, v3;
	v4 =	vsel vm10, $0xE70, v4;
	v5 =	vsel vm10, $0x2E70, v5  }
0x41: {  	v6 =	vsel vm10, $0xE71, v6;
	v7 =	vsel vm10, $0x2E71, v7;
	v8 =	vsel vm10, $0xE72, v8  }
0x42: {  	v9 =	vsel vm10, $0x2E72, v9;
	v10 =	vsel vm10, $0xE73, v10;
	v11 =	vsel vm10, $0x2E73, v11  }
0x43: {  	v12 =	vsel vm10, $0xE74, v12;
	v13 =	vsel vm10, $0x2E74, v13;
	v14 =	vsel vm10, $0xE75, v14  }
0x44: {  	v15 =	vsel vm10, $0x2E75, v15;
	v16 =	vsel vm10, $0xE76, v16;
	v17 =	vsel vm10, $0x2E76, v17  }
0x45: {  	v18 =	vsel vm10, $0xE77, v18;
	v19 =	vsel vm10, $0x2E77, v19;
	v20 =	vsel vm10, $0xE78, v20  }
0x46: {  	v21 =	vsel vm10, $0x2E78, v21;
	v22 =	vsel vm10, $0xE79, v22;
	v23 =	vsel vm10, $0x2E79, v23  }
0x47: {  	v24 =	vsel vm10, $0xE7A, v24;
	v25 =	vsel vm10, $0x2E7A, v25;
	v26 =	vsel vm10, $0xE7B, v26  }
0x48: {  	v27 =	vsel vm10, $0x2E7B, v27;
	v28 =	vsel vm10, $0xE7C, v28;
	v29 =	vsel vm10, $0x2E7C, v29  }
0x49: {  	v30 =	vsel vm10, $0xE7D, v30;
	v31 =	vsel vm10, $0x2E7D, v31;
	v32 =	vsel vm10, $0xE7E, v32  }
0x4a: {  	v33 =	vsel vm10, $0x2E7E, v33;
	v34 =	vsel vm10, $0xE7F, v34;
	v35 =	vsel vm10, $0x2E7F, v35  }
0x4b: {  	v0 =	vsel vm9, $0x280, v0;
	v3 =	vsel vm9, $0x2280, v3;
	v4 =	vsel vm9, $0xEF0, v4  }
0x4c: {  	v5 =	vsel vm9, $0x2EF0, v5;
	v6 =	vsel vm9, $0xEF1, v6;
	v7 =	vsel vm9, $0x2EF1, v7  }
0x4d: {  	v8 =	vsel vm9, $0xEF2, v8;
	v9 =	vsel vm9, $0x2EF2, v9;
	v10 =	vsel vm9, $0xEF3, v10  }
0x4e: {  	v11 =	vsel vm9, $0x2EF3, v11;
	v12 =	vsel vm9, $0xEF4, v12;
	v13 =	vsel vm9, $0x2EF4, v13  }
0x4f: {  	v14 =	vsel vm9, $0xEF5, v14;
	v15 =	vsel vm9, $0x2EF5, v15;
	v16 =	vsel vm9, $0xEF6, v16  }
0x50: {  	v17 =	vsel vm9, $0x2EF6, v17;
	v18 =	vsel vm9, $0xEF7, v18;
	v19 =	vsel vm9, $0x2EF7, v19  }
0x51: {  	v20 =	vsel vm9, $0xEF8, v20;
	v21 =	vsel vm9, $0x2EF8, v21;
	v22 =	vsel vm9, $0xEF9, v22  }
0x52: {  	v23 =	vsel vm9, $0x2EF9, v23;
	v24 =	vsel vm9, $0xEFA, v24;
	v25 =	vsel vm9, $0x2EFA, v25  }
0x53: {  	v26 =	vsel vm9, $0xEFB, v26;
	v27 =	vsel vm9, $0x2EFB, v27;
	v28 =	vsel vm9, $0xEFC, v28  }
0x54: {  	v29 =	vsel vm9, $0x2EFC, v29;
	v30 =	vsel vm9, $0xEFD, v30;
	v31 =	vsel vm9, $0x2EFD, v31  }
0x55: {  	v32 =	vsel vm9, $0xEFE, v32;
	v33 =	vsel vm9, $0x2EFE, v33;
	v34 =	vsel vm9, $0xEFF, v34  }
0x56: {  	v35 =	vsel vm9, $0x2EFF, v35;
	v0 =	vsel vm8, $0x300, v0;
	v3 =	vsel vm8, $0x2300, v3  }
0x57: {  	v4 =	vsel vm8, $0xF70, v4;
	v5 =	vsel vm8, $0x2F70, v5;
	v6 =	vsel vm8, $0xF71, v6  }
0x58: {  	v7 =	vsel vm8, $0x2F71, v7;
	v8 =	vsel vm8, $0xF72, v8;
	v9 =	vsel vm8, $0x2F72, v9  }
0x59: {  	v10 =	vsel vm8, $0xF73, v10;
	v11 =	vsel vm8, $0x2F73, v11;
	v12 =	vsel vm8, $0xF74, v12  }
0x5a: {  	v13 =	vsel vm8, $0x2F74, v13;
	v14 =	vsel vm8, $0xF75, v14;
	v15 =	vsel vm8, $0x2F75, v15  }
0x5b: {  	v16 =	vsel vm8, $0xF76, v16;
	v17 =	vsel vm8, $0x2F76, v17;
	v18 =	vsel vm8, $0xF77, v18  }
0x5c: {  	v19 =	vsel vm8, $0x2F77, v19;
	v20 =	vsel vm8, $0xF78, v20;
	v21 =	vsel vm8, $0x2F78, v21  }
0x5d: {  	v22 =	vsel vm8, $0xF79, v22;
	v23 =	vsel vm8, $0x2F79, v23;
	v24 =	vsel vm8, $0xF7A, v24  }
0x5e: {  	v25 =	vsel vm8, $0x2F7A, v25;
	v26 =	vsel vm8, $0xF7B, v26;
	v27 =	vsel vm8, $0x2F7B, v27  }
0x5f: {  	v28 =	vsel vm8, $0xF7C, v28;
	v29 =	vsel vm8, $0x2F7C, v29;
	v30 =	vsel vm8, $0xF7D, v30  }
0x60: {  	v31 =	vsel vm8, $0x2F7D, v31;
	v32 =	vsel vm8, $0xF7E, v32;
	v33 =	vsel vm8, $0x2F7E, v33  }
0x61: {  	v34 =	vsel vm8, $0xF7F, v34;
	v35 =	vsel vm8, $0x2F7F, v35;
	v0 =	vsel vm7, $0x380, v0  }
0x62: {  	v3 =	vsel vm7, $0x2380, v3;
	v4 =	vsel vm7, $0xFF0, v4;
	v5 =	vsel vm7, $0x2FF0, v5  }
0x63: {  	v6 =	vsel vm7, $0xFF1, v6;
	v7 =	vsel vm7, $0x2FF1, v7;
	v8 =	vsel vm7, $0xFF2, v8  }
0x64: {  	v9 =	vsel vm7, $0x2FF2, v9;
	v10 =	vsel vm7, $0xFF3, v10;
	v11 =	vsel vm7, $0x2FF3, v11  }
0x65: {  	v12 =	vsel vm7, $0xFF4, v12;
	v13 =	vsel vm7, $0x2FF4, v13;
	v14 =	vsel vm7, $0xFF5, v14  }
0x66: {  	v15 =	vsel vm7, $0x2FF5, v15;
	v16 =	vsel vm7, $0xFF6, v16;
	v17 =	vsel vm7, $0x2FF6, v17  }
0x67: {  	v18 =	vsel vm7, $0xFF7, v18;
	v19 =	vsel vm7, $0x2FF7, v19;
	v20 =	vsel vm7, $0xFF8, v20  }
0x68: {  	v21 =	vsel vm7, $0x2FF8, v21;
	v22 =	vsel vm7, $0xFF9, v22;
	v23 =	vsel vm7, $0x2FF9, v23  }
0x69: {  	v24 =	vsel vm7, $0xFFA, v24;
	v25 =	vsel vm7, $0x2FFA, v25;
	v26 =	vsel vm7, $0xFFB, v26  }
0x6a: {  	v27 =	vsel vm7, $0x2FFB, v27;
	v28 =	vsel vm7, $0xFFC, v28;
	v29 =	vsel vm7, $0x2FFC, v29  }
0x6b: {  	v30 =	vsel vm7, $0xFFD, v30;
	v31 =	vsel vm7, $0x2FFD, v31;
	v32 =	vsel vm7, $0xFFE, v32  }
0x6c: {  	v33 =	vsel vm7, $0x2FFE, v33;
	v34 =	vsel vm7, $0xFFF, v34;
	v35 =	vsel vm7, $0x2FFF, v35  }
0x6d: {  	v0 =	vsel vm6, $0x1000, v0;
	v3 =	vsel vm6, $0x3000, v3;
	v4 =	vsel vm6, $0x1C70, v4  }
0x6e: {  	v5 =	vsel vm6, $0x3C70, v5;
	v6 =	vsel vm6, $0x1C71, v6;
	v7 =	vsel vm6, $0x3C71, v7  }
0x6f: {  	v8 =	vsel vm6, $0x1C72, v8;
	v9 =	vsel vm6, $0x3C72, v9;
	v10 =	vsel vm6, $0x1C73, v10  }
0x70: {  	v11 =	vsel vm6, $0x3C73, v11;
	v12 =	vsel vm6, $0x1C74, v12;
	v13 =	vsel vm6, $0x3C74, v13  }
0x71: {  	v14 =	vsel vm6, $0x1C75, v14;
	v15 =	vsel vm6, $0x3C75, v15;
	v16 =	vsel vm6, $0x1C76, v16  }
0x72: {  	v17 =	vsel vm6, $0x3C76, v17;
	v18 =	vsel vm6, $0x1C77, v18;
	v19 =	vsel vm6, $0x3C77, v19  }
0x73: {  	v20 =	vsel vm6, $0x1C78, v20;
	v21 =	vsel vm6, $0x3C78, v21;
	v22 =	vsel vm6, $0x1C79, v22  }
0x74: {  	v23 =	vsel vm6, $0x3C79, v23;
	v24 =	vsel vm6, $0x1C7A, v24;
	v25 =	vsel vm6, $0x3C7A, v25  }
0x75: {  	v26 =	vsel vm6, $0x1C7B, v26;
	v27 =	vsel vm6, $0x3C7B, v27;
	v28 =	vsel vm6, $0x1C7C, v28  }
0x76: {  	v29 =	vsel vm6, $0x3C7C, v29;
	v30 =	vsel vm6, $0x1C7D, v30;
	v31 =	vsel vm6, $0x3C7D, v31  }
0x77: {  	v32 =	vsel vm6, $0x1C7E, v32;
	v33 =	vsel vm6, $0x3C7E, v33;
	v34 =	vsel vm6, $0x1C7F, v34  }
0x78: {  	v35 =	vsel vm6, $0x3C7F, v35;
	v0 =	vsel vm5, $0x1080, v0;
	v3 =	vsel vm5, $0x3080, v3  }
0x79: {  	v4 =	vsel vm5, $0x1CF0, v4;
	v5 =	vsel vm5, $0x3CF0, v5;
	v6 =	vsel vm5, $0x1CF1, v6  }
0x7a: {  	v7 =	vsel vm5, $0x3CF1, v7;
	v8 =	vsel vm5, $0x1CF2, v8;
	v9 =	vsel vm5, $0x3CF2, v9  }
0x7b: {  	v10 =	vsel vm5, $0x1CF3, v10;
	v11 =	vsel vm5, $0x3CF3, v11;
	v12 =	vsel vm5, $0x1CF4, v12  }
0x7c: {  	v13 =	vsel vm5, $0x3CF4, v13;
	v14 =	vsel vm5, $0x1CF5, v14;
	v15 =	vsel vm5, $0x3CF5, v15  }
0x7d: {  	v16 =	vsel vm5, $0x1CF6, v16;
	v17 =	vsel vm5, $0x3CF6, v17;
	v18 =	vsel vm5, $0x1CF7, v18  }
0x7e: {  	v19 =	vsel vm5, $0x3CF7, v19;
	v20 =	vsel vm5, $0x1CF8, v20;
	v21 =	vsel vm5, $0x3CF8, v21  }
0x7f: {  	v22 =	vsel vm5, $0x1CF9, v22;
	v23 =	vsel vm5, $0x3CF9, v23;
	v24 =	vsel vm5, $0x1CFA, v24  }
0x80: {  	v25 =	vsel vm5, $0x3CFA, v25;
	v26 =	vsel vm5, $0x1CFB, v26;
	v27 =	vsel vm5, $0x3CFB, v27  }
0x81: {  	v28 =	vsel vm5, $0x1CFC, v28;
	v29 =	vsel vm5, $0x3CFC, v29;
	v30 =	vsel vm5, $0x1CFD, v30  }
0x82: {  	v31 =	vsel vm5, $0x3CFD, v31;
	v32 =	vsel vm5, $0x1CFE, v32;
	v33 =	vsel vm5, $0x3CFE, v33  }
0x83: {  	v34 =	vsel vm5, $0x1CFF, v34;
	v35 =	vsel vm5, $0x3CFF, v35;
	v0 =	vsel vm4, $0x1100, v0  }
0x84: {  	v3 =	vsel vm4, $0x3100, v3;
	v4 =	vsel vm4, $0x1D70, v4;
	v5 =	vsel vm4, $0x3D70, v5  }
0x85: {  	v6 =	vsel vm4, $0x1D71, v6;
	v7 =	vsel vm4, $0x3D71, v7;
	v8 =	vsel vm4, $0x1D72, v8  }
0x86: {  	v9 =	vsel vm4, $0x3D72, v9;
	v10 =	vsel vm4, $0x1D73, v10;
	v11 =	vsel vm4, $0x3D73, v11  }
0x87: {  	v12 =	vsel vm4, $0x1D74, v12;
	v13 =	vsel vm4, $0x3D74, v13;
	v14 =	vsel vm4, $0x1D75, v14  }
0x88: {  	v15 =	vsel vm4, $0x3D75, v15;
	v16 =	vsel vm4, $0x1D76, v16;
	v17 =	vsel vm4, $0x3D76, v17  }
0x89: {  	v18 =	vsel vm4, $0x1D77, v18;
	v19 =	vsel vm4, $0x3D77, v19;
	v20 =	vsel vm4, $0x1D78, v20  }
0x8a: {  	v21 =	vsel vm4, $0x3D78, v21;
	v22 =	vsel vm4, $0x1D79, v22;
	v23 =	vsel vm4, $0x3D79, v23  }
0x8b: {  	v24 =	vsel vm4, $0x1D7A, v24;
	v25 =	vsel vm4, $0x3D7A, v25;
	v26 =	vsel vm4, $0x1D7B, v26  }
0x8c: {  	v27 =	vsel vm4, $0x3D7B, v27;
	v28 =	vsel vm4, $0x1D7C, v28;
	v29 =	vsel vm4, $0x3D7C, v29  }
0x8d: {  	v30 =	vsel vm4, $0x1D7D, v30;
	v31 =	vsel vm4, $0x3D7D, v31;
	v32 =	vsel vm4, $0x1D7E, v32  }
0x8e: {  	v33 =	vsel vm4, $0x3D7E, v33;
	v34 =	vsel vm4, $0x1D7F, v34;
	v35 =	vsel vm4, $0x3D7F, v35  }
0x8f: {  	v2 =	vsel vm3, $0x1180, v0;
	v0 =	vmul.u32 $0x80, v1;
	v3 =	vsel vm3, $0x3180, v3  }
0x90: {  	v4 =	vsel vm3, $0x1DF0, v4;
	v5 =	vsel vm3, $0x3DF0, v5;
	v6 =	vsel vm3, $0x1DF1, v6  }
0x91: {  	v7 =	vsel vm3, $0x3DF1, v7;
	v8 =	vsel vm3, $0x1DF2, v8;
	v9 =	vsel vm3, $0x3DF2, v9  }
0x92: {  	v10 =	vsel vm3, $0x1DF3, v10;
	v11 =	vsel vm3, $0x3DF3, v11;
	v12 =	vsel vm3, $0x1DF4, v12  }
0x93: {  	v13 =	vsel vm3, $0x3DF4, v13;
	v14 =	vsel vm3, $0x1DF5, v14;
	v15 =	vsel vm3, $0x3DF5, v15  }
0x94: {  	v16 =	vsel vm3, $0x1DF6, v16;
	v17 =	vsel vm3, $0x3DF6, v17;
	v18 =	vsel vm3, $0x1DF7, v18  }
0x95: {  	v19 =	vsel vm3, $0x3DF7, v19;
	v20 =	vsel vm3, $0x1DF8, v20;
	v21 =	vsel vm3, $0x3DF8, v21  }
0x96: {  	v22 =	vsel vm3, $0x1DF9, v22;
	v23 =	vsel vm3, $0x3DF9, v23;
	v24 =	vsel vm3, $0x1DFA, v24  }
0x97: {  	v25 =	vsel vm3, $0x3DFA, v25;
	v26 =	vsel vm3, $0x1DFB, v26;
	v27 =	vsel vm3, $0x3DFB, v27  }
0x98: {  	v28 =	vsel vm3, $0x1DFC, v28;
	v29 =	vsel vm3, $0x3DFC, v29;
	v30 =	vsel vm3, $0x1DFD, v30  }
0x99: {  	v31 =	vsel vm3, $0x3DFD, v31;
	v32 =	vsel vm3, $0x1DFE, v32;
	v33 =	vsel vm3, $0x3DFE, v33  }
0x9a: {  	v34 =	vsel vm3, $0x1DFF, v34;
	v35 =	vsel vm3, $0x3DFF, v35;
	v1 =	vsel vm2, $0x1200, v2  }
0x9b: {  	v3 =	vsel vm2, $0x3200, v3;
	v4 =	vsel vm2, $0x1E70, v4;
	v5 =	vsel vm2, $0x3E70, v5  }
0x9c: {  	v6 =	vsel vm2, $0x1E71, v6;
	v7 =	vsel vm2, $0x3E71, v7;
	v8 =	vsel vm2, $0x1E72, v8  }
0x9d: {  	v9 =	vsel vm2, $0x3E72, v9;
	v10 =	vsel vm2, $0x1E73, v10;
	v11 =	vsel vm2, $0x3E73, v11  }
0x9e: {  	v12 =	vsel vm2, $0x1E74, v12;
	v13 =	vsel vm2, $0x3E74, v13;
	v14 =	vsel vm2, $0x1E75, v14  }
0x9f: {  	v15 =	vsel vm2, $0x3E75, v15;
	v16 =	vsel vm2, $0x1E76, v16;
	v17 =	vsel vm2, $0x3E76, v17  }
0xa0: {  	v18 =	vsel vm2, $0x1E77, v18;
	v19 =	vsel vm2, $0x3E77, v19;
	v20 =	vsel vm2, $0x1E78, v20  }
0xa1: {  	v21 =	vsel vm2, $0x3E78, v21;
	v22 =	vsel vm2, $0x1E79, v22;
	v23 =	vsel vm2, $0x3E79, v23  }
0xa2: {  	v24 =	vsel vm2, $0x1E7A, v24;
	v25 =	vsel vm2, $0x3E7A, v25;
	v26 =	vsel vm2, $0x1E7B, v26  }
0xa3: {  	v27 =	vsel vm2, $0x3E7B, v27;
	v28 =	vsel vm2, $0x1E7C, v28;
	v29 =	vsel vm2, $0x3E7C, v29  }
0xa4: {  	v30 =	vsel vm2, $0x1E7D, v30;
	v31 =	vsel vm2, $0x3E7D, v31;
	v32 =	vsel vm2, $0x1E7E, v32  }
0xa5: {  	v33 =	vsel vm2, $0x3E7E, v33;
	v34 =	vsel vm2, $0x1E7F, v34;
	v35 =	vsel vm2, $0x3E7F, v35  }
0xa6: {  	v2 =	vsel vm1, $0x1280, v1;
	v1 =	vor.u32 $0x800, v0;
	v3 =	vsel vm1, $0x3280, v3  }
0xa7: {  	v4 =	vsel vm1, $0x1EF0, v4;
	v5 =	vsel vm1, $0x3EF0, v5;
	v6 =	vsel vm1, $0x1EF1, v6  }
0xa8: {  	v7 =	vsel vm1, $0x3EF1, v7;
	v8 =	vsel vm1, $0x1EF2, v8;
	v9 =	vsel vm1, $0x3EF2, v9  }
0xa9: {  	v10 =	vsel vm1, $0x1EF3, v10;
	v11 =	vsel vm1, $0x3EF3, v11;
	v12 =	vsel vm1, $0x1EF4, v12  }
0xaa: {  	v13 =	vsel vm1, $0x3EF4, v13;
	v14 =	vsel vm1, $0x1EF5, v14;
	v15 =	vsel vm1, $0x3EF5, v15  }
0xab: {  	v16 =	vsel vm1, $0x1EF6, v16;
	v17 =	vsel vm1, $0x3EF6, v17;
	v18 =	vsel vm1, $0x1EF7, v18  }
0xac: {  	v19 =	vsel vm1, $0x3EF7, v19;
	v20 =	vsel vm1, $0x1EF8, v20;
	v21 =	vsel vm1, $0x3EF8, v21  }
0xad: {  	v22 =	vsel vm1, $0x1EF9, v22;
	v23 =	vsel vm1, $0x3EF9, v23;
	v24 =	vsel vm1, $0x1EFA, v24  }
0xae: {  	v25 =	vsel vm1, $0x3EFA, v25;
	v26 =	vsel vm1, $0x1EFB, v26;
	v27 =	vsel vm1, $0x3EFB, v27  }
0xaf: {  	v28 =	vsel vm1, $0x1EFC, v28;
	v29 =	vsel vm1, $0x3EFC, v29;
	v30 =	vsel vm1, $0x1EFD, v30  }
0xb0: {  	v31 =	vsel vm1, $0x3EFD, v31;
	v32 =	vsel vm1, $0x1EFE, v32;
	v33 =	vsel vm1, $0x3EFE, v33  }
0xb1: {  	v34 =	vsel vm1, $0x1EFF, v34;
	v35 =	vsel vm1, $0x3EFF, v35;
	v2 =	vsel vm0, $0x1300, v2  }
0xb2: {  	v3 =	vsel vm0, $0x3300, v3;
	v4 =	vsel vm0, $0x1F70, v4;
	v5 =	vsel vm0, $0x3F70, v5  }
0xb3: {  	s0 =	rddreg [dreg:$0x0];
	v6 =	vsel vm0, $0x1F71, v6;
	v7 =	vsel vm0, $0x3F71, v7;
	v8 =	vsel vm0, $0x1F72, v8  }
0xb4: {  	s1 =	rddreg [dreg:$0x2];
	v9 =	vsel vm0, $0x3F72, v9;
	v10 =	vsel vm0, $0x1F73, v10;
	v11 =	vsel vm0, $0x3F73, v11  }
0xb5: {  	s2 =	srdreg.scid;
	s4 =	stileid.u32;
	v12 =	vsel vm0, $0x1F74, v12;
	v13 =	vsel vm0, $0x3F74, v13;
	v14 =	vsel vm0, $0x1F75, v14  }
0xb6: {  	s5 =	simm.s32 $0x0;
	s2 =	sand.u32 $0x1, s2;
	s4 =	sshll.u32 s4, $0xA;
	v15 =	vsel vm0, $0x3F75, v15;
	v16 =	vsel vm0, $0x1F76, v16;
	v17 =	vsel vm0, $0x3F76, v17  }
0xb7: {  	[smem:$0x7FF] =	sst s5;
	s3 =	ssub.s32 $0x2, s2;
	s2 =	sshll.u32 s2, $0x9;
	v18 =	vsel vm0, $0x1F77, v18;
	v19 =	vsel vm0, $0x3F77, v19;
	v20 =	vsel vm0, $0x1F78, v20  }
0xb8: {  	s26 =	simm.s32 $0x1;
	_ =	strace $0x80000047;
	s2 =	sor.u32 s2, s4;
	v21 =	vsel vm0, $0x3F78, v21;
	v22 =	vsel vm0, $0x1F79, v22;
	v23 =	vsel vm0, $0x3F79, v23  }
0xb9: {  	s29 =	sshrl.u32 s3, $0x1;
	s4 =	sshrl.u32 s2, $0x3;
	s30 =	sadd.s32 s1, s2;
	v24 =	vsel vm0, $0x1F7A, v24;
	v25 =	vsel vm0, $0x3F7A, v25;
	v26 =	vsel vm0, $0x1F7B, v26  }
0xba: {  	s3 =	ssub.s32 s3, s29;
	s0 =	sadd.s32 s0, s4;
	[dreg:$0x1a] =	wrdreg s30;
	v27 =	vsel vm0, $0x3F7B, v27;
	v28 =	vsel vm0, $0x1F7C, v28;
	v29 =	vsel vm0, $0x3F7C, v29  }
0xbb: {  	s28 =	simm.s32 $0x10200;
	s31 =	smax.u32 s3, $0x1;
	[dreg:$0x19] =	wrdreg s0;
	v30 =	vsel vm0, $0x1F7D, v30;
	v31 =	vsel vm0, $0x3F7D, v31;
	v32 =	vsel vm0, $0x1F7E, v32  }
0xbc: {  	s2 =	simm.s32 $0x2;
	s1 =	simm.s32 $0x0;
	[dreg:$0x1b] =	wrdreg s31;
	v33 =	vsel vm0, $0x3F7E, v33;
	v34 =	vsel vm0, $0x1F7F, v34;
	v35 =	vsel vm0, $0x3F7F, v35  }
.LBB2_1:
0xbd: {  	[dreg:$0x1c] =	wrdreg s1  }
0xbe: {  	s0 =	simm.s32 $0x0;
	s30 =	rddreg [dreg:$0x19]  }
0xbf: {  	[tilespmem:s0], [sflag:$0x2] =	stream.linear.gather [hbm4b:s30+s0], $0x200, $0x38;
	[tilespmem:$0x14200] =	vst v63  }
0xc0: {  	_ =	swait.ge [sflag:s2], $0x200  }
0xc1: {  	[sflag:s2] =	ssyncset.done $0x0  }
0xc2: {  	[sflag:s2] =	ssyncadd.s32 $0xFFFFFE00  }
0xc3: {  	v36 =	vld [tilespmem:$0x0];
	_ =	sdelay $0x4  }
0xc4: {  	(v2sf) =	vpush v36, $0x0;
	_ =	sdelay $0x1  }
0xc5: {  	(v2sf) =	vpush v36, $0x1;
	_ =	sdelay $0x2  }
0xc6: {  	(v2sf) =	vpush v36, $0x2;
	_ =	sdelay $0x2  }
0xc7: {  	(v2sf) =	vpush v36, $0x3;
	_ =	sdelay $0x2  }
0xc8: {  	(v2sf) =	vpush v36, $0x4;
	_ =	sdelay $0x2  }
0xc9: {  	(v2sf) =	vpush v36, $0x5  }
0xca: {  	s6 =	simm.s32 $0x400;
	s1 =	spop (v2sf)  }
0xcb: {  	s24 =	simm.s32 $0x7A1400;
	s4 =	rddreg [dreg:$0x1];
	s0 =	sand.u32 $0xFFFFF80, s1  }
0xcc: {  	s7 =	simm.s32 $0x200;
	(v2sf) =	vpush v36, $0x6;
	s2 =	spop (v2sf);
	s0 =	sadd.s32 s4, s0  }
0xcd: {  	[tilespmem:s7], [sflag:$0x1] =	stream.strided.gather [hbm4b:s0+s6], $0x1000, s24, s6, $0x38;
	[tilespmem:$0x14200] =	vst v63  }
0xce: {  	s0 =	sand.u32 $0xFFFFF80, s2  }
0xcf: {  	s16 =	simm.s32 $0x1200;
	(v2sf) =	vpush v36, $0x7;
	s3 =	spop (v2sf);
	s0 =	sadd.s32 s4, s0  }
0xd0: {  	[tilespmem:s16], [sflag:$0x1] =	stream.strided.gather [hbm4b:s0+s6], $0x1000, s24, s6, $0x38;
	[tilespmem:$0x14200] =	vst v63  }
0xd1: {  	s0 =	sand.u32 $0xFFFFF80, s3  }
0xd2: {  	s22 =	simm.s32 $0x2200;
	(v2sf) =	vpush v36, $0x8;
	s5 =	spop (v2sf);
	s0 =	sadd.s32 s4, s0  }
0xd3: {  	[tilespmem:s22], [sflag:$0x1] =	stream.strided.gather [hbm4b:s0+s6], $0x1000, s24, s6, $0x38;
	[tilespmem:$0x14200] =	vst v63  }
0xd4: {  	s0 =	sand.u32 $0xFFFFF80, s5  }
0xd5: {  	s29 =	simm.s32 $0x3200;
	(v2sf) =	vpush v36, $0x9;
	s8 =	spop (v2sf);
	s0 =	sadd.s32 s4, s0  }
0xd6: {  	[tilespmem:s29], [sflag:$0x1] =	stream.strided.gather [hbm4b:s0+s6], $0x1000, s24, s6, $0x38;
	[tilespmem:$0x14200] =	vst v63  }
0xd7: {  	s0 =	sand.u32 $0xFFFFF80, s8  }
0xd8: {  	s13 =	simm.s32 $0x4200;
	(v2sf) =	vpush v36, $0xA;
	s9 =	spop (v2sf);
	s0 =	sadd.s32 s4, s0  }
0xd9: {  	[tilespmem:s13], [sflag:$0x1] =	stream.strided.gather [hbm4b:s0+s6], $0x1000, s24, s6, $0x38;
	[tilespmem:$0x14200] =	vst v63  }
0xda: {  	s0 =	sand.u32 $0xFFFFF80, s9  }
0xdb: {  	s19 =	simm.s32 $0x5200;
	(v2sf) =	vpush v36, $0xB;
	s10 =	spop (v2sf);
	s0 =	sadd.s32 s4, s0  }
0xdc: {  	[tilespmem:s19], [sflag:$0x1] =	stream.strided.gather [hbm4b:s0+s6], $0x1000, s24, s6, $0x38;
	[tilespmem:$0x14200] =	vst v63  }
0xdd: {  	s0 =	sand.u32 $0xFFFFF80, s10  }
0xde: {  	s25 =	simm.s32 $0x6200;
	(v2sf) =	vpush v36, $0xC;
	s11 =	spop (v2sf);
	s0 =	sadd.s32 s4, s0  }
0xdf: {  	[tilespmem:s25], [sflag:$0x1] =	stream.strided.gather [hbm4b:s0+s6], $0x1000, s24, s6, $0x38;
	[tilespmem:$0x14200] =	vst v63  }
0xe0: {  	s0 =	sand.u32 $0xFFFFF80, s11  }
0xe1: {  	s12 =	simm.s32 $0x7200;
	(v2sf) =	vpush v36, $0xD;
	s14 =	spop (v2sf);
	s0 =	sadd.s32 s4, s0  }
0xe2: {  	[tilespmem:s12], [sflag:$0x1] =	stream.strided.gather [hbm4b:s0+s6], $0x1000, s24, s6, $0x38;
	[tilespmem:$0x14200] =	vst v63  }
0xe3: {  	s0 =	sand.u32 $0xFFFFF80, s14  }
0xe4: {  	s15 =	simm.s32 $0x8200;
	(v2sf) =	vpush v36, $0xE;
	s17 =	spop (v2sf);
	s0 =	sadd.s32 s4, s0  }
0xe5: {  	[tilespmem:s15], [sflag:$0x1] =	stream.strided.gather [hbm4b:s0+s6], $0x1000, s24, s6, $0x38;
	[tilespmem:$0x14200] =	vst v63  }
0xe6: {  	s0 =	sand.u32 $0xFFFFF80, s17  }
0xe7: {  	s18 =	simm.s32 $0x9200;
	(v2sf) =	vpush v36, $0xF;
	s20 =	spop (v2sf);
	s0 =	sadd.s32 s4, s0  }
0xe8: {  	[tilespmem:s18], [sflag:$0x1] =	stream.strided.gather [hbm4b:s0+s6], $0x1000, s24, s6, $0x38;
	[tilespmem:$0x14200] =	vst v63  }
0xe9: {  	s0 =	sand.u32 $0xFFFFF80, s20  }
0xea: {  	s21 =	simm.s32 $0xA200;
	s23 =	spop (v2sf);
	s0 =	sadd.s32 s4, s0  }
0xeb: {  	[tilespmem:s21], [sflag:$0x1] =	stream.strided.gather [hbm4b:s0+s6], $0x1000, s24, s6, $0x38;
	[tilespmem:$0x14200] =	vst v63  }
0xec: {  	(v2sf) =	vpush v36, $0x1;
	s0 =	sand.u32 $0xFFFFF80, s23  }
0xed: {  	s30 =	simm.s32 $0xB200;
	(v2sf) =	vpush v36, $0x2;
	s2 =	spop (v2sf);
	s0 =	sadd.s32 s4, s0  }
0xee: {  	(v2sf) =	vpush v36, $0x3;
	[tilespmem:s30], [sflag:$0x1] =	stream.strided.gather [hbm4b:s0+s6], $0x1000, s24, s6, $0x38;
	[tilespmem:$0x14200] =	vst v63  }
0xef: {  	(v2sf) =	vpush v36, $0x4;
	s0 =	sand.u32 $0xFFFFF80, s2  }
0xf0: {  	s3 =	simm.s32 $0xC200;
	(v2sf) =	vpush v36, $0x5;
	s5 =	spop (v2sf);
	s0 =	sadd.s32 s4, s0  }
0xf1: {  	(v2sf) =	vpush v36, $0x6;
	[tilespmem:s3], [sflag:$0x1] =	stream.strided.gather [hbm4b:s0+s6], $0x1000, s24, s6, $0x38;
	[tilespmem:$0x14200] =	vst v63  }
0xf2: {  	(v2sf) =	vpush v36, $0x7;
	s0 =	sand.u32 $0xFFFFF80, s5  }
0xf3: {  	s8 =	simm.s32 $0xD200;
	(v2sf) =	vpush v36, $0x8;
	s9 =	spop (v2sf);
	s0 =	sadd.s32 s4, s0  }
0xf4: {  	(v2sf) =	vpush v36, $0x9;
	[tilespmem:s8], [sflag:$0x1] =	stream.strided.gather [hbm4b:s0+s6], $0x1000, s24, s6, $0x38;
	[tilespmem:$0x14200] =	vst v63  }
0xf5: {  	(v2sf) =	vpush v36, $0xA;
	s0 =	sand.u32 $0xFFFFF80, s9  }
0xf6: {  	s10 =	simm.s32 $0xE200;
	(v2sf) =	vpush v36, $0xB;
	s11 =	spop (v2sf);
	s0 =	sadd.s32 s4, s0  }
0xf7: {  	(v2sf) =	vpush v36, $0xC;
	[tilespmem:s10], [sflag:$0x1] =	stream.strided.gather [hbm4b:s0+s6], $0x1000, s24, s6, $0x38;
	[tilespmem:$0x14200] =	vst v63  }
0xf8: {  	(v2sf) =	vpush v36, $0xD;
	s0 =	sand.u32 $0xFFFFF80, s11  }
0xf9: {  	s12 =	simm.s32 $0xF200;
	(v2sf) =	vpush v36, $0xE;
	s0 =	sadd.s32 s4, s0  }
0xfa: {  	(v2sf) =	vpush v36, $0xF;
	[tilespmem:s12], [sflag:$0x1] =	stream.strided.gather [hbm4b:s0+s6], $0x1000, s24, s6, $0x38;
	[tilespmem:$0x14200] =	vst v63  }
0xfb: {  	s0 =	spop (v2sf);
	(v2sf) =	vpush v36, $0x0  }
0xfc: {  	s12 =	spop (v2sf)  }
0xfd: {  	s18 =	spop (v2sf)  }
0xfe: {  	s8 =	spop (v2sf)  }
0xff: {  	s5 =	spop (v2sf)  }
0x100: {  	s1 =	simm.s32 $0x10;
	s10 =	spop (v2sf)  }
0x101: {  	v36 =	vld [tilespmem:s1+$0x0];
	s23 =	spop (v2sf)  }
0x102: {  	s31 =	spop (v2sf)  }
0x103: {  	s14 =	spop (v2sf)  }
0x104: {  	s15 =	spop (v2sf)  }
0x105: {  	[smem:$0x7F0] =	sst s14;
	s17 =	spop (v2sf)  }
0x106: {  	(v2sf) =	vpush v36, $0x0;
	[smem:$0x7F1] =	sst s15;
	s20 =	spop (v2sf)  }
0x107: {  	(v2sf) =	vpush v36, $0x1;
	[smem:$0x7F2] =	sst s17;
	s21 =	spop (v2sf)  }
0x108: {  	(v2sf) =	vpush v36, $0x2;
	[smem:$0x7F3] =	sst s20;
	s30 =	spop (v2sf)  }
0x109: {  	[dreg:$0x1f] =	wrdreg s21;
	s3 =	spop (v2sf)  }
0x10a: {  	[dreg:$0x1e] =	wrdreg s30;
	s9 =	spop (v2sf);
	(v2sf) =	vpush v36, $0x3  }
0x10b: {  	[dreg:$0x1d] =	wrdreg s3;
	s2 =	sand.u32 $0x7F, s9;
	(v2sf) =	vpush v36, $0x4  }
0x10c: {  	s3 =	simm.s32 $0x0;
	v37 =	vor.u32 s2, v0;
	_ =	swait.ge [sflag:s26], $0x1000  }
0x10d: {  	v39 =	vmov s3;
	v38 =	vor.u32 s2, v1;
	(v2sf) =	vpush v36, $0x5  }
0x10e: {  	v40 =	vshll.u32 v39, $0x3;
	(v2sf) =	vpush v36, $0x6  }
0x10f: {  	v39 =	vand.u32 $0x70, v39;
	[sflag:s26] =	ssyncset.done $0x0;
	v40 =	vand.u32 $0xFFFFFC00, v40;
	(v2sf) =	vpush v36, $0x7  }
0x110: {  	[sflag:s26] =	ssyncadd.s32 $0xFFFFF000;
	v39 =	vor.u32 v39, v40;
	(v2sf) =	vpush v36, $0x8  }
0x111: {  	v40 =	vadd.s32 v2, v39;
	v37 =	vld.idx.msk [tilespmem:v37+s7+$0x0], $0xffff;
	(v2sf) =	vpush v36, $0x9  }
0x112: {  	v39 =	vadd.s32 v3, v39;
	v38 =	vld.idx.msk [tilespmem:v38+s7+$0x0], $0xffff;
	(v2sf) =	vpush v36, $0xA  }
0x113: {  	(v2sf) =	vpush v36, $0xB  }
0x114: {  	(v2sf) =	vpush v36, $0xC  }
0x115: {  	s11 =	spop (v2sf);
	(v2sf) =	vpush v36, $0xD  }
0x116: {  	s0 =	sand.u32 $0x7F, s0;
	s2 =	sand.u32 $0xFFFFF80, s11;
	s11 =	spop (v2sf);
	[tilespmem:v40+s28+$0x0] =	vst.idx.msk $0xffff, v37;
	(v2sf) =	vpush v36, $0x1  }
0x117: {  	v63 =	vor.u32 s0, v0;
	s14 =	simm.s32 $0x1;
	s2 =	sadd.s32 s4, s2;
	s15 =	spop (v2sf);
	[tilespmem:v39+s28+$0x0] =	vst.idx.msk $0xffff, v38;
	(v2sf) =	vpush v36, $0x2  }
0x118: {  	v45 =	vor.u32 s0, v1;
	v44 =	vmov s14;
	[tilespmem:s7], [sflag:$0x1] =	stream.strided.gather [hbm4b:s2+s6], $0x1000, s24, s6, $0x38;
	(v2sf) =	vpush v36, $0xE;
	[tilespmem:$0x14200] =	vst v63  }
0x119: {  	v46 =	vshll.u32 v44, $0x3;
	_ =	swait.ge [sflag:s26], $0x1000  }
0x11a: {  	v40 =	vand.u32 $0xFFFFFC00, v46;
	v38 =	vand.u32 $0x71, v44;
	s20 =	spop (v2sf);
	[sflag:s26] =	ssyncset.done $0x0  }
0x11b: {  	v38 =	vor.u32 v38, v40;
	s0 =	spop (v2sf);
	[sflag:s26] =	ssyncadd.s32 $0xFFFFF000  }
0x11c: {  	v40 =	vadd.s32 v2, v38;
	s2 =	spop (v2sf);
	v37 =	vld.idx.msk [tilespmem:v63+s16+$0x0], $0xffff  }
0x11d: {  	v38 =	vadd.s32 v3, v38;
	(v2sf) =	vpush v36, $0xF;
	v39 =	vld.idx.msk [tilespmem:v45+s16+$0x0], $0xffff;
	s3 =	spop (v2sf)  }
0x11e: {  	(v2sf) =	vpush v36, $0x3;
	s7 =	spop (v2sf)  }
0x11f: {  	(v2sf) =	vpush v36, $0x4;
	s9 =	spop (v2sf)  }
0x120: {  	(v2sf) =	vpush v36, $0x5;
	s17 =	spop (v2sf)  }
0x121: {  	s14 =	sand.u32 $0xFFFFF80, s11;
	(v2sf) =	vpush v36, $0x6;
	s11 =	spop (v2sf);
	[tilespmem:v40+s28+$0x0] =	vst.idx.msk $0xffff, v37  }
0x122: {  	s14 =	sadd.s32 s4, s14;
	(v2sf) =	vpush v36, $0x7;
	s30 =	spop (v2sf);
	[tilespmem:v38+s28+$0x0] =	vst.idx.msk $0xffff, v39  }
0x123: {  	(v2sf) =	vpush v36, $0x8;
	[tilespmem:s16], [sflag:$0x1] =	stream.strided.gather [hbm4b:s14+s6], $0x1000, s24, s6, $0x38;
	[tilespmem:$0x14200] =	vst v63  }
0x124: {  	(v2sf) =	vpush v36, $0x9;
	s14 =	spop (v2sf)  }
0x125: {  	s12 =	sand.u32 $0x7F, s12;
	(v2sf) =	vpush v36, $0xA;
	s16 =	spop (v2sf)  }
0x126: {  	v47 =	vor.u32 s12, v0;
	s21 =	simm.s32 $0x2;
	(v2sf) =	vpush v36, $0xB;
	[smem:$0x7F4] =	sst s16;
	s16 =	spop (v2sf)  }
0x127: {  	v49 =	vor.u32 s12, v1;
	v48 =	vmov s21;
	(v2sf) =	vpush v36, $0xC;
	[smem:$0x7F5] =	sst s16  }
0x128: {  	v50 =	vshll.u32 v48, $0x3;
	_ =	swait.ge [sflag:s26], $0x1000  }
0x129: {  	v40 =	vand.u32 $0xFFFFFC00, v50;
	v38 =	vand.u32 $0x72, v48;
	[sflag:s26] =	ssyncset.done $0x0  }
0x12a: {  	v38 =	vor.u32 v38, v40;
	[sflag:s26] =	ssyncadd.s32 $0xFFFFF000  }
0x12b: {  	v40 =	vadd.s32 v2, v38;
	v37 =	vld.idx.msk [tilespmem:v47+s22+$0x0], $0xffff  }
0x12c: {  	v38 =	vadd.s32 v3, v38;
	v39 =	vld.idx.msk [tilespmem:v49+s22+$0x0], $0xffff;
	_ =	sdelay $0x3  }
0x12d: {  	s21 =	sand.u32 $0xFFFFF80, s15;
	s15 =	spop (v2sf);
	[tilespmem:v40+s28+$0x0] =	vst.idx.msk $0xffff, v37  }
0x12e: {  	s12 =	sadd.s32 s4, s21;
	s21 =	spop (v2sf);
	[tilespmem:v38+s28+$0x0] =	vst.idx.msk $0xffff, v39  }
0x12f: {  	[tilespmem:s22], [sflag:$0x1] =	stream.strided.gather [hbm4b:s12+s6], $0x1000, s24, s6, $0x38;
	[tilespmem:$0x14200] =	vst v63  }
0x130: {  	s12 =	spop (v2sf)  }
0x131: {  	[smem:$0x7F6] =	sst s15;
	s16 =	spop (v2sf)  }
0x132: {  	[smem:$0x7F7] =	sst s16;
	s22 =	spop (v2sf)  }
0x133: {  	[smem:$0x7F8] =	sst s22;
	s16 =	spop (v2sf)  }
0x134: {  	[smem:$0x7F9] =	sst s16;
	s22 =	spop (v2sf)  }
0x135: {  	[smem:$0x7FA] =	sst s22;
	s16 =	spop (v2sf)  }
0x136: {  	s18 =	sand.u32 $0x7F, s18;
	(v2sf) =	vpush v36, $0xD;
	[smem:$0x7FB] =	sst s16;
	s22 =	spop (v2sf)  }
0x137: {  	v51 =	vor.u32 s18, v0;
	(v2sf) =	vpush v36, $0xE;
	s16 =	simm.s32 $0x3;
	[smem:$0x7FC] =	sst s22;
	s22 =	spop (v2sf)  }
0x138: {  	v53 =	vor.u32 s18, v1;
	(v2sf) =	vpush v36, $0xF;
	v52 =	vmov s16;
	[smem:$0x7FD] =	sst s22  }
0x139: {  	v54 =	vshll.u32 v52, $0x3;
	_ =	swait.ge [sflag:s26], $0x1000  }
0x13a: {  	v38 =	vand.u32 $0x73, v52;
	v40 =	vand.u32 $0xFFFFFC00, v54;
	[sflag:s26] =	ssyncset.done $0x0  }
0x13b: {  	v38 =	vor.u32 v38, v40;
	[sflag:s26] =	ssyncadd.s32 $0xFFFFF000  }
0x13c: {  	v40 =	vadd.s32 v2, v38;
	v37 =	vld.idx.msk [tilespmem:v51+s29+$0x0], $0xffff  }
0x13d: {  	v38 =	vadd.s32 v3, v38;
	v39 =	vld.idx.msk [tilespmem:v53+s29+$0x0], $0xffff;
	_ =	sdelay $0x3  }
0x13e: {  	s20 =	sand.u32 $0xFFFFF80, s20;
	s22 =	spop (v2sf);
	[tilespmem:v40+s28+$0x0] =	vst.idx.msk $0xffff, v37  }
0x13f: {  	s20 =	sadd.s32 s4, s20;
	s15 =	spop (v2sf);
	[tilespmem:v38+s28+$0x0] =	vst.idx.msk $0xffff, v39  }
0x140: {  	[tilespmem:s29], [sflag:$0x1] =	stream.strided.gather [hbm4b:s20+s6], $0x1000, s24, s6, $0x38;
	[tilespmem:$0x14200] =	vst v63  }
0x141: {  	s20 =	spop (v2sf)  }
0x142: {  	s8 =	sand.u32 $0x7F, s8;
	s18 =	spop (v2sf)  }
0x143: {  	v55 =	vor.u32 s8, v0;
	s16 =	simm.s32 $0x4;
	s29 =	spop (v2sf)  }
0x144: {  	v57 =	vor.u32 s8, v1;
	v56 =	vmov s16;
	s8 =	spop (v2sf)  }
0x145: {  	v58 =	vshll.u32 v56, $0x3;
	_ =	swait.ge [sflag:s26], $0x1000  }
0x146: {  	v40 =	vand.u32 $0xFFFFFC00, v58;
	v38 =	vand.u32 $0x74, v56;
	[sflag:s26] =	ssyncset.done $0x0  }
0x147: {  	v38 =	vor.u32 v38, v40;
	[sflag:s26] =	ssyncadd.s32 $0xFFFFF000  }
0x148: {  	v40 =	vadd.s32 v2, v38;
	v37 =	vld.idx.msk [tilespmem:v55+s13+$0x0], $0xffff  }
0x149: {  	v38 =	vadd.s32 v3, v38;
	v39 =	vld.idx.msk [tilespmem:v57+s13+$0x0], $0xffff;
	_ =	sdelay $0x3  }
0x14a: {  	s5 =	sand.u32 $0x7F, s5;
	s0 =	sand.u32 $0xFFFFF80, s0;
	[tilespmem:v40+s28+$0x0] =	vst.idx.msk $0xffff, v37  }
0x14b: {  	v59 =	vor.u32 s5, v0;
	s0 =	sadd.s32 s4, s0;
	s16 =	simm.s32 $0x5;
	[tilespmem:v38+s28+$0x0] =	vst.idx.msk $0xffff, v39  }
0x14c: {  	v61 =	vor.u32 s5, v1;
	v60 =	vmov s16;
	[tilespmem:s13], [sflag:$0x1] =	stream.strided.gather [hbm4b:s0+s6], $0x1000, s24, s6, $0x38;
	[tilespmem:$0x14200] =	vst v63  }
0x14d: {  	v62 =	vshll.u32 v60, $0x3;
	_ =	swait.ge [sflag:s26], $0x1000  }
0x14e: {  	v40 =	vand.u32 $0xFFFFFC00, v62;
	v38 =	vand.u32 $0x75, v60;
	[sflag:s26] =	ssyncset.done $0x0  }
0x14f: {  	v38 =	vor.u32 v38, v40;
	[sflag:s26] =	ssyncadd.s32 $0xFFFFF000  }
0x150: {  	v40 =	vadd.s32 v2, v38;
	v37 =	vld.idx.msk [tilespmem:v59+s19+$0x0], $0xffff  }
0x151: {  	v38 =	vadd.s32 v3, v38;
	v39 =	vld.idx.msk [tilespmem:v61+s19+$0x0], $0xffff;
	_ =	sdelay $0x3  }
0x152: {  	s10 =	sand.u32 $0x7F, s10;
	s2 =	sand.u32 $0xFFFFF80, s2;
	[tilespmem:v40+s28+$0x0] =	vst.idx.msk $0xffff, v37  }
0x153: {  	v63 =	vor.u32 s10, v0;
	s2 =	sadd.s32 s4, s2;
	s13 =	simm.s32 $0x6;
	[tilespmem:v38+s28+$0x0] =	vst.idx.msk $0xffff, v39  }
0x154: {  	v45 =	vor.u32 s10, v1;
	v44 =	vmov s13;
	[tilespmem:s19], [sflag:$0x1] =	stream.strided.gather [hbm4b:s2+s6], $0x1000, s24, s6, $0x38;
	[tilespmem:$0x14200] =	vst v63  }
0x155: {  	v46 =	vshll.u32 v44, $0x3;
	_ =	swait.ge [sflag:s26], $0x1000  }
0x156: {  	v40 =	vand.u32 $0xFFFFFC00, v46;
	v38 =	vand.u32 $0x76, v44;
	[sflag:s26] =	ssyncset.done $0x0  }
0x157: {  	v38 =	vor.u32 v38, v40;
	[sflag:s26] =	ssyncadd.s32 $0xFFFFF000  }
0x158: {  	v40 =	vadd.s32 v2, v38;
	v37 =	vld.idx.msk [tilespmem:v63+s25+$0x0], $0xffff  }
0x159: {  	v38 =	vadd.s32 v3, v38;
	v39 =	vld.idx.msk [tilespmem:v45+s25+$0x0], $0xffff;
	_ =	sdelay $0x3  }
0x15a: {  	s16 =	sand.u32 $0x7F, s23;
	s19 =	sand.u32 $0xFFFFF80, s3;
	[tilespmem:v40+s28+$0x0] =	vst.idx.msk $0xffff, v37  }
0x15b: {  	s23 =	simm.s32 $0x7;
	v47 =	vor.u32 s16, v0;
	s2 =	sadd.s32 s4, s19;
	[tilespmem:v38+s28+$0x0] =	vst.idx.msk $0xffff, v39  }
0x15c: {  	v48 =	vmov s23;
	v49 =	vor.u32 s16, v1;
	[tilespmem:s25], [sflag:$0x1] =	stream.strided.gather [hbm4b:s2+s6], $0x1000, s24, s6, $0x38;
	[tilespmem:$0x14200] =	vst v63  }
0x15d: {  	v50 =	vshll.u32 v48, $0x3;
	_ =	swait.ge [sflag:s26], $0x1000  }
0x15e: {  	v40 =	vand.u32 $0xFFFFFC00, v50;
	v38 =	vand.u32 $0x77, v48;
	[sflag:s26] =	ssyncset.done $0x0  }
0x15f: {  	s5 =	simm.s32 $0x7200;
	v38 =	vor.u32 v38, v40;
	[sflag:s26] =	ssyncadd.s32 $0xFFFFF000  }
0x160: {  	v40 =	vadd.s32 v2, v38;
	v37 =	vld.idx.msk [tilespmem:v47+s5+$0x0], $0xffff  }
0x161: {  	v38 =	vadd.s32 v3, v38;
	v39 =	vld.idx.msk [tilespmem:v49+s5+$0x0], $0xffff;
	_ =	sdelay $0x3  }
0x162: {  	s16 =	sand.u32 $0xFFFFF80, s7;
	s13 =	sand.u32 $0x7F, s31;
	[tilespmem:v40+s28+$0x0] =	vst.idx.msk $0xffff, v37  }
0x163: {  	s10 =	simm.s32 $0x7200;
	v51 =	vor.u32 s13, v0;
	s19 =	simm.s32 $0x8;
	s2 =	sadd.s32 s4, s16;
	[tilespmem:v38+s28+$0x0] =	vst.idx.msk $0xffff, v39  }
0x164: {  	v53 =	vor.u32 s13, v1;
	v52 =	vmov s19;
	[tilespmem:s10], [sflag:$0x1] =	stream.strided.gather [hbm4b:s2+s6], $0x1000, s24, s6, $0x38;
	[tilespmem:$0x14200] =	vst v63  }
0x165: {  	v54 =	vshll.u32 v52, $0x3;
	_ =	swait.ge [sflag:s26], $0x1000  }
0x166: {  	v40 =	vand.u32 $0xFFFFFC00, v54;
	v38 =	vand.u32 $0x78, v52;
	[sflag:s26] =	ssyncset.done $0x0  }
0x167: {  	s23 =	simm.s32 $0x8200;
	v38 =	vor.u32 v38, v40;
	[sflag:s26] =	ssyncadd.s32 $0xFFFFF000  }
0x168: {  	v40 =	vadd.s32 v2, v38;
	v37 =	vld.idx.msk [tilespmem:v51+s23+$0x0], $0xffff  }
0x169: {  	v38 =	vadd.s32 v3, v38;
	v39 =	vld.idx.msk [tilespmem:v53+s23+$0x0], $0xffff  }
0x16a: {  	s3 =	sld [smem:$0x7F0];
	_ =	sdelay $0x2  }
0x16b: {  	s7 =	sand.u32 $0xFFFFF80, s9;
	s0 =	sand.u32 $0x7F, s3;
	[tilespmem:v40+s28+$0x0] =	vst.idx.msk $0xffff, v37  }
0x16c: {  	s9 =	simm.s32 $0x9;
	s25 =	simm.s32 $0x8200;
	s2 =	sadd.s32 s4, s7;
	v55 =	vor.u32 s0, v0;
	[tilespmem:v38+s28+$0x0] =	vst.idx.msk $0xffff, v39  }
0x16d: {  	v56 =	vmov s9;
	v57 =	vor.u32 s0, v1;
	[tilespmem:s25], [sflag:$0x1] =	stream.strided.gather [hbm4b:s2+s6], $0x1000, s24, s6, $0x38;
	[tilespmem:$0x14200] =	vst v63  }
0x16e: {  	v58 =	vshll.u32 v56, $0x3;
	_ =	swait.ge [sflag:s26], $0x1000  }
0x16f: {  	v40 =	vand.u32 $0xFFFFFC00, v58;
	v38 =	vand.u32 $0x79, v56;
	[sflag:s26] =	ssyncset.done $0x0  }
0x170: {  	s10 =	simm.s32 $0x9200;
	v38 =	vor.u32 v38, v40;
	[sflag:s26] =	ssyncadd.s32 $0xFFFFF000  }
0x171: {  	v40 =	vadd.s32 v2, v38;
	v37 =	vld.idx.msk [tilespmem:v55+s10+$0x0], $0xffff  }
0x172: {  	v38 =	vadd.s32 v3, v38;
	v39 =	vld.idx.msk [tilespmem:v57+s10+$0x0], $0xffff  }
0x173: {  	s16 =	sld [smem:$0x7F1];
	_ =	sdelay $0x2  }
0x174: {  	s17 =	sand.u32 $0xFFFFF80, s17;
	s0 =	sand.u32 $0x7F, s16;
	[tilespmem:v40+s28+$0x0] =	vst.idx.msk $0xffff, v37  }
0x175: {  	s13 =	simm.s32 $0x9200;
	s19 =	simm.s32 $0xA;
	s2 =	sadd.s32 s4, s17;
	v59 =	vor.u32 s0, v0;
	[tilespmem:v38+s28+$0x0] =	vst.idx.msk $0xffff, v39  }
0x176: {  	v60 =	vmov s19;
	v61 =	vor.u32 s0, v1;
	[tilespmem:s13], [sflag:$0x1] =	stream.strided.gather [hbm4b:s2+s6], $0x1000, s24, s6, $0x38;
	[tilespmem:$0x14200] =	vst v63  }
0x177: {  	v62 =	vshll.u32 v60, $0x3;
	_ =	swait.ge [sflag:s26], $0x1000  }
0x178: {  	v40 =	vand.u32 $0xFFFFFC00, v62;
	v38 =	vand.u32 $0x7A, v60;
	[sflag:s26] =	ssyncset.done $0x0  }
0x179: {  	s23 =	simm.s32 $0xA200;
	v38 =	vor.u32 v38, v40;
	[sflag:s26] =	ssyncadd.s32 $0xFFFFF000  }
0x17a: {  	v40 =	vadd.s32 v2, v38;
	v37 =	vld.idx.msk [tilespmem:v59+s23+$0x0], $0xffff  }
0x17b: {  	v38 =	vadd.s32 v3, v38;
	v39 =	vld.idx.msk [tilespmem:v61+s23+$0x0], $0xffff  }
0x17c: {  	s2 =	sld [smem:$0x7F2];
	_ =	sdelay $0x2  }
0x17d: {  	s3 =	sand.u32 $0xFFFFF80, s11;
	s0 =	sand.u32 $0x7F, s2;
	[tilespmem:v40+s28+$0x0] =	vst.idx.msk $0xffff, v37  }
0x17e: {  	s7 =	simm.s32 $0xB;
	s25 =	simm.s32 $0xA200;
	s2 =	sadd.s32 s4, s3;
	v63 =	vor.u32 s0, v0;
	[tilespmem:v38+s28+$0x0] =	vst.idx.msk $0xffff, v39  }
0x17f: {  	v44 =	vmov s7;
	v45 =	vor.u32 s0, v1;
	[tilespmem:s25], [sflag:$0x1] =	stream.strided.gather [hbm4b:s2+s6], $0x1000, s24, s6, $0x38;
	[tilespmem:$0x14200] =	vst v63  }
0x180: {  	v46 =	vshll.u32 v44, $0x3;
	_ =	swait.ge [sflag:s26], $0x1000  }
0x181: {  	v40 =	vand.u32 $0xFFFFFC00, v46;
	v38 =	vand.u32 $0x7B, v44;
	[sflag:s26] =	ssyncset.done $0x0  }
0x182: {  	s9 =	simm.s32 $0xB200;
	v38 =	vor.u32 v38, v40;
	[sflag:s26] =	ssyncadd.s32 $0xFFFFF000  }
0x183: {  	v40 =	vadd.s32 v2, v38;
	v37 =	vld.idx.msk [tilespmem:v63+s9+$0x0], $0xffff  }
0x184: {  	v38 =	vadd.s32 v3, v38;
	v39 =	vld.idx.msk [tilespmem:v45+s9+$0x0], $0xffff  }
0x185: {  	s11 =	sld [smem:$0x7F3];
	_ =	sdelay $0x2  }
0x186: {  	s13 =	sand.u32 $0xFFFFF80, s30;
	s0 =	sand.u32 $0x7F, s11;
	[tilespmem:v40+s28+$0x0] =	vst.idx.msk $0xffff, v37  }
0x187: {  	s10 =	simm.s32 $0xB200;
	s16 =	simm.s32 $0xC;
	s2 =	sadd.s32 s4, s13;
	v47 =	vor.u32 s0, v0;
	[tilespmem:v38+s28+$0x0] =	vst.idx.msk $0xffff, v39  }
0x188: {  	v48 =	vmov s16;
	v49 =	vor.u32 s0, v1;
	[tilespmem:s10], [sflag:$0x1] =	stream.strided.gather [hbm4b:s2+s6], $0x1000, s24, s6, $0x38;
	[tilespmem:$0x14200] =	vst v63  }
0x189: {  	v50 =	vshll.u32 v48, $0x3;
	_ =	swait.ge [sflag:s26], $0x1000  }
0x18a: {  	v40 =	vand.u32 $0xFFFFFC00, v50;
	v38 =	vand.u32 $0x7C, v48;
	[sflag:s26] =	ssyncset.done $0x0  }
0x18b: {  	s17 =	simm.s32 $0xC200;
	v38 =	vor.u32 v38, v40;
	[sflag:s26] =	ssyncadd.s32 $0xFFFFF000  }
0x18c: {  	v40 =	vadd.s32 v2, v38;
	v37 =	vld.idx.msk [tilespmem:v47+s17+$0x0], $0xffff  }
0x18d: {  	v38 =	vadd.s32 v3, v38;
	v39 =	vld.idx.msk [tilespmem:v49+s17+$0x0], $0xffff;
	_ =	sdelay $0x2  }
0x18e: {  	s23 =	rddreg [dreg:$0x1f]  }
0x18f: {  	s25 =	sand.u32 $0xFFFFF80, s14;
	s0 =	sand.u32 $0x7F, s23;
	[tilespmem:v40+s28+$0x0] =	vst.idx.msk $0xffff, v37  }
0x190: {  	s19 =	simm.s32 $0xC200;
	s30 =	simm.s32 $0xD;
	s2 =	sadd.s32 s4, s25;
	v51 =	vor.u32 s0, v0;
	[tilespmem:v38+s28+$0x0] =	vst.idx.msk $0xffff, v39  }
0x191: {  	v52 =	vmov s30;
	v53 =	vor.u32 s0, v1;
	[tilespmem:s19], [sflag:$0x1] =	stream.strided.gather [hbm4b:s2+s6], $0x1000, s24, s6, $0x38;
	[tilespmem:$0x14200] =	vst v63  }
0x192: {  	v54 =	vshll.u32 v52, $0x3;
	_ =	swait.ge [sflag:s26], $0x1000  }
0x193: {  	v40 =	vand.u32 $0xFFFFFC00, v54;
	v38 =	vand.u32 $0x7D, v52;
	[sflag:s26] =	ssyncset.done $0x0  }
0x194: {  	s5 =	simm.s32 $0xD200;
	v38 =	vor.u32 v38, v40;
	[sflag:s26] =	ssyncadd.s32 $0xFFFFF000  }
0x195: {  	v40 =	vadd.s32 v2, v38;
	v37 =	vld.idx.msk [tilespmem:v51+s5+$0x0], $0xffff  }
0x196: {  	v38 =	vadd.s32 v3, v38;
	v39 =	vld.idx.msk [tilespmem:v53+s5+$0x0], $0xffff  }
0x197: {  	s10 =	sld [smem:$0x7F4];
	_ =	sdelay $0x1  }
0x198: {  	s9 =	rddreg [dreg:$0x1e]  }
0x199: {  	s0 =	sand.u32 $0x7F, s9;
	s2 =	sand.u32 $0xFFFFF80, s10;
	[tilespmem:v40+s28+$0x0] =	vst.idx.msk $0xffff, v37  }
0x19a: {  	s7 =	simm.s32 $0xD200;
	s11 =	simm.s32 $0xE;
	v55 =	vor.u32 s0, v0;
	s2 =	sadd.s32 s4, s2;
	[tilespmem:v38+s28+$0x0] =	vst.idx.msk $0xffff, v39  }
0x19b: {  	v56 =	vmov s11;
	v57 =	vor.u32 s0, v1;
	[tilespmem:s7], [sflag:$0x1] =	stream.strided.gather [hbm4b:s2+s6], $0x1000, s24, s6, $0x38;
	[tilespmem:$0x14200] =	vst v63  }
0x19c: {  	v58 =	vshll.u32 v56, $0x3;
	_ =	swait.ge [sflag:s26], $0x1000  }
0x19d: {  	v40 =	vand.u32 $0xFFFFFC00, v58;
	v38 =	vand.u32 $0x7E, v56;
	[sflag:s26] =	ssyncset.done $0x0  }
0x19e: {  	s13 =	simm.s32 $0xE200;
	v38 =	vor.u32 v38, v40;
	[sflag:s26] =	ssyncadd.s32 $0xFFFFF000  }
0x19f: {  	v40 =	vadd.s32 v2, v38;
	v37 =	vld.idx.msk [tilespmem:v55+s13+$0x0], $0xffff  }
0x1a0: {  	v38 =	vadd.s32 v3, v38;
	v39 =	vld.idx.msk [tilespmem:v57+s13+$0x0], $0xffff;
	_ =	sdelay $0x2  }
0x1a1: {  	s14 =	simm.s32 $0xE200  }
0x1a2: {  	s23 =	sand.u32 $0xFFFFF80, s12;
	s17 =	sand.u32 $0xFFFFF80, s21;
	s19 =	simm.s32 $0xF;
	[tilespmem:v40+s28+$0x0] =	vst.idx.msk $0xffff, v37  }
0x1a3: {  	s2 =	sadd.s32 s4, s17;
	s17 =	sand.u32 $0x7F, s22;
	s16 =	rddreg [dreg:$0x1d];
	[tilespmem:v38+s28+$0x0] =	vst.idx.msk $0xffff, v39  }
0x1a4: {  	[tilespmem:s14], [sflag:$0x1] =	stream.strided.gather [hbm4b:s2+s6], $0x1000, s24, s6, $0x38;
	[tilespmem:$0x14200] =	vst v63  }
0x1a5: {  	s22 =	sand.u32 $0x7F, s15;
	_ =	swait.ge [sflag:s26], $0x1000;
	[dreg:$0x9] =	wrdreg s17  }
0x1a6: {  	v60 =	vmov s19;
	s19 =	sadd.s32 s4, s23;
	s23 =	sand.u32 $0x7F, s20;
	[dreg:$0x8] =	wrdreg s22  }
0x1a7: {  	s29 =	sand.u32 $0x7F, s29;
	[dreg:$0x7] =	wrdreg s23  }
0x1a8: {  	[dreg:$0x5] =	wrdreg s29  }
0x1a9: {  	s21 =	sld [smem:$0x7F5]  }
0x1aa: {  	s0 =	sand.u32 $0x7F, s16;
	s25 =	sld [smem:$0x7F6]  }
0x1ab: {  	v59 =	vor.u32 s0, v0;
	s30 =	sld [smem:$0x7F7]  }
0x1ac: {  	v62 =	vor.u32 s0, v1;
	s6 =	sld [smem:$0x7F8]  }
0x1ad: {  	s7 =	sld [smem:$0x7F9]  }
0x1ae: {  	[sflag:s26] =	ssyncset.done $0x0;
	s10 =	sld [smem:$0x7FA]  }
0x1af: {  	v61 =	vshll.u32 v60, $0x3;
	s24 =	simm.s32 $0xF200;
	s11 =	sld [smem:$0x7FB];
	[sflag:s26] =	ssyncadd.s32 $0xFFFFF000  }
0x1b0: {  	v38 =	vand.u32 $0x7F, v60;
	v39 =	vand.u32 $0xFFFFFC00, v61;
	s13 =	sld [smem:$0x7FC];
	v63 =	vld.idx.msk [tilespmem:v59+s24+$0x0], $0xffff  }
0x1b1: {  	v38 =	vor.u32 v38, v39;
	s14 =	sld [smem:$0x7FD];
	v37 =	vld.idx.msk [tilespmem:v62+s24+$0x0], $0xffff;
	s24 =	sand.u32 $0x7F, s18  }
0x1b2: {  	s16 =	simm.s32 $0x2F;
	v41 =	vadd.s32 v2, v38;
	s0 =	sand.u32 $0x7F, s6;
	[dreg:$0x6] =	wrdreg s24  }
0x1b3: {  	s9 =	sand.u32 $0x7F, s30;
	s30 =	sand.u32 $0x7F, s8;
	[dreg:$0xd] =	wrdreg s0  }
0x1b4: {  	s2 =	simm.s32 $0x1F;
	s0 =	sand.u32 $0x7F, s7;
	[dreg:$0x4] =	wrdreg s30  }
0x1b5: {  	s21 =	sand.u32 $0x7F, s21;
	[dreg:$0xc] =	wrdreg s0;
	s0 =	sand.u32 $0x7F, s11  }
0x1b6: {  	s12 =	sand.u32 $0x7F, s25;
	[dreg:$0xb] =	wrdreg s0;
	s0 =	sand.u32 $0x7F, s13  }
0x1b7: {  	(v2sf) =	vpush v36, $0x0;
	v36 =	vadd.s32 v3, v38;
	s25 =	sand.u32 $0x7F, s10;
	s31 =	sand.u32 $0x7F, s14;
	[dreg:$0xa] =	wrdreg s0;
	[tilespmem:v41+s28+$0x0] =	vst.idx.msk $0xffff, v63  }
.LBB2_2:
0x1b8: {  	_ =	sdelay $0x3  }
0x1b9: {  	s1 =	sadd.s32 $0x10, s1  }
0x1ba: {  	s11 =	simm.s32 $0x400;
	s20 =	simm.s32 $0x7A1400;
	s5 =	simm.s32 $0xF200;
	[tilespmem:v36+s28+$0x0] =	vst.idx.msk $0xffff, v37  }
0x1bb: {  	[tilespmem:s5], [sflag:$0x1] =	stream.strided.gather [hbm4b:s19+s11], $0x1000, s20, s11, $0x38;
	[tilespmem:$0x14200] =	vst v63  }
0x1bc: {  	v36 =	vld [tilespmem:s1+$0x0];
	_ =	sdelay $0x4  }
0x1bd: {  	(v2sf) =	vpush v36, $0x0  }
0x1be: {  	(v2sf) =	vpush v36, $0x1  }
0x1bf: {  	s6 =	spop (v2sf);
	(v2sf) =	vpush v36, $0x2;
	_ =	sdelay $0x1  }
0x1c0: {  	s0 =	smov.u32 s16;
	(v2sf) =	vpush v36, $0x3  }
0x1c1: {  	[dreg:$0xe] =	wrdreg s0;
	s0 =	sand.u32 $0x7F, s6;
	(v2sf) =	vpush v36, $0x4  }
0x1c2: {  	s7 =	sadd.s32 $0xFFFFFFF1, s2;
	v60 =	vor.u32 s0, v0;
	_ =	swait.ge [sflag:s26], $0x1000  }
0x1c3: {  	v39 =	vmov s7;
	v38 =	vor.u32 s0, v1;
	(v2sf) =	vpush v36, $0x5  }
0x1c4: {  	v40 =	vshll.u32 v39, $0x3;
	(v2sf) =	vpush v36, $0x6  }
0x1c5: {  	v39 =	vand.u32 $0x70, v39;
	v40 =	vand.u32 $0xFFFFFC00, v40;
	[sflag:s26] =	ssyncset.done $0x0;
	(v2sf) =	vpush v36, $0x7  }
0x1c6: {  	s4 =	simm.s32 $0x200;
	v39 =	vor.u32 v39, v40;
	[sflag:s26] =	ssyncadd.s32 $0xFFFFF000;
	(v2sf) =	vpush v36, $0x8  }
0x1c7: {  	v40 =	vadd.s32 v2, v39;
	v37 =	vld.idx.msk [tilespmem:v60+s4+$0x0], $0xffff;
	(v2sf) =	vpush v36, $0x9  }
0x1c8: {  	v39 =	vadd.s32 v3, v39;
	v38 =	vld.idx.msk [tilespmem:v38+s4+$0x0], $0xffff;
	(v2sf) =	vpush v36, $0xA  }
0x1c9: {  	(v2sf) =	vpush v36, $0xB  }
0x1ca: {  	(v2sf) =	vpush v36, $0xC  }
0x1cb: {  	(v2sf) =	vpush v36, $0xD;
	s10 =	spop (v2sf)  }
0x1cc: {  	[tilespmem:v40+s28+$0x0] =	vst.idx.msk $0xffff, v37;
	(v2sf) =	vpush v36, $0x1;
	s0 =	sand.u32 $0xFFFFF80, s10;
	s3 =	spop (v2sf);
	s10 =	rddreg [dreg:$0x1]  }
0x1cd: {  	s8 =	sadd.s32 $0xFFFFFFF2, s2;
	[tilespmem:v39+s28+$0x0] =	vst.idx.msk $0xffff, v38;
	(v2sf) =	vpush v36, $0x2;
	s0 =	sadd.s32 s10, s0;
	s13 =	spop (v2sf)  }
0x1ce: {  	v62 =	vor.u32 s21, v0;
	[tilespmem:s4], [sflag:$0x1] =	stream.strided.gather [hbm4b:s0+s11], $0x1000, s20, s11, $0x38;
	(v2sf) =	vpush v36, $0xE;
	[tilespmem:$0x14200] =	vst v63  }
0x1cf: {  	v44 =	vor.u32 s21, v1;
	v61 =	vmov s8;
	_ =	swait.ge [sflag:s26], $0x1000  }
0x1d0: {  	v63 =	vshll.u32 v61, $0x3;
	s14 =	spop (v2sf)  }
0x1d1: {  	v37 =	vand.u32 $0x71, v61;
	v39 =	vand.u32 $0xFFFFFC00, v63;
	(v2sf) =	vpush v36, $0xF;
	[sflag:s26] =	ssyncset.done $0x0;
	s15 =	spop (v2sf)  }
0x1d2: {  	s8 =	simm.s32 $0x1200;
	v37 =	vor.u32 v37, v39;
	(v2sf) =	vpush v36, $0x3;
	[sflag:s26] =	ssyncadd.s32 $0xFFFFF000;
	s6 =	spop (v2sf)  }
0x1d3: {  	s5 =	sand.u32 $0xFFFFF80, s3;
	v46 =	vadd.s32 v2, v37;
	(v2sf) =	vpush v36, $0x4;
	v38 =	vld.idx.msk [tilespmem:v62+s8+$0x0], $0xffff;
	s17 =	spop (v2sf)  }
0x1d4: {  	s7 =	sadd.s32 $0xFFFFFFF3, s2;
	v37 =	vadd.s32 v3, v37;
	s5 =	sadd.s32 s10, s5;
	v45 =	vld.idx.msk [tilespmem:v44+s8+$0x0], $0xffff;
	(v2sf) =	vpush v36, $0x5;
	s18 =	spop (v2sf)  }
0x1d5: {  	s24 =	sand.u32 $0xFFFFF80, s6;
	(v2sf) =	vpush v36, $0x6;
	s6 =	sand.u32 $0xFFFFF80, s18;
	s19 =	spop (v2sf)  }
0x1d6: {  	(v2sf) =	vpush v36, $0x7;
	[dreg:$0x18] =	wrdreg s6;
	s6 =	sand.u32 $0xFFFFF80, s19;
	s21 =	spop (v2sf)  }
0x1d7: {  	(v2sf) =	vpush v36, $0x8;
	[dreg:$0x17] =	wrdreg s6;
	s6 =	sand.u32 $0xFFFFF80, s21;
	s22 =	spop (v2sf)  }
0x1d8: {  	[tilespmem:v46+s28+$0x0] =	vst.idx.msk $0xffff, v38;
	[dreg:$0x16] =	wrdreg s6;
	s6 =	sand.u32 $0xFFFFF80, s22;
	s23 =	spop (v2sf)  }
0x1d9: {  	(v2sf) =	vpush v36, $0x9;
	[tilespmem:v37+s28+$0x0] =	vst.idx.msk $0xffff, v45;
	[dreg:$0x14] =	wrdreg s6;
	s6 =	sand.u32 $0xFFFFF80, s23;
	s30 =	spop (v2sf)  }
0x1da: {  	(v2sf) =	vpush v36, $0xA;
	[tilespmem:s8], [sflag:$0x1] =	stream.strided.gather [hbm4b:s5+s11], $0x1000, s20, s11, $0x38;
	[tilespmem:$0x14200] =	vst v63  }
0x1db: {  	v47 =	vor.u32 s12, v0;
	v49 =	vor.u32 s12, v1;
	[dreg:$0x13] =	wrdreg s6;
	s6 =	sand.u32 $0xFFFFF80, s30;
	s12 =	spop (v2sf);
	(v2sf) =	vpush v36, $0xB  }
0x1dc: {  	v48 =	vmov s7;
	s3 =	sand.u32 $0xFFFFF80, s13;
	[dreg:$0x11] =	wrdreg s6;
	s13 =	spop (v2sf);
	(v2sf) =	vpush v36, $0xC  }
0x1dd: {  	v50 =	vshll.u32 v48, $0x3;
	s0 =	sand.u32 $0xFFFFF80, s14;
	_ =	swait.ge [sflag:s26], $0x1000  }
0x1de: {  	v40 =	vand.u32 $0xFFFFFC00, v50;
	s4 =	sand.u32 $0xFFFFF80, s15;
	v37 =	vand.u32 $0x72, v48;
	s14 =	spop (v2sf);
	(v2sf) =	vpush v36, $0xD;
	[sflag:s26] =	ssyncset.done $0x0  }
0x1df: {  	s22 =	simm.s32 $0x2200;
	v37 =	vor.u32 v37, v40;
	(v2sf) =	vpush v36, $0xE;
	[sflag:s26] =	ssyncadd.s32 $0xFFFFF000;
	s15 =	spop (v2sf)  }
0x1e0: {  	v40 =	vadd.s32 v2, v37;
	(v2sf) =	vpush v36, $0xF;
	v38 =	vld.idx.msk [tilespmem:v47+s22+$0x0], $0xffff;
	s18 =	spop (v2sf)  }
0x1e1: {  	s3 =	sadd.s32 s10, s3;
	v37 =	vadd.s32 v3, v37;
	v39 =	vld.idx.msk [tilespmem:v49+s22+$0x0], $0xffff;
	s19 =	spop (v2sf)  }
0x1e2: {  	s29 =	sand.u32 $0xFFFFF80, s17;
	s6 =	sand.u32 $0xFFFFF80, s12;
	s30 =	spop (v2sf)  }
0x1e3: {  	[dreg:$0x10] =	wrdreg s6;
	s21 =	sand.u32 $0x7F, s13;
	s6 =	spop (v2sf)  }
0x1e4: {  	s17 =	sand.u32 $0x7F, s14;
	s5 =	sand.u32 $0xFFFFF80, s15;
	s12 =	spop (v2sf)  }
0x1e5: {  	s15 =	sadd.s32 $0xFFFFFFF4, s2;
	[dreg:$0xf] =	wrdreg s5;
	s13 =	spop (v2sf);
	[tilespmem:v40+s28+$0x0] =	vst.idx.msk $0xffff, v38  }
0x1e6: {  	s5 =	sand.u32 $0xFFFFF80, s18;
	s23 =	sand.u32 $0x7F, s19;
	s18 =	spop (v2sf);
	[tilespmem:v37+s28+$0x0] =	vst.idx.msk $0xffff, v39  }
0x1e7: {  	[tilespmem:s22], [sflag:$0x1] =	stream.strided.gather [hbm4b:s3+s11], $0x1000, s20, s11, $0x38;
	[tilespmem:$0x14200] =	vst v63  }
0x1e8: {  	v51 =	vor.u32 s9, v0;
	s7 =	sand.u32 $0x7F, s30;
	s30 =	sand.u32 $0x7F, s18;
	s18 =	spop (v2sf)  }
0x1e9: {  	v53 =	vor.u32 s9, v1;
	v52 =	vmov s15;
	s19 =	sadd.s32 s10, s5;
	s15 =	smov.u32 s23;
	_ =	swait.ge [sflag:s26], $0x1000  }
0x1ea: {  	v54 =	vshll.u32 v52, $0x3;
	s14 =	sand.u32 $0x7F, s6;
	s6 =	sand.u32 $0x7F, s12;
	s22 =	spop (v2sf)  }
0x1eb: {  	v38 =	vand.u32 $0x73, v52;
	v40 =	vand.u32 $0xFFFFFC00, v54;
	s12 =	simm.s32 $0x3200;
	[sflag:s26] =	ssyncset.done $0x0;
	s8 =	spop (v2sf)  }
0x1ec: {  	s5 =	sand.u32 $0x7F, s13;
	v38 =	vor.u32 v38, v40;
	[sflag:s26] =	ssyncadd.s32 $0xFFFFF000;
	s9 =	spop (v2sf)  }
0x1ed: {  	v40 =	vadd.s32 v2, v38;
	s23 =	sand.u32 $0x7F, s18;
	s3 =	sand.u32 $0x7F, s8;
	v37 =	vld.idx.msk [tilespmem:v51+s12+$0x0], $0xffff;
	s13 =	spop (v2sf)  }
0x1ee: {  	v38 =	vadd.s32 v3, v38;
	v39 =	vld.idx.msk [tilespmem:v53+s12+$0x0], $0xffff;
	s18 =	sand.u32 $0x7F, s13;
	s13 =	smov.u32 s31;
	s31 =	spop (v2sf)  }
0x1ef: {  	s8 =	sand.u32 $0x7F, s9;
	s9 =	sand.u32 $0x7F, s31;
	s31 =	spop (v2sf)  }
0x1f0: {  	[dreg:$0x15] =	wrdreg s9;
	s9 =	sand.u32 $0x7F, s31  }
0x1f1: {  	[dreg:$0x12] =	wrdreg s9  }
0x1f2: {  	[tilespmem:v40+s28+$0x0] =	vst.idx.msk $0xffff, v37;
	s9 =	rddreg [dreg:$0xd]  }
0x1f3: {  	s0 =	sadd.s32 s10, s0;
	s31 =	sadd.s32 $0xFFFFFFF5, s2;
	[tilespmem:v38+s28+$0x0] =	vst.idx.msk $0xffff, v39;
	v55 =	vor.u32 s9, v0  }
0x1f4: {  	v56 =	vmov s31;
	v57 =	vor.u32 s9, v1;
	[tilespmem:s12], [sflag:$0x1] =	stream.strided.gather [hbm4b:s0+s11], $0x1000, s20, s11, $0x38;
	[tilespmem:$0x14200] =	vst v63  }
0x1f5: {  	v58 =	vshll.u32 v56, $0x3;
	_ =	swait.ge [sflag:s26], $0x1000  }
0x1f6: {  	v38 =	vand.u32 $0x74, v56;
	v40 =	vand.u32 $0xFFFFFC00, v58;
	[sflag:s26] =	ssyncset.done $0x0  }
0x1f7: {  	s0 =	simm.s32 $0x4200;
	v38 =	vor.u32 v38, v40;
	[sflag:s26] =	ssyncadd.s32 $0xFFFFF000  }
0x1f8: {  	v40 =	vadd.s32 v2, v38;
	v37 =	vld.idx.msk [tilespmem:v55+s0+$0x0], $0xffff  }
0x1f9: {  	v38 =	vadd.s32 v3, v38;
	v39 =	vld.idx.msk [tilespmem:v57+s0+$0x0], $0xffff;
	_ =	sdelay $0x1  }
0x1fa: {  	s9 =	smov.u32 s15;
	s15 =	smov.u32 s7  }
0x1fb: {  	[dreg:$0xd] =	wrdreg s15  }
0x1fc: {  	s15 =	rddreg [dreg:$0xc];
	[tilespmem:v40+s28+$0x0] =	vst.idx.msk $0xffff, v37  }
0x1fd: {  	s4 =	sadd.s32 s10, s4;
	s12 =	sadd.s32 $0xFFFFFFF6, s2;
	v59 =	vor.u32 s15, v0;
	[tilespmem:v38+s28+$0x0] =	vst.idx.msk $0xffff, v39  }
0x1fe: {  	v60 =	vmov s12;
	v61 =	vor.u32 s15, v1;
	[tilespmem:s0], [sflag:$0x1] =	stream.strided.gather [hbm4b:s4+s11], $0x1000, s20, s11, $0x38;
	[tilespmem:$0x14200] =	vst v63  }
0x1ff: {  	v62 =	vshll.u32 v60, $0x3;
	_ =	swait.ge [sflag:s26], $0x1000  }
0x200: {  	v40 =	vand.u32 $0xFFFFFC00, v62;
	v38 =	vand.u32 $0x75, v60;
	[sflag:s26] =	ssyncset.done $0x0  }
0x201: {  	v38 =	vor.u32 v38, v40;
	s0 =	simm.s32 $0x5200;
	[sflag:s26] =	ssyncadd.s32 $0xFFFFF000  }
0x202: {  	v40 =	vadd.s32 v2, v38;
	v37 =	vld.idx.msk [tilespmem:v59+s0+$0x0], $0xffff  }
0x203: {  	v38 =	vadd.s32 v3, v38;
	v39 =	vld.idx.msk [tilespmem:v61+s0+$0x0], $0xffff;
	_ =	sdelay $0x3  }
0x204: {  	s12 =	smov.u32 s17;
	s17 =	smov.u32 s14;
	[tilespmem:v40+s28+$0x0] =	vst.idx.msk $0xffff, v37  }
0x205: {  	v63 =	vor.u32 s25, v0;
	s14 =	sadd.s32 $0xFFFFFFF7, s2;
	s4 =	sadd.s32 s10, s24;
	[dreg:$0xc] =	wrdreg s17;
	[tilespmem:v38+s28+$0x0] =	vst.idx.msk $0xffff, v39  }
0x206: {  	v45 =	vor.u32 s25, v1;
	v44 =	vmov s14;
	[tilespmem:s0], [sflag:$0x1] =	stream.strided.gather [hbm4b:s4+s11], $0x1000, s20, s11, $0x38;
	[tilespmem:$0x14200] =	vst v63  }
0x207: {  	v46 =	vshll.u32 v44, $0x3;
	_ =	swait.ge [sflag:s26], $0x1000  }
0x208: {  	v40 =	vand.u32 $0xFFFFFC00, v46;
	v38 =	vand.u32 $0x76, v44;
	[sflag:s26] =	ssyncset.done $0x0  }
0x209: {  	s15 =	simm.s32 $0x6200;
	v38 =	vor.u32 v38, v40;
	[sflag:s26] =	ssyncadd.s32 $0xFFFFF000  }
0x20a: {  	v40 =	vadd.s32 v2, v38;
	v37 =	vld.idx.msk [tilespmem:v63+s15+$0x0], $0xffff  }
0x20b: {  	v38 =	vadd.s32 v3, v38;
	v39 =	vld.idx.msk [tilespmem:v45+s15+$0x0], $0xffff;
	_ =	sdelay $0x3  }
0x20c: {  	s17 =	sadd.s32 s10, s29;
	s29 =	rddreg [dreg:$0xb];
	[tilespmem:v40+s28+$0x0] =	vst.idx.msk $0xffff, v37  }
0x20d: {  	s24 =	sadd.s32 $0xFFFFFFF8, s2;
	v47 =	vor.u32 s29, v0;
	[tilespmem:v38+s28+$0x0] =	vst.idx.msk $0xffff, v39  }
0x20e: {  	v48 =	vmov s24;
	v49 =	vor.u32 s29, v1;
	[tilespmem:s15], [sflag:$0x1] =	stream.strided.gather [hbm4b:s17+s11], $0x1000, s20, s11, $0x38;
	[tilespmem:$0x14200] =	vst v63  }
0x20f: {  	v50 =	vshll.u32 v48, $0x3;
	_ =	swait.ge [sflag:s26], $0x1000  }
0x210: {  	v40 =	vand.u32 $0xFFFFFC00, v50;
	v38 =	vand.u32 $0x77, v48;
	[sflag:s26] =	ssyncset.done $0x0  }
0x211: {  	s14 =	simm.s32 $0x7200;
	v38 =	vor.u32 v38, v40;
	[sflag:s26] =	ssyncadd.s32 $0xFFFFF000  }
0x212: {  	v40 =	vadd.s32 v2, v38;
	v37 =	vld.idx.msk [tilespmem:v47+s14+$0x0], $0xffff  }
0x213: {  	v38 =	vadd.s32 v3, v38;
	v39 =	vld.idx.msk [tilespmem:v49+s14+$0x0], $0xffff;
	_ =	sdelay $0x2  }
0x214: {  	s15 =	rddreg [dreg:$0x18]  }
0x215: {  	s7 =	smov.u32 s5;
	s24 =	rddreg [dreg:$0xa];
	[tilespmem:v40+s28+$0x0] =	vst.idx.msk $0xffff, v37  }
0x216: {  	s17 =	sadd.s32 $0xFFFFFFF9, s2;
	[dreg:$0xb] =	wrdreg s7;
	s0 =	sadd.s32 s10, s15;
	v51 =	vor.u32 s24, v0;
	[tilespmem:v38+s28+$0x0] =	vst.idx.msk $0xffff, v39  }
0x217: {  	v52 =	vmov s17;
	v53 =	vor.u32 s24, v1;
	[tilespmem:s14], [sflag:$0x1] =	stream.strided.gather [hbm4b:s0+s11], $0x1000, s20, s11, $0x38;
	[tilespmem:$0x14200] =	vst v63  }
0x218: {  	v54 =	vshll.u32 v52, $0x3;
	_ =	swait.ge [sflag:s26], $0x1000  }
0x219: {  	v40 =	vand.u32 $0xFFFFFC00, v54;
	v38 =	vand.u32 $0x78, v52;
	[sflag:s26] =	ssyncset.done $0x0  }
0x21a: {  	s29 =	smov.u32 s30;
	s30 =	simm.s32 $0x8200;
	v38 =	vor.u32 v38, v40;
	[sflag:s26] =	ssyncadd.s32 $0xFFFFF000  }
0x21b: {  	v40 =	vadd.s32 v2, v38;
	v37 =	vld.idx.msk [tilespmem:v51+s30+$0x0], $0xffff  }
0x21c: {  	v38 =	vadd.s32 v3, v38;
	v39 =	vld.idx.msk [tilespmem:v53+s30+$0x0], $0xffff;
	_ =	sdelay $0x3  }
0x21d: {  	s25 =	smov.u32 s6;
	s4 =	rddreg [dreg:$0x17];
	[tilespmem:v40+s28+$0x0] =	vst.idx.msk $0xffff, v37  }
0x21e: {  	s6 =	sadd.s32 $0xFFFFFFFA, s2;
	v55 =	vor.u32 s13, v0;
	[dreg:$0xa] =	wrdreg s29;
	s0 =	sadd.s32 s10, s4;
	[tilespmem:v38+s28+$0x0] =	vst.idx.msk $0xffff, v39  }
0x21f: {  	v56 =	vmov s6;
	v57 =	vor.u32 s13, v1;
	[tilespmem:s30], [sflag:$0x1] =	stream.strided.gather [hbm4b:s0+s11], $0x1000, s20, s11, $0x38;
	[tilespmem:$0x14200] =	vst v63  }
0x220: {  	v58 =	vshll.u32 v56, $0x3;
	_ =	swait.ge [sflag:s26], $0x1000  }
0x221: {  	v40 =	vand.u32 $0xFFFFFC00, v58;
	v38 =	vand.u32 $0x79, v56;
	[sflag:s26] =	ssyncset.done $0x0  }
0x222: {  	s7 =	simm.s32 $0x9200;
	v38 =	vor.u32 v38, v40;
	[sflag:s26] =	ssyncadd.s32 $0xFFFFF000  }
0x223: {  	v40 =	vadd.s32 v2, v38;
	v37 =	vld.idx.msk [tilespmem:v55+s7+$0x0], $0xffff  }
0x224: {  	v38 =	vadd.s32 v3, v38;
	v39 =	vld.idx.msk [tilespmem:v57+s7+$0x0], $0xffff;
	_ =	sdelay $0x2  }
0x225: {  	s13 =	rddreg [dreg:$0x16]  }
0x226: {  	s15 =	rddreg [dreg:$0x9];
	[tilespmem:v40+s28+$0x0] =	vst.idx.msk $0xffff, v37  }
0x227: {  	s14 =	sadd.s32 $0xFFFFFFFB, s2;
	s0 =	sadd.s32 s10, s13;
	v59 =	vor.u32 s15, v0;
	[tilespmem:v38+s28+$0x0] =	vst.idx.msk $0xffff, v39  }
0x228: {  	v60 =	vmov s14;
	v61 =	vor.u32 s15, v1;
	[tilespmem:s7], [sflag:$0x1] =	stream.strided.gather [hbm4b:s0+s11], $0x1000, s20, s11, $0x38;
	[tilespmem:$0x14200] =	vst v63  }
0x229: {  	v62 =	vshll.u32 v60, $0x3;
	_ =	swait.ge [sflag:s26], $0x1000  }
0x22a: {  	v40 =	vand.u32 $0xFFFFFC00, v62;
	v38 =	vand.u32 $0x7A, v60;
	[sflag:s26] =	ssyncset.done $0x0  }
0x22b: {  	s31 =	smov.u32 s23;
	s23 =	simm.s32 $0xA200;
	v38 =	vor.u32 v38, v40;
	[sflag:s26] =	ssyncadd.s32 $0xFFFFF000  }
0x22c: {  	v40 =	vadd.s32 v2, v38;
	v37 =	vld.idx.msk [tilespmem:v59+s23+$0x0], $0xffff  }
0x22d: {  	v38 =	vadd.s32 v3, v38;
	v39 =	vld.idx.msk [tilespmem:v61+s23+$0x0], $0xffff;
	_ =	sdelay $0x2  }
0x22e: {  	s22 =	sand.u32 $0x7F, s22;
	s24 =	rddreg [dreg:$0x14]  }
0x22f: {  	s17 =	smov.u32 s22;
	s30 =	rddreg [dreg:$0x8];
	[tilespmem:v40+s28+$0x0] =	vst.idx.msk $0xffff, v37  }
0x230: {  	s29 =	sadd.s32 $0xFFFFFFFC, s2;
	[dreg:$0x9] =	wrdreg s17;
	s0 =	sadd.s32 s10, s24;
	v63 =	vor.u32 s30, v0;
	[tilespmem:v38+s28+$0x0] =	vst.idx.msk $0xffff, v39  }
0x231: {  	v44 =	vmov s29;
	v45 =	vor.u32 s30, v1;
	[tilespmem:s23], [sflag:$0x1] =	stream.strided.gather [hbm4b:s0+s11], $0x1000, s20, s11, $0x38;
	[tilespmem:$0x14200] =	vst v63  }
0x232: {  	v46 =	vshll.u32 v44, $0x3;
	_ =	swait.ge [sflag:s26], $0x1000  }
0x233: {  	v40 =	vand.u32 $0xFFFFFC00, v46;
	v38 =	vand.u32 $0x7B, v44;
	[sflag:s26] =	ssyncset.done $0x0  }
0x234: {  	s13 =	simm.s32 $0xB200;
	v38 =	vor.u32 v38, v40;
	[sflag:s26] =	ssyncadd.s32 $0xFFFFF000  }
0x235: {  	v40 =	vadd.s32 v2, v38;
	v37 =	vld.idx.msk [tilespmem:v63+s13+$0x0], $0xffff  }
0x236: {  	v38 =	vadd.s32 v3, v38;
	v39 =	vld.idx.msk [tilespmem:v45+s13+$0x0], $0xffff;
	_ =	sdelay $0x2  }
0x237: {  	s14 =	rddreg [dreg:$0x13]  }
0x238: {  	s7 =	smov.u32 s3;
	s17 =	rddreg [dreg:$0x7];
	[tilespmem:v40+s28+$0x0] =	vst.idx.msk $0xffff, v37  }
0x239: {  	s15 =	sadd.s32 $0xFFFFFFFD, s2;
	[dreg:$0x8] =	wrdreg s7;
	s0 =	sadd.s32 s10, s14;
	v47 =	vor.u32 s17, v0;
	[tilespmem:v38+s28+$0x0] =	vst.idx.msk $0xffff, v39  }
0x23a: {  	v48 =	vmov s15;
	v49 =	vor.u32 s17, v1;
	[tilespmem:s13], [sflag:$0x1] =	stream.strided.gather [hbm4b:s0+s11], $0x1000, s20, s11, $0x38;
	[tilespmem:$0x14200] =	vst v63  }
0x23b: {  	v50 =	vshll.u32 v48, $0x3;
	_ =	swait.ge [sflag:s26], $0x1000  }
0x23c: {  	v40 =	vand.u32 $0xFFFFFC00, v50;
	v38 =	vand.u32 $0x7C, v48;
	[sflag:s26] =	ssyncset.done $0x0  }
0x23d: {  	s23 =	simm.s32 $0xC200;
	v38 =	vor.u32 v38, v40;
	[sflag:s26] =	ssyncadd.s32 $0xFFFFF000  }
0x23e: {  	v40 =	vadd.s32 v2, v38;
	v37 =	vld.idx.msk [tilespmem:v47+s23+$0x0], $0xffff  }
0x23f: {  	v38 =	vadd.s32 v3, v38;
	v39 =	vld.idx.msk [tilespmem:v49+s23+$0x0], $0xffff;
	_ =	sdelay $0x2  }
0x240: {  	s24 =	rddreg [dreg:$0x11]  }
0x241: {  	s22 =	smov.u32 s8;
	s30 =	rddreg [dreg:$0x6];
	[tilespmem:v40+s28+$0x0] =	vst.idx.msk $0xffff, v37  }
0x242: {  	s29 =	sadd.s32 $0xFFFFFFFE, s2;
	[dreg:$0x7] =	wrdreg s22;
	s0 =	sadd.s32 s10, s24;
	v51 =	vor.u32 s30, v0;
	[tilespmem:v38+s28+$0x0] =	vst.idx.msk $0xffff, v39  }
0x243: {  	v52 =	vmov s29;
	v53 =	vor.u32 s30, v1;
	[tilespmem:s23], [sflag:$0x1] =	stream.strided.gather [hbm4b:s0+s11], $0x1000, s20, s11, $0x38;
	[tilespmem:$0x14200] =	vst v63  }
0x244: {  	v38 =	vshll.u32 v52, $0x3;
	_ =	swait.ge [sflag:s26], $0x1000  }
0x245: {  	v54 =	vand.u32 $0x7D, v52;
	v38 =	vand.u32 $0xFFFFFC00, v38;
	[sflag:s26] =	ssyncset.done $0x0  }
0x246: {  	s6 =	simm.s32 $0xD200;
	v38 =	vor.u32 v54, v38;
	[sflag:s26] =	ssyncadd.s32 $0xFFFFF000  }
0x247: {  	v40 =	vadd.s32 v2, v38;
	v37 =	vld.idx.msk [tilespmem:v51+s6+$0x0], $0xffff  }
0x248: {  	v38 =	vadd.s32 v3, v38;
	v39 =	vld.idx.msk [tilespmem:v53+s6+$0x0], $0xffff;
	_ =	sdelay $0x2  }
0x249: {  	s7 =	rddreg [dreg:$0x10]  }
0x24a: {  	s5 =	smov.u32 s18;
	s13 =	rddreg [dreg:$0x5];
	[tilespmem:v40+s28+$0x0] =	vst.idx.msk $0xffff, v37  }
0x24b: {  	s8 =	sadd.s32 $0xFFFFFFFF, s2;
	[dreg:$0x6] =	wrdreg s5;
	s0 =	sadd.s32 s10, s7;
	v55 =	vor.u32 s13, v0;
	[tilespmem:v38+s28+$0x0] =	vst.idx.msk $0xffff, v39  }
0x24c: {  	v56 =	vmov s8;
	v57 =	vor.u32 s13, v1;
	[tilespmem:s6], [sflag:$0x1] =	stream.strided.gather [hbm4b:s0+s11], $0x1000, s20, s11, $0x38;
	[tilespmem:$0x14200] =	vst v63  }
0x24d: {  	v58 =	vshll.u32 v56, $0x3;
	_ =	swait.ge [sflag:s26], $0x1000  }
0x24e: {  	v40 =	vand.u32 $0xFFFFFC00, v58;
	v38 =	vand.u32 $0x7E, v56;
	[sflag:s26] =	ssyncset.done $0x0  }
0x24f: {  	s17 =	simm.s32 $0xE200;
	v38 =	vor.u32 v38, v40;
	[sflag:s26] =	ssyncadd.s32 $0xFFFFF000  }
0x250: {  	v40 =	vadd.s32 v2, v38;
	v37 =	vld.idx.msk [tilespmem:v55+s17+$0x0], $0xffff  }
0x251: {  	v38 =	vadd.s32 v3, v38;
	v39 =	vld.idx.msk [tilespmem:v57+s17+$0x0], $0xffff;
	_ =	sdelay $0x1  }
0x252: {  	s14 =	rddreg [dreg:$0x15]  }
0x253: {  	s18 =	rddreg [dreg:$0xf]  }
0x254: {  	s22 =	rddreg [dreg:$0x4];
	s15 =	smov.u32 s14;
	[tilespmem:v40+s28+$0x0] =	vst.idx.msk $0xffff, v37  }
0x255: {  	s0 =	sadd.s32 s10, s18;
	v59 =	vor.u32 s22, v0;
	[dreg:$0x5] =	wrdreg s15;
	[tilespmem:v38+s28+$0x0] =	vst.idx.msk $0xffff, v39  }
0x256: {  	v61 =	vmov s2;
	[tilespmem:s17], [sflag:$0x1] =	stream.strided.gather [hbm4b:s0+s11], $0x1000, s20, s11, $0x38;
	[tilespmem:$0x14200] =	vst v63  }
0x257: {  	v62 =	vshll.u32 v61, $0x3;
	_ =	swait.ge [sflag:s26], $0x1000  }
0x258: {  	v40 =	vand.u32 $0xFFFFFC00, v62;
	v39 =	vand.u32 $0x7F, v61;
	[sflag:s26] =	ssyncset.done $0x0  }
0x259: {  	s30 =	simm.s32 $0xF200;
	v39 =	vor.u32 v39, v40;
	[sflag:s26] =	ssyncadd.s32 $0xFFFFF000  }
0x25a: {  	p0 =	sne.s32 s16, $0x1EF;
	v60 =	vor.u32 s22, v1;
	v63 =	vadd.s32 v2, v39;
	v41 =	vld.idx.msk [tilespmem:v59+s30+$0x0], $0xffff  }
.Ltmp0:
0x25b: {  	_ = 	snop;
	(pc) =	sbr.rel @p0 .LBB2_2-.Ltmp0, $4  }
0x25c: {  	_ = 	snop  }
0x25d: {  	s24 =	rddreg [dreg:$0x12]  }
0x25e: {  	s23 =	rddreg [dreg:$0xe];
	s29 =	smov.u32 s24  }
0x25f: {  	s16 =	sadd.s32 $0x10, s16;
	(v2sf) =	vpush v36, $0x0;
	v36 =	vadd.s32 v3, v39;
	s2 =	smov.u32 s23;
	[dreg:$0x4] =	wrdreg s29;
	v37 =	vld.idx.msk [tilespmem:v60+s30+$0x0], $0xffff;
	[tilespmem:v63+s28+$0x0] =	vst.idx.msk $0xffff, v41  }
0x260: {  	_ =	sdelay $0x2  }
0x261: {  	s0 =	sadd.s32 $0x10, s1  }
0x262: {  	s10 =	simm.s32 $0x400;
	s20 =	simm.s32 $0x7A1400;
	s14 =	simm.s32 $0xF200;
	[tilespmem:v36+s28+$0x0] =	vst.idx.msk $0xffff, v37  }
0x263: {  	[tilespmem:s14], [sflag:$0x1] =	stream.strided.gather [hbm4b:s19+s10], $0x1000, s20, s10, $0x38;
	[tilespmem:$0x14200] =	vst v63  }
0x264: {  	v36 =	vld [tilespmem:s0+$0x0];
	_ =	sdelay $0x4  }
0x265: {  	(v2sf) =	vpush v36, $0x0  }
0x266: {  	(v2sf) =	vpush v36, $0x1  }
0x267: {  	(v2sf) =	vpush v36, $0x2;
	_ =	sdelay $0x2  }
0x268: {  	s15 =	spop (v2sf);
	(v2sf) =	vpush v36, $0x3  }
0x269: {  	s0 =	sand.u32 $0x7F, s15;
	(v2sf) =	vpush v36, $0x4  }
0x26a: {  	s16 =	sadd.s32 $0xFFFFFFF1, s2;
	v47 =	vor.u32 s0, v0;
	_ =	swait.ge [sflag:s26], $0x1000  }
0x26b: {  	v39 =	vmov s16;
	v38 =	vor.u32 s0, v1;
	(v2sf) =	vpush v36, $0x5  }
0x26c: {  	v40 =	vshll.u32 v39, $0x3;
	(v2sf) =	vpush v36, $0x6  }
0x26d: {  	v39 =	vand.u32 $0x70, v39;
	v40 =	vand.u32 $0xFFFFFC00, v40;
	[sflag:s26] =	ssyncset.done $0x0;
	(v2sf) =	vpush v36, $0x7  }
0x26e: {  	s17 =	simm.s32 $0x200;
	v39 =	vor.u32 v39, v40;
	[sflag:s26] =	ssyncadd.s32 $0xFFFFF000;
	(v2sf) =	vpush v36, $0x8  }
0x26f: {  	v40 =	vadd.s32 v2, v39;
	v37 =	vld.idx.msk [tilespmem:v47+s17+$0x0], $0xffff;
	(v2sf) =	vpush v36, $0x9  }
0x270: {  	v39 =	vadd.s32 v3, v39;
	v38 =	vld.idx.msk [tilespmem:v38+s17+$0x0], $0xffff;
	(v2sf) =	vpush v36, $0xA  }
0x271: {  	(v2sf) =	vpush v36, $0xB  }
0x272: {  	s17 =	spop (v2sf)  }
0x273: {  	s18 =	simm.s32 $0x200;
	(v2sf) =	vpush v36, $0xC;
	s19 =	spop (v2sf)  }
0x274: {  	s7 =	rddreg [dreg:$0x1];
	[tilespmem:v40+s28+$0x0] =	vst.idx.msk $0xffff, v37;
	s3 =	sand.u32 $0xFFFFF80, s17;
	(v2sf) =	vpush v36, $0xD;
	s6 =	spop (v2sf)  }
0x275: {  	s5 =	sadd.s32 $0xFFFFFFF2, s2;
	v48 =	vor.u32 s21, v0;
	[tilespmem:v39+s28+$0x0] =	vst.idx.msk $0xffff, v38;
	s3 =	sadd.s32 s7, s3;
	[smem:$0x7E9] =	sst s6  }
0x276: {  	v50 =	vor.u32 s21, v1;
	v49 =	vmov s5;
	(v2sf) =	vpush v36, $0xE;
	[tilespmem:s18], [sflag:$0x1] =	stream.strided.gather [hbm4b:s3+s10], $0x1000, s20, s10, $0x38;
	[tilespmem:$0x14200] =	vst v63  }
0x277: {  	v51 =	vshll.u32 v49, $0x3;
	_ =	swait.ge [sflag:s26], $0x1000  }
0x278: {  	v40 =	vand.u32 $0xFFFFFC00, v51;
	v38 =	vand.u32 $0x71, v49;
	[sflag:s26] =	ssyncset.done $0x0;
	s0 =	spop (v2sf)  }
0x279: {  	s22 =	simm.s32 $0x1200;
	v38 =	vor.u32 v38, v40;
	[sflag:s26] =	ssyncadd.s32 $0xFFFFF000;
	s13 =	spop (v2sf)  }
0x27a: {  	v40 =	vadd.s32 v2, v38;
	v37 =	vld.idx.msk [tilespmem:v48+s22+$0x0], $0xffff;
	s14 =	spop (v2sf)  }
0x27b: {  	v38 =	vadd.s32 v3, v38;
	v39 =	vld.idx.msk [tilespmem:v50+s22+$0x0], $0xffff;
	s11 =	spop (v2sf)  }
0x27c: {  	s8 =	spop (v2sf)  }
0x27d: {  	(v2sf) =	vpush v36, $0xF;
	[smem:$0x7EA] =	sst s0;
	s4 =	spop (v2sf)  }
0x27e: {  	[smem:$0x7EB] =	sst s13;
	s18 =	spop (v2sf)  }
0x27f: {  	s21 =	sand.u32 $0xFFFFF80, s19;
	[smem:$0x7EC] =	sst s14;
	[tilespmem:v40+s28+$0x0] =	vst.idx.msk $0xffff, v37;
	s16 =	spop (v2sf)  }
0x280: {  	s5 =	sadd.s32 s7, s21;
	[smem:$0x7ED] =	sst s11;
	[tilespmem:v38+s28+$0x0] =	vst.idx.msk $0xffff, v39;
	s15 =	spop (v2sf)  }
0x281: {  	[tilespmem:s22], [sflag:$0x1] =	stream.strided.gather [hbm4b:s5+s10], $0x1000, s20, s10, $0x38;
	[tilespmem:$0x14200] =	vst v63  }
0x282: {  	v52 =	vor.u32 s12, v0;
	s23 =	sadd.s32 $0xFFFFFFF3, s2;
	[smem:$0x7EE] =	sst s8;
	s1 =	spop (v2sf)  }
0x283: {  	v54 =	vor.u32 s12, v1;
	v53 =	vmov s23;
	[smem:$0x7EF] =	sst s4;
	s21 =	spop (v2sf)  }
0x284: {  	v55 =	vshll.u32 v53, $0x3;
	_ =	swait.ge [sflag:s26], $0x1000  }
0x285: {  	v37 =	vand.u32 $0x72, v53;
	v39 =	vand.u32 $0xFFFFFC00, v55;
	[sflag:s26] =	ssyncset.done $0x0  }
0x286: {  	s23 =	simm.s32 $0x2200;
	v37 =	vor.u32 v37, v39;
	[sflag:s26] =	ssyncadd.s32 $0xFFFFF000  }
0x287: {  	v39 =	vadd.s32 v2, v37;
	v36 =	vld.idx.msk [tilespmem:v52+s23+$0x0], $0xffff  }
0x288: {  	v37 =	vadd.s32 v3, v37;
	v38 =	vld.idx.msk [tilespmem:v54+s23+$0x0], $0xffff;
	_ =	sdelay $0x2  }
0x289: {  	s29 =	spop (v2sf)  }
0x28a: {  	s24 =	sand.u32 $0xFFFFF80, s6;
	[smem:$0x7E7] =	sst s29;
	s3 =	spop (v2sf);
	[tilespmem:v39+s28+$0x0] =	vst.idx.msk $0xffff, v36  }
0x28b: {  	v56 =	vor.u32 s9, v0;
	s30 =	sadd.s32 $0xFFFFFFF4, s2;
	s5 =	sadd.s32 s7, s24;
	[smem:$0x7E8] =	sst s3;
	[tilespmem:v37+s28+$0x0] =	vst.idx.msk $0xffff, v38  }
0x28c: {  	v58 =	vor.u32 s9, v1;
	v57 =	vmov s30;
	[tilespmem:s23], [sflag:$0x1] =	stream.strided.gather [hbm4b:s5+s10], $0x1000, s20, s10, $0x38;
	[tilespmem:$0x14200] =	vst v63  }
0x28d: {  	v59 =	vshll.u32 v57, $0x3;
	_ =	swait.ge [sflag:s26], $0x1000  }
0x28e: {  	v39 =	vand.u32 $0xFFFFFC00, v59;
	v37 =	vand.u32 $0x73, v57;
	[sflag:s26] =	ssyncset.done $0x0  }
0x28f: {  	s24 =	simm.s32 $0x3200;
	v37 =	vor.u32 v37, v39;
	[sflag:s26] =	ssyncadd.s32 $0xFFFFF000  }
0x290: {  	v39 =	vadd.s32 v2, v37;
	v36 =	vld.idx.msk [tilespmem:v56+s24+$0x0], $0xffff  }
0x291: {  	v37 =	vadd.s32 v3, v37;
	v38 =	vld.idx.msk [tilespmem:v58+s24+$0x0], $0xffff;
	_ =	sdelay $0x3  }
0x292: {  	s6 =	sand.u32 $0xFFFFF80, s0;
	s9 =	rddreg [dreg:$0xd];
	[tilespmem:v39+s28+$0x0] =	vst.idx.msk $0xffff, v36  }
0x293: {  	s12 =	sadd.s32 $0xFFFFFFF5, s2;
	s5 =	sadd.s32 s7, s6;
	v60 =	vor.u32 s9, v0;
	[tilespmem:v37+s28+$0x0] =	vst.idx.msk $0xffff, v38  }
0x294: {  	v61 =	vmov s12;
	v62 =	vor.u32 s9, v1;
	[tilespmem:s24], [sflag:$0x1] =	stream.strided.gather [hbm4b:s5+s10], $0x1000, s20, s10, $0x38;
	[tilespmem:$0x14200] =	vst v63  }
0x295: {  	v63 =	vshll.u32 v61, $0x3;
	_ =	swait.ge [sflag:s26], $0x1000  }
0x296: {  	v39 =	vand.u32 $0xFFFFFC00, v63;
	v37 =	vand.u32 $0x74, v61;
	[sflag:s26] =	ssyncset.done $0x0  }
0x297: {  	s12 =	simm.s32 $0x4200;
	v37 =	vor.u32 v37, v39;
	[sflag:s26] =	ssyncadd.s32 $0xFFFFF000  }
0x298: {  	v39 =	vadd.s32 v2, v37;
	v36 =	vld.idx.msk [tilespmem:v60+s12+$0x0], $0xffff  }
0x299: {  	v37 =	vadd.s32 v3, v37;
	v38 =	vld.idx.msk [tilespmem:v62+s12+$0x0], $0xffff;
	_ =	sdelay $0x3  }
0x29a: {  	s13 =	sand.u32 $0xFFFFF80, s13;
	s29 =	rddreg [dreg:$0xc];
	[tilespmem:v39+s28+$0x0] =	vst.idx.msk $0xffff, v36  }
0x29b: {  	s30 =	sadd.s32 $0xFFFFFFF6, s2;
	s5 =	sadd.s32 s7, s13;
	v42 =	vor.u32 s29, v0;
	[tilespmem:v37+s28+$0x0] =	vst.idx.msk $0xffff, v38  }
0x29c: {  	v43 =	vmov s30;
	v44 =	vor.u32 s29, v1;
	[tilespmem:s12], [sflag:$0x1] =	stream.strided.gather [hbm4b:s5+s10], $0x1000, s20, s10, $0x38;
	[tilespmem:$0x14200] =	vst v63  }
0x29d: {  	v45 =	vshll.u32 v43, $0x3;
	_ =	swait.ge [sflag:s26], $0x1000  }
0x29e: {  	v39 =	vand.u32 $0xFFFFFC00, v45;
	v37 =	vand.u32 $0x75, v43;
	[sflag:s26] =	ssyncset.done $0x0  }
0x29f: {  	s13 =	simm.s32 $0x5200;
	v37 =	vor.u32 v37, v39;
	[sflag:s26] =	ssyncadd.s32 $0xFFFFF000  }
0x2a0: {  	v39 =	vadd.s32 v2, v37;
	v36 =	vld.idx.msk [tilespmem:v42+s13+$0x0], $0xffff  }
0x2a1: {  	v37 =	vadd.s32 v3, v37;
	v38 =	vld.idx.msk [tilespmem:v44+s13+$0x0], $0xffff;
	_ =	sdelay $0x3  }
0x2a2: {  	s0 =	sand.u32 $0xFFFFF80, s14;
	[tilespmem:v39+s28+$0x0] =	vst.idx.msk $0xffff, v36  }
0x2a3: {  	v46 =	vor.u32 s25, v0;
	s3 =	sadd.s32 $0xFFFFFFF7, s2;
	s5 =	sadd.s32 s7, s0;
	[tilespmem:v37+s28+$0x0] =	vst.idx.msk $0xffff, v38  }
0x2a4: {  	v48 =	vor.u32 s25, v1;
	v47 =	vmov s3;
	[tilespmem:s13], [sflag:$0x1] =	stream.strided.gather [hbm4b:s5+s10], $0x1000, s20, s10, $0x38;
	[tilespmem:$0x14200] =	vst v63  }
0x2a5: {  	v49 =	vshll.u32 v47, $0x3;
	_ =	swait.ge [sflag:s26], $0x1000  }
0x2a6: {  	v39 =	vand.u32 $0xFFFFFC00, v49;
	v37 =	vand.u32 $0x76, v47;
	[sflag:s26] =	ssyncset.done $0x0  }
0x2a7: {  	s25 =	simm.s32 $0x6200;
	v37 =	vor.u32 v37, v39;
	[sflag:s26] =	ssyncadd.s32 $0xFFFFF000  }
0x2a8: {  	v39 =	vadd.s32 v2, v37;
	v36 =	vld.idx.msk [tilespmem:v46+s25+$0x0], $0xffff  }
0x2a9: {  	v37 =	vadd.s32 v3, v37;
	v38 =	vld.idx.msk [tilespmem:v48+s25+$0x0], $0xffff;
	_ =	sdelay $0x3  }
0x2aa: {  	s6 =	sand.u32 $0xFFFFF80, s11;
	s9 =	rddreg [dreg:$0xb];
	[tilespmem:v39+s28+$0x0] =	vst.idx.msk $0xffff, v36  }
0x2ab: {  	s11 =	sadd.s32 $0xFFFFFFF8, s2;
	s5 =	sadd.s32 s7, s6;
	v50 =	vor.u32 s9, v0;
	[tilespmem:v37+s28+$0x0] =	vst.idx.msk $0xffff, v38  }
0x2ac: {  	v51 =	vmov s11;
	v52 =	vor.u32 s9, v1;
	[tilespmem:s25], [sflag:$0x1] =	stream.strided.gather [hbm4b:s5+s10], $0x1000, s20, s10, $0x38;
	[tilespmem:$0x14200] =	vst v63  }
0x2ad: {  	v53 =	vshll.u32 v51, $0x3;
	_ =	swait.ge [sflag:s26], $0x1000  }
0x2ae: {  	v39 =	vand.u32 $0xFFFFFC00, v53;
	v37 =	vand.u32 $0x77, v51;
	[sflag:s26] =	ssyncset.done $0x0  }
0x2af: {  	s29 =	simm.s32 $0x7200;
	v37 =	vor.u32 v37, v39;
	[sflag:s26] =	ssyncadd.s32 $0xFFFFF000  }
0x2b0: {  	v39 =	vadd.s32 v2, v37;
	v36 =	vld.idx.msk [tilespmem:v50+s29+$0x0], $0xffff  }
0x2b1: {  	v37 =	vadd.s32 v3, v37;
	v38 =	vld.idx.msk [tilespmem:v52+s29+$0x0], $0xffff;
	_ =	sdelay $0x3  }
0x2b2: {  	s14 =	sand.u32 $0xFFFFF80, s8;
	s30 =	rddreg [dreg:$0xa];
	[tilespmem:v39+s28+$0x0] =	vst.idx.msk $0xffff, v36  }
0x2b3: {  	s3 =	sadd.s32 $0xFFFFFFF9, s2;
	s5 =	sadd.s32 s7, s14;
	v54 =	vor.u32 s30, v0;
	[tilespmem:v37+s28+$0x0] =	vst.idx.msk $0xffff, v38  }
0x2b4: {  	v55 =	vmov s3;
	v56 =	vor.u32 s30, v1;
	[tilespmem:s29], [sflag:$0x1] =	stream.strided.gather [hbm4b:s5+s10], $0x1000, s20, s10, $0x38;
	[tilespmem:$0x14200] =	vst v63  }
0x2b5: {  	v57 =	vshll.u32 v55, $0x3;
	_ =	swait.ge [sflag:s26], $0x1000  }
0x2b6: {  	v39 =	vand.u32 $0xFFFFFC00, v57;
	v37 =	vand.u32 $0x78, v55;
	[sflag:s26] =	ssyncset.done $0x0  }
0x2b7: {  	s30 =	simm.s32 $0x8200;
	v37 =	vor.u32 v37, v39;
	[sflag:s26] =	ssyncadd.s32 $0xFFFFF000  }
0x2b8: {  	v39 =	vadd.s32 v2, v37;
	v36 =	vld.idx.msk [tilespmem:v54+s30+$0x0], $0xffff  }
0x2b9: {  	v37 =	vadd.s32 v3, v37;
	v38 =	vld.idx.msk [tilespmem:v56+s30+$0x0], $0xffff;
	_ =	sdelay $0x3  }
0x2ba: {  	s6 =	sand.u32 $0xFFFFF80, s4;
	[tilespmem:v39+s28+$0x0] =	vst.idx.msk $0xffff, v36  }
0x2bb: {  	s8 =	sadd.s32 $0xFFFFFFFA, s2;
	v58 =	vor.u32 s31, v0;
	s5 =	sadd.s32 s7, s6;
	[tilespmem:v37+s28+$0x0] =	vst.idx.msk $0xffff, v38  }
0x2bc: {  	v59 =	vmov s8;
	v60 =	vor.u32 s31, v1;
	[tilespmem:s30], [sflag:$0x1] =	stream.strided.gather [hbm4b:s5+s10], $0x1000, s20, s10, $0x38;
	[tilespmem:$0x14200] =	vst v63  }
0x2bd: {  	v61 =	vshll.u32 v59, $0x3;
	_ =	swait.ge [sflag:s26], $0x1000  }
0x2be: {  	v39 =	vand.u32 $0xFFFFFC00, v61;
	v37 =	vand.u32 $0x79, v59;
	[sflag:s26] =	ssyncset.done $0x0  }
0x2bf: {  	s31 =	simm.s32 $0x9200;
	v37 =	vor.u32 v37, v39;
	[sflag:s26] =	ssyncadd.s32 $0xFFFFF000  }
0x2c0: {  	v39 =	vadd.s32 v2, v37;
	v36 =	vld.idx.msk [tilespmem:v58+s31+$0x0], $0xffff  }
0x2c1: {  	v37 =	vadd.s32 v3, v37;
	v38 =	vld.idx.msk [tilespmem:v60+s31+$0x0], $0xffff;
	_ =	sdelay $0x3  }
0x2c2: {  	s9 =	sand.u32 $0xFFFFF80, s18;
	s14 =	rddreg [dreg:$0x9];
	[tilespmem:v39+s28+$0x0] =	vst.idx.msk $0xffff, v36  }
0x2c3: {  	s11 =	sadd.s32 $0xFFFFFFFB, s2;
	s5 =	sadd.s32 s7, s9;
	v62 =	vor.u32 s14, v0;
	[tilespmem:v37+s28+$0x0] =	vst.idx.msk $0xffff, v38  }
0x2c4: {  	v63 =	vmov s11;
	v42 =	vor.u32 s14, v1;
	[tilespmem:s31], [sflag:$0x1] =	stream.strided.gather [hbm4b:s5+s10], $0x1000, s20, s10, $0x38;
	[tilespmem:$0x14200] =	vst v63  }
0x2c5: {  	v43 =	vshll.u32 v63, $0x3;
	_ =	swait.ge [sflag:s26], $0x1000  }
0x2c6: {  	v39 =	vand.u32 $0xFFFFFC00, v43;
	v37 =	vand.u32 $0x7A, v63;
	[sflag:s26] =	ssyncset.done $0x0  }
0x2c7: {  	s11 =	simm.s32 $0xA200;
	v37 =	vor.u32 v37, v39;
	[sflag:s26] =	ssyncadd.s32 $0xFFFFF000  }
0x2c8: {  	v39 =	vadd.s32 v2, v37;
	v36 =	vld.idx.msk [tilespmem:v62+s11+$0x0], $0xffff  }
0x2c9: {  	v37 =	vadd.s32 v3, v37;
	v38 =	vld.idx.msk [tilespmem:v42+s11+$0x0], $0xffff;
	_ =	sdelay $0x3  }
0x2ca: {  	s0 =	sand.u32 $0xFFFFF80, s16;
	s4 =	rddreg [dreg:$0x8];
	[tilespmem:v39+s28+$0x0] =	vst.idx.msk $0xffff, v36  }
0x2cb: {  	s3 =	sadd.s32 $0xFFFFFFFC, s2;
	s5 =	sadd.s32 s7, s0;
	v44 =	vor.u32 s4, v0;
	[tilespmem:v37+s28+$0x0] =	vst.idx.msk $0xffff, v38  }
0x2cc: {  	v45 =	vmov s3;
	v46 =	vor.u32 s4, v1;
	[tilespmem:s11], [sflag:$0x1] =	stream.strided.gather [hbm4b:s5+s10], $0x1000, s20, s10, $0x38;
	[tilespmem:$0x14200] =	vst v63  }
0x2cd: {  	v47 =	vshll.u32 v45, $0x3;
	_ =	swait.ge [sflag:s26], $0x1000  }
0x2ce: {  	v39 =	vand.u32 $0xFFFFFC00, v47;
	v37 =	vand.u32 $0x7B, v45;
	[sflag:s26] =	ssyncset.done $0x0  }
0x2cf: {  	s9 =	simm.s32 $0xB200;
	v37 =	vor.u32 v37, v39;
	[sflag:s26] =	ssyncadd.s32 $0xFFFFF000  }
0x2d0: {  	v39 =	vadd.s32 v2, v37;
	v36 =	vld.idx.msk [tilespmem:v44+s9+$0x0], $0xffff  }
0x2d1: {  	v37 =	vadd.s32 v3, v37;
	v38 =	vld.idx.msk [tilespmem:v46+s9+$0x0], $0xffff;
	_ =	sdelay $0x3  }
0x2d2: {  	s6 =	sand.u32 $0xFFFFF80, s15;
	s14 =	rddreg [dreg:$0x7];
	[tilespmem:v39+s28+$0x0] =	vst.idx.msk $0xffff, v36  }
0x2d3: {  	s8 =	sadd.s32 $0xFFFFFFFD, s2;
	s5 =	sadd.s32 s7, s6;
	v48 =	vor.u32 s14, v0;
	[tilespmem:v37+s28+$0x0] =	vst.idx.msk $0xffff, v38  }
0x2d4: {  	v49 =	vmov s8;
	v50 =	vor.u32 s14, v1;
	[tilespmem:s9], [sflag:$0x1] =	stream.strided.gather [hbm4b:s5+s10], $0x1000, s20, s10, $0x38;
	[tilespmem:$0x14200] =	vst v63  }
0x2d5: {  	v51 =	vshll.u32 v49, $0x3;
	_ =	swait.ge [sflag:s26], $0x1000  }
0x2d6: {  	v39 =	vand.u32 $0xFFFFFC00, v51;
	v37 =	vand.u32 $0x7C, v49;
	[sflag:s26] =	ssyncset.done $0x0  }
0x2d7: {  	s8 =	simm.s32 $0xC200;
	v37 =	vor.u32 v37, v39;
	[sflag:s26] =	ssyncadd.s32 $0xFFFFF000  }
0x2d8: {  	v39 =	vadd.s32 v2, v37;
	v36 =	vld.idx.msk [tilespmem:v48+s8+$0x0], $0xffff  }
0x2d9: {  	v37 =	vadd.s32 v3, v37;
	v38 =	vld.idx.msk [tilespmem:v50+s8+$0x0], $0xffff;
	_ =	sdelay $0x3  }
0x2da: {  	s0 =	sand.u32 $0xFFFFF80, s1;
	s4 =	rddreg [dreg:$0x6];
	[tilespmem:v39+s28+$0x0] =	vst.idx.msk $0xffff, v36  }
0x2db: {  	s3 =	sadd.s32 $0xFFFFFFFE, s2;
	s5 =	sadd.s32 s7, s0;
	v52 =	vor.u32 s4, v0;
	[tilespmem:v37+s28+$0x0] =	vst.idx.msk $0xffff, v38  }
0x2dc: {  	v53 =	vmov s3;
	v54 =	vor.u32 s4, v1;
	[tilespmem:s8], [sflag:$0x1] =	stream.strided.gather [hbm4b:s5+s10], $0x1000, s20, s10, $0x38;
	[tilespmem:$0x14200] =	vst v63  }
0x2dd: {  	v55 =	vshll.u32 v53, $0x3;
	_ =	swait.ge [sflag:s26], $0x1000  }
0x2de: {  	v39 =	vand.u32 $0xFFFFFC00, v55;
	v37 =	vand.u32 $0x7D, v53;
	[sflag:s26] =	ssyncset.done $0x0  }
0x2df: {  	s4 =	simm.s32 $0xD200;
	v37 =	vor.u32 v37, v39;
	[sflag:s26] =	ssyncadd.s32 $0xFFFFF000  }
0x2e0: {  	v39 =	vadd.s32 v2, v37;
	v36 =	vld.idx.msk [tilespmem:v52+s4+$0x0], $0xffff  }
0x2e1: {  	v37 =	vadd.s32 v3, v37;
	v38 =	vld.idx.msk [tilespmem:v54+s4+$0x0], $0xffff;
	_ =	sdelay $0x3  }
0x2e2: {  	s0 =	sand.u32 $0xFFFFF80, s21;
	s3 =	rddreg [dreg:$0x5];
	[tilespmem:v39+s28+$0x0] =	vst.idx.msk $0xffff, v36  }
0x2e3: {  	s14 =	smov.u32 s1;
	s1 =	sadd.s32 $0xFFFFFFFF, s2;
	s5 =	sadd.s32 s7, s0;
	v56 =	vor.u32 s3, v0;
	[tilespmem:v37+s28+$0x0] =	vst.idx.msk $0xffff, v38  }
0x2e4: {  	v57 =	vmov s1;
	v58 =	vor.u32 s3, v1;
	[tilespmem:s4], [sflag:$0x1] =	stream.strided.gather [hbm4b:s5+s10], $0x1000, s20, s10, $0x38;
	[tilespmem:$0x14200] =	vst v63  }
0x2e5: {  	v59 =	vshll.u32 v57, $0x3;
	_ =	swait.ge [sflag:s26], $0x1000  }
0x2e6: {  	v39 =	vand.u32 $0xFFFFFC00, v59;
	v37 =	vand.u32 $0x7E, v57;
	[sflag:s26] =	ssyncset.done $0x0  }
0x2e7: {  	s6 =	simm.s32 $0xE200;
	v37 =	vor.u32 v37, v39;
	[sflag:s26] =	ssyncadd.s32 $0xFFFFF000  }
0x2e8: {  	v39 =	vadd.s32 v2, v37;
	v36 =	vld.idx.msk [tilespmem:v56+s6+$0x0], $0xffff  }
0x2e9: {  	v37 =	vadd.s32 v3, v37;
	v38 =	vld.idx.msk [tilespmem:v58+s6+$0x0], $0xffff  }
0x2ea: {  	s3 =	sld [smem:$0x7E7];
	_ =	sdelay $0x2  }
0x2eb: {  	s1 =	rddreg [dreg:$0x4];
	s0 =	sand.u32 $0xFFFFF80, s3;
	[tilespmem:v39+s28+$0x0] =	vst.idx.msk $0xffff, v36  }
0x2ec: {  	v60 =	vor.u32 s1, v0;
	s5 =	sadd.s32 s7, s0;
	[tilespmem:v37+s28+$0x0] =	vst.idx.msk $0xffff, v38  }
0x2ed: {  	v62 =	vmov s2;
	v61 =	vor.u32 s1, v1;
	[tilespmem:s6], [sflag:$0x1] =	stream.strided.gather [hbm4b:s5+s10], $0x1000, s20, s10, $0x38;
	[tilespmem:$0x14200] =	vst v63  }
0x2ee: {  	v63 =	vshll.u32 v62, $0x3;
	_ =	swait.ge [sflag:s26], $0x1000  }
0x2ef: {  	v39 =	vand.u32 $0xFFFFFC00, v63;
	v38 =	vand.u32 $0x7F, v62;
	[sflag:s26] =	ssyncset.done $0x0  }
0x2f0: {  	v38 =	vor.u32 v38, v39;
	s5 =	simm.s32 $0xF200;
	[sflag:s26] =	ssyncadd.s32 $0xFFFFF000  }
0x2f1: {  	v39 =	vadd.s32 v2, v38;
	v36 =	vld.idx.msk [tilespmem:v60+s5+$0x0], $0xffff  }
0x2f2: {  	v38 =	vadd.s32 v3, v38;
	v37 =	vld.idx.msk [tilespmem:v61+s5+$0x0], $0xffff  }
0x2f3: {  	s1 =	sld [smem:$0x7E8];
	_ =	sdelay $0x2  }
0x2f4: {  	s17 =	sand.u32 $0x7F, s17;
	s0 =	sand.u32 $0xFFFFF80, s1;
	[tilespmem:v39+s28+$0x0] =	vst.idx.msk $0xffff, v36  }
0x2f5: {  	v41 =	vor.u32 s17, v0;
	s5 =	simm.s32 $0xF200;
	s2 =	sadd.s32 s7, s0;
	[tilespmem:v38+s28+$0x0] =	vst.idx.msk $0xffff, v37  }
0x2f6: {  	v42 =	vor.u32 s17, v1;
	[tilespmem:s5], [sflag:$0x1] =	stream.strided.gather [hbm4b:s2+s10], $0x1000, s20, s10, $0x38;
	[tilespmem:$0x14200] =	vst v63  }
0x2f7: {  	_ =	swait.ge [sflag:s26], $0x1000  }
0x2f8: {  	[sflag:s26] =	ssyncset.done $0x0  }
0x2f9: {  	s17 =	simm.s32 $0x200;
	[sflag:s26] =	ssyncadd.s32 $0xFFFFF000  }
0x2fa: {  	v36 =	vld.idx.msk [tilespmem:v41+s17+$0x0], $0xffff  }
0x2fb: {  	v37 =	vld.idx.msk [tilespmem:v42+s17+$0x0], $0xffff;
	_ =	sdelay $0x2  }
0x2fc: {  	s20 =	sand.u32 $0x7F, s19  }
0x2fd: {  	v43 =	vor.u32 s20, v0;
	[tilespmem:v4+s28+$0x0] =	vst.idx.msk $0xffff, v36  }
0x2fe: {  	v44 =	vor.u32 s20, v1;
	[tilespmem:v5+s28+$0x0] =	vst.idx.msk $0xffff, v37  }
0x2ff: {  	_ =	swait.ge [sflag:s26], $0x1000  }
0x300: {  	[sflag:s26] =	ssyncset.done $0x0  }
0x301: {  	[sflag:s26] =	ssyncadd.s32 $0xFFFFF000  }
0x302: {  	v36 =	vld.idx.msk [tilespmem:v43+s22+$0x0], $0xffff  }
0x303: {  	v45 =	vld.idx.msk [tilespmem:v44+s22+$0x0], $0xffff;
	s22 =	sld [smem:$0x7E9];
	_ =	sdelay $0x2  }
0x304: {  	s0 =	sand.u32 $0x7F, s22  }
0x305: {  	v46 =	vor.u32 s0, v0;
	[tilespmem:v6+s28+$0x0] =	vst.idx.msk $0xffff, v36  }
0x306: {  	v47 =	vor.u32 s0, v1;
	[tilespmem:v7+s28+$0x0] =	vst.idx.msk $0xffff, v45  }
0x307: {  	_ =	swait.ge [sflag:s26], $0x1000  }
0x308: {  	[sflag:s26] =	ssyncset.done $0x0  }
0x309: {  	[sflag:s26] =	ssyncadd.s32 $0xFFFFF000  }
0x30a: {  	v36 =	vld.idx.msk [tilespmem:v46+s23+$0x0], $0xffff  }
0x30b: {  	v48 =	vld.idx.msk [tilespmem:v47+s23+$0x0], $0xffff;
	s23 =	sld [smem:$0x7EA];
	_ =	sdelay $0x2  }
0x30c: {  	s0 =	sand.u32 $0x7F, s23  }
0x30d: {  	v49 =	vor.u32 s0, v0;
	[tilespmem:v8+s28+$0x0] =	vst.idx.msk $0xffff, v36  }
0x30e: {  	v50 =	vor.u32 s0, v1;
	[tilespmem:v9+s28+$0x0] =	vst.idx.msk $0xffff, v48  }
0x30f: {  	_ =	swait.ge [sflag:s26], $0x1000  }
0x310: {  	[sflag:s26] =	ssyncset.done $0x0  }
0x311: {  	[sflag:s26] =	ssyncadd.s32 $0xFFFFF000  }
0x312: {  	v36 =	vld.idx.msk [tilespmem:v49+s24+$0x0], $0xffff  }
0x313: {  	s2 =	sld [smem:$0x7EB];
	v51 =	vld.idx.msk [tilespmem:v50+s24+$0x0], $0xffff;
	_ =	sdelay $0x2  }
0x314: {  	s0 =	sand.u32 $0x7F, s2  }
0x315: {  	v52 =	vor.u32 s0, v0;
	[tilespmem:v10+s28+$0x0] =	vst.idx.msk $0xffff, v36  }
0x316: {  	v53 =	vor.u32 s0, v1;
	[tilespmem:v11+s28+$0x0] =	vst.idx.msk $0xffff, v51  }
0x317: {  	_ =	swait.ge [sflag:s26], $0x1000  }
0x318: {  	[sflag:s26] =	ssyncset.done $0x0  }
0x319: {  	[sflag:s26] =	ssyncadd.s32 $0xFFFFF000  }
0x31a: {  	v36 =	vld.idx.msk [tilespmem:v52+s12+$0x0], $0xffff  }
0x31b: {  	s7 =	sld [smem:$0x7EC];
	v54 =	vld.idx.msk [tilespmem:v53+s12+$0x0], $0xffff;
	_ =	sdelay $0x2  }
0x31c: {  	s0 =	sand.u32 $0x7F, s7  }
0x31d: {  	v55 =	vor.u32 s0, v0;
	[tilespmem:v12+s28+$0x0] =	vst.idx.msk $0xffff, v36  }
0x31e: {  	v56 =	vor.u32 s0, v1;
	[tilespmem:v13+s28+$0x0] =	vst.idx.msk $0xffff, v54  }
0x31f: {  	_ =	swait.ge [sflag:s26], $0x1000  }
0x320: {  	[sflag:s26] =	ssyncset.done $0x0  }
0x321: {  	[sflag:s26] =	ssyncadd.s32 $0xFFFFF000  }
0x322: {  	v36 =	vld.idx.msk [tilespmem:v55+s13+$0x0], $0xffff  }
0x323: {  	s10 =	sld [smem:$0x7ED];
	v57 =	vld.idx.msk [tilespmem:v56+s13+$0x0], $0xffff;
	_ =	sdelay $0x2  }
0x324: {  	s0 =	sand.u32 $0x7F, s10  }
0x325: {  	v58 =	vor.u32 s0, v0;
	[tilespmem:v14+s28+$0x0] =	vst.idx.msk $0xffff, v36  }
0x326: {  	v59 =	vor.u32 s0, v1;
	[tilespmem:v15+s28+$0x0] =	vst.idx.msk $0xffff, v57  }
0x327: {  	_ =	swait.ge [sflag:s26], $0x1000  }
0x328: {  	[sflag:s26] =	ssyncset.done $0x0  }
0x329: {  	[sflag:s26] =	ssyncadd.s32 $0xFFFFF000  }
0x32a: {  	v36 =	vld.idx.msk [tilespmem:v58+s25+$0x0], $0xffff  }
0x32b: {  	s12 =	sld [smem:$0x7EE];
	v60 =	vld.idx.msk [tilespmem:v59+s25+$0x0], $0xffff;
	_ =	sdelay $0x2  }
0x32c: {  	s0 =	sand.u32 $0x7F, s12  }
0x32d: {  	v61 =	vor.u32 s0, v0;
	[tilespmem:v16+s28+$0x0] =	vst.idx.msk $0xffff, v36  }
0x32e: {  	v62 =	vor.u32 s0, v1;
	[tilespmem:v17+s28+$0x0] =	vst.idx.msk $0xffff, v60  }
0x32f: {  	_ =	swait.ge [sflag:s26], $0x1000  }
0x330: {  	[sflag:s26] =	ssyncset.done $0x0  }
0x331: {  	[sflag:s26] =	ssyncadd.s32 $0xFFFFF000  }
0x332: {  	v36 =	vld.idx.msk [tilespmem:v61+s29+$0x0], $0xffff  }
0x333: {  	s13 =	sld [smem:$0x7EF];
	v63 =	vld.idx.msk [tilespmem:v62+s29+$0x0], $0xffff;
	_ =	sdelay $0x2  }
0x334: {  	s0 =	sand.u32 $0x7F, s13  }
0x335: {  	v40 =	vor.u32 s0, v0;
	[tilespmem:v18+s28+$0x0] =	vst.idx.msk $0xffff, v36  }
0x336: {  	v41 =	vor.u32 s0, v1;
	[tilespmem:v19+s28+$0x0] =	vst.idx.msk $0xffff, v63  }
0x337: {  	_ =	swait.ge [sflag:s26], $0x1000  }
0x338: {  	[sflag:s26] =	ssyncset.done $0x0  }
0x339: {  	[sflag:s26] =	ssyncadd.s32 $0xFFFFF000  }
0x33a: {  	v36 =	vld.idx.msk [tilespmem:v40+s30+$0x0], $0xffff  }
0x33b: {  	v42 =	vld.idx.msk [tilespmem:v41+s30+$0x0], $0xffff;
	_ =	sdelay $0x2  }
0x33c: {  	s17 =	sand.u32 $0x7F, s18  }
0x33d: {  	v43 =	vor.u32 s17, v0;
	[tilespmem:v20+s28+$0x0] =	vst.idx.msk $0xffff, v36  }
0x33e: {  	v44 =	vor.u32 s17, v1;
	[tilespmem:v21+s28+$0x0] =	vst.idx.msk $0xffff, v42  }
0x33f: {  	_ =	swait.ge [sflag:s26], $0x1000  }
0x340: {  	[sflag:s26] =	ssyncset.done $0x0  }
0x341: {  	[sflag:s26] =	ssyncadd.s32 $0xFFFFF000  }
0x342: {  	v36 =	vld.idx.msk [tilespmem:v43+s31+$0x0], $0xffff  }
0x343: {  	v45 =	vld.idx.msk [tilespmem:v44+s31+$0x0], $0xffff;
	_ =	sdelay $0x2  }
0x344: {  	s18 =	sand.u32 $0x7F, s16  }
0x345: {  	v46 =	vor.u32 s18, v0;
	[tilespmem:v22+s28+$0x0] =	vst.idx.msk $0xffff, v36  }
0x346: {  	v47 =	vor.u32 s18, v1;
	[tilespmem:v23+s28+$0x0] =	vst.idx.msk $0xffff, v45  }
0x347: {  	_ =	swait.ge [sflag:s26], $0x1000  }
0x348: {  	[sflag:s26] =	ssyncset.done $0x0  }
0x349: {  	[sflag:s26] =	ssyncadd.s32 $0xFFFFF000  }
0x34a: {  	v36 =	vld.idx.msk [tilespmem:v46+s11+$0x0], $0xffff  }
0x34b: {  	v48 =	vld.idx.msk [tilespmem:v47+s11+$0x0], $0xffff;
	_ =	sdelay $0x2  }
0x34c: {  	s19 =	sand.u32 $0x7F, s15  }
0x34d: {  	v49 =	vor.u32 s19, v0;
	[tilespmem:v24+s28+$0x0] =	vst.idx.msk $0xffff, v36  }
0x34e: {  	v50 =	vor.u32 s19, v1;
	[tilespmem:v25+s28+$0x0] =	vst.idx.msk $0xffff, v48  }
0x34f: {  	_ =	swait.ge [sflag:s26], $0x1000  }
0x350: {  	[sflag:s26] =	ssyncset.done $0x0  }
0x351: {  	[sflag:s26] =	ssyncadd.s32 $0xFFFFF000  }
0x352: {  	v36 =	vld.idx.msk [tilespmem:v49+s9+$0x0], $0xffff  }
0x353: {  	v51 =	vld.idx.msk [tilespmem:v50+s9+$0x0], $0xffff;
	_ =	sdelay $0x2  }
0x354: {  	s20 =	sand.u32 $0x7F, s14  }
0x355: {  	v52 =	vor.u32 s20, v0;
	[tilespmem:v26+s28+$0x0] =	vst.idx.msk $0xffff, v36  }
0x356: {  	v53 =	vor.u32 s20, v1;
	[tilespmem:v27+s28+$0x0] =	vst.idx.msk $0xffff, v51  }
0x357: {  	_ =	swait.ge [sflag:s26], $0x1000  }
0x358: {  	[sflag:s26] =	ssyncset.done $0x0  }
0x359: {  	[sflag:s26] =	ssyncadd.s32 $0xFFFFF000  }
0x35a: {  	v36 =	vld.idx.msk [tilespmem:v52+s8+$0x0], $0xffff  }
0x35b: {  	v54 =	vld.idx.msk [tilespmem:v53+s8+$0x0], $0xffff;
	_ =	sdelay $0x2  }
0x35c: {  	s21 =	sand.u32 $0x7F, s21  }
0x35d: {  	v55 =	vor.u32 s21, v0;
	[tilespmem:v28+s28+$0x0] =	vst.idx.msk $0xffff, v36  }
0x35e: {  	v56 =	vor.u32 s21, v1;
	[tilespmem:v29+s28+$0x0] =	vst.idx.msk $0xffff, v54  }
0x35f: {  	_ =	swait.ge [sflag:s26], $0x1000  }
0x360: {  	[sflag:s26] =	ssyncset.done $0x0  }
0x361: {  	[sflag:s26] =	ssyncadd.s32 $0xFFFFF000  }
0x362: {  	v36 =	vld.idx.msk [tilespmem:v55+s4+$0x0], $0xffff  }
0x363: {  	v57 =	vld.idx.msk [tilespmem:v56+s4+$0x0], $0xffff;
	_ =	sdelay $0x2  }
0x364: {  	s22 =	sand.u32 $0x7F, s3  }
0x365: {  	v58 =	vor.u32 s22, v0;
	[tilespmem:v30+s28+$0x0] =	vst.idx.msk $0xffff, v36  }
0x366: {  	v59 =	vor.u32 s22, v1;
	[tilespmem:v31+s28+$0x0] =	vst.idx.msk $0xffff, v57  }
0x367: {  	_ =	swait.ge [sflag:s26], $0x1000  }
0x368: {  	[sflag:s26] =	ssyncset.done $0x0  }
0x369: {  	[sflag:s26] =	ssyncadd.s32 $0xFFFFF000  }
0x36a: {  	v36 =	vld.idx.msk [tilespmem:v58+s6+$0x0], $0xffff  }
0x36b: {  	v60 =	vld.idx.msk [tilespmem:v59+s6+$0x0], $0xffff;
	_ =	sdelay $0x2  }
0x36c: {  	s23 =	sand.u32 $0x7F, s1  }
0x36d: {  	v61 =	vor.u32 s23, v0;
	[tilespmem:v32+s28+$0x0] =	vst.idx.msk $0xffff, v36  }
0x36e: {  	v62 =	vor.u32 s23, v1;
	[tilespmem:v33+s28+$0x0] =	vst.idx.msk $0xffff, v60  }
0x36f: {  	_ =	swait.ge [sflag:s26], $0x1000  }
0x370: {  	[sflag:s26] =	ssyncset.done $0x0  }
0x371: {  	[sflag:s26] =	ssyncadd.s32 $0xFFFFF000  }
0x372: {  	v36 =	vld.idx.msk [tilespmem:v61+s5+$0x0], $0xffff  }
0x373: {  	v63 =	vld.idx.msk [tilespmem:v62+s5+$0x0], $0xffff;
	_ =	sdelay $0x3  }
0x374: {  	s2 =	simm.s32 $0x2;
	[tilespmem:v34+s28+$0x0] =	vst.idx.msk $0xffff, v36  }
0x375: {  	s25 =	simm.s32 $0x1000;
	s29 =	simm.s32 $0x20000;
	s24 =	rddreg [dreg:$0x1a];
	[tilespmem:v35+s28+$0x0] =	vst.idx.msk $0xffff, v63  }
0x376: {  	[hbm4b:s24+s25] =	stream.strided.scatter [tilespmem:s28], [sflag:$0x2], $0x4000, s29, s25, $0x38;
	[tilespmem:$0x14200] =	vst v63  }
0x377: {  	_ =	swait.ge [sflag:s2], $0x4000  }
0x378: {  	s30 =	rddreg [dreg:$0x1c]  }
0x379: {  	s31 =	rddreg [dreg:$0x1b];
	s1 =	sadd.s32 $0x1, s30  }
0x37a: {  	p0 =	sne.s32 s1, s31  }
.Ltmp1:
0x37b: {  	_ = 	snop;
	(pc) =	sbr.rel @p0 .LBB2_1-.Ltmp1, $3  }
0x37c: {  	_ =	sdelay $0x1  }
0x37d: {  	[sflag:s2] =	ssyncset.done $0x0  }
0x37e: {  	[sflag:s2] =	ssyncadd.s32 $0xFFFFC000  }
0x37f: {  	_ =	sfence.sel $0x180000  }
0x380: {  	[bflag:$0x0] =	sbarrier.arrive $0xFFFF  }
0x381: {  	_ =	strace $0x90000047  }
0x382: {  	s0 =	stileid.u32;
	[bflag:$0x2] =	sbarrier.arrive $0xFFFF  }
0x383: {  	p0 =	sne.s32 s0, $0x0;
	s0 =	rddreg [dreg:$0x3]  }
0x384: {  	s0 =	sadd.s32 @!p0 $0x100000, s0  }
0x385: {  	[sflag:s0] =	ssyncadd.tile.s32 @!p0 $0x1;
	_ =	shalt  }
.Lfunc_end2:
_tile_overlayer_lowered:
.L_overlay_start_2:
0x386: {  	(tag) =	ssettag $0x2  }
0x387: {  	s0 =	rddreg [dreg:$0x0];
	s2 =	stileid.u32  }
0x388: {  	s1 =	rddreg [dreg:$0x1];
	p0 =	sne.s32 s2, $0x0  }
0x389: {  	s3 =	rddreg [dreg:$0x2];
	[bflag:$0x3] =	sbarrier.arrive $0xFFFF;
	s2 =	simm.s32 @!p0 $0x1C03  }
0x38a: {  	[timem:s3], [sflag:s2] =	dma.local @!p0 [hbm:s0], s1  }
0x38b: {  	s0 =	simm.s32 @!p0 $0x3  }
0x38c: {  	_ =	swait.ge @!p0 [sflag:s0], s1  }
0x38d: {  	s1 =	ssub.s32 @!p0 $0x0, s1;
	[sflag:s0] =	ssyncset.done @!p0 $0x0  }
0x38e: {  	[sflag:s0] =	ssyncadd.s32 @!p0 s1  }
0x38f: {  	[bflag:$0x3] =	sbarrier.arrive $0xFFFF  }
0x390: {  	_ =	shalt  }

</sc_bundles>
